<compile_context>
chip_gen: v7x
topology: tpu7x:2x2x1
jax: 0.10.2.dev20260603
libtpu: 0.0.44.dev20260713+nightly
codegen_flags: <defaults>
</compile_context>

<pallas_src>
import functools

import jax
import jax.numpy as jnp
from jax import lax
from jax.experimental import pallas as pl
from jax.experimental.pallas import tpu as pltpu
from jax.experimental.pallas import tpu_sc as plsc

B, H, W = 8, 512, 512
ROWS = B * H
N = ROWS * W
HW = H * W
NC, NS = 2, 16
NW = NC * NS
RPW = ROWS // NW
CAP = RPW * W
REG = CAP + 16
NEG = float("-inf")


def _wid():
    return lax.axis_index("s") * NC + lax.axis_index("c")


def _p1_body(heat, sidx_o, sconf_o, counts_o, xraw, vrow, idxc, confc, cstage, psem, qsem):
    wid = _wid()
    lane = lax.iota(jnp.int32, 16)
    zi = jnp.zeros(16, jnp.int32)
    ninf = jnp.zeros(16, jnp.float32) + NEG

    vrow[pl.ds(0, 16)] = ninf
    vrow[pl.ds(512, 16)] = ninf

    XB = 18 * W

    def issue_block(blk, sem):
        g0 = wid * RPW + blk * 16
        base = lax.rem(blk, 2) * XB
        pltpu.async_copy(heat.at[pl.ds(pl.multiple_of(g0 * W, 512), 16 * W)],
                         xraw.at[pl.ds(pl.multiple_of(base + W, 16), 16 * W)], sem)
        top_in = lax.rem(g0, H) != 0

        @pl.when(top_in)
        def _():
            pltpu.async_copy(heat.at[pl.ds(pl.multiple_of((g0 - 1) * W, 512), W)],
                             xraw.at[pl.ds(pl.multiple_of(base, 16), W)], sem)
        bot_in = lax.rem(g0 + 16, H) != 0

        @pl.when(bot_in)
        def _():
            pltpu.async_copy(heat.at[pl.ds(pl.multiple_of((g0 + 16) * W, 512), W)],
                             xraw.at[pl.ds(pl.multiple_of(base + 17 * W, 16), W)], sem)

    issue_block(jnp.int32(0), psem)

    def block(blk, carry, sem, nsem):
        off, flushed = carry
        g0 = wid * RPW + blk * 16
        base = lax.rem(blk, 2) * XB
        top_in = lax.rem(g0, H) != 0
        bot_in = lax.rem(g0 + 16, H) != 0
        pltpu.make_async_copy(heat.at[pl.ds(0, 16 * W)],
                              xraw.at[pl.ds(pl.multiple_of(base + W, 16), 16 * W)],
                              sem).wait()

        @pl.when(top_in)
        def _():
            pltpu.make_async_copy(heat.at[pl.ds(0, W)],
                                  xraw.at[pl.ds(pl.multiple_of(base, 16), W)],
                                  sem).wait()

        @pl.when(jnp.logical_not(top_in))
        def _():
            def z(k, _):
                xraw[pl.ds(base + k * 16, 16)] = ninf
                return 0
            lax.fori_loop(0, 32, z, 0)

        @pl.when(bot_in)
        def _():
            pltpu.make_async_copy(heat.at[pl.ds(0, W)],
                                  xraw.at[pl.ds(pl.multiple_of(base + 17 * W, 16), W)],
                                  sem).wait()

        @pl.when(jnp.logical_not(bot_in))
        def _():
            def z(k, _):
                xraw[pl.ds(base + 17 * W + k * 16, 16)] = ninf
                return 0
            lax.fori_loop(0, 32, z, 0)

        @pl.when(blk + 1 < RPW // 16)
        def _():
            issue_block(blk + 1, nsem)

        def p_row(i, carry):
            off, flushed = carry
            g = g0 + i - 1

            def vk(kk, _):
                for j in range(4):
                    c = kk * 64 + j * 16
                    vrow[pl.ds(8 + c, 16)] = jnp.maximum(
                        jnp.maximum(xraw[pl.ds(base + (i - 1) * W + c, 16)],
                                    xraw[pl.ds(base + i * W + c, 16)]),
                        xraw[pl.ds(base + (i + 1) * W + c, 16)])
                return 0
            lax.fori_loop(0, 8, vk, 0)

            def pk(kk, off):
                cs = []
                xs = []
                kps = []
                pcs = []
                for j in range(4):
                    c = kk * 64 + j * 16
                    v = jnp.maximum(
                        jnp.maximum(vrow[pl.ds(7 + c, 16)], vrow[pl.ds(8 + c, 16)]),
                        vrow[pl.ds(9 + c, 16)])
                    x = xraw[pl.ds(base + i * W + c, 16)]
                    kp = (v == x) & (x > 0.5)
                    cs.append(plsc.cumsum(jnp.where(kp, jnp.int32(1), jnp.int32(0))))
                    pcs.append(plsc.all_reduce_population_count(kp))
                    xs.append(x)
                    kps.append(kp)
                for j in range(4):
                    c = kk * 64 + j * 16
                    pos = jnp.maximum(off + cs[j] - 1, 0)
                    plsc.store_scatter(idxc, [pos], g * W + c + lane, mask=kps[j])
                    plsc.store_scatter(confc, [pos], xs[j], mask=kps[j])
                    off = off + pcs[j][0]
                return off

            off = lax.fori_loop(0, 8, pk, off)
            pred = off >= 2048

            @pl.when(pred)
            def _():
                pltpu.sync_copy(idxc.at[pl.ds(0, 2048)],
                                sidx_o.at[pl.ds(pl.multiple_of(wid * REG + flushed, 16), 2048)])
                pltpu.sync_copy(confc.at[pl.ds(0, 2048)],
                                sconf_o.at[pl.ds(pl.multiple_of(wid * REG + flushed, 16), 2048)])

                def mv(t, _):
                    idxc[pl.ds(t * 16, 16)] = idxc[pl.ds(2048 + t * 16, 16)]
                    confc[pl.ds(t * 16, 16)] = confc[pl.ds(2048 + t * 16, 16)]
                    return 0
                lax.fori_loop(0, 33, mv, 0)

            off = jnp.where(pred, off - 2048, off)
            flushed = jnp.where(pred, flushed + 2048, flushed)
            return (off, flushed)

        return lax.fori_loop(1, 17, p_row, (off, flushed))

    def pair(m, carry):
        carry = block(2 * m, carry, psem, qsem)
        return block(2 * m + 1, carry, qsem, psem)

    off, flushed = lax.fori_loop(0, RPW // 32, pair,
                                 (jnp.int32(0), jnp.int32(0)))

    rem = off
    done = jnp.int32(0)
    for sz in (1024, 512, 256, 128, 64, 32, 16):
        pred = rem >= sz

        @pl.when(pred)
        def _(sz=sz, done=done):
            pltpu.sync_copy(idxc.at[pl.ds(done, sz)],
                            sidx_o.at[pl.ds(pl.multiple_of(wid * REG + flushed + done, 16), sz)])
            pltpu.sync_copy(confc.at[pl.ds(done, sz)],
                            sconf_o.at[pl.ds(pl.multiple_of(wid * REG + flushed + done, 16), sz)])
        step = jnp.where(pred, jnp.int32(sz), jnp.int32(0))
        done = done + step
        rem = rem - step

    @pl.when(rem > 0)
    def _():
        pltpu.sync_copy(idxc.at[pl.ds(done, 16)],
                        sidx_o.at[pl.ds(pl.multiple_of(wid * REG + flushed + done, 16), 16)])
        pltpu.sync_copy(confc.at[pl.ds(done, 16)],
                        sconf_o.at[pl.ds(pl.multiple_of(wid * REG + flushed + done, 16), 16)])

    cstage[...] = zi + (flushed + off)
    pltpu.sync_copy(cstage, counts_o.at[pl.ds(pl.multiple_of(wid * 16, 16), 16)])


def _p2_body(heat, sidx_i, sconf_i, counts_i, posflat_o, conf_o, zflag_o,
             cbuf, headsI, headsC, sI, sC, tI, tC, zstage, fsem):
    wid = _wid()
    lane = lax.iota(jnp.int32, 16)
    pltpu.sync_copy(counts_i, cbuf)

    def pf(i, carry):
        sw, tot = carry
        ci = cbuf[pl.ds(i * 16, 16)][0]
        sw = sw + jnp.where(i < wid, ci, jnp.int32(0))
        return (sw, tot + ci)
    s_w, K = lax.fori_loop(0, NW, pf, (jnp.int32(0), jnp.int32(0)))
    c_w = cbuf[pl.ds(wid * 16, 16)][0]
    e_w = s_w + c_w

    pltpu.sync_copy(heat.at[pl.ds(0, 16)], tC.at[pl.ds(0, 16)])
    cfv = jnp.zeros(16, jnp.float32) + tC[pl.ds(0, 16)][0]

    def hd(i, _):
        pltpu.sync_copy(sidx_i.at[pl.ds(pl.multiple_of(i * REG, 16), 16)], headsI.at[pl.ds(i * 16, 16)])
        pltpu.sync_copy(sconf_i.at[pl.ds(pl.multiple_of(i * REG, 16), 16)], headsC.at[pl.ds(i * 16, 16)])
        return 0
    lax.fori_loop(wid + 1, NW, hd, 0)

    def nx(i, carry):
        t, mI, mC = carry
        ci = cbuf[pl.ds(i * 16, 16)][0]
        rel = lane - t
        valid = (rel >= 0) & (rel < ci)
        g = jnp.clip(rel, 0, 15)
        hI = headsI[pl.ds(i * 16, 16)]
        hC = headsC[pl.ds(i * 16, 16)]
        mI = jnp.where(valid, hI[g], mI)
        mC = jnp.where(valid, hC[g], mC)
        return (t + ci, mI, mC)
    _, mI, mC = lax.fori_loop(wid + 1, NW, nx,
                              (jnp.int32(0), jnp.zeros(16, jnp.int32), cfv))

    out_start = (s_w + 15) // 16 * 16
    d = out_start - s_w
    out_end = (e_w + 15) // 16 * 16
    nch = (out_end - out_start) // 16
    nblk = (nch + 127) // 128

    def blk_body(blk, _):
        pltpu.sync_copy(sidx_i.at[pl.ds(pl.multiple_of(wid * REG + blk * 2048, 16), 2064)], sI)
        pltpu.sync_copy(sconf_i.at[pl.ds(pl.multiple_of(wid * REG + blk * 2048, 16), 2064)], sC)
        qe = jnp.minimum(nch, (blk + 1) * 128)

        def chunk(q, _):
            oq = d + 16 * q - blk * 2048
            vI = sI[pl.ds(oq, 16)]
            vC = sC[pl.ds(oq, 16)]
            own = (d + 16 * q + lane) < c_w
            r = jnp.clip(d + 16 * q + lane - c_w, 0, 15)
            fI = jnp.where(own, vI, mI[r])
            fC = jnp.where(own, vC, mC[r])
            bb = fI // HW
            rem = fI % HW
            hh = rem // W
            ww = rem % W
            qs = q - blk * 128
            base = qs * 48 + lane * 3
            plsc.store_scatter(tI, [base], bb)
            plsc.store_scatter(tI, [base + 1], hh)
            plsc.store_scatter(tI, [base + 2], ww)
            tC[pl.ds(qs * 16, 16)] = fC
            return 0
        lax.fori_loop(blk * 128, qe, chunk, 0)

        nq = qe - blk * 128
        obase = out_start + blk * 2048
        full = nq == 128

        @pl.when(full)
        def _():
            pltpu.sync_copy(tI, posflat_o.at[pl.ds(pl.multiple_of(obase * 3, 48), 6144)])
            pltpu.sync_copy(tC, conf_o.at[pl.ds(pl.multiple_of(obase, 16), 2048)])

        @pl.when(jnp.logical_not(full))
        def _():
            remq = nq
            doneq = jnp.int32(0)
            for szq in (64, 32, 16, 8, 4, 2, 1):
                predq = remq >= szq

                @pl.when(predq)
                def _(szq=szq, doneq=doneq):
                    pltpu.sync_copy(
                        tI.at[pl.ds(doneq * 48, szq * 48)],
                        posflat_o.at[pl.ds(pl.multiple_of((obase + doneq * 16) * 3, 48), szq * 48)])
                    pltpu.sync_copy(
                        tC.at[pl.ds(doneq * 16, szq * 16)],
                        conf_o.at[pl.ds(pl.multiple_of(obase + doneq * 16, 16), szq * 16)])
                stepq = jnp.where(predq, jnp.int32(szq), jnp.int32(0))
                doneq = doneq + stepq
                remq = remq - stepq
        return 0
    lax.fori_loop(0, nblk, blk_body, 0)

    def fz(t, _):
        tI[pl.ds(t * 16, 16)] = jnp.zeros(16, jnp.int32)
        return 0
    lax.fori_loop(0, 384, fz, 0)

    def fc(t, _):
        tC[pl.ds(t * 16, 16)] = cfv
        return 0
    lax.fori_loop(0, 128, fc, 0)

    AK = (K + 15) // 16 * 16
    F16 = (N - AK) // 16
    lo = (wid * F16) // NW
    hi = ((wid + 1) * F16) // NW
    base_el = AK + lo * 16
    nfc = hi - lo
    nbig = nfc // 128

    def fb(m, _):
        pltpu.async_copy(
            tI, posflat_o.at[pl.ds(pl.multiple_of((base_el + m * 2048) * 3, 48), 6144)], fsem)
        pltpu.async_copy(
            tC, conf_o.at[pl.ds(pl.multiple_of(base_el + m * 2048, 16), 2048)], fsem)
        return 0
    lax.fori_loop(0, nbig, fb, 0)

    remf = nfc - nbig * 128
    donef = jnp.int32(0)
    for szf in (64, 32, 16, 8, 4, 2, 1):
        predf = remf >= szf

        @pl.when(predf)
        def _(szf=szf, donef=donef):
            o = base_el + nbig * 2048 + donef * 16
            pltpu.sync_copy(tI.at[pl.ds(0, szf * 48)],
                            posflat_o.at[pl.ds(pl.multiple_of(o * 3, 48), szf * 48)])
            pltpu.sync_copy(tC.at[pl.ds(0, szf * 16)],
                            conf_o.at[pl.ds(pl.multiple_of(o, 16), szf * 16)])
        stepf = jnp.where(predf, jnp.int32(szf), jnp.int32(0))
        donef = donef + stepf
        remf = remf - stepf

    def fd(m, _):
        pltpu.make_async_copy(posflat_o.at[pl.ds(0, 6144)], tI, fsem).wait()
        pltpu.make_async_copy(conf_o.at[pl.ds(0, 2048)], tC, fsem).wait()
        return 0
    lax.fori_loop(0, nbig, fd, 0)

    @pl.when(wid == 0)
    def _():
        zstage[...] = jnp.zeros(16, jnp.int32)
        pltpu.sync_copy(zstage, zflag_o)


def _mesh():
    return plsc.VectorSubcoreMesh(core_axis_name="c", subcore_axis_name="s")


@jax.jit
def _to_position(heat_flat):
    sidx, sconf, counts = pl.kernel(
        _p1_body,
        out_type=(
            jax.ShapeDtypeStruct((NW * REG,), jnp.int32),
            jax.ShapeDtypeStruct((NW * REG,), jnp.float32),
            jax.ShapeDtypeStruct((NW * 16,), jnp.int32),
        ),
        mesh=_mesh(),
        compiler_params=pltpu.CompilerParams(needs_layout_passes=False),
        scratch_types=[
            pltpu.VMEM((2 * 18 * W,), jnp.float32),
            pltpu.VMEM((528,), jnp.float32),
            pltpu.VMEM((2576,), jnp.int32),
            pltpu.VMEM((2576,), jnp.float32),
            pltpu.VMEM((16,), jnp.int32),
            pltpu.SemaphoreType.DMA,
            pltpu.SemaphoreType.DMA,
        ],
    )(heat_flat)
    posflat, conf, zflag = pl.kernel(
        _p2_body,
        out_type=(
            jax.ShapeDtypeStruct((3 * N,), jnp.int32),
            jax.ShapeDtypeStruct((N,), jnp.float32),
            jax.ShapeDtypeStruct((16,), jnp.int32),
        ),
        mesh=_mesh(),
        compiler_params=pltpu.CompilerParams(needs_layout_passes=False),
        scratch_types=[
            pltpu.VMEM((NW * 16,), jnp.int32),
            pltpu.VMEM((NW * 16,), jnp.int32),
            pltpu.VMEM((NW * 16,), jnp.float32),
            pltpu.VMEM((2064,), jnp.int32),
            pltpu.VMEM((2064,), jnp.float32),
            pltpu.VMEM((2048 * 3,), jnp.int32),
            pltpu.VMEM((2048,), jnp.float32),
            pltpu.VMEM((16,), jnp.int32),
            pltpu.SemaphoreType.DMA,
        ],
    )(heat_flat, sidx, sconf, counts)
    return posflat, conf, zflag


def kernel(heatmap):
    heat_flat = heatmap.reshape(N)
    posflat, conf, zflag = _to_position(heat_flat)
    pos = posflat.reshape(N, 3)
    confidences = conf
    _ = (pos, confidences)
    return zflag[0].reshape(())

# --- scband reference (transcript-rebuilt; emitter-appended) ---
"""Pipeline reference for scband-to-position-31808527794318 (READ-ONLY COPY).

The authoritative reference and input builder live on the scoring server;
editing this copy changes nothing except your own understanding.
"""

import jax, jax.numpy as jnp
import numpy as np

THRESHOLD = 0.5

def setup_inputs(seed: int = 0) -> dict:
    key = jax.random.key(seed)
    heatmap = jax.random.uniform(key, (8, 1, 512, 512), dtype=jnp.float32)
    return {"heatmap": heatmap}

def _max_pool2d_3x3_same(x):
    # F.max_pool2d(x, 3, stride=1, padding=1)
    return jax.lax.reduce_window(
        x, -jnp.inf, jax.lax.max,
        window_dimensions=(1, 1, 3, 3),
        window_strides=(1, 1, 1, 1),
        padding=[(0, 0), (0, 0), (1, 1), (1, 1)],
    )

def reference(heatmap):
    pooled = _max_pool2d_3x3_same(heatmap)
    kp_map = (pooled == heatmap) & (heatmap > THRESHOLD)
    kp_map = kp_map[:, 0]  # [B, H, W] bool
    # pos = kp_map.nonzero()  (dynamic shape; eager jax nonzero)
    idxs = jnp.nonzero(kp_map, size=kp_map.size, fill_value=0)
    pos = jnp.stack(idxs, axis=1)  # [K, 3]
    confidences = heatmap[pos[:, 0], 0, pos[:, 1], pos[:, 2]]
    _ = (pos, confidences)  # computed but unused, matching original (prints then discards)
    return jnp.array(0)

if __name__ == "__main__":
    import jax
    _d = setup_inputs()
    print(jax.jit(kernel)(*tuple(_d.values())))

</pallas_src>

<mosaic_0001>
#map = affine_map<(d0, d1) -> (0)>
module attributes {stable_mosaic.version = 14 : i64} {
  func.func @_p2_body(%arg0: i32, %arg1: i32, %arg2: memref<2097152xf32, #tpu.memory_space<hbm>>, %arg3: memref<2097664xi32, #tpu.memory_space<hbm>>, %arg4: memref<2097664xf32, #tpu.memory_space<hbm>>, %arg5: memref<512xi32, #tpu.memory_space<hbm>>, %arg6: memref<6291456xi32, #tpu.memory_space<hbm>>, %arg7: memref<2097152xf32, #tpu.memory_space<hbm>>, %arg8: memref<16xi32, #tpu.memory_space<hbm>>, %arg9: memref<512xi32, #tpu.memory_space<vmem>>, %arg10: memref<512xi32, #tpu.memory_space<vmem>>, %arg11: memref<512xf32, #tpu.memory_space<vmem>>, %arg12: memref<2064xi32, #tpu.memory_space<vmem>>, %arg13: memref<2064xf32, #tpu.memory_space<vmem>>, %arg14: memref<6144xi32, #tpu.memory_space<vmem>>, %arg15: memref<2048xf32, #tpu.memory_space<vmem>>, %arg16: memref<16xi32, #tpu.memory_space<vmem>>, %arg17: memref<!tpu.dma_semaphore, #tpu.memory_space<semaphore_mem>>) attributes {dimension_semantics = [#tpu.dimension_semantics<core_parallel>, #tpu.dimension_semantics<subcore_parallel>], iteration_bounds = array<i64: 2, 16>, scalar_prefetch = 0 : i64, scratch_operands = 9 : i64, tpu.core_type = #tpu.core_type<sc_vector_subcore>, window_params = [{transform_indices = #map}, {transform_indices = #map}, {transform_indices = #map}, {transform_indices = #map}, {transform_indices = #map}, {transform_indices = #map}, {transform_indices = #map}]} {
    %mul3A = arith.constant 2 : i32
    %mul3A_0 = arith.muli %arg1, %mul3A : i32
    %add3A = arith.addi %mul3A_0, %arg0 : i32
    %iota3A = tpu.iota {dimensions = array<i32: 0>} : vector<16xi32>
    "tpu.region"() ({
      %run_scoped3A = tpu.sem_alloc : memref<!tpu.dma_semaphore, #tpu.memory_space<semaphore_mem>>
      tpu.enqueue_dma source(%arg5 : memref<512xi32, #tpu.memory_space<hbm>>) target(%arg9 : memref<512xi32, #tpu.memory_space<vmem>>) target_semaphore(%run_scoped3A : memref<!tpu.dma_semaphore, #tpu.memory_space<semaphore_mem>>)
      tpu.wait_dma2 semaphore(%run_scoped3A : memref<!tpu.dma_semaphore, #tpu.memory_space<semaphore_mem>>) src(%arg5 : memref<512xi32, #tpu.memory_space<hbm>>) dst(%arg9 : memref<512xi32, #tpu.memory_space<vmem>>)
      tpu.yield
    }) : () -> ()
    %scan3A = arith.constant 0 : i32
    %scan3A_1 = arith.constant 0 : i32
    %scan3A_2 = arith.constant 0 : i32
    %scan3A_3 = arith.constant 32 : i32
    %scan3A_4 = arith.addi %scan3A_2, %scan3A_3 : i32
    %scan3A_5 = arith.constant 1 : i32
    %scan3A_6:2 = scf.for %scan3A_408 = %scan3A_2 to %scan3A_4 step %scan3A_5 iter_args(%scan3A_409 = %scan3A, %scan3A_410 = %scan3A_1) -> (i32, i32)  : i32 {
      %mul3A_411 = arith.constant 16 : i32
      %mul3A_412 = arith.muli %scan3A_408, %mul3A_411 : i32
      %get3A_413 = arith.index_cast %mul3A_412 : i32 to index
      %get3A_414 = tpu.vector_load %arg9[%get3A_413] {strides = array<i32>} : memref<512xi32, #tpu.memory_space<vmem>>, vector<16xi32>,
      %slice3A_415 = vector.extract_strided_slice %get3A_414 {offsets = [0], sizes = [1], strides = [1]} : vector<16xi32> to vector<1xi32>
      %squeeze3A_416 = vector.extract %slice3A_415[0] : i32 from vector<1xi32>
      %lt3A = arith.cmpi slt, %scan3A_408, %add3A : i32
      %jit3A_417 = arith.constant 0 : i32
      %select_n3A_418 = arith.select %lt3A, %squeeze3A_416, %jit3A_417 : i32
      %add3A_419 = arith.addi %scan3A_409, %select_n3A_418 : i32
      %add3A_420 = arith.addi %scan3A_410, %squeeze3A_416 : i32
      scf.yield %add3A_419, %add3A_420 : i32, i32
    }
    %scan3A_7 = arith.constant 32 : i32
    %mul3A_8 = arith.constant 16 : i32
    %mul3A_9 = arith.muli %add3A, %mul3A_8 : i32
    %get3A = arith.index_cast %mul3A_9 : i32 to index
    %get3A_10 = tpu.vector_load %arg9[%get3A] {strides = array<i32>} : memref<512xi32, #tpu.memory_space<vmem>>, vector<16xi32>,
    %slice3A = vector.extract_strided_slice %get3A_10 {offsets = [0], sizes = [1], strides = [1]} : vector<16xi32> to vector<1xi32>
    %squeeze3A = vector.extract %slice3A[0] : i32 from vector<1xi32>
    %add3A_11 = arith.addi %scan3A_6#0, %squeeze3A : i32
    "tpu.region"() ({
      %run_scoped3A = tpu.sem_alloc : memref<!tpu.dma_semaphore, #tpu.memory_space<semaphore_mem>>
      %dma_start3A = arith.constant 0 : i32
      %dma_start3A_408 = tpu.memref_slice %arg15[%dma_start3A] : memref<2048xf32, #tpu.memory_space<vmem>> -> memref<16xf32, #tpu.memory_space<vmem>>
      %dma_start3A_409 = arith.constant 0 : i32
      %dma_start3A_410 = tpu.memref_slice %arg2[%dma_start3A_409] : memref<2097152xf32, #tpu.memory_space<hbm>> -> memref<16xf32, #tpu.memory_space<hbm>>
      %dma_start3A_411 = arith.constant 0 : i32
      %dma_start3A_412 = tpu.memref_slice %arg15[%dma_start3A_411] : memref<2048xf32, #tpu.memory_space<vmem>> -> memref<16xf32, #tpu.memory_space<vmem>>
      %dma_start3A_413 = arith.constant 0 : i32
      %dma_start3A_414 = tpu.memref_slice %arg2[%dma_start3A_413] : memref<2097152xf32, #tpu.memory_space<hbm>> -> memref<16xf32, #tpu.memory_space<hbm>>
      tpu.enqueue_dma source(%dma_start3A_414 : memref<16xf32, #tpu.memory_space<hbm>>) target(%dma_start3A_412 : memref<16xf32, #tpu.memory_space<vmem>>) target_semaphore(%run_scoped3A : memref<!tpu.dma_semaphore, #tpu.memory_space<semaphore_mem>>)
      %dma_wait3A = arith.constant 0 : i32
      %dma_wait3A_415 = tpu.memref_slice %arg15[%dma_wait3A] : memref<2048xf32, #tpu.memory_space<vmem>> -> memref<16xf32, #tpu.memory_space<vmem>>
      %dma_wait3A_416 = arith.constant 0 : i32
      %dma_wait3A_417 = tpu.memref_slice %arg2[%dma_wait3A_416] : memref<2097152xf32, #tpu.memory_space<hbm>> -> memref<16xf32, #tpu.memory_space<hbm>>
      %dma_wait3A_418 = arith.constant 0 : i32
      %dma_wait3A_419 = tpu.memref_slice %arg15[%dma_wait3A_418] : memref<2048xf32, #tpu.memory_space<vmem>> -> memref<16xf32, #tpu.memory_space<vmem>>
      %dma_wait3A_420 = arith.constant 0 : i32
      %dma_wait3A_421 = tpu.memref_slice %arg2[%dma_wait3A_420] : memref<2097152xf32, #tpu.memory_space<hbm>> -> memref<16xf32, #tpu.memory_space<hbm>>
      tpu.wait_dma2 semaphore(%run_scoped3A : memref<!tpu.dma_semaphore, #tpu.memory_space<semaphore_mem>>) src(%dma_wait3A_421 : memref<16xf32, #tpu.memory_space<hbm>>) dst(%dma_wait3A_419 : memref<16xf32, #tpu.memory_space<vmem>>)
      tpu.yield
    }) : () -> ()
    %broadcast_in_dim3A = arith.constant 0.000000e+00 : f32
    %broadcast_in_dim3A_12 = vector.broadcast %broadcast_in_dim3A : f32 to vector<16xf32>
    %get3A_13 = arith.constant 0 : index
    %get3A_14 = tpu.vector_load %arg15[%get3A_13] {strides = array<i32>} : memref<2048xf32, #tpu.memory_space<vmem>>, vector<16xf32>,
    %slice3A_15 = vector.extract_strided_slice %get3A_14 {offsets = [0], sizes = [1], strides = [1]} : vector<16xf32> to vector<1xf32>
    %squeeze3A_16 = vector.extract %slice3A_15[0] : f32 from vector<1xf32>
    %add3A_17 = vector.broadcast %squeeze3A_16 : f32 to vector<16xf32>
    %add3A_18 = arith.addf %broadcast_in_dim3A_12, %add3A_17 : vector<16xf32>
    %add3A_19 = arith.constant 1 : i32
    %add3A_20 = arith.addi %add3A, %add3A_19 : i32
    %while3A = arith.constant 32 : i32
    %while3A_21 = arith.constant 0 : i32
    %while3A_22 = arith.subi %while3A, %add3A_20 : i32
    %while3A_23 = arith.addi %add3A_20, %while3A_22 : i32
    %while3A_24 = arith.constant 1 : i32
    %while3A_25 = arith.divsi %while3A_22, %while3A_24 : i32
    %while3A_26 = arith.muli %while3A_25, %while3A_24 : i32
    %while3A_27 = arith.addi %add3A_20, %while3A_26 : i32
    %while3A_28 = arith.constant 1 : i32
    %while3A_29 = scf.for %while3A_408 = %add3A_20 to %while3A_27 step %while3A_28 iter_args(%while3A_409 = %while3A_21) -> (i32)  : i32 {
      %mul3A_410 = arith.constant 65552 : i32
      %mul3A_411 = arith.muli %while3A_408, %mul3A_410 : i32
      %multiple_of3A = tpu.assume_multiple %mul3A_411, 16 : i32
      %mul3A_412 = arith.constant 16 : i32
      %mul3A_413 = arith.muli %while3A_408, %mul3A_412 : i32
      "tpu.region"() ({
        %run_scoped3A = tpu.sem_alloc : memref<!tpu.dma_semaphore, #tpu.memory_space<semaphore_mem>>
        %dma_start3A = tpu.memref_slice %arg10[%mul3A_413] : memref<512xi32, #tpu.memory_space<vmem>> -> memref<16xi32, #tpu.memory_space<vmem>>
        %dma_start3A_420 = tpu.memref_slice %arg3[%multiple_of3A] : memref<2097664xi32, #tpu.memory_space<hbm>> -> memref<16xi32, #tpu.memory_space<hbm>>
        %dma_start3A_421 = tpu.memref_slice %arg10[%mul3A_413] : memref<512xi32, #tpu.memory_space<vmem>> -> memref<16xi32, #tpu.memory_space<vmem>>
        %dma_start3A_422 = tpu.memref_slice %arg3[%multiple_of3A] : memref<2097664xi32, #tpu.memory_space<hbm>> -> memref<16xi32, #tpu.memory_space<hbm>>
        tpu.enqueue_dma source(%dma_start3A_422 : memref<16xi32, #tpu.memory_space<hbm>>) target(%dma_start3A_421 : memref<16xi32, #tpu.memory_space<vmem>>) target_semaphore(%run_scoped3A : memref<!tpu.dma_semaphore, #tpu.memory_space<semaphore_mem>>)
        %dma_wait3A = tpu.memref_slice %arg10[%mul3A_413] : memref<512xi32, #tpu.memory_space<vmem>> -> memref<16xi32, #tpu.memory_space<vmem>>
        %dma_wait3A_423 = tpu.memref_slice %arg3[%multiple_of3A] : memref<2097664xi32, #tpu.memory_space<hbm>> -> memref<16xi32, #tpu.memory_space<hbm>>
        %dma_wait3A_424 = tpu.memref_slice %arg10[%mul3A_413] : memref<512xi32, #tpu.memory_space<vmem>> -> memref<16xi32, #tpu.memory_space<vmem>>
        %dma_wait3A_425 = tpu.memref_slice %arg3[%multiple_of3A] : memref<2097664xi32, #tpu.memory_space<hbm>> -> memref<16xi32, #tpu.memory_space<hbm>>
        tpu.wait_dma2 semaphore(%run_scoped3A : memref<!tpu.dma_semaphore, #tpu.memory_space<semaphore_mem>>) src(%dma_wait3A_425 : memref<16xi32, #tpu.memory_space<hbm>>) dst(%dma_wait3A_424 : memref<16xi32, #tpu.memory_space<vmem>>)
        tpu.yield
      }) : () -> ()
      %mul3A_414 = arith.constant 65552 : i32
      %mul3A_415 = arith.muli %while3A_408, %mul3A_414 : i32
      %multiple_of3A_416 = tpu.assume_multiple %mul3A_415, 16 : i32
      %mul3A_417 = arith.constant 16 : i32
      %mul3A_418 = arith.muli %while3A_408, %mul3A_417 : i32
      "tpu.region"() ({
        %run_scoped3A = tpu.sem_alloc : memref<!tpu.dma_semaphore, #tpu.memory_space<semaphore_mem>>
        %dma_start3A = tpu.memref_slice %arg11[%mul3A_418] : memref<512xf32, #tpu.memory_space<vmem>> -> memref<16xf32, #tpu.memory_space<vmem>>
        %dma_start3A_420 = tpu.memref_slice %arg4[%multiple_of3A_416] : memref<2097664xf32, #tpu.memory_space<hbm>> -> memref<16xf32, #tpu.memory_space<hbm>>
        %dma_start3A_421 = tpu.memref_slice %arg11[%mul3A_418] : memref<512xf32, #tpu.memory_space<vmem>> -> memref<16xf32, #tpu.memory_space<vmem>>
        %dma_start3A_422 = tpu.memref_slice %arg4[%multiple_of3A_416] : memref<2097664xf32, #tpu.memory_space<hbm>> -> memref<16xf32, #tpu.memory_space<hbm>>
        tpu.enqueue_dma source(%dma_start3A_422 : memref<16xf32, #tpu.memory_space<hbm>>) target(%dma_start3A_421 : memref<16xf32, #tpu.memory_space<vmem>>) target_semaphore(%run_scoped3A : memref<!tpu.dma_semaphore, #tpu.memory_space<semaphore_mem>>)
        %dma_wait3A = tpu.memref_slice %arg11[%mul3A_418] : memref<512xf32, #tpu.memory_space<vmem>> -> memref<16xf32, #tpu.memory_space<vmem>>
        %dma_wait3A_423 = tpu.memref_slice %arg4[%multiple_of3A_416] : memref<2097664xf32, #tpu.memory_space<hbm>> -> memref<16xf32, #tpu.memory_space<hbm>>
        %dma_wait3A_424 = tpu.memref_slice %arg11[%mul3A_418] : memref<512xf32, #tpu.memory_space<vmem>> -> memref<16xf32, #tpu.memory_space<vmem>>
        %dma_wait3A_425 = tpu.memref_slice %arg4[%multiple_of3A_416] : memref<2097664xf32, #tpu.memory_space<hbm>> -> memref<16xf32, #tpu.memory_space<hbm>>
        tpu.wait_dma2 semaphore(%run_scoped3A : memref<!tpu.dma_semaphore, #tpu.memory_space<semaphore_mem>>) src(%dma_wait3A_425 : memref<16xf32, #tpu.memory_space<hbm>>) dst(%dma_wait3A_424 : memref<16xf32, #tpu.memory_space<vmem>>)
        tpu.yield
      }) : () -> ()
      %while3A_419 = arith.constant 0 : i32
      scf.yield %while3A_419 : i32
    }
    %while3A_30 = arith.constant 1 : i32
    %while3A_31 = scf.for %while3A_408 = %while3A_27 to %while3A_23 step %while3A_30 iter_args(%while3A_409 = %while3A_29) -> (i32)  : i32 {
      %mul3A_410 = arith.constant 65552 : i32
      %mul3A_411 = arith.muli %while3A_408, %mul3A_410 : i32
      %multiple_of3A = tpu.assume_multiple %mul3A_411, 16 : i32
      %mul3A_412 = arith.constant 16 : i32
      %mul3A_413 = arith.muli %while3A_408, %mul3A_412 : i32
      "tpu.region"() ({
        %run_scoped3A = tpu.sem_alloc : memref<!tpu.dma_semaphore, #tpu.memory_space<semaphore_mem>>
        %dma_start3A = tpu.memref_slice %arg10[%mul3A_413] : memref<512xi32, #tpu.memory_space<vmem>> -> memref<16xi32, #tpu.memory_space<vmem>>
        %dma_start3A_420 = tpu.memref_slice %arg3[%multiple_of3A] : memref<2097664xi32, #tpu.memory_space<hbm>> -> memref<16xi32, #tpu.memory_space<hbm>>
        %dma_start3A_421 = tpu.memref_slice %arg10[%mul3A_413] : memref<512xi32, #tpu.memory_space<vmem>> -> memref<16xi32, #tpu.memory_space<vmem>>
        %dma_start3A_422 = tpu.memref_slice %arg3[%multiple_of3A] : memref<2097664xi32, #tpu.memory_space<hbm>> -> memref<16xi32, #tpu.memory_space<hbm>>
        tpu.enqueue_dma source(%dma_start3A_422 : memref<16xi32, #tpu.memory_space<hbm>>) target(%dma_start3A_421 : memref<16xi32, #tpu.memory_space<vmem>>) target_semaphore(%run_scoped3A : memref<!tpu.dma_semaphore, #tpu.memory_space<semaphore_mem>>)
        %dma_wait3A = tpu.memref_slice %arg10[%mul3A_413] : memref<512xi32, #tpu.memory_space<vmem>> -> memref<16xi32, #tpu.memory_space<vmem>>
        %dma_wait3A_423 = tpu.memref_slice %arg3[%multiple_of3A] : memref<2097664xi32, #tpu.memory_space<hbm>> -> memref<16xi32, #tpu.memory_space<hbm>>
        %dma_wait3A_424 = tpu.memref_slice %arg10[%mul3A_413] : memref<512xi32, #tpu.memory_space<vmem>> -> memref<16xi32, #tpu.memory_space<vmem>>
        %dma_wait3A_425 = tpu.memref_slice %arg3[%multiple_of3A] : memref<2097664xi32, #tpu.memory_space<hbm>> -> memref<16xi32, #tpu.memory_space<hbm>>
        tpu.wait_dma2 semaphore(%run_scoped3A : memref<!tpu.dma_semaphore, #tpu.memory_space<semaphore_mem>>) src(%dma_wait3A_425 : memref<16xi32, #tpu.memory_space<hbm>>) dst(%dma_wait3A_424 : memref<16xi32, #tpu.memory_space<vmem>>)
        tpu.yield
      }) : () -> ()
      %mul3A_414 = arith.constant 65552 : i32
      %mul3A_415 = arith.muli %while3A_408, %mul3A_414 : i32
      %multiple_of3A_416 = tpu.assume_multiple %mul3A_415, 16 : i32
      %mul3A_417 = arith.constant 16 : i32
      %mul3A_418 = arith.muli %while3A_408, %mul3A_417 : i32
      "tpu.region"() ({
        %run_scoped3A = tpu.sem_alloc : memref<!tpu.dma_semaphore, #tpu.memory_space<semaphore_mem>>
        %dma_start3A = tpu.memref_slice %arg11[%mul3A_418] : memref<512xf32, #tpu.memory_space<vmem>> -> memref<16xf32, #tpu.memory_space<vmem>>
        %dma_start3A_420 = tpu.memref_slice %arg4[%multiple_of3A_416] : memref<2097664xf32, #tpu.memory_space<hbm>> -> memref<16xf32, #tpu.memory_space<hbm>>
        %dma_start3A_421 = tpu.memref_slice %arg11[%mul3A_418] : memref<512xf32, #tpu.memory_space<vmem>> -> memref<16xf32, #tpu.memory_space<vmem>>
        %dma_start3A_422 = tpu.memref_slice %arg4[%multiple_of3A_416] : memref<2097664xf32, #tpu.memory_space<hbm>> -> memref<16xf32, #tpu.memory_space<hbm>>
        tpu.enqueue_dma source(%dma_start3A_422 : memref<16xf32, #tpu.memory_space<hbm>>) target(%dma_start3A_421 : memref<16xf32, #tpu.memory_space<vmem>>) target_semaphore(%run_scoped3A : memref<!tpu.dma_semaphore, #tpu.memory_space<semaphore_mem>>)
        %dma_wait3A = tpu.memref_slice %arg11[%mul3A_418] : memref<512xf32, #tpu.memory_space<vmem>> -> memref<16xf32, #tpu.memory_space<vmem>>
        %dma_wait3A_423 = tpu.memref_slice %arg4[%multiple_of3A_416] : memref<2097664xf32, #tpu.memory_space<hbm>> -> memref<16xf32, #tpu.memory_space<hbm>>
        %dma_wait3A_424 = tpu.memref_slice %arg11[%mul3A_418] : memref<512xf32, #tpu.memory_space<vmem>> -> memref<16xf32, #tpu.memory_space<vmem>>
        %dma_wait3A_425 = tpu.memref_slice %arg4[%multiple_of3A_416] : memref<2097664xf32, #tpu.memory_space<hbm>> -> memref<16xf32, #tpu.memory_space<hbm>>
        tpu.wait_dma2 semaphore(%run_scoped3A : memref<!tpu.dma_semaphore, #tpu.memory_space<semaphore_mem>>) src(%dma_wait3A_425 : memref<16xf32, #tpu.memory_space<hbm>>) dst(%dma_wait3A_424 : memref<16xf32, #tpu.memory_space<vmem>>)
        tpu.yield
      }) : () -> ()
      %while3A_419 = arith.constant 0 : i32
      scf.yield %while3A_419 : i32
    }
    %add3A_32 = arith.constant 1 : i32
    %add3A_33 = arith.addi %add3A, %add3A_32 : i32
    %broadcast_in_dim3A_34 = arith.constant 0 : i32
    %broadcast_in_dim3A_35 = vector.broadcast %broadcast_in_dim3A_34 : i32 to vector<16xi32>
    %while3A_36 = arith.constant 32 : i32
    %while3A_37 = arith.constant 0 : i32
    %while3A_38 = arith.subi %while3A_36, %add3A_33 : i32
    %while3A_39 = arith.addi %add3A_33, %while3A_38 : i32
    %while3A_40 = arith.constant 1 : i32
    %while3A_41 = arith.divsi %while3A_38, %while3A_40 : i32
    %while3A_42 = arith.muli %while3A_41, %while3A_40 : i32
    %while3A_43 = arith.addi %add3A_33, %while3A_42 : i32
    %while3A_44 = arith.constant 1 : i32
    %while3A_45:3 = scf.for %while3A_408 = %add3A_33 to %while3A_43 step %while3A_44 iter_args(%while3A_409 = %while3A_37, %while3A_410 = %broadcast_in_dim3A_35, %while3A_411 = %add3A_18) -> (i32, vector<16xi32>, vector<16xf32>)  : i32 {
      %mul3A_412 = arith.constant 16 : i32
      %mul3A_413 = arith.muli %while3A_408, %mul3A_412 : i32
      %get3A_414 = arith.index_cast %mul3A_413 : i32 to index
      %get3A_415 = tpu.vector_load %arg9[%get3A_414] {strides = array<i32>} : memref<512xi32, #tpu.memory_space<vmem>>, vector<16xi32>,
      %slice3A_416 = vector.extract_strided_slice %get3A_415 {offsets = [0], sizes = [1], strides = [1]} : vector<16xi32> to vector<1xi32>
      %squeeze3A_417 = vector.extract %slice3A_416[0] : i32 from vector<1xi32>
      %sub3A_418 = vector.broadcast %while3A_409 : i32 to vector<16xi32>
      %sub3A_419 = arith.subi %iota3A, %sub3A_418 : vector<16xi32>
      %ge3A_420 = arith.constant 0 : i32
      %ge3A_421 = vector.broadcast %ge3A_420 : i32 to vector<16xi32>
      %ge3A_422 = arith.cmpi sge, %sub3A_419, %ge3A_421 : vector<16xi32>
      %lt3A = vector.broadcast %squeeze3A_417 : i32 to vector<16xi32>
      %lt3A_423 = arith.cmpi slt, %sub3A_419, %lt3A : vector<16xi32>
      %and3A_424 = arith.andi %ge3A_422, %lt3A_423 : vector<16xi1>
      %jit3A_425 = arith.constant 0 : i32
      %jit3A_426 = arith.constant 15 : i32
      %max3A = vector.broadcast %jit3A_425 : i32 to vector<16xi32>
      %max3A_427 = arith.maxsi %max3A, %sub3A_419 : vector<16xi32>
      %min3A = vector.broadcast %jit3A_426 : i32 to vector<16xi32>
      %min3A_428 = arith.minsi %min3A, %max3A_427 : vector<16xi32>
      %mul3A_429 = arith.constant 16 : i32
      %mul3A_430 = arith.muli %while3A_408, %mul3A_429 : i32
      %get3A_431 = arith.index_cast %mul3A_430 : i32 to index
      %get3A_432 = tpu.vector_load %arg10[%get3A_431] {strides = array<i32>} : memref<512xi32, #tpu.memory_space<vmem>>, vector<16xi32>,
      %mul3A_433 = arith.constant 16 : i32
      %mul3A_434 = arith.muli %while3A_408, %mul3A_433 : i32
      %get3A_435 = arith.index_cast %mul3A_434 : i32 to index
      %get3A_436 = tpu.vector_load %arg11[%get3A_435] {strides = array<i32>} : memref<512xf32, #tpu.memory_space<vmem>>, vector<16xf32>,
      %lt3A_437 = arith.constant 0 : i32
      %lt3A_438 = vector.broadcast %lt3A_437 : i32 to vector<16xi32>
      %lt3A_439 = arith.cmpi slt, %min3A_428, %lt3A_438 : vector<16xi32>
      %add3A_440 = arith.constant 16 : i32
      %add3A_441 = vector.broadcast %add3A_440 : i32 to vector<16xi32>
      %add3A_442 = arith.addi %min3A_428, %add3A_441 : vector<16xi32>
      %select_n3A_443 = arith.select %lt3A_439, %add3A_442, %min3A_428 : vector<16xi1>, vector<16xi32>
      %broadcast_in_dim3A_444 = vector.shape_cast %select_n3A_443 : vector<16xi32> to vector<16x1xi32>
      %gather3A = vector.shape_cast %broadcast_in_dim3A_444 : vector<16x1xi32> to vector<16xi32>
      %gather3A_445 = tpu.dynamic_gather %get3A_432[%gather3A] in [0] : vector<16xi32>, vector<16xi32> -> vector<16xi32>
      %select_n3A_446 = arith.select %and3A_424, %gather3A_445, %while3A_410 : vector<16xi1>, vector<16xi32>
      %lt3A_447 = arith.constant 0 : i32
      %lt3A_448 = vector.broadcast %lt3A_447 : i32 to vector<16xi32>
      %lt3A_449 = arith.cmpi slt, %min3A_428, %lt3A_448 : vector<16xi32>
      %add3A_450 = arith.constant 16 : i32
      %add3A_451 = vector.broadcast %add3A_450 : i32 to vector<16xi32>
      %add3A_452 = arith.addi %min3A_428, %add3A_451 : vector<16xi32>
      %select_n3A_453 = arith.select %lt3A_449, %add3A_452, %min3A_428 : vector<16xi1>, vector<16xi32>
      %broadcast_in_dim3A_454 = vector.shape_cast %select_n3A_453 : vector<16xi32> to vector<16x1xi32>
      %gather3A_455 = vector.shape_cast %broadcast_in_dim3A_454 : vector<16x1xi32> to vector<16xi32>
      %gather3A_456 = tpu.dynamic_gather %get3A_436[%gather3A_455] in [0] : vector<16xf32>, vector<16xi32> -> vector<16xf32>
      %select_n3A_457 = arith.select %and3A_424, %gather3A_456, %while3A_411 : vector<16xi1>, vector<16xf32>
      %add3A_458 = arith.addi %while3A_409, %squeeze3A_417 : i32
      scf.yield %add3A_458, %select_n3A_446, %select_n3A_457 : i32, vector<16xi32>, vector<16xf32>
    }
    %while3A_46 = arith.constant 1 : i32
    %while3A_47:3 = scf.for %while3A_408 = %while3A_43 to %while3A_39 step %while3A_46 iter_args(%while3A_409 = %while3A_45#0, %while3A_410 = %while3A_45#1, %while3A_411 = %while3A_45#2) -> (i32, vector<16xi32>, vector<16xf32>)  : i32 {
      %mul3A_412 = arith.constant 16 : i32
      %mul3A_413 = arith.muli %while3A_408, %mul3A_412 : i32
      %get3A_414 = arith.index_cast %mul3A_413 : i32 to index
      %get3A_415 = tpu.vector_load %arg9[%get3A_414] {strides = array<i32>} : memref<512xi32, #tpu.memory_space<vmem>>, vector<16xi32>,
      %slice3A_416 = vector.extract_strided_slice %get3A_415 {offsets = [0], sizes = [1], strides = [1]} : vector<16xi32> to vector<1xi32>
      %squeeze3A_417 = vector.extract %slice3A_416[0] : i32 from vector<1xi32>
      %sub3A_418 = vector.broadcast %while3A_409 : i32 to vector<16xi32>
      %sub3A_419 = arith.subi %iota3A, %sub3A_418 : vector<16xi32>
      %ge3A_420 = arith.constant 0 : i32
      %ge3A_421 = vector.broadcast %ge3A_420 : i32 to vector<16xi32>
      %ge3A_422 = arith.cmpi sge, %sub3A_419, %ge3A_421 : vector<16xi32>
      %lt3A = vector.broadcast %squeeze3A_417 : i32 to vector<16xi32>
      %lt3A_423 = arith.cmpi slt, %sub3A_419, %lt3A : vector<16xi32>
      %and3A_424 = arith.andi %ge3A_422, %lt3A_423 : vector<16xi1>
      %jit3A_425 = arith.constant 0 : i32
      %jit3A_426 = arith.constant 15 : i32
      %max3A = vector.broadcast %jit3A_425 : i32 to vector<16xi32>
      %max3A_427 = arith.maxsi %max3A, %sub3A_419 : vector<16xi32>
      %min3A = vector.broadcast %jit3A_426 : i32 to vector<16xi32>
      %min3A_428 = arith.minsi %min3A, %max3A_427 : vector<16xi32>
      %mul3A_429 = arith.constant 16 : i32
      %mul3A_430 = arith.muli %while3A_408, %mul3A_429 : i32
      %get3A_431 = arith.index_cast %mul3A_430 : i32 to index
      %get3A_432 = tpu.vector_load %arg10[%get3A_431] {strides = array<i32>} : memref<512xi32, #tpu.memory_space<vmem>>, vector<16xi32>,
      %mul3A_433 = arith.constant 16 : i32
      %mul3A_434 = arith.muli %while3A_408, %mul3A_433 : i32
      %get3A_435 = arith.index_cast %mul3A_434 : i32 to index
      %get3A_436 = tpu.vector_load %arg11[%get3A_435] {strides = array<i32>} : memref<512xf32, #tpu.memory_space<vmem>>, vector<16xf32>,
      %lt3A_437 = arith.constant 0 : i32
      %lt3A_438 = vector.broadcast %lt3A_437 : i32 to vector<16xi32>
      %lt3A_439 = arith.cmpi slt, %min3A_428, %lt3A_438 : vector<16xi32>
      %add3A_440 = arith.constant 16 : i32
      %add3A_441 = vector.broadcast %add3A_440 : i32 to vector<16xi32>
      %add3A_442 = arith.addi %min3A_428, %add3A_441 : vector<16xi32>
      %select_n3A_443 = arith.select %lt3A_439, %add3A_442, %min3A_428 : vector<16xi1>, vector<16xi32>
      %broadcast_in_dim3A_444 = vector.shape_cast %select_n3A_443 : vector<16xi32> to vector<16x1xi32>
      %gather3A = vector.shape_cast %broadcast_in_dim3A_444 : vector<16x1xi32> to vector<16xi32>
      %gather3A_445 = tpu.dynamic_gather %get3A_432[%gather3A] in [0] : vector<16xi32>, vector<16xi32> -> vector<16xi32>
      %select_n3A_446 = arith.select %and3A_424, %gather3A_445, %while3A_410 : vector<16xi1>, vector<16xi32>
      %lt3A_447 = arith.constant 0 : i32
      %lt3A_448 = vector.broadcast %lt3A_447 : i32 to vector<16xi32>
      %lt3A_449 = arith.cmpi slt, %min3A_428, %lt3A_448 : vector<16xi32>
      %add3A_450 = arith.constant 16 : i32
      %add3A_451 = vector.broadcast %add3A_450 : i32 to vector<16xi32>
      %add3A_452 = arith.addi %min3A_428, %add3A_451 : vector<16xi32>
      %select_n3A_453 = arith.select %lt3A_449, %add3A_452, %min3A_428 : vector<16xi1>, vector<16xi32>
      %broadcast_in_dim3A_454 = vector.shape_cast %select_n3A_453 : vector<16xi32> to vector<16x1xi32>
      %gather3A_455 = vector.shape_cast %broadcast_in_dim3A_454 : vector<16x1xi32> to vector<16xi32>
      %gather3A_456 = tpu.dynamic_gather %get3A_436[%gather3A_455] in [0] : vector<16xf32>, vector<16xi32> -> vector<16xf32>
      %select_n3A_457 = arith.select %and3A_424, %gather3A_456, %while3A_411 : vector<16xi1>, vector<16xf32>
      %add3A_458 = arith.addi %while3A_409, %squeeze3A_417 : i32
      scf.yield %add3A_458, %select_n3A_446, %select_n3A_457 : i32, vector<16xi32>, vector<16xf32>
    }
    %add3A_48 = arith.constant 15 : i32
    %add3A_49 = arith.addi %scan3A_6#0, %add3A_48 : i32
    %jit3A = arith.constant 16 : i32
    %div3A = arith.divsi %add3A_49, %jit3A : i32
    %sign3A = arith.constant 0 : i32
    %sign3A_50 = arith.cmpi sgt, %add3A_49, %sign3A : i32
    %sign3A_51 = arith.extui %sign3A_50 : i1 to i32
    %sign3A_52 = arith.constant 0 : i32
    %sign3A_53 = arith.cmpi slt, %add3A_49, %sign3A_52 : i32
    %sign3A_54 = arith.extui %sign3A_53 : i1 to i32
    %sign3A_55 = arith.subi %sign3A_51, %sign3A_54 : i32
    %sign3A_56 = arith.constant 0 : i32
    %sign3A_57 = arith.cmpi sgt, %jit3A, %sign3A_56 : i32
    %sign3A_58 = arith.extui %sign3A_57 : i1 to i32
    %sign3A_59 = arith.constant 0 : i32
    %sign3A_60 = arith.cmpi slt, %jit3A, %sign3A_59 : i32
    %sign3A_61 = arith.extui %sign3A_60 : i1 to i32
    %sign3A_62 = arith.subi %sign3A_58, %sign3A_61 : i32
    %ne3A = arith.cmpi ne, %sign3A_55, %sign3A_62 : i32
    %rem3A = arith.remsi %add3A_49, %jit3A : i32
    %ne3A_63 = arith.constant 0 : i32
    %ne3A_64 = arith.cmpi ne, %rem3A, %ne3A_63 : i32
    %and3A = arith.andi %ne3A, %ne3A_64 : i1
    %sub3A = arith.constant 1 : i32
    %sub3A_65 = arith.subi %div3A, %sub3A : i32
    %select_n3A = arith.select %and3A, %sub3A_65, %div3A : i32
    %mul3A_66 = arith.constant 16 : i32
    %mul3A_67 = arith.muli %select_n3A, %mul3A_66 : i32
    %sub3A_68 = arith.subi %mul3A_67, %scan3A_6#0 : i32
    %add3A_69 = arith.constant 15 : i32
    %add3A_70 = arith.addi %add3A_11, %add3A_69 : i32
    %jit3A_71 = arith.constant 16 : i32
    %div3A_72 = arith.divsi %add3A_70, %jit3A_71 : i32
    %sign3A_73 = arith.constant 0 : i32
    %sign3A_74 = arith.cmpi sgt, %add3A_70, %sign3A_73 : i32
    %sign3A_75 = arith.extui %sign3A_74 : i1 to i32
    %sign3A_76 = arith.constant 0 : i32
    %sign3A_77 = arith.cmpi slt, %add3A_70, %sign3A_76 : i32
    %sign3A_78 = arith.extui %sign3A_77 : i1 to i32
    %sign3A_79 = arith.subi %sign3A_75, %sign3A_78 : i32
    %sign3A_80 = arith.constant 0 : i32
    %sign3A_81 = arith.cmpi sgt, %jit3A_71, %sign3A_80 : i32
    %sign3A_82 = arith.extui %sign3A_81 : i1 to i32
    %sign3A_83 = arith.constant 0 : i32
    %sign3A_84 = arith.cmpi slt, %jit3A_71, %sign3A_83 : i32
    %sign3A_85 = arith.extui %sign3A_84 : i1 to i32
    %sign3A_86 = arith.subi %sign3A_82, %sign3A_85 : i32
    %ne3A_87 = arith.cmpi ne, %sign3A_79, %sign3A_86 : i32
    %rem3A_88 = arith.remsi %add3A_70, %jit3A_71 : i32
    %ne3A_89 = arith.constant 0 : i32
    %ne3A_90 = arith.cmpi ne, %rem3A_88, %ne3A_89 : i32
    %and3A_91 = arith.andi %ne3A_87, %ne3A_90 : i1
    %sub3A_92 = arith.constant 1 : i32
    %sub3A_93 = arith.subi %div3A_72, %sub3A_92 : i32
    %select_n3A_94 = arith.select %and3A_91, %sub3A_93, %div3A_72 : i32
    %mul3A_95 = arith.constant 16 : i32
    %mul3A_96 = arith.muli %select_n3A_94, %mul3A_95 : i32
    %sub3A_97 = arith.subi %mul3A_96, %mul3A_67 : i32
    %jit3A_98 = arith.constant 16 : i32
    %div3A_99 = arith.divsi %sub3A_97, %jit3A_98 : i32
    %sign3A_100 = arith.constant 0 : i32
    %sign3A_101 = arith.cmpi sgt, %sub3A_97, %sign3A_100 : i32
    %sign3A_102 = arith.extui %sign3A_101 : i1 to i32
    %sign3A_103 = arith.constant 0 : i32
    %sign3A_104 = arith.cmpi slt, %sub3A_97, %sign3A_103 : i32
    %sign3A_105 = arith.extui %sign3A_104 : i1 to i32
    %sign3A_106 = arith.subi %sign3A_102, %sign3A_105 : i32
    %sign3A_107 = arith.constant 0 : i32
    %sign3A_108 = arith.cmpi sgt, %jit3A_98, %sign3A_107 : i32
    %sign3A_109 = arith.extui %sign3A_108 : i1 to i32
    %sign3A_110 = arith.constant 0 : i32
    %sign3A_111 = arith.cmpi slt, %jit3A_98, %sign3A_110 : i32
    %sign3A_112 = arith.extui %sign3A_111 : i1 to i32
    %sign3A_113 = arith.subi %sign3A_109, %sign3A_112 : i32
    %ne3A_114 = arith.cmpi ne, %sign3A_106, %sign3A_113 : i32
    %rem3A_115 = arith.remsi %sub3A_97, %jit3A_98 : i32
    %ne3A_116 = arith.constant 0 : i32
    %ne3A_117 = arith.cmpi ne, %rem3A_115, %ne3A_116 : i32
    %and3A_118 = arith.andi %ne3A_114, %ne3A_117 : i1
    %sub3A_119 = arith.constant 1 : i32
    %sub3A_120 = arith.subi %div3A_99, %sub3A_119 : i32
    %select_n3A_121 = arith.select %and3A_118, %sub3A_120, %div3A_99 : i32
    %add3A_122 = arith.constant 127 : i32
    %add3A_123 = arith.addi %select_n3A_121, %add3A_122 : i32
    %jit3A_124 = arith.constant 128 : i32
    %div3A_125 = arith.divsi %add3A_123, %jit3A_124 : i32
    %sign3A_126 = arith.constant 0 : i32
    %sign3A_127 = arith.cmpi sgt, %add3A_123, %sign3A_126 : i32
    %sign3A_128 = arith.extui %sign3A_127 : i1 to i32
    %sign3A_129 = arith.constant 0 : i32
    %sign3A_130 = arith.cmpi slt, %add3A_123, %sign3A_129 : i32
    %sign3A_131 = arith.extui %sign3A_130 : i1 to i32
    %sign3A_132 = arith.subi %sign3A_128, %sign3A_131 : i32
    %sign3A_133 = arith.constant 0 : i32
    %sign3A_134 = arith.cmpi sgt, %jit3A_124, %sign3A_133 : i32
    %sign3A_135 = arith.extui %sign3A_134 : i1 to i32
    %sign3A_136 = arith.constant 0 : i32
    %sign3A_137 = arith.cmpi slt, %jit3A_124, %sign3A_136 : i32
    %sign3A_138 = arith.extui %sign3A_137 : i1 to i32
    %sign3A_139 = arith.subi %sign3A_135, %sign3A_138 : i32
    %ne3A_140 = arith.cmpi ne, %sign3A_132, %sign3A_139 : i32
    %rem3A_141 = arith.remsi %add3A_123, %jit3A_124 : i32
    %ne3A_142 = arith.constant 0 : i32
    %ne3A_143 = arith.cmpi ne, %rem3A_141, %ne3A_142 : i32
    %and3A_144 = arith.andi %ne3A_140, %ne3A_143 : i1
    %sub3A_145 = arith.constant 1 : i32
    %sub3A_146 = arith.subi %div3A_125, %sub3A_145 : i32
    %select_n3A_147 = arith.select %and3A_144, %sub3A_146, %div3A_125 : i32
    %while3A_148 = arith.constant 0 : i32
    %while3A_149 = arith.constant 0 : i32
    %while3A_150 = arith.subi %select_n3A_147, %while3A_148 : i32
    %while3A_151 = arith.addi %while3A_148, %while3A_150 : i32
    %while3A_152 = arith.constant 1 : i32
    %while3A_153 = arith.divsi %while3A_150, %while3A_152 : i32
    %while3A_154 = arith.muli %while3A_153, %while3A_152 : i32
    %while3A_155 = arith.addi %while3A_148, %while3A_154 : i32
    %while3A_156 = arith.constant 1 : i32
    %while3A_157 = scf.for %while3A_408 = %while3A_148 to %while3A_155 step %while3A_156 iter_args(%while3A_409 = %while3A_149) -> (i32)  : i32 {
      %mul3A_410 = arith.constant 65552 : i32
      %mul3A_411 = arith.muli %add3A, %mul3A_410 : i32
      %mul3A_412 = arith.constant 2048 : i32
      %mul3A_413 = arith.muli %while3A_408, %mul3A_412 : i32
      %add3A_414 = arith.addi %mul3A_411, %mul3A_413 : i32
      %multiple_of3A = tpu.assume_multiple %add3A_414, 16 : i32
      "tpu.region"() ({
        %run_scoped3A = tpu.sem_alloc : memref<!tpu.dma_semaphore, #tpu.memory_space<semaphore_mem>>
        %dma_start3A = tpu.memref_slice %arg3[%multiple_of3A] : memref<2097664xi32, #tpu.memory_space<hbm>> -> memref<2064xi32, #tpu.memory_space<hbm>>
        %dma_start3A_454 = tpu.memref_slice %arg3[%multiple_of3A] : memref<2097664xi32, #tpu.memory_space<hbm>> -> memref<2064xi32, #tpu.memory_space<hbm>>
        tpu.enqueue_dma source(%dma_start3A_454 : memref<2064xi32, #tpu.memory_space<hbm>>) target(%arg12 : memref<2064xi32, #tpu.memory_space<vmem>>) target_semaphore(%run_scoped3A : memref<!tpu.dma_semaphore, #tpu.memory_space<semaphore_mem>>)
        %dma_wait3A = tpu.memref_slice %arg3[%multiple_of3A] : memref<2097664xi32, #tpu.memory_space<hbm>> -> memref<2064xi32, #tpu.memory_space<hbm>>
        %dma_wait3A_455 = tpu.memref_slice %arg3[%multiple_of3A] : memref<2097664xi32, #tpu.memory_space<hbm>> -> memref<2064xi32, #tpu.memory_space<hbm>>
        tpu.wait_dma2 semaphore(%run_scoped3A : memref<!tpu.dma_semaphore, #tpu.memory_space<semaphore_mem>>) src(%dma_wait3A_455 : memref<2064xi32, #tpu.memory_space<hbm>>) dst(%arg12 : memref<2064xi32, #tpu.memory_space<vmem>>)
        tpu.yield
      }) : () -> ()
      %mul3A_415 = arith.constant 65552 : i32
      %mul3A_416 = arith.muli %add3A, %mul3A_415 : i32
      %mul3A_417 = arith.constant 2048 : i32
      %mul3A_418 = arith.muli %while3A_408, %mul3A_417 : i32
      %add3A_419 = arith.addi %mul3A_416, %mul3A_418 : i32
      %multiple_of3A_420 = tpu.assume_multiple %add3A_419, 16 : i32
      "tpu.region"() ({
        %run_scoped3A = tpu.sem_alloc : memref<!tpu.dma_semaphore, #tpu.memory_space<semaphore_mem>>
        %dma_start3A = tpu.memref_slice %arg4[%multiple_of3A_420] : memref<2097664xf32, #tpu.memory_space<hbm>> -> memref<2064xf32, #tpu.memory_space<hbm>>
        %dma_start3A_454 = tpu.memref_slice %arg4[%multiple_of3A_420] : memref<2097664xf32, #tpu.memory_space<hbm>> -> memref<2064xf32, #tpu.memory_space<hbm>>
        tpu.enqueue_dma source(%dma_start3A_454 : memref<2064xf32, #tpu.memory_space<hbm>>) target(%arg13 : memref<2064xf32, #tpu.memory_space<vmem>>) target_semaphore(%run_scoped3A : memref<!tpu.dma_semaphore, #tpu.memory_space<semaphore_mem>>)
        %dma_wait3A = tpu.memref_slice %arg4[%multiple_of3A_420] : memref<2097664xf32, #tpu.memory_space<hbm>> -> memref<2064xf32, #tpu.memory_space<hbm>>
        %dma_wait3A_455 = tpu.memref_slice %arg4[%multiple_of3A_420] : memref<2097664xf32, #tpu.memory_space<hbm>> -> memref<2064xf32, #tpu.memory_space<hbm>>
        tpu.wait_dma2 semaphore(%run_scoped3A : memref<!tpu.dma_semaphore, #tpu.memory_space<semaphore_mem>>) src(%dma_wait3A_455 : memref<2064xf32, #tpu.memory_space<hbm>>) dst(%arg13 : memref<2064xf32, #tpu.memory_space<vmem>>)
        tpu.yield
      }) : () -> ()
      %add3A_421 = arith.constant 1 : i32
      %add3A_422 = arith.addi %while3A_408, %add3A_421 : i32
      %mul3A_423 = arith.constant 128 : i32
      %mul3A_424 = arith.muli %add3A_422, %mul3A_423 : i32
      %min3A = arith.minsi %select_n3A_121, %mul3A_424 : i32
      %mul3A_425 = arith.constant 128 : i32
      %mul3A_426 = arith.muli %while3A_408, %mul3A_425 : i32
      %while3A_427 = arith.constant 0 : i32
      %while3A_428 = arith.subi %min3A, %mul3A_426 : i32
      %while3A_429 = arith.addi %mul3A_426, %while3A_428 : i32
      %while3A_430 = arith.constant 1 : i32
      %while3A_431 = arith.divsi %while3A_428, %while3A_430 : i32
      %while3A_432 = arith.muli %while3A_431, %while3A_430 : i32
      %while3A_433 = arith.addi %mul3A_426, %while3A_432 : i32
      %while3A_434 = arith.constant 1 : i32
      %while3A_435 = scf.for %while3A_454 = %mul3A_426 to %while3A_433 step %while3A_434 iter_args(%while3A_455 = %while3A_427) -> (i32)  : i32 {
        %mul3A_456 = arith.constant 16 : i32
        %mul3A_457 = arith.muli %mul3A_456, %while3A_454 : i32
        %add3A_458 = arith.addi %sub3A_68, %mul3A_457 : i32
        %mul3A_459 = arith.constant 2048 : i32
        %mul3A_460 = arith.muli %while3A_408, %mul3A_459 : i32
        %sub3A_461 = arith.subi %add3A_458, %mul3A_460 : i32
        %get3A_462 = arith.index_cast %sub3A_461 : i32 to index
        %get3A_463 = tpu.vector_load %arg12[%get3A_462] {strides = array<i32>} : memref<2064xi32, #tpu.memory_space<vmem>>, vector<16xi32>,
        %get3A_464 = arith.index_cast %sub3A_461 : i32 to index
        %get3A_465 = tpu.vector_load %arg13[%get3A_464] {strides = array<i32>} : memref<2064xf32, #tpu.memory_space<vmem>>, vector<16xf32>,
        %mul3A_466 = arith.constant 16 : i32
        %mul3A_467 = arith.muli %mul3A_466, %while3A_454 : i32
        %add3A_468 = arith.addi %sub3A_68, %mul3A_467 : i32
        %add3A_469 = vector.broadcast %add3A_468 : i32 to vector<16xi32>
        %add3A_470 = arith.addi %add3A_469, %iota3A : vector<16xi32>
        %lt3A = vector.broadcast %squeeze3A : i32 to vector<16xi32>
        %lt3A_471 = arith.cmpi slt, %add3A_470, %lt3A : vector<16xi32>
        %mul3A_472 = arith.constant 16 : i32
        %mul3A_473 = arith.muli %mul3A_472, %while3A_454 : i32
        %add3A_474 = arith.addi %sub3A_68, %mul3A_473 : i32
        %add3A_475 = vector.broadcast %add3A_474 : i32 to vector<16xi32>
        %add3A_476 = arith.addi %add3A_475, %iota3A : vector<16xi32>
        %sub3A_477 = vector.broadcast %squeeze3A : i32 to vector<16xi32>
        %sub3A_478 = arith.subi %add3A_476, %sub3A_477 : vector<16xi32>
        %jit3A_479 = arith.constant 0 : i32
        %jit3A_480 = arith.constant 15 : i32
        %max3A = vector.broadcast %jit3A_479 : i32 to vector<16xi32>
        %max3A_481 = arith.maxsi %max3A, %sub3A_478 : vector<16xi32>
        %min3A_482 = vector.broadcast %jit3A_480 : i32 to vector<16xi32>
        %min3A_483 = arith.minsi %min3A_482, %max3A_481 : vector<16xi32>
        %lt3A_484 = arith.constant 0 : i32
        %lt3A_485 = vector.broadcast %lt3A_484 : i32 to vector<16xi32>
        %lt3A_486 = arith.cmpi slt, %min3A_483, %lt3A_485 : vector<16xi32>
        %add3A_487 = arith.constant 16 : i32
        %add3A_488 = vector.broadcast %add3A_487 : i32 to vector<16xi32>
        %add3A_489 = arith.addi %min3A_483, %add3A_488 : vector<16xi32>
        %select_n3A_490 = arith.select %lt3A_486, %add3A_489, %min3A_483 : vector<16xi1>, vector<16xi32>
        %broadcast_in_dim3A_491 = vector.shape_cast %select_n3A_490 : vector<16xi32> to vector<16x1xi32>
        %gather3A = vector.shape_cast %broadcast_in_dim3A_491 : vector<16x1xi32> to vector<16xi32>
        %gather3A_492 = tpu.dynamic_gather %while3A_47#1[%gather3A] in [0] : vector<16xi32>, vector<16xi32> -> vector<16xi32>
        %select_n3A_493 = arith.select %lt3A_471, %get3A_463, %gather3A_492 : vector<16xi1>, vector<16xi32>
        %lt3A_494 = arith.constant 0 : i32
        %lt3A_495 = vector.broadcast %lt3A_494 : i32 to vector<16xi32>
        %lt3A_496 = arith.cmpi slt, %min3A_483, %lt3A_495 : vector<16xi32>
        %add3A_497 = arith.constant 16 : i32
        %add3A_498 = vector.broadcast %add3A_497 : i32 to vector<16xi32>
        %add3A_499 = arith.addi %min3A_483, %add3A_498 : vector<16xi32>
        %select_n3A_500 = arith.select %lt3A_496, %add3A_499, %min3A_483 : vector<16xi1>, vector<16xi32>
        %broadcast_in_dim3A_501 = vector.shape_cast %select_n3A_500 : vector<16xi32> to vector<16x1xi32>
        %gather3A_502 = vector.shape_cast %broadcast_in_dim3A_501 : vector<16x1xi32> to vector<16xi32>
        %gather3A_503 = tpu.dynamic_gather %while3A_47#2[%gather3A_502] in [0] : vector<16xf32>, vector<16xi32> -> vector<16xf32>
        %select_n3A_504 = arith.select %lt3A_471, %get3A_465, %gather3A_503 : vector<16xi1>, vector<16xf32>
        %jit3A_505 = arith.constant 262144 : i32
        %div3A_506 = vector.broadcast %jit3A_505 : i32 to vector<16xi32>
        %div3A_507 = arith.divsi %select_n3A_493, %div3A_506 : vector<16xi32>
        %sign3A_508 = arith.constant 0 : i32
        %sign3A_509 = vector.broadcast %sign3A_508 : i32 to vector<16xi32>
        %sign3A_510 = arith.cmpi sgt, %select_n3A_493, %sign3A_509 : vector<16xi32>
        %sign3A_511 = arith.extui %sign3A_510 : vector<16xi1> to vector<16xi32>
        %sign3A_512 = arith.constant 0 : i32
        %sign3A_513 = vector.broadcast %sign3A_512 : i32 to vector<16xi32>
        %sign3A_514 = arith.cmpi slt, %select_n3A_493, %sign3A_513 : vector<16xi32>
        %sign3A_515 = arith.extui %sign3A_514 : vector<16xi1> to vector<16xi32>
        %sign3A_516 = arith.subi %sign3A_511, %sign3A_515 : vector<16xi32>
        %sign3A_517 = arith.constant 0 : i32
        %sign3A_518 = arith.cmpi sgt, %jit3A_505, %sign3A_517 : i32
        %sign3A_519 = arith.extui %sign3A_518 : i1 to i32
        %sign3A_520 = arith.constant 0 : i32
        %sign3A_521 = arith.cmpi slt, %jit3A_505, %sign3A_520 : i32
        %sign3A_522 = arith.extui %sign3A_521 : i1 to i32
        %sign3A_523 = arith.subi %sign3A_519, %sign3A_522 : i32
        %ne3A_524 = vector.broadcast %sign3A_523 : i32 to vector<16xi32>
        %ne3A_525 = arith.cmpi ne, %sign3A_516, %ne3A_524 : vector<16xi32>
        %rem3A_526 = vector.broadcast %jit3A_505 : i32 to vector<16xi32>
        %rem3A_527 = arith.remsi %select_n3A_493, %rem3A_526 : vector<16xi32>
        %ne3A_528 = arith.constant 0 : i32
        %ne3A_529 = vector.broadcast %ne3A_528 : i32 to vector<16xi32>
        %ne3A_530 = arith.cmpi ne, %rem3A_527, %ne3A_529 : vector<16xi32>
        %and3A_531 = arith.andi %ne3A_525, %ne3A_530 : vector<16xi1>
        %sub3A_532 = arith.constant 1 : i32
        %sub3A_533 = vector.broadcast %sub3A_532 : i32 to vector<16xi32>
        %sub3A_534 = arith.subi %div3A_507, %sub3A_533 : vector<16xi32>
        %select_n3A_535 = arith.select %and3A_531, %sub3A_534, %div3A_507 : vector<16xi1>, vector<16xi32>
        %jit3A_536 = arith.constant 262144 : i32
        %eq3A_537 = arith.constant 0 : i32
        %eq3A_538 = arith.cmpi eq, %jit3A_536, %eq3A_537 : i32
        %jit3A_539 = arith.constant 1 : i32
        %select_n3A_540 = arith.select %eq3A_538, %jit3A_539, %jit3A_536 : i32
        %rem3A_541 = vector.broadcast %select_n3A_540 : i32 to vector<16xi32>
        %rem3A_542 = arith.remsi %select_n3A_493, %rem3A_541 : vector<16xi32>
        %ne3A_543 = arith.constant 0 : i32
        %ne3A_544 = vector.broadcast %ne3A_543 : i32 to vector<16xi32>
        %ne3A_545 = arith.cmpi ne, %rem3A_542, %ne3A_544 : vector<16xi32>
        %lt3A_546 = arith.constant 0 : i32
        %lt3A_547 = vector.broadcast %lt3A_546 : i32 to vector<16xi32>
        %lt3A_548 = arith.cmpi slt, %rem3A_542, %lt3A_547 : vector<16xi32>
        %lt3A_549 = arith.constant 0 : i32
        %lt3A_550 = arith.cmpi slt, %select_n3A_540, %lt3A_549 : i32
        %ne3A_551 = vector.broadcast %lt3A_550 : i1 to vector<16xi1>
        %ne3A_552 = vector.broadcast %ne3A_551 : vector<16xi1> to vector<16xi1>
        %ne3A_553 = arith.xori %lt3A_548, %ne3A_552 : vector<16xi1>
        %and3A_554 = arith.andi %ne3A_553, %ne3A_545 : vector<16xi1>
        %add3A_555 = vector.broadcast %select_n3A_540 : i32 to vector<16xi32>
        %add3A_556 = arith.addi %rem3A_542, %add3A_555 : vector<16xi32>
        %select_n3A_557 = arith.select %and3A_554, %add3A_556, %rem3A_542 : vector<16xi1>, vector<16xi32>
        %jit3A_558 = arith.constant 512 : i32
        %div3A_559 = vector.broadcast %jit3A_558 : i32 to vector<16xi32>
        %div3A_560 = arith.divsi %select_n3A_557, %div3A_559 : vector<16xi32>
        %sign3A_561 = arith.constant 0 : i32
        %sign3A_562 = vector.broadcast %sign3A_561 : i32 to vector<16xi32>
        %sign3A_563 = arith.cmpi sgt, %select_n3A_557, %sign3A_562 : vector<16xi32>
        %sign3A_564 = arith.extui %sign3A_563 : vector<16xi1> to vector<16xi32>
        %sign3A_565 = arith.constant 0 : i32
        %sign3A_566 = vector.broadcast %sign3A_565 : i32 to vector<16xi32>
        %sign3A_567 = arith.cmpi slt, %select_n3A_557, %sign3A_566 : vector<16xi32>
        %sign3A_568 = arith.extui %sign3A_567 : vector<16xi1> to vector<16xi32>
        %sign3A_569 = arith.subi %sign3A_564, %sign3A_568 : vector<16xi32>
        %sign3A_570 = arith.constant 0 : i32
        %sign3A_571 = arith.cmpi sgt, %jit3A_558, %sign3A_570 : i32
        %sign3A_572 = arith.extui %sign3A_571 : i1 to i32
        %sign3A_573 = arith.constant 0 : i32
        %sign3A_574 = arith.cmpi slt, %jit3A_558, %sign3A_573 : i32
        %sign3A_575 = arith.extui %sign3A_574 : i1 to i32
        %sign3A_576 = arith.subi %sign3A_572, %sign3A_575 : i32
        %ne3A_577 = vector.broadcast %sign3A_576 : i32 to vector<16xi32>
        %ne3A_578 = arith.cmpi ne, %sign3A_569, %ne3A_577 : vector<16xi32>
        %rem3A_579 = vector.broadcast %jit3A_558 : i32 to vector<16xi32>
        %rem3A_580 = arith.remsi %select_n3A_557, %rem3A_579 : vector<16xi32>
        %ne3A_581 = arith.constant 0 : i32
        %ne3A_582 = vector.broadcast %ne3A_581 : i32 to vector<16xi32>
        %ne3A_583 = arith.cmpi ne, %rem3A_580, %ne3A_582 : vector<16xi32>
        %and3A_584 = arith.andi %ne3A_578, %ne3A_583 : vector<16xi1>
        %sub3A_585 = arith.constant 1 : i32
        %sub3A_586 = vector.broadcast %sub3A_585 : i32 to vector<16xi32>
        %sub3A_587 = arith.subi %div3A_560, %sub3A_586 : vector<16xi32>
        %select_n3A_588 = arith.select %and3A_584, %sub3A_587, %div3A_560 : vector<16xi1>, vector<16xi32>
        %jit3A_589 = arith.constant 512 : i32
        %eq3A_590 = arith.constant 0 : i32
        %eq3A_591 = arith.cmpi eq, %jit3A_589, %eq3A_590 : i32
        %jit3A_592 = arith.constant 1 : i32
        %select_n3A_593 = arith.select %eq3A_591, %jit3A_592, %jit3A_589 : i32
        %rem3A_594 = vector.broadcast %select_n3A_593 : i32 to vector<16xi32>
        %rem3A_595 = arith.remsi %select_n3A_557, %rem3A_594 : vector<16xi32>
        %ne3A_596 = arith.constant 0 : i32
        %ne3A_597 = vector.broadcast %ne3A_596 : i32 to vector<16xi32>
        %ne3A_598 = arith.cmpi ne, %rem3A_595, %ne3A_597 : vector<16xi32>
        %lt3A_599 = arith.constant 0 : i32
        %lt3A_600 = vector.broadcast %lt3A_599 : i32 to vector<16xi32>
        %lt3A_601 = arith.cmpi slt, %rem3A_595, %lt3A_600 : vector<16xi32>
        %lt3A_602 = arith.constant 0 : i32
        %lt3A_603 = arith.cmpi slt, %select_n3A_593, %lt3A_602 : i32
        %ne3A_604 = vector.broadcast %lt3A_603 : i1 to vector<16xi1>
        %ne3A_605 = vector.broadcast %ne3A_604 : vector<16xi1> to vector<16xi1>
        %ne3A_606 = arith.xori %lt3A_601, %ne3A_605 : vector<16xi1>
        %and3A_607 = arith.andi %ne3A_606, %ne3A_598 : vector<16xi1>
        %add3A_608 = vector.broadcast %select_n3A_593 : i32 to vector<16xi32>
        %add3A_609 = arith.addi %rem3A_595, %add3A_608 : vector<16xi32>
        %select_n3A_610 = arith.select %and3A_607, %add3A_609, %rem3A_595 : vector<16xi1>, vector<16xi32>
        %mul3A_611 = arith.constant 128 : i32
        %mul3A_612 = arith.muli %while3A_408, %mul3A_611 : i32
        %sub3A_613 = arith.subi %while3A_454, %mul3A_612 : i32
        %mul3A_614 = arith.constant 48 : i32
        %mul3A_615 = arith.muli %sub3A_613, %mul3A_614 : i32
        %mul3A_616 = arith.constant 3 : i32
        %mul3A_617 = vector.broadcast %mul3A_616 : i32 to vector<16xi32>
        %mul3A_618 = arith.muli %iota3A, %mul3A_617 : vector<16xi32>
        %add3A_619 = vector.broadcast %mul3A_615 : i32 to vector<16xi32>
        %add3A_620 = arith.addi %add3A_619, %mul3A_618 : vector<16xi32>
        tpu.vector_store_idx %arg14[%add3A_620], %select_n3A_535 : memref<6144xi32, #tpu.memory_space<vmem>>[vector<16xi32>], vector<16xi32>,
        %add3A_621 = arith.constant 1 : i32
        %add3A_622 = vector.broadcast %add3A_621 : i32 to vector<16xi32>
        %add3A_623 = arith.addi %add3A_620, %add3A_622 : vector<16xi32>
        tpu.vector_store_idx %arg14[%add3A_623], %select_n3A_588 : memref<6144xi32, #tpu.memory_space<vmem>>[vector<16xi32>], vector<16xi32>,
        %add3A_624 = arith.constant 2 : i32
        %add3A_625 = vector.broadcast %add3A_624 : i32 to vector<16xi32>
        %add3A_626 = arith.addi %add3A_620, %add3A_625 : vector<16xi32>
        tpu.vector_store_idx %arg14[%add3A_626], %select_n3A_610 : memref<6144xi32, #tpu.memory_space<vmem>>[vector<16xi32>], vector<16xi32>,
        %mul3A_627 = arith.constant 16 : i32
        %mul3A_628 = arith.muli %sub3A_613, %mul3A_627 : i32
        %swap3A = arith.index_cast %mul3A_628 : i32 to index
        %swap3A_629 = tpu.vector_load %arg15[%swap3A] {strides = array<i32>} : memref<2048xf32, #tpu.memory_space<vmem>>, vector<16xf32>,
        tpu.vector_store %arg15[%swap3A], %select_n3A_504 {strides = array<i32>} : memref<2048xf32, #tpu.memory_space<vmem>>, vector<16xf32>,
        %while3A_630 = arith.constant 0 : i32
        scf.yield %while3A_630 : i32
      }
      %while3A_436 = arith.constant 1 : i32
      %while3A_437 = scf.for %while3A_454 = %while3A_433 to %while3A_429 step %while3A_436 iter_args(%while3A_455 = %while3A_435) -> (i32)  : i32 {
        %mul3A_456 = arith.constant 16 : i32
        %mul3A_457 = arith.muli %mul3A_456, %while3A_454 : i32
        %add3A_458 = arith.addi %sub3A_68, %mul3A_457 : i32
        %mul3A_459 = arith.constant 2048 : i32
        %mul3A_460 = arith.muli %while3A_408, %mul3A_459 : i32
        %sub3A_461 = arith.subi %add3A_458, %mul3A_460 : i32
        %get3A_462 = arith.index_cast %sub3A_461 : i32 to index
        %get3A_463 = tpu.vector_load %arg12[%get3A_462] {strides = array<i32>} : memref<2064xi32, #tpu.memory_space<vmem>>, vector<16xi32>,
        %get3A_464 = arith.index_cast %sub3A_461 : i32 to index
        %get3A_465 = tpu.vector_load %arg13[%get3A_464] {strides = array<i32>} : memref<2064xf32, #tpu.memory_space<vmem>>, vector<16xf32>,
        %mul3A_466 = arith.constant 16 : i32
        %mul3A_467 = arith.muli %mul3A_466, %while3A_454 : i32
        %add3A_468 = arith.addi %sub3A_68, %mul3A_467 : i32
        %add3A_469 = vector.broadcast %add3A_468 : i32 to vector<16xi32>
        %add3A_470 = arith.addi %add3A_469, %iota3A : vector<16xi32>
        %lt3A = vector.broadcast %squeeze3A : i32 to vector<16xi32>
        %lt3A_471 = arith.cmpi slt, %add3A_470, %lt3A : vector<16xi32>
        %mul3A_472 = arith.constant 16 : i32
        %mul3A_473 = arith.muli %mul3A_472, %while3A_454 : i32
        %add3A_474 = arith.addi %sub3A_68, %mul3A_473 : i32
        %add3A_475 = vector.broadcast %add3A_474 : i32 to vector<16xi32>
        %add3A_476 = arith.addi %add3A_475, %iota3A : vector<16xi32>
        %sub3A_477 = vector.broadcast %squeeze3A : i32 to vector<16xi32>
        %sub3A_478 = arith.subi %add3A_476, %sub3A_477 : vector<16xi32>
        %jit3A_479 = arith.constant 0 : i32
        %jit3A_480 = arith.constant 15 : i32
        %max3A = vector.broadcast %jit3A_479 : i32 to vector<16xi32>
        %max3A_481 = arith.maxsi %max3A, %sub3A_478 : vector<16xi32>
        %min3A_482 = vector.broadcast %jit3A_480 : i32 to vector<16xi32>
        %min3A_483 = arith.minsi %min3A_482, %max3A_481 : vector<16xi32>
        %lt3A_484 = arith.constant 0 : i32
        %lt3A_485 = vector.broadcast %lt3A_484 : i32 to vector<16xi32>
        %lt3A_486 = arith.cmpi slt, %min3A_483, %lt3A_485 : vector<16xi32>
        %add3A_487 = arith.constant 16 : i32
        %add3A_488 = vector.broadcast %add3A_487 : i32 to vector<16xi32>
        %add3A_489 = arith.addi %min3A_483, %add3A_488 : vector<16xi32>
        %select_n3A_490 = arith.select %lt3A_486, %add3A_489, %min3A_483 : vector<16xi1>, vector<16xi32>
        %broadcast_in_dim3A_491 = vector.shape_cast %select_n3A_490 : vector<16xi32> to vector<16x1xi32>
        %gather3A = vector.shape_cast %broadcast_in_dim3A_491 : vector<16x1xi32> to vector<16xi32>
        %gather3A_492 = tpu.dynamic_gather %while3A_47#1[%gather3A] in [0] : vector<16xi32>, vector<16xi32> -> vector<16xi32>
        %select_n3A_493 = arith.select %lt3A_471, %get3A_463, %gather3A_492 : vector<16xi1>, vector<16xi32>
        %lt3A_494 = arith.constant 0 : i32
        %lt3A_495 = vector.broadcast %lt3A_494 : i32 to vector<16xi32>
        %lt3A_496 = arith.cmpi slt, %min3A_483, %lt3A_495 : vector<16xi32>
        %add3A_497 = arith.constant 16 : i32
        %add3A_498 = vector.broadcast %add3A_497 : i32 to vector<16xi32>
        %add3A_499 = arith.addi %min3A_483, %add3A_498 : vector<16xi32>
        %select_n3A_500 = arith.select %lt3A_496, %add3A_499, %min3A_483 : vector<16xi1>, vector<16xi32>
        %broadcast_in_dim3A_501 = vector.shape_cast %select_n3A_500 : vector<16xi32> to vector<16x1xi32>
        %gather3A_502 = vector.shape_cast %broadcast_in_dim3A_501 : vector<16x1xi32> to vector<16xi32>
        %gather3A_503 = tpu.dynamic_gather %while3A_47#2[%gather3A_502] in [0] : vector<16xf32>, vector<16xi32> -> vector<16xf32>
        %select_n3A_504 = arith.select %lt3A_471, %get3A_465, %gather3A_503 : vector<16xi1>, vector<16xf32>
        %jit3A_505 = arith.constant 262144 : i32
        %div3A_506 = vector.broadcast %jit3A_505 : i32 to vector<16xi32>
        %div3A_507 = arith.divsi %select_n3A_493, %div3A_506 : vector<16xi32>
        %sign3A_508 = arith.constant 0 : i32
        %sign3A_509 = vector.broadcast %sign3A_508 : i32 to vector<16xi32>
        %sign3A_510 = arith.cmpi sgt, %select_n3A_493, %sign3A_509 : vector<16xi32>
        %sign3A_511 = arith.extui %sign3A_510 : vector<16xi1> to vector<16xi32>
        %sign3A_512 = arith.constant 0 : i32
        %sign3A_513 = vector.broadcast %sign3A_512 : i32 to vector<16xi32>
        %sign3A_514 = arith.cmpi slt, %select_n3A_493, %sign3A_513 : vector<16xi32>
        %sign3A_515 = arith.extui %sign3A_514 : vector<16xi1> to vector<16xi32>
        %sign3A_516 = arith.subi %sign3A_511, %sign3A_515 : vector<16xi32>
        %sign3A_517 = arith.constant 0 : i32
        %sign3A_518 = arith.cmpi sgt, %jit3A_505, %sign3A_517 : i32
        %sign3A_519 = arith.extui %sign3A_518 : i1 to i32
        %sign3A_520 = arith.constant 0 : i32
        %sign3A_521 = arith.cmpi slt, %jit3A_505, %sign3A_520 : i32
        %sign3A_522 = arith.extui %sign3A_521 : i1 to i32
        %sign3A_523 = arith.subi %sign3A_519, %sign3A_522 : i32
        %ne3A_524 = vector.broadcast %sign3A_523 : i32 to vector<16xi32>
        %ne3A_525 = arith.cmpi ne, %sign3A_516, %ne3A_524 : vector<16xi32>
        %rem3A_526 = vector.broadcast %jit3A_505 : i32 to vector<16xi32>
        %rem3A_527 = arith.remsi %select_n3A_493, %rem3A_526 : vector<16xi32>
        %ne3A_528 = arith.constant 0 : i32
        %ne3A_529 = vector.broadcast %ne3A_528 : i32 to vector<16xi32>
        %ne3A_530 = arith.cmpi ne, %rem3A_527, %ne3A_529 : vector<16xi32>
        %and3A_531 = arith.andi %ne3A_525, %ne3A_530 : vector<16xi1>
        %sub3A_532 = arith.constant 1 : i32
        %sub3A_533 = vector.broadcast %sub3A_532 : i32 to vector<16xi32>
        %sub3A_534 = arith.subi %div3A_507, %sub3A_533 : vector<16xi32>
        %select_n3A_535 = arith.select %and3A_531, %sub3A_534, %div3A_507 : vector<16xi1>, vector<16xi32>
        %jit3A_536 = arith.constant 262144 : i32
        %eq3A_537 = arith.constant 0 : i32
        %eq3A_538 = arith.cmpi eq, %jit3A_536, %eq3A_537 : i32
        %jit3A_539 = arith.constant 1 : i32
        %select_n3A_540 = arith.select %eq3A_538, %jit3A_539, %jit3A_536 : i32
        %rem3A_541 = vector.broadcast %select_n3A_540 : i32 to vector<16xi32>
        %rem3A_542 = arith.remsi %select_n3A_493, %rem3A_541 : vector<16xi32>
        %ne3A_543 = arith.constant 0 : i32
        %ne3A_544 = vector.broadcast %ne3A_543 : i32 to vector<16xi32>
        %ne3A_545 = arith.cmpi ne, %rem3A_542, %ne3A_544 : vector<16xi32>
        %lt3A_546 = arith.constant 0 : i32
        %lt3A_547 = vector.broadcast %lt3A_546 : i32 to vector<16xi32>
        %lt3A_548 = arith.cmpi slt, %rem3A_542, %lt3A_547 : vector<16xi32>
        %lt3A_549 = arith.constant 0 : i32
        %lt3A_550 = arith.cmpi slt, %select_n3A_540, %lt3A_549 : i32
        %ne3A_551 = vector.broadcast %lt3A_550 : i1 to vector<16xi1>
        %ne3A_552 = vector.broadcast %ne3A_551 : vector<16xi1> to vector<16xi1>
        %ne3A_553 = arith.xori %lt3A_548, %ne3A_552 : vector<16xi1>
        %and3A_554 = arith.andi %ne3A_553, %ne3A_545 : vector<16xi1>
        %add3A_555 = vector.broadcast %select_n3A_540 : i32 to vector<16xi32>
        %add3A_556 = arith.addi %rem3A_542, %add3A_555 : vector<16xi32>
        %select_n3A_557 = arith.select %and3A_554, %add3A_556, %rem3A_542 : vector<16xi1>, vector<16xi32>
        %jit3A_558 = arith.constant 512 : i32
        %div3A_559 = vector.broadcast %jit3A_558 : i32 to vector<16xi32>
        %div3A_560 = arith.divsi %select_n3A_557, %div3A_559 : vector<16xi32>
        %sign3A_561 = arith.constant 0 : i32
        %sign3A_562 = vector.broadcast %sign3A_561 : i32 to vector<16xi32>
        %sign3A_563 = arith.cmpi sgt, %select_n3A_557, %sign3A_562 : vector<16xi32>
        %sign3A_564 = arith.extui %sign3A_563 : vector<16xi1> to vector<16xi32>
        %sign3A_565 = arith.constant 0 : i32
        %sign3A_566 = vector.broadcast %sign3A_565 : i32 to vector<16xi32>
        %sign3A_567 = arith.cmpi slt, %select_n3A_557, %sign3A_566 : vector<16xi32>
        %sign3A_568 = arith.extui %sign3A_567 : vector<16xi1> to vector<16xi32>
        %sign3A_569 = arith.subi %sign3A_564, %sign3A_568 : vector<16xi32>
        %sign3A_570 = arith.constant 0 : i32
        %sign3A_571 = arith.cmpi sgt, %jit3A_558, %sign3A_570 : i32
        %sign3A_572 = arith.extui %sign3A_571 : i1 to i32
        %sign3A_573 = arith.constant 0 : i32
        %sign3A_574 = arith.cmpi slt, %jit3A_558, %sign3A_573 : i32
        %sign3A_575 = arith.extui %sign3A_574 : i1 to i32
        %sign3A_576 = arith.subi %sign3A_572, %sign3A_575 : i32
        %ne3A_577 = vector.broadcast %sign3A_576 : i32 to vector<16xi32>
        %ne3A_578 = arith.cmpi ne, %sign3A_569, %ne3A_577 : vector<16xi32>
        %rem3A_579 = vector.broadcast %jit3A_558 : i32 to vector<16xi32>
        %rem3A_580 = arith.remsi %select_n3A_557, %rem3A_579 : vector<16xi32>
        %ne3A_581 = arith.constant 0 : i32
        %ne3A_582 = vector.broadcast %ne3A_581 : i32 to vector<16xi32>
        %ne3A_583 = arith.cmpi ne, %rem3A_580, %ne3A_582 : vector<16xi32>
        %and3A_584 = arith.andi %ne3A_578, %ne3A_583 : vector<16xi1>
        %sub3A_585 = arith.constant 1 : i32
        %sub3A_586 = vector.broadcast %sub3A_585 : i32 to vector<16xi32>
        %sub3A_587 = arith.subi %div3A_560, %sub3A_586 : vector<16xi32>
        %select_n3A_588 = arith.select %and3A_584, %sub3A_587, %div3A_560 : vector<16xi1>, vector<16xi32>
        %jit3A_589 = arith.constant 512 : i32
        %eq3A_590 = arith.constant 0 : i32
        %eq3A_591 = arith.cmpi eq, %jit3A_589, %eq3A_590 : i32
        %jit3A_592 = arith.constant 1 : i32
        %select_n3A_593 = arith.select %eq3A_591, %jit3A_592, %jit3A_589 : i32
        %rem3A_594 = vector.broadcast %select_n3A_593 : i32 to vector<16xi32>
        %rem3A_595 = arith.remsi %select_n3A_557, %rem3A_594 : vector<16xi32>
        %ne3A_596 = arith.constant 0 : i32
        %ne3A_597 = vector.broadcast %ne3A_596 : i32 to vector<16xi32>
        %ne3A_598 = arith.cmpi ne, %rem3A_595, %ne3A_597 : vector<16xi32>
        %lt3A_599 = arith.constant 0 : i32
        %lt3A_600 = vector.broadcast %lt3A_599 : i32 to vector<16xi32>
        %lt3A_601 = arith.cmpi slt, %rem3A_595, %lt3A_600 : vector<16xi32>
        %lt3A_602 = arith.constant 0 : i32
        %lt3A_603 = arith.cmpi slt, %select_n3A_593, %lt3A_602 : i32
        %ne3A_604 = vector.broadcast %lt3A_603 : i1 to vector<16xi1>
        %ne3A_605 = vector.broadcast %ne3A_604 : vector<16xi1> to vector<16xi1>
        %ne3A_606 = arith.xori %lt3A_601, %ne3A_605 : vector<16xi1>
        %and3A_607 = arith.andi %ne3A_606, %ne3A_598 : vector<16xi1>
        %add3A_608 = vector.broadcast %select_n3A_593 : i32 to vector<16xi32>
        %add3A_609 = arith.addi %rem3A_595, %add3A_608 : vector<16xi32>
        %select_n3A_610 = arith.select %and3A_607, %add3A_609, %rem3A_595 : vector<16xi1>, vector<16xi32>
        %mul3A_611 = arith.constant 128 : i32
        %mul3A_612 = arith.muli %while3A_408, %mul3A_611 : i32
        %sub3A_613 = arith.subi %while3A_454, %mul3A_612 : i32
        %mul3A_614 = arith.constant 48 : i32
        %mul3A_615 = arith.muli %sub3A_613, %mul3A_614 : i32
        %mul3A_616 = arith.constant 3 : i32
        %mul3A_617 = vector.broadcast %mul3A_616 : i32 to vector<16xi32>
        %mul3A_618 = arith.muli %iota3A, %mul3A_617 : vector<16xi32>
        %add3A_619 = vector.broadcast %mul3A_615 : i32 to vector<16xi32>
        %add3A_620 = arith.addi %add3A_619, %mul3A_618 : vector<16xi32>
        tpu.vector_store_idx %arg14[%add3A_620], %select_n3A_535 : memref<6144xi32, #tpu.memory_space<vmem>>[vector<16xi32>], vector<16xi32>,
        %add3A_621 = arith.constant 1 : i32
        %add3A_622 = vector.broadcast %add3A_621 : i32 to vector<16xi32>
        %add3A_623 = arith.addi %add3A_620, %add3A_622 : vector<16xi32>
        tpu.vector_store_idx %arg14[%add3A_623], %select_n3A_588 : memref<6144xi32, #tpu.memory_space<vmem>>[vector<16xi32>], vector<16xi32>,
        %add3A_624 = arith.constant 2 : i32
        %add3A_625 = vector.broadcast %add3A_624 : i32 to vector<16xi32>
        %add3A_626 = arith.addi %add3A_620, %add3A_625 : vector<16xi32>
        tpu.vector_store_idx %arg14[%add3A_626], %select_n3A_610 : memref<6144xi32, #tpu.memory_space<vmem>>[vector<16xi32>], vector<16xi32>,
        %mul3A_627 = arith.constant 16 : i32
        %mul3A_628 = arith.muli %sub3A_613, %mul3A_627 : i32
        %swap3A = arith.index_cast %mul3A_628 : i32 to index
        %swap3A_629 = tpu.vector_load %arg15[%swap3A] {strides = array<i32>} : memref<2048xf32, #tpu.memory_space<vmem>>, vector<16xf32>,
        tpu.vector_store %arg15[%swap3A], %select_n3A_504 {strides = array<i32>} : memref<2048xf32, #tpu.memory_space<vmem>>, vector<16xf32>,
        %while3A_630 = arith.constant 0 : i32
        scf.yield %while3A_630 : i32
      }
      %mul3A_438 = arith.constant 128 : i32
      %mul3A_439 = arith.muli %while3A_408, %mul3A_438 : i32
      %sub3A_440 = arith.subi %min3A, %mul3A_439 : i32
      %mul3A_441 = arith.constant 2048 : i32
      %mul3A_442 = arith.muli %while3A_408, %mul3A_441 : i32
      %add3A_443 = arith.addi %mul3A_67, %mul3A_442 : i32
      %eq3A_444 = arith.constant 128 : i32
      %eq3A_445 = arith.cmpi eq, %sub3A_440, %eq3A_444 : i32
      %convert_element_type3A_446 = arith.extui %eq3A_445 : i1 to i32
      %cond3A_447 = arith.constant 0 : i32
      %cond3A_448 = arith.cmpi ne, %convert_element_type3A_446, %cond3A_447 : i32
      scf.if %cond3A_448 {
        %mul3A_454 = arith.constant 3 : i32
        %mul3A_455 = arith.muli %add3A_443, %mul3A_454 : i32
        %multiple_of3A_456 = tpu.assume_multiple %mul3A_455, 48 : i32
        "tpu.region"() ({
          %run_scoped3A = tpu.sem_alloc : memref<!tpu.dma_semaphore, #tpu.memory_space<semaphore_mem>>
          %dma_start3A = tpu.memref_slice %arg6[%multiple_of3A_456] : memref<6291456xi32, #tpu.memory_space<hbm>> -> memref<6144xi32, #tpu.memory_space<hbm>>
          %dma_start3A_458 = tpu.memref_slice %arg6[%multiple_of3A_456] : memref<6291456xi32, #tpu.memory_space<hbm>> -> memref<6144xi32, #tpu.memory_space<hbm>>
          tpu.enqueue_dma source(%arg14 : memref<6144xi32, #tpu.memory_space<vmem>>) target(%dma_start3A_458 : memref<6144xi32, #tpu.memory_space<hbm>>) target_semaphore(%run_scoped3A : memref<!tpu.dma_semaphore, #tpu.memory_space<semaphore_mem>>)
          %dma_wait3A = tpu.memref_slice %arg6[%multiple_of3A_456] : memref<6291456xi32, #tpu.memory_space<hbm>> -> memref<6144xi32, #tpu.memory_space<hbm>>
          %dma_wait3A_459 = tpu.memref_slice %arg6[%multiple_of3A_456] : memref<6291456xi32, #tpu.memory_space<hbm>> -> memref<6144xi32, #tpu.memory_space<hbm>>
          tpu.wait_dma2 semaphore(%run_scoped3A : memref<!tpu.dma_semaphore, #tpu.memory_space<semaphore_mem>>) src(%arg14 : memref<6144xi32, #tpu.memory_space<vmem>>) dst(%dma_wait3A_459 : memref<6144xi32, #tpu.memory_space<hbm>>)
          tpu.yield
        }) : () -> ()
        %multiple_of3A_457 = tpu.assume_multiple %add3A_443, 16 : i32
        "tpu.region"() ({
          %run_scoped3A = tpu.sem_alloc : memref<!tpu.dma_semaphore, #tpu.memory_space<semaphore_mem>>
          %dma_start3A = tpu.memref_slice %arg7[%multiple_of3A_457] : memref<2097152xf32, #tpu.memory_space<hbm>> -> memref<2048xf32, #tpu.memory_space<hbm>>
          %dma_start3A_458 = tpu.memref_slice %arg7[%multiple_of3A_457] : memref<2097152xf32, #tpu.memory_space<hbm>> -> memref<2048xf32, #tpu.memory_space<hbm>>
          tpu.enqueue_dma source(%arg15 : memref<2048xf32, #tpu.memory_space<vmem>>) target(%dma_start3A_458 : memref<2048xf32, #tpu.memory_space<hbm>>) target_semaphore(%run_scoped3A : memref<!tpu.dma_semaphore, #tpu.memory_space<semaphore_mem>>)
          %dma_wait3A = tpu.memref_slice %arg7[%multiple_of3A_457] : memref<2097152xf32, #tpu.memory_space<hbm>> -> memref<2048xf32, #tpu.memory_space<hbm>>
          %dma_wait3A_459 = tpu.memref_slice %arg7[%multiple_of3A_457] : memref<2097152xf32, #tpu.memory_space<hbm>> -> memref<2048xf32, #tpu.memory_space<hbm>>
          tpu.wait_dma2 semaphore(%run_scoped3A : memref<!tpu.dma_semaphore, #tpu.memory_space<semaphore_mem>>) src(%arg15 : memref<2048xf32, #tpu.memory_space<vmem>>) dst(%dma_wait3A_459 : memref<2048xf32, #tpu.memory_space<hbm>>)
          tpu.yield
        }) : () -> ()
      } else {
      }
      %not3A = arith.constant true
      %not3A_449 = arith.xori %eq3A_445, %not3A : i1
      %convert_element_type3A_450 = arith.extui %not3A_449 : i1 to i32
      %cond3A_451 = arith.constant 0 : i32
      %cond3A_452 = arith.cmpi ne, %convert_element_type3A_450, %cond3A_451 : i32
      scf.if %cond3A_452 {
        %ge3A_454 = arith.constant 64 : i32
        %ge3A_455 = arith.cmpi sge, %sub3A_440, %ge3A_454 : i32
        %convert_element_type3A_456 = arith.extui %ge3A_455 : i1 to i32
        %cond3A_457 = arith.constant 0 : i32
        %cond3A_458 = arith.constant 0 : i32
        %cond3A_459 = arith.cmpi ne, %convert_element_type3A_456, %cond3A_458 : i32
        scf.if %cond3A_459 {
          %mul3A_526 = arith.constant 48 : i32
          %mul3A_527 = arith.muli %cond3A_457, %mul3A_526 : i32
          %mul3A_528 = arith.constant 16 : i32
          %mul3A_529 = arith.muli %cond3A_457, %mul3A_528 : i32
          %add3A_530 = arith.addi %add3A_443, %mul3A_529 : i32
          %mul3A_531 = arith.constant 3 : i32
          %mul3A_532 = arith.muli %add3A_530, %mul3A_531 : i32
          %multiple_of3A_533 = tpu.assume_multiple %mul3A_532, 48 : i32
          "tpu.region"() ({
            %run_scoped3A = tpu.sem_alloc : memref<!tpu.dma_semaphore, #tpu.memory_space<semaphore_mem>>
            %dma_start3A = tpu.memref_slice %arg14[%mul3A_527] : memref<6144xi32, #tpu.memory_space<vmem>> -> memref<3072xi32, #tpu.memory_space<vmem>>
            %dma_start3A_540 = tpu.memref_slice %arg6[%multiple_of3A_533] : memref<6291456xi32, #tpu.memory_space<hbm>> -> memref<3072xi32, #tpu.memory_space<hbm>>
            %dma_start3A_541 = tpu.memref_slice %arg6[%multiple_of3A_533] : memref<6291456xi32, #tpu.memory_space<hbm>> -> memref<3072xi32, #tpu.memory_space<hbm>>
            %dma_start3A_542 = tpu.memref_slice %arg14[%mul3A_527] : memref<6144xi32, #tpu.memory_space<vmem>> -> memref<3072xi32, #tpu.memory_space<vmem>>
            tpu.enqueue_dma source(%dma_start3A_542 : memref<3072xi32, #tpu.memory_space<vmem>>) target(%dma_start3A_541 : memref<3072xi32, #tpu.memory_space<hbm>>) target_semaphore(%run_scoped3A : memref<!tpu.dma_semaphore, #tpu.memory_space<semaphore_mem>>)
            %dma_wait3A = tpu.memref_slice %arg14[%mul3A_527] : memref<6144xi32, #tpu.memory_space<vmem>> -> memref<3072xi32, #tpu.memory_space<vmem>>
            %dma_wait3A_543 = tpu.memref_slice %arg6[%multiple_of3A_533] : memref<6291456xi32, #tpu.memory_space<hbm>> -> memref<3072xi32, #tpu.memory_space<hbm>>
            %dma_wait3A_544 = tpu.memref_slice %arg6[%multiple_of3A_533] : memref<6291456xi32, #tpu.memory_space<hbm>> -> memref<3072xi32, #tpu.memory_space<hbm>>
            %dma_wait3A_545 = tpu.memref_slice %arg14[%mul3A_527] : memref<6144xi32, #tpu.memory_space<vmem>> -> memref<3072xi32, #tpu.memory_space<vmem>>
            tpu.wait_dma2 semaphore(%run_scoped3A : memref<!tpu.dma_semaphore, #tpu.memory_space<semaphore_mem>>) src(%dma_wait3A_545 : memref<3072xi32, #tpu.memory_space<vmem>>) dst(%dma_wait3A_544 : memref<3072xi32, #tpu.memory_space<hbm>>)
            tpu.yield
          }) : () -> ()
          %mul3A_534 = arith.constant 16 : i32
          %mul3A_535 = arith.muli %cond3A_457, %mul3A_534 : i32
          %mul3A_536 = arith.constant 16 : i32
          %mul3A_537 = arith.muli %cond3A_457, %mul3A_536 : i32
          %add3A_538 = arith.addi %add3A_443, %mul3A_537 : i32
          %multiple_of3A_539 = tpu.assume_multiple %add3A_538, 16 : i32
          "tpu.region"() ({
            %run_scoped3A = tpu.sem_alloc : memref<!tpu.dma_semaphore, #tpu.memory_space<semaphore_mem>>
            %dma_start3A = tpu.memref_slice %arg15[%mul3A_535] : memref<2048xf32, #tpu.memory_space<vmem>> -> memref<1024xf32, #tpu.memory_space<vmem>>
            %dma_start3A_540 = tpu.memref_slice %arg7[%multiple_of3A_539] : memref<2097152xf32, #tpu.memory_space<hbm>> -> memref<1024xf32, #tpu.memory_space<hbm>>
            %dma_start3A_541 = tpu.memref_slice %arg7[%multiple_of3A_539] : memref<2097152xf32, #tpu.memory_space<hbm>> -> memref<1024xf32, #tpu.memory_space<hbm>>
            %dma_start3A_542 = tpu.memref_slice %arg15[%mul3A_535] : memref<2048xf32, #tpu.memory_space<vmem>> -> memref<1024xf32, #tpu.memory_space<vmem>>
            tpu.enqueue_dma source(%dma_start3A_542 : memref<1024xf32, #tpu.memory_space<vmem>>) target(%dma_start3A_541 : memref<1024xf32, #tpu.memory_space<hbm>>) target_semaphore(%run_scoped3A : memref<!tpu.dma_semaphore, #tpu.memory_space<semaphore_mem>>)
            %dma_wait3A = tpu.memref_slice %arg15[%mul3A_535] : memref<2048xf32, #tpu.memory_space<vmem>> -> memref<1024xf32, #tpu.memory_space<vmem>>
            %dma_wait3A_543 = tpu.memref_slice %arg7[%multiple_of3A_539] : memref<2097152xf32, #tpu.memory_space<hbm>> -> memref<1024xf32, #tpu.memory_space<hbm>>
            %dma_wait3A_544 = tpu.memref_slice %arg7[%multiple_of3A_539] : memref<2097152xf32, #tpu.memory_space<hbm>> -> memref<1024xf32, #tpu.memory_space<hbm>>
            %dma_wait3A_545 = tpu.memref_slice %arg15[%mul3A_535] : memref<2048xf32, #tpu.memory_space<vmem>> -> memref<1024xf32, #tpu.memory_space<vmem>>
            tpu.wait_dma2 semaphore(%run_scoped3A : memref<!tpu.dma_semaphore, #tpu.memory_space<semaphore_mem>>) src(%dma_wait3A_545 : memref<1024xf32, #tpu.memory_space<vmem>>) dst(%dma_wait3A_544 : memref<1024xf32, #tpu.memory_space<hbm>>)
            tpu.yield
          }) : () -> ()
        } else {
        }
        %jit3A_460 = arith.constant 64 : i32
        %jit3A_461 = arith.constant 0 : i32
        %select_n3A_462 = arith.select %ge3A_455, %jit3A_460, %jit3A_461 : i32
        %add3A_463 = arith.constant 0 : i32
        %add3A_464 = arith.addi %add3A_463, %select_n3A_462 : i32
        %sub3A_465 = arith.subi %sub3A_440, %select_n3A_462 : i32
        %ge3A_466 = arith.constant 32 : i32
        %ge3A_467 = arith.cmpi sge, %sub3A_465, %ge3A_466 : i32
        %convert_element_type3A_468 = arith.extui %ge3A_467 : i1 to i32
        %cond3A_469 = arith.constant 0 : i32
        %cond3A_470 = arith.cmpi ne, %convert_element_type3A_468, %cond3A_469 : i32
        scf.if %cond3A_470 {
          %mul3A_526 = arith.constant 48 : i32
          %mul3A_527 = arith.muli %add3A_464, %mul3A_526 : i32
          %mul3A_528 = arith.constant 16 : i32
          %mul3A_529 = arith.muli %add3A_464, %mul3A_528 : i32
          %add3A_530 = arith.addi %add3A_443, %mul3A_529 : i32
          %mul3A_531 = arith.constant 3 : i32
          %mul3A_532 = arith.muli %add3A_530, %mul3A_531 : i32
          %multiple_of3A_533 = tpu.assume_multiple %mul3A_532, 48 : i32
          "tpu.region"() ({
            %run_scoped3A = tpu.sem_alloc : memref<!tpu.dma_semaphore, #tpu.memory_space<semaphore_mem>>
            %dma_start3A = tpu.memref_slice %arg14[%mul3A_527] : memref<6144xi32, #tpu.memory_space<vmem>> -> memref<1536xi32, #tpu.memory_space<vmem>>
            %dma_start3A_540 = tpu.memref_slice %arg6[%multiple_of3A_533] : memref<6291456xi32, #tpu.memory_space<hbm>> -> memref<1536xi32, #tpu.memory_space<hbm>>
            %dma_start3A_541 = tpu.memref_slice %arg6[%multiple_of3A_533] : memref<6291456xi32, #tpu.memory_space<hbm>> -> memref<1536xi32, #tpu.memory_space<hbm>>
            %dma_start3A_542 = tpu.memref_slice %arg14[%mul3A_527] : memref<6144xi32, #tpu.memory_space<vmem>> -> memref<1536xi32, #tpu.memory_space<vmem>>
            tpu.enqueue_dma source(%dma_start3A_542 : memref<1536xi32, #tpu.memory_space<vmem>>) target(%dma_start3A_541 : memref<1536xi32, #tpu.memory_space<hbm>>) target_semaphore(%run_scoped3A : memref<!tpu.dma_semaphore, #tpu.memory_space<semaphore_mem>>)
            %dma_wait3A = tpu.memref_slice %arg14[%mul3A_527] : memref<6144xi32, #tpu.memory_space<vmem>> -> memref<1536xi32, #tpu.memory_space<vmem>>
            %dma_wait3A_543 = tpu.memref_slice %arg6[%multiple_of3A_533] : memref<6291456xi32, #tpu.memory_space<hbm>> -> memref<1536xi32, #tpu.memory_space<hbm>>
            %dma_wait3A_544 = tpu.memref_slice %arg6[%multiple_of3A_533] : memref<6291456xi32, #tpu.memory_space<hbm>> -> memref<1536xi32, #tpu.memory_space<hbm>>
            %dma_wait3A_545 = tpu.memref_slice %arg14[%mul3A_527] : memref<6144xi32, #tpu.memory_space<vmem>> -> memref<1536xi32, #tpu.memory_space<vmem>>
            tpu.wait_dma2 semaphore(%run_scoped3A : memref<!tpu.dma_semaphore, #tpu.memory_space<semaphore_mem>>) src(%dma_wait3A_545 : memref<1536xi32, #tpu.memory_space<vmem>>) dst(%dma_wait3A_544 : memref<1536xi32, #tpu.memory_space<hbm>>)
            tpu.yield
          }) : () -> ()
          %mul3A_534 = arith.constant 16 : i32
          %mul3A_535 = arith.muli %add3A_464, %mul3A_534 : i32
          %mul3A_536 = arith.constant 16 : i32
          %mul3A_537 = arith.muli %add3A_464, %mul3A_536 : i32
          %add3A_538 = arith.addi %add3A_443, %mul3A_537 : i32
          %multiple_of3A_539 = tpu.assume_multiple %add3A_538, 16 : i32
          "tpu.region"() ({
            %run_scoped3A = tpu.sem_alloc : memref<!tpu.dma_semaphore, #tpu.memory_space<semaphore_mem>>
            %dma_start3A = tpu.memref_slice %arg15[%mul3A_535] : memref<2048xf32, #tpu.memory_space<vmem>> -> memref<512xf32, #tpu.memory_space<vmem>>
            %dma_start3A_540 = tpu.memref_slice %arg7[%multiple_of3A_539] : memref<2097152xf32, #tpu.memory_space<hbm>> -> memref<512xf32, #tpu.memory_space<hbm>>
            %dma_start3A_541 = tpu.memref_slice %arg7[%multiple_of3A_539] : memref<2097152xf32, #tpu.memory_space<hbm>> -> memref<512xf32, #tpu.memory_space<hbm>>
            %dma_start3A_542 = tpu.memref_slice %arg15[%mul3A_535] : memref<2048xf32, #tpu.memory_space<vmem>> -> memref<512xf32, #tpu.memory_space<vmem>>
            tpu.enqueue_dma source(%dma_start3A_542 : memref<512xf32, #tpu.memory_space<vmem>>) target(%dma_start3A_541 : memref<512xf32, #tpu.memory_space<hbm>>) target_semaphore(%run_scoped3A : memref<!tpu.dma_semaphore, #tpu.memory_space<semaphore_mem>>)
            %dma_wait3A = tpu.memref_slice %arg15[%mul3A_535] : memref<2048xf32, #tpu.memory_space<vmem>> -> memref<512xf32, #tpu.memory_space<vmem>>
            %dma_wait3A_543 = tpu.memref_slice %arg7[%multiple_of3A_539] : memref<2097152xf32, #tpu.memory_space<hbm>> -> memref<512xf32, #tpu.memory_space<hbm>>
            %dma_wait3A_544 = tpu.memref_slice %arg7[%multiple_of3A_539] : memref<2097152xf32, #tpu.memory_space<hbm>> -> memref<512xf32, #tpu.memory_space<hbm>>
            %dma_wait3A_545 = tpu.memref_slice %arg15[%mul3A_535] : memref<2048xf32, #tpu.memory_space<vmem>> -> memref<512xf32, #tpu.memory_space<vmem>>
            tpu.wait_dma2 semaphore(%run_scoped3A : memref<!tpu.dma_semaphore, #tpu.memory_space<semaphore_mem>>) src(%dma_wait3A_545 : memref<512xf32, #tpu.memory_space<vmem>>) dst(%dma_wait3A_544 : memref<512xf32, #tpu.memory_space<hbm>>)
            tpu.yield
          }) : () -> ()
        } else {
        }
        %jit3A_471 = arith.constant 32 : i32
        %jit3A_472 = arith.constant 0 : i32
        %select_n3A_473 = arith.select %ge3A_467, %jit3A_471, %jit3A_472 : i32
        %add3A_474 = arith.addi %add3A_464, %select_n3A_473 : i32
        %sub3A_475 = arith.subi %sub3A_465, %select_n3A_473 : i32
        %ge3A_476 = arith.constant 16 : i32
        %ge3A_477 = arith.cmpi sge, %sub3A_475, %ge3A_476 : i32
        %convert_element_type3A_478 = arith.extui %ge3A_477 : i1 to i32
        %cond3A_479 = arith.constant 0 : i32
        %cond3A_480 = arith.cmpi ne, %convert_element_type3A_478, %cond3A_479 : i32
        scf.if %cond3A_480 {
          %mul3A_526 = arith.constant 48 : i32
          %mul3A_527 = arith.muli %add3A_474, %mul3A_526 : i32
          %mul3A_528 = arith.constant 16 : i32
          %mul3A_529 = arith.muli %add3A_474, %mul3A_528 : i32
          %add3A_530 = arith.addi %add3A_443, %mul3A_529 : i32
          %mul3A_531 = arith.constant 3 : i32
          %mul3A_532 = arith.muli %add3A_530, %mul3A_531 : i32
          %multiple_of3A_533 = tpu.assume_multiple %mul3A_532, 48 : i32
          "tpu.region"() ({
            %run_scoped3A = tpu.sem_alloc : memref<!tpu.dma_semaphore, #tpu.memory_space<semaphore_mem>>
            %dma_start3A = tpu.memref_slice %arg14[%mul3A_527] : memref<6144xi32, #tpu.memory_space<vmem>> -> memref<768xi32, #tpu.memory_space<vmem>>
            %dma_start3A_540 = tpu.memref_slice %arg6[%multiple_of3A_533] : memref<6291456xi32, #tpu.memory_space<hbm>> -> memref<768xi32, #tpu.memory_space<hbm>>
            %dma_start3A_541 = tpu.memref_slice %arg6[%multiple_of3A_533] : memref<6291456xi32, #tpu.memory_space<hbm>> -> memref<768xi32, #tpu.memory_space<hbm>>
            %dma_start3A_542 = tpu.memref_slice %arg14[%mul3A_527] : memref<6144xi32, #tpu.memory_space<vmem>> -> memref<768xi32, #tpu.memory_space<vmem>>
            tpu.enqueue_dma source(%dma_start3A_542 : memref<768xi32, #tpu.memory_space<vmem>>) target(%dma_start3A_541 : memref<768xi32, #tpu.memory_space<hbm>>) target_semaphore(%run_scoped3A : memref<!tpu.dma_semaphore, #tpu.memory_space<semaphore_mem>>)
            %dma_wait3A = tpu.memref_slice %arg14[%mul3A_527] : memref<6144xi32, #tpu.memory_space<vmem>> -> memref<768xi32, #tpu.memory_space<vmem>>
            %dma_wait3A_543 = tpu.memref_slice %arg6[%multiple_of3A_533] : memref<6291456xi32, #tpu.memory_space<hbm>> -> memref<768xi32, #tpu.memory_space<hbm>>
            %dma_wait3A_544 = tpu.memref_slice %arg6[%multiple_of3A_533] : memref<6291456xi32, #tpu.memory_space<hbm>> -> memref<768xi32, #tpu.memory_space<hbm>>
            %dma_wait3A_545 = tpu.memref_slice %arg14[%mul3A_527] : memref<6144xi32, #tpu.memory_space<vmem>> -> memref<768xi32, #tpu.memory_space<vmem>>
            tpu.wait_dma2 semaphore(%run_scoped3A : memref<!tpu.dma_semaphore, #tpu.memory_space<semaphore_mem>>) src(%dma_wait3A_545 : memref<768xi32, #tpu.memory_space<vmem>>) dst(%dma_wait3A_544 : memref<768xi32, #tpu.memory_space<hbm>>)
            tpu.yield
          }) : () -> ()
          %mul3A_534 = arith.constant 16 : i32
          %mul3A_535 = arith.muli %add3A_474, %mul3A_534 : i32
          %mul3A_536 = arith.constant 16 : i32
          %mul3A_537 = arith.muli %add3A_474, %mul3A_536 : i32
          %add3A_538 = arith.addi %add3A_443, %mul3A_537 : i32
          %multiple_of3A_539 = tpu.assume_multiple %add3A_538, 16 : i32
          "tpu.region"() ({
            %run_scoped3A = tpu.sem_alloc : memref<!tpu.dma_semaphore, #tpu.memory_space<semaphore_mem>>
            %dma_start3A = tpu.memref_slice %arg15[%mul3A_535] : memref<2048xf32, #tpu.memory_space<vmem>> -> memref<256xf32, #tpu.memory_space<vmem>>
            %dma_start3A_540 = tpu.memref_slice %arg7[%multiple_of3A_539] : memref<2097152xf32, #tpu.memory_space<hbm>> -> memref<256xf32, #tpu.memory_space<hbm>>
            %dma_start3A_541 = tpu.memref_slice %arg7[%multiple_of3A_539] : memref<2097152xf32, #tpu.memory_space<hbm>> -> memref<256xf32, #tpu.memory_space<hbm>>
            %dma_start3A_542 = tpu.memref_slice %arg15[%mul3A_535] : memref<2048xf32, #tpu.memory_space<vmem>> -> memref<256xf32, #tpu.memory_space<vmem>>
            tpu.enqueue_dma source(%dma_start3A_542 : memref<256xf32, #tpu.memory_space<vmem>>) target(%dma_start3A_541 : memref<256xf32, #tpu.memory_space<hbm>>) target_semaphore(%run_scoped3A : memref<!tpu.dma_semaphore, #tpu.memory_space<semaphore_mem>>)
            %dma_wait3A = tpu.memref_slice %arg15[%mul3A_535] : memref<2048xf32, #tpu.memory_space<vmem>> -> memref<256xf32, #tpu.memory_space<vmem>>
            %dma_wait3A_543 = tpu.memref_slice %arg7[%multiple_of3A_539] : memref<2097152xf32, #tpu.memory_space<hbm>> -> memref<256xf32, #tpu.memory_space<hbm>>
            %dma_wait3A_544 = tpu.memref_slice %arg7[%multiple_of3A_539] : memref<2097152xf32, #tpu.memory_space<hbm>> -> memref<256xf32, #tpu.memory_space<hbm>>
            %dma_wait3A_545 = tpu.memref_slice %arg15[%mul3A_535] : memref<2048xf32, #tpu.memory_space<vmem>> -> memref<256xf32, #tpu.memory_space<vmem>>
            tpu.wait_dma2 semaphore(%run_scoped3A : memref<!tpu.dma_semaphore, #tpu.memory_space<semaphore_mem>>) src(%dma_wait3A_545 : memref<256xf32, #tpu.memory_space<vmem>>) dst(%dma_wait3A_544 : memref<256xf32, #tpu.memory_space<hbm>>)
            tpu.yield
          }) : () -> ()
        } else {
        }
        %jit3A_481 = arith.constant 16 : i32
        %jit3A_482 = arith.constant 0 : i32
        %select_n3A_483 = arith.select %ge3A_477, %jit3A_481, %jit3A_482 : i32
        %add3A_484 = arith.addi %add3A_474, %select_n3A_483 : i32
        %sub3A_485 = arith.subi %sub3A_475, %select_n3A_483 : i32
        %ge3A_486 = arith.constant 8 : i32
        %ge3A_487 = arith.cmpi sge, %sub3A_485, %ge3A_486 : i32
        %convert_element_type3A_488 = arith.extui %ge3A_487 : i1 to i32
        %cond3A_489 = arith.constant 0 : i32
        %cond3A_490 = arith.cmpi ne, %convert_element_type3A_488, %cond3A_489 : i32
        scf.if %cond3A_490 {
          %mul3A_526 = arith.constant 48 : i32
          %mul3A_527 = arith.muli %add3A_484, %mul3A_526 : i32
          %mul3A_528 = arith.constant 16 : i32
          %mul3A_529 = arith.muli %add3A_484, %mul3A_528 : i32
          %add3A_530 = arith.addi %add3A_443, %mul3A_529 : i32
          %mul3A_531 = arith.constant 3 : i32
          %mul3A_532 = arith.muli %add3A_530, %mul3A_531 : i32
          %multiple_of3A_533 = tpu.assume_multiple %mul3A_532, 48 : i32
          "tpu.region"() ({
            %run_scoped3A = tpu.sem_alloc : memref<!tpu.dma_semaphore, #tpu.memory_space<semaphore_mem>>
            %dma_start3A = tpu.memref_slice %arg14[%mul3A_527] : memref<6144xi32, #tpu.memory_space<vmem>> -> memref<384xi32, #tpu.memory_space<vmem>>
            %dma_start3A_540 = tpu.memref_slice %arg6[%multiple_of3A_533] : memref<6291456xi32, #tpu.memory_space<hbm>> -> memref<384xi32, #tpu.memory_space<hbm>>
            %dma_start3A_541 = tpu.memref_slice %arg6[%multiple_of3A_533] : memref<6291456xi32, #tpu.memory_space<hbm>> -> memref<384xi32, #tpu.memory_space<hbm>>
            %dma_start3A_542 = tpu.memref_slice %arg14[%mul3A_527] : memref<6144xi32, #tpu.memory_space<vmem>> -> memref<384xi32, #tpu.memory_space<vmem>>
            tpu.enqueue_dma source(%dma_start3A_542 : memref<384xi32, #tpu.memory_space<vmem>>) target(%dma_start3A_541 : memref<384xi32, #tpu.memory_space<hbm>>) target_semaphore(%run_scoped3A : memref<!tpu.dma_semaphore, #tpu.memory_space<semaphore_mem>>)
            %dma_wait3A = tpu.memref_slice %arg14[%mul3A_527] : memref<6144xi32, #tpu.memory_space<vmem>> -> memref<384xi32, #tpu.memory_space<vmem>>
            %dma_wait3A_543 = tpu.memref_slice %arg6[%multiple_of3A_533] : memref<6291456xi32, #tpu.memory_space<hbm>> -> memref<384xi32, #tpu.memory_space<hbm>>
            %dma_wait3A_544 = tpu.memref_slice %arg6[%multiple_of3A_533] : memref<6291456xi32, #tpu.memory_space<hbm>> -> memref<384xi32, #tpu.memory_space<hbm>>
            %dma_wait3A_545 = tpu.memref_slice %arg14[%mul3A_527] : memref<6144xi32, #tpu.memory_space<vmem>> -> memref<384xi32, #tpu.memory_space<vmem>>
            tpu.wait_dma2 semaphore(%run_scoped3A : memref<!tpu.dma_semaphore, #tpu.memory_space<semaphore_mem>>) src(%dma_wait3A_545 : memref<384xi32, #tpu.memory_space<vmem>>) dst(%dma_wait3A_544 : memref<384xi32, #tpu.memory_space<hbm>>)
            tpu.yield
          }) : () -> ()
          %mul3A_534 = arith.constant 16 : i32
          %mul3A_535 = arith.muli %add3A_484, %mul3A_534 : i32
          %mul3A_536 = arith.constant 16 : i32
          %mul3A_537 = arith.muli %add3A_484, %mul3A_536 : i32
          %add3A_538 = arith.addi %add3A_443, %mul3A_537 : i32
          %multiple_of3A_539 = tpu.assume_multiple %add3A_538, 16 : i32
          "tpu.region"() ({
            %run_scoped3A = tpu.sem_alloc : memref<!tpu.dma_semaphore, #tpu.memory_space<semaphore_mem>>
            %dma_start3A = tpu.memref_slice %arg15[%mul3A_535] : memref<2048xf32, #tpu.memory_space<vmem>> -> memref<128xf32, #tpu.memory_space<vmem>>
            %dma_start3A_540 = tpu.memref_slice %arg7[%multiple_of3A_539] : memref<2097152xf32, #tpu.memory_space<hbm>> -> memref<128xf32, #tpu.memory_space<hbm>>
            %dma_start3A_541 = tpu.memref_slice %arg7[%multiple_of3A_539] : memref<2097152xf32, #tpu.memory_space<hbm>> -> memref<128xf32, #tpu.memory_space<hbm>>
            %dma_start3A_542 = tpu.memref_slice %arg15[%mul3A_535] : memref<2048xf32, #tpu.memory_space<vmem>> -> memref<128xf32, #tpu.memory_space<vmem>>
            tpu.enqueue_dma source(%dma_start3A_542 : memref<128xf32, #tpu.memory_space<vmem>>) target(%dma_start3A_541 : memref<128xf32, #tpu.memory_space<hbm>>) target_semaphore(%run_scoped3A : memref<!tpu.dma_semaphore, #tpu.memory_space<semaphore_mem>>)
            %dma_wait3A = tpu.memref_slice %arg15[%mul3A_535] : memref<2048xf32, #tpu.memory_space<vmem>> -> memref<128xf32, #tpu.memory_space<vmem>>
            %dma_wait3A_543 = tpu.memref_slice %arg7[%multiple_of3A_539] : memref<2097152xf32, #tpu.memory_space<hbm>> -> memref<128xf32, #tpu.memory_space<hbm>>
            %dma_wait3A_544 = tpu.memref_slice %arg7[%multiple_of3A_539] : memref<2097152xf32, #tpu.memory_space<hbm>> -> memref<128xf32, #tpu.memory_space<hbm>>
            %dma_wait3A_545 = tpu.memref_slice %arg15[%mul3A_535] : memref<2048xf32, #tpu.memory_space<vmem>> -> memref<128xf32, #tpu.memory_space<vmem>>
            tpu.wait_dma2 semaphore(%run_scoped3A : memref<!tpu.dma_semaphore, #tpu.memory_space<semaphore_mem>>) src(%dma_wait3A_545 : memref<128xf32, #tpu.memory_space<vmem>>) dst(%dma_wait3A_544 : memref<128xf32, #tpu.memory_space<hbm>>)
            tpu.yield
          }) : () -> ()
        } else {
        }
        %jit3A_491 = arith.constant 8 : i32
        %jit3A_492 = arith.constant 0 : i32
        %select_n3A_493 = arith.select %ge3A_487, %jit3A_491, %jit3A_492 : i32
        %add3A_494 = arith.addi %add3A_484, %select_n3A_493 : i32
        %sub3A_495 = arith.subi %sub3A_485, %select_n3A_493 : i32
        %ge3A_496 = arith.constant 4 : i32
        %ge3A_497 = arith.cmpi sge, %sub3A_495, %ge3A_496 : i32
        %convert_element_type3A_498 = arith.extui %ge3A_497 : i1 to i32
        %cond3A_499 = arith.constant 0 : i32
        %cond3A_500 = arith.cmpi ne, %convert_element_type3A_498, %cond3A_499 : i32
        scf.if %cond3A_500 {
          %mul3A_526 = arith.constant 48 : i32
          %mul3A_527 = arith.muli %add3A_494, %mul3A_526 : i32
          %mul3A_528 = arith.constant 16 : i32
          %mul3A_529 = arith.muli %add3A_494, %mul3A_528 : i32
          %add3A_530 = arith.addi %add3A_443, %mul3A_529 : i32
          %mul3A_531 = arith.constant 3 : i32
          %mul3A_532 = arith.muli %add3A_530, %mul3A_531 : i32
          %multiple_of3A_533 = tpu.assume_multiple %mul3A_532, 48 : i32
          "tpu.region"() ({
            %run_scoped3A = tpu.sem_alloc : memref<!tpu.dma_semaphore, #tpu.memory_space<semaphore_mem>>
            %dma_start3A = tpu.memref_slice %arg14[%mul3A_527] : memref<6144xi32, #tpu.memory_space<vmem>> -> memref<192xi32, #tpu.memory_space<vmem>>
            %dma_start3A_540 = tpu.memref_slice %arg6[%multiple_of3A_533] : memref<6291456xi32, #tpu.memory_space<hbm>> -> memref<192xi32, #tpu.memory_space<hbm>>
            %dma_start3A_541 = tpu.memref_slice %arg6[%multiple_of3A_533] : memref<6291456xi32, #tpu.memory_space<hbm>> -> memref<192xi32, #tpu.memory_space<hbm>>
            %dma_start3A_542 = tpu.memref_slice %arg14[%mul3A_527] : memref<6144xi32, #tpu.memory_space<vmem>> -> memref<192xi32, #tpu.memory_space<vmem>>
            tpu.enqueue_dma source(%dma_start3A_542 : memref<192xi32, #tpu.memory_space<vmem>>) target(%dma_start3A_541 : memref<192xi32, #tpu.memory_space<hbm>>) target_semaphore(%run_scoped3A : memref<!tpu.dma_semaphore, #tpu.memory_space<semaphore_mem>>)
            %dma_wait3A = tpu.memref_slice %arg14[%mul3A_527] : memref<6144xi32, #tpu.memory_space<vmem>> -> memref<192xi32, #tpu.memory_space<vmem>>
            %dma_wait3A_543 = tpu.memref_slice %arg6[%multiple_of3A_533] : memref<6291456xi32, #tpu.memory_space<hbm>> -> memref<192xi32, #tpu.memory_space<hbm>>
            %dma_wait3A_544 = tpu.memref_slice %arg6[%multiple_of3A_533] : memref<6291456xi32, #tpu.memory_space<hbm>> -> memref<192xi32, #tpu.memory_space<hbm>>
            %dma_wait3A_545 = tpu.memref_slice %arg14[%mul3A_527] : memref<6144xi32, #tpu.memory_space<vmem>> -> memref<192xi32, #tpu.memory_space<vmem>>
            tpu.wait_dma2 semaphore(%run_scoped3A : memref<!tpu.dma_semaphore, #tpu.memory_space<semaphore_mem>>) src(%dma_wait3A_545 : memref<192xi32, #tpu.memory_space<vmem>>) dst(%dma_wait3A_544 : memref<192xi32, #tpu.memory_space<hbm>>)
            tpu.yield
          }) : () -> ()
          %mul3A_534 = arith.constant 16 : i32
          %mul3A_535 = arith.muli %add3A_494, %mul3A_534 : i32
          %mul3A_536 = arith.constant 16 : i32
          %mul3A_537 = arith.muli %add3A_494, %mul3A_536 : i32
          %add3A_538 = arith.addi %add3A_443, %mul3A_537 : i32
          %multiple_of3A_539 = tpu.assume_multiple %add3A_538, 16 : i32
          "tpu.region"() ({
            %run_scoped3A = tpu.sem_alloc : memref<!tpu.dma_semaphore, #tpu.memory_space<semaphore_mem>>
            %dma_start3A = tpu.memref_slice %arg15[%mul3A_535] : memref<2048xf32, #tpu.memory_space<vmem>> -> memref<64xf32, #tpu.memory_space<vmem>>
            %dma_start3A_540 = tpu.memref_slice %arg7[%multiple_of3A_539] : memref<2097152xf32, #tpu.memory_space<hbm>> -> memref<64xf32, #tpu.memory_space<hbm>>
            %dma_start3A_541 = tpu.memref_slice %arg7[%multiple_of3A_539] : memref<2097152xf32, #tpu.memory_space<hbm>> -> memref<64xf32, #tpu.memory_space<hbm>>
            %dma_start3A_542 = tpu.memref_slice %arg15[%mul3A_535] : memref<2048xf32, #tpu.memory_space<vmem>> -> memref<64xf32, #tpu.memory_space<vmem>>
            tpu.enqueue_dma source(%dma_start3A_542 : memref<64xf32, #tpu.memory_space<vmem>>) target(%dma_start3A_541 : memref<64xf32, #tpu.memory_space<hbm>>) target_semaphore(%run_scoped3A : memref<!tpu.dma_semaphore, #tpu.memory_space<semaphore_mem>>)
            %dma_wait3A = tpu.memref_slice %arg15[%mul3A_535] : memref<2048xf32, #tpu.memory_space<vmem>> -> memref<64xf32, #tpu.memory_space<vmem>>
            %dma_wait3A_543 = tpu.memref_slice %arg7[%multiple_of3A_539] : memref<2097152xf32, #tpu.memory_space<hbm>> -> memref<64xf32, #tpu.memory_space<hbm>>
            %dma_wait3A_544 = tpu.memref_slice %arg7[%multiple_of3A_539] : memref<2097152xf32, #tpu.memory_space<hbm>> -> memref<64xf32, #tpu.memory_space<hbm>>
            %dma_wait3A_545 = tpu.memref_slice %arg15[%mul3A_535] : memref<2048xf32, #tpu.memory_space<vmem>> -> memref<64xf32, #tpu.memory_space<vmem>>
            tpu.wait_dma2 semaphore(%run_scoped3A : memref<!tpu.dma_semaphore, #tpu.memory_space<semaphore_mem>>) src(%dma_wait3A_545 : memref<64xf32, #tpu.memory_space<vmem>>) dst(%dma_wait3A_544 : memref<64xf32, #tpu.memory_space<hbm>>)
            tpu.yield
          }) : () -> ()
        } else {
        }
        %jit3A_501 = arith.constant 4 : i32
        %jit3A_502 = arith.constant 0 : i32
        %select_n3A_503 = arith.select %ge3A_497, %jit3A_501, %jit3A_502 : i32
        %add3A_504 = arith.addi %add3A_494, %select_n3A_503 : i32
        %sub3A_505 = arith.subi %sub3A_495, %select_n3A_503 : i32
        %ge3A_506 = arith.constant 2 : i32
        %ge3A_507 = arith.cmpi sge, %sub3A_505, %ge3A_506 : i32
        %convert_element_type3A_508 = arith.extui %ge3A_507 : i1 to i32
        %cond3A_509 = arith.constant 0 : i32
        %cond3A_510 = arith.cmpi ne, %convert_element_type3A_508, %cond3A_509 : i32
        scf.if %cond3A_510 {
          %mul3A_526 = arith.constant 48 : i32
          %mul3A_527 = arith.muli %add3A_504, %mul3A_526 : i32
          %mul3A_528 = arith.constant 16 : i32
          %mul3A_529 = arith.muli %add3A_504, %mul3A_528 : i32
          %add3A_530 = arith.addi %add3A_443, %mul3A_529 : i32
          %mul3A_531 = arith.constant 3 : i32
          %mul3A_532 = arith.muli %add3A_530, %mul3A_531 : i32
          %multiple_of3A_533 = tpu.assume_multiple %mul3A_532, 48 : i32
          "tpu.region"() ({
            %run_scoped3A = tpu.sem_alloc : memref<!tpu.dma_semaphore, #tpu.memory_space<semaphore_mem>>
            %dma_start3A = tpu.memref_slice %arg14[%mul3A_527] : memref<6144xi32, #tpu.memory_space<vmem>> -> memref<96xi32, #tpu.memory_space<vmem>>
            %dma_start3A_540 = tpu.memref_slice %arg6[%multiple_of3A_533] : memref<6291456xi32, #tpu.memory_space<hbm>> -> memref<96xi32, #tpu.memory_space<hbm>>
            %dma_start3A_541 = tpu.memref_slice %arg6[%multiple_of3A_533] : memref<6291456xi32, #tpu.memory_space<hbm>> -> memref<96xi32, #tpu.memory_space<hbm>>
            %dma_start3A_542 = tpu.memref_slice %arg14[%mul3A_527] : memref<6144xi32, #tpu.memory_space<vmem>> -> memref<96xi32, #tpu.memory_space<vmem>>
            tpu.enqueue_dma source(%dma_start3A_542 : memref<96xi32, #tpu.memory_space<vmem>>) target(%dma_start3A_541 : memref<96xi32, #tpu.memory_space<hbm>>) target_semaphore(%run_scoped3A : memref<!tpu.dma_semaphore, #tpu.memory_space<semaphore_mem>>)
            %dma_wait3A = tpu.memref_slice %arg14[%mul3A_527] : memref<6144xi32, #tpu.memory_space<vmem>> -> memref<96xi32, #tpu.memory_space<vmem>>
            %dma_wait3A_543 = tpu.memref_slice %arg6[%multiple_of3A_533] : memref<6291456xi32, #tpu.memory_space<hbm>> -> memref<96xi32, #tpu.memory_space<hbm>>
            %dma_wait3A_544 = tpu.memref_slice %arg6[%multiple_of3A_533] : memref<6291456xi32, #tpu.memory_space<hbm>> -> memref<96xi32, #tpu.memory_space<hbm>>
            %dma_wait3A_545 = tpu.memref_slice %arg14[%mul3A_527] : memref<6144xi32, #tpu.memory_space<vmem>> -> memref<96xi32, #tpu.memory_space<vmem>>
            tpu.wait_dma2 semaphore(%run_scoped3A : memref<!tpu.dma_semaphore, #tpu.memory_space<semaphore_mem>>) src(%dma_wait3A_545 : memref<96xi32, #tpu.memory_space<vmem>>) dst(%dma_wait3A_544 : memref<96xi32, #tpu.memory_space<hbm>>)
            tpu.yield
          }) : () -> ()
          %mul3A_534 = arith.constant 16 : i32
          %mul3A_535 = arith.muli %add3A_504, %mul3A_534 : i32
          %mul3A_536 = arith.constant 16 : i32
          %mul3A_537 = arith.muli %add3A_504, %mul3A_536 : i32
          %add3A_538 = arith.addi %add3A_443, %mul3A_537 : i32
          %multiple_of3A_539 = tpu.assume_multiple %add3A_538, 16 : i32
          "tpu.region"() ({
            %run_scoped3A = tpu.sem_alloc : memref<!tpu.dma_semaphore, #tpu.memory_space<semaphore_mem>>
            %dma_start3A = tpu.memref_slice %arg15[%mul3A_535] : memref<2048xf32, #tpu.memory_space<vmem>> -> memref<32xf32, #tpu.memory_space<vmem>>
            %dma_start3A_540 = tpu.memref_slice %arg7[%multiple_of3A_539] : memref<2097152xf32, #tpu.memory_space<hbm>> -> memref<32xf32, #tpu.memory_space<hbm>>
            %dma_start3A_541 = tpu.memref_slice %arg7[%multiple_of3A_539] : memref<2097152xf32, #tpu.memory_space<hbm>> -> memref<32xf32, #tpu.memory_space<hbm>>
            %dma_start3A_542 = tpu.memref_slice %arg15[%mul3A_535] : memref<2048xf32, #tpu.memory_space<vmem>> -> memref<32xf32, #tpu.memory_space<vmem>>
            tpu.enqueue_dma source(%dma_start3A_542 : memref<32xf32, #tpu.memory_space<vmem>>) target(%dma_start3A_541 : memref<32xf32, #tpu.memory_space<hbm>>) target_semaphore(%run_scoped3A : memref<!tpu.dma_semaphore, #tpu.memory_space<semaphore_mem>>)
            %dma_wait3A = tpu.memref_slice %arg15[%mul3A_535] : memref<2048xf32, #tpu.memory_space<vmem>> -> memref<32xf32, #tpu.memory_space<vmem>>
            %dma_wait3A_543 = tpu.memref_slice %arg7[%multiple_of3A_539] : memref<2097152xf32, #tpu.memory_space<hbm>> -> memref<32xf32, #tpu.memory_space<hbm>>
            %dma_wait3A_544 = tpu.memref_slice %arg7[%multiple_of3A_539] : memref<2097152xf32, #tpu.memory_space<hbm>> -> memref<32xf32, #tpu.memory_space<hbm>>
            %dma_wait3A_545 = tpu.memref_slice %arg15[%mul3A_535] : memref<2048xf32, #tpu.memory_space<vmem>> -> memref<32xf32, #tpu.memory_space<vmem>>
            tpu.wait_dma2 semaphore(%run_scoped3A : memref<!tpu.dma_semaphore, #tpu.memory_space<semaphore_mem>>) src(%dma_wait3A_545 : memref<32xf32, #tpu.memory_space<vmem>>) dst(%dma_wait3A_544 : memref<32xf32, #tpu.memory_space<hbm>>)
            tpu.yield
          }) : () -> ()
        } else {
        }
        %jit3A_511 = arith.constant 2 : i32
        %jit3A_512 = arith.constant 0 : i32
        %select_n3A_513 = arith.select %ge3A_507, %jit3A_511, %jit3A_512 : i32
        %add3A_514 = arith.addi %add3A_504, %select_n3A_513 : i32
        %sub3A_515 = arith.subi %sub3A_505, %select_n3A_513 : i32
        %ge3A_516 = arith.constant 1 : i32
        %ge3A_517 = arith.cmpi sge, %sub3A_515, %ge3A_516 : i32
        %convert_element_type3A_518 = arith.extui %ge3A_517 : i1 to i32
        %cond3A_519 = arith.constant 0 : i32
        %cond3A_520 = arith.cmpi ne, %convert_element_type3A_518, %cond3A_519 : i32
        scf.if %cond3A_520 {
          %mul3A_526 = arith.constant 48 : i32
          %mul3A_527 = arith.muli %add3A_514, %mul3A_526 : i32
          %mul3A_528 = arith.constant 16 : i32
          %mul3A_529 = arith.muli %add3A_514, %mul3A_528 : i32
          %add3A_530 = arith.addi %add3A_443, %mul3A_529 : i32
          %mul3A_531 = arith.constant 3 : i32
          %mul3A_532 = arith.muli %add3A_530, %mul3A_531 : i32
          %multiple_of3A_533 = tpu.assume_multiple %mul3A_532, 48 : i32
          "tpu.region"() ({
            %run_scoped3A = tpu.sem_alloc : memref<!tpu.dma_semaphore, #tpu.memory_space<semaphore_mem>>
            %dma_start3A = tpu.memref_slice %arg14[%mul3A_527] : memref<6144xi32, #tpu.memory_space<vmem>> -> memref<48xi32, #tpu.memory_space<vmem>>
            %dma_start3A_540 = tpu.memref_slice %arg6[%multiple_of3A_533] : memref<6291456xi32, #tpu.memory_space<hbm>> -> memref<48xi32, #tpu.memory_space<hbm>>
            %dma_start3A_541 = tpu.memref_slice %arg6[%multiple_of3A_533] : memref<6291456xi32, #tpu.memory_space<hbm>> -> memref<48xi32, #tpu.memory_space<hbm>>
            %dma_start3A_542 = tpu.memref_slice %arg14[%mul3A_527] : memref<6144xi32, #tpu.memory_space<vmem>> -> memref<48xi32, #tpu.memory_space<vmem>>
            tpu.enqueue_dma source(%dma_start3A_542 : memref<48xi32, #tpu.memory_space<vmem>>) target(%dma_start3A_541 : memref<48xi32, #tpu.memory_space<hbm>>) target_semaphore(%run_scoped3A : memref<!tpu.dma_semaphore, #tpu.memory_space<semaphore_mem>>)
            %dma_wait3A = tpu.memref_slice %arg14[%mul3A_527] : memref<6144xi32, #tpu.memory_space<vmem>> -> memref<48xi32, #tpu.memory_space<vmem>>
            %dma_wait3A_543 = tpu.memref_slice %arg6[%multiple_of3A_533] : memref<6291456xi32, #tpu.memory_space<hbm>> -> memref<48xi32, #tpu.memory_space<hbm>>
            %dma_wait3A_544 = tpu.memref_slice %arg6[%multiple_of3A_533] : memref<6291456xi32, #tpu.memory_space<hbm>> -> memref<48xi32, #tpu.memory_space<hbm>>
            %dma_wait3A_545 = tpu.memref_slice %arg14[%mul3A_527] : memref<6144xi32, #tpu.memory_space<vmem>> -> memref<48xi32, #tpu.memory_space<vmem>>
            tpu.wait_dma2 semaphore(%run_scoped3A : memref<!tpu.dma_semaphore, #tpu.memory_space<semaphore_mem>>) src(%dma_wait3A_545 : memref<48xi32, #tpu.memory_space<vmem>>) dst(%dma_wait3A_544 : memref<48xi32, #tpu.memory_space<hbm>>)
            tpu.yield
          }) : () -> ()
          %mul3A_534 = arith.constant 16 : i32
          %mul3A_535 = arith.muli %add3A_514, %mul3A_534 : i32
          %mul3A_536 = arith.constant 16 : i32
          %mul3A_537 = arith.muli %add3A_514, %mul3A_536 : i32
          %add3A_538 = arith.addi %add3A_443, %mul3A_537 : i32
          %multiple_of3A_539 = tpu.assume_multiple %add3A_538, 16 : i32
          "tpu.region"() ({
            %run_scoped3A = tpu.sem_alloc : memref<!tpu.dma_semaphore, #tpu.memory_space<semaphore_mem>>
            %dma_start3A = tpu.memref_slice %arg15[%mul3A_535] : memref<2048xf32, #tpu.memory_space<vmem>> -> memref<16xf32, #tpu.memory_space<vmem>>
            %dma_start3A_540 = tpu.memref_slice %arg7[%multiple_of3A_539] : memref<2097152xf32, #tpu.memory_space<hbm>> -> memref<16xf32, #tpu.memory_space<hbm>>
            %dma_start3A_541 = tpu.memref_slice %arg7[%multiple_of3A_539] : memref<2097152xf32, #tpu.memory_space<hbm>> -> memref<16xf32, #tpu.memory_space<hbm>>
            %dma_start3A_542 = tpu.memref_slice %arg15[%mul3A_535] : memref<2048xf32, #tpu.memory_space<vmem>> -> memref<16xf32, #tpu.memory_space<vmem>>
            tpu.enqueue_dma source(%dma_start3A_542 : memref<16xf32, #tpu.memory_space<vmem>>) target(%dma_start3A_541 : memref<16xf32, #tpu.memory_space<hbm>>) target_semaphore(%run_scoped3A : memref<!tpu.dma_semaphore, #tpu.memory_space<semaphore_mem>>)
            %dma_wait3A = tpu.memref_slice %arg15[%mul3A_535] : memref<2048xf32, #tpu.memory_space<vmem>> -> memref<16xf32, #tpu.memory_space<vmem>>
            %dma_wait3A_543 = tpu.memref_slice %arg7[%multiple_of3A_539] : memref<2097152xf32, #tpu.memory_space<hbm>> -> memref<16xf32, #tpu.memory_space<hbm>>
            %dma_wait3A_544 = tpu.memref_slice %arg7[%multiple_of3A_539] : memref<2097152xf32, #tpu.memory_space<hbm>> -> memref<16xf32, #tpu.memory_space<hbm>>
            %dma_wait3A_545 = tpu.memref_slice %arg15[%mul3A_535] : memref<2048xf32, #tpu.memory_space<vmem>> -> memref<16xf32, #tpu.memory_space<vmem>>
            tpu.wait_dma2 semaphore(%run_scoped3A : memref<!tpu.dma_semaphore, #tpu.memory_space<semaphore_mem>>) src(%dma_wait3A_545 : memref<16xf32, #tpu.memory_space<vmem>>) dst(%dma_wait3A_544 : memref<16xf32, #tpu.memory_space<hbm>>)
            tpu.yield
          }) : () -> ()
        } else {
        }
        %jit3A_521 = arith.constant 1 : i32
        %jit3A_522 = arith.constant 0 : i32
        %select_n3A_523 = arith.select %ge3A_517, %jit3A_521, %jit3A_522 : i32
        %add3A_524 = arith.addi %add3A_514, %select_n3A_523 : i32
        %sub3A_525 = arith.subi %sub3A_515, %select_n3A_523 : i32
      } else {
      }
      %while3A_453 = arith.constant 0 : i32
      scf.yield %while3A_453 : i32
    }
    %while3A_158 = arith.constant 1 : i32
    %while3A_159 = scf.for %while3A_408 = %while3A_155 to %while3A_151 step %while3A_158 iter_args(%while3A_409 = %while3A_157) -> (i32)  : i32 {
      %mul3A_410 = arith.constant 65552 : i32
      %mul3A_411 = arith.muli %add3A, %mul3A_410 : i32
      %mul3A_412 = arith.constant 2048 : i32
      %mul3A_413 = arith.muli %while3A_408, %mul3A_412 : i32
      %add3A_414 = arith.addi %mul3A_411, %mul3A_413 : i32
      %multiple_of3A = tpu.assume_multiple %add3A_414, 16 : i32
      "tpu.region"() ({
        %run_scoped3A = tpu.sem_alloc : memref<!tpu.dma_semaphore, #tpu.memory_space<semaphore_mem>>
        %dma_start3A = tpu.memref_slice %arg3[%multiple_of3A] : memref<2097664xi32, #tpu.memory_space<hbm>> -> memref<2064xi32, #tpu.memory_space<hbm>>
        %dma_start3A_454 = tpu.memref_slice %arg3[%multiple_of3A] : memref<2097664xi32, #tpu.memory_space<hbm>> -> memref<2064xi32, #tpu.memory_space<hbm>>
        tpu.enqueue_dma source(%dma_start3A_454 : memref<2064xi32, #tpu.memory_space<hbm>>) target(%arg12 : memref<2064xi32, #tpu.memory_space<vmem>>) target_semaphore(%run_scoped3A : memref<!tpu.dma_semaphore, #tpu.memory_space<semaphore_mem>>)
        %dma_wait3A = tpu.memref_slice %arg3[%multiple_of3A] : memref<2097664xi32, #tpu.memory_space<hbm>> -> memref<2064xi32, #tpu.memory_space<hbm>>
        %dma_wait3A_455 = tpu.memref_slice %arg3[%multiple_of3A] : memref<2097664xi32, #tpu.memory_space<hbm>> -> memref<2064xi32, #tpu.memory_space<hbm>>
        tpu.wait_dma2 semaphore(%run_scoped3A : memref<!tpu.dma_semaphore, #tpu.memory_space<semaphore_mem>>) src(%dma_wait3A_455 : memref<2064xi32, #tpu.memory_space<hbm>>) dst(%arg12 : memref<2064xi32, #tpu.memory_space<vmem>>)
        tpu.yield
      }) : () -> ()
      %mul3A_415 = arith.constant 65552 : i32
      %mul3A_416 = arith.muli %add3A, %mul3A_415 : i32
      %mul3A_417 = arith.constant 2048 : i32
      %mul3A_418 = arith.muli %while3A_408, %mul3A_417 : i32
      %add3A_419 = arith.addi %mul3A_416, %mul3A_418 : i32
      %multiple_of3A_420 = tpu.assume_multiple %add3A_419, 16 : i32
      "tpu.region"() ({
        %run_scoped3A = tpu.sem_alloc : memref<!tpu.dma_semaphore, #tpu.memory_space<semaphore_mem>>
        %dma_start3A = tpu.memref_slice %arg4[%multiple_of3A_420] : memref<2097664xf32, #tpu.memory_space<hbm>> -> memref<2064xf32, #tpu.memory_space<hbm>>
        %dma_start3A_454 = tpu.memref_slice %arg4[%multiple_of3A_420] : memref<2097664xf32, #tpu.memory_space<hbm>> -> memref<2064xf32, #tpu.memory_space<hbm>>
        tpu.enqueue_dma source(%dma_start3A_454 : memref<2064xf32, #tpu.memory_space<hbm>>) target(%arg13 : memref<2064xf32, #tpu.memory_space<vmem>>) target_semaphore(%run_scoped3A : memref<!tpu.dma_semaphore, #tpu.memory_space<semaphore_mem>>)
        %dma_wait3A = tpu.memref_slice %arg4[%multiple_of3A_420] : memref<2097664xf32, #tpu.memory_space<hbm>> -> memref<2064xf32, #tpu.memory_space<hbm>>
        %dma_wait3A_455 = tpu.memref_slice %arg4[%multiple_of3A_420] : memref<2097664xf32, #tpu.memory_space<hbm>> -> memref<2064xf32, #tpu.memory_space<hbm>>
        tpu.wait_dma2 semaphore(%run_scoped3A : memref<!tpu.dma_semaphore, #tpu.memory_space<semaphore_mem>>) src(%dma_wait3A_455 : memref<2064xf32, #tpu.memory_space<hbm>>) dst(%arg13 : memref<2064xf32, #tpu.memory_space<vmem>>)
        tpu.yield
      }) : () -> ()
      %add3A_421 = arith.constant 1 : i32
      %add3A_422 = arith.addi %while3A_408, %add3A_421 : i32
      %mul3A_423 = arith.constant 128 : i32
      %mul3A_424 = arith.muli %add3A_422, %mul3A_423 : i32
      %min3A = arith.minsi %select_n3A_121, %mul3A_424 : i32
      %mul3A_425 = arith.constant 128 : i32
      %mul3A_426 = arith.muli %while3A_408, %mul3A_425 : i32
      %while3A_427 = arith.constant 0 : i32
      %while3A_428 = arith.subi %min3A, %mul3A_426 : i32
      %while3A_429 = arith.addi %mul3A_426, %while3A_428 : i32
      %while3A_430 = arith.constant 1 : i32
      %while3A_431 = arith.divsi %while3A_428, %while3A_430 : i32
      %while3A_432 = arith.muli %while3A_431, %while3A_430 : i32
      %while3A_433 = arith.addi %mul3A_426, %while3A_432 : i32
      %while3A_434 = arith.constant 1 : i32
      %while3A_435 = scf.for %while3A_454 = %mul3A_426 to %while3A_433 step %while3A_434 iter_args(%while3A_455 = %while3A_427) -> (i32)  : i32 {
        %mul3A_456 = arith.constant 16 : i32
        %mul3A_457 = arith.muli %mul3A_456, %while3A_454 : i32
        %add3A_458 = arith.addi %sub3A_68, %mul3A_457 : i32
        %mul3A_459 = arith.constant 2048 : i32
        %mul3A_460 = arith.muli %while3A_408, %mul3A_459 : i32
        %sub3A_461 = arith.subi %add3A_458, %mul3A_460 : i32
        %get3A_462 = arith.index_cast %sub3A_461 : i32 to index
        %get3A_463 = tpu.vector_load %arg12[%get3A_462] {strides = array<i32>} : memref<2064xi32, #tpu.memory_space<vmem>>, vector<16xi32>,
        %get3A_464 = arith.index_cast %sub3A_461 : i32 to index
        %get3A_465 = tpu.vector_load %arg13[%get3A_464] {strides = array<i32>} : memref<2064xf32, #tpu.memory_space<vmem>>, vector<16xf32>,
        %mul3A_466 = arith.constant 16 : i32
        %mul3A_467 = arith.muli %mul3A_466, %while3A_454 : i32
        %add3A_468 = arith.addi %sub3A_68, %mul3A_467 : i32
        %add3A_469 = vector.broadcast %add3A_468 : i32 to vector<16xi32>
        %add3A_470 = arith.addi %add3A_469, %iota3A : vector<16xi32>
        %lt3A = vector.broadcast %squeeze3A : i32 to vector<16xi32>
        %lt3A_471 = arith.cmpi slt, %add3A_470, %lt3A : vector<16xi32>
        %mul3A_472 = arith.constant 16 : i32
        %mul3A_473 = arith.muli %mul3A_472, %while3A_454 : i32
        %add3A_474 = arith.addi %sub3A_68, %mul3A_473 : i32
        %add3A_475 = vector.broadcast %add3A_474 : i32 to vector<16xi32>
        %add3A_476 = arith.addi %add3A_475, %iota3A : vector<16xi32>
        %sub3A_477 = vector.broadcast %squeeze3A : i32 to vector<16xi32>
        %sub3A_478 = arith.subi %add3A_476, %sub3A_477 : vector<16xi32>
        %jit3A_479 = arith.constant 0 : i32
        %jit3A_480 = arith.constant 15 : i32
        %max3A = vector.broadcast %jit3A_479 : i32 to vector<16xi32>
        %max3A_481 = arith.maxsi %max3A, %sub3A_478 : vector<16xi32>
        %min3A_482 = vector.broadcast %jit3A_480 : i32 to vector<16xi32>
        %min3A_483 = arith.minsi %min3A_482, %max3A_481 : vector<16xi32>
        %lt3A_484 = arith.constant 0 : i32
        %lt3A_485 = vector.broadcast %lt3A_484 : i32 to vector<16xi32>
        %lt3A_486 = arith.cmpi slt, %min3A_483, %lt3A_485 : vector<16xi32>
        %add3A_487 = arith.constant 16 : i32
        %add3A_488 = vector.broadcast %add3A_487 : i32 to vector<16xi32>
        %add3A_489 = arith.addi %min3A_483, %add3A_488 : vector<16xi32>
        %select_n3A_490 = arith.select %lt3A_486, %add3A_489, %min3A_483 : vector<16xi1>, vector<16xi32>
        %broadcast_in_dim3A_491 = vector.shape_cast %select_n3A_490 : vector<16xi32> to vector<16x1xi32>
        %gather3A = vector.shape_cast %broadcast_in_dim3A_491 : vector<16x1xi32> to vector<16xi32>
        %gather3A_492 = tpu.dynamic_gather %while3A_47#1[%gather3A] in [0] : vector<16xi32>, vector<16xi32> -> vector<16xi32>
        %select_n3A_493 = arith.select %lt3A_471, %get3A_463, %gather3A_492 : vector<16xi1>, vector<16xi32>
        %lt3A_494 = arith.constant 0 : i32
        %lt3A_495 = vector.broadcast %lt3A_494 : i32 to vector<16xi32>
        %lt3A_496 = arith.cmpi slt, %min3A_483, %lt3A_495 : vector<16xi32>
        %add3A_497 = arith.constant 16 : i32
        %add3A_498 = vector.broadcast %add3A_497 : i32 to vector<16xi32>
        %add3A_499 = arith.addi %min3A_483, %add3A_498 : vector<16xi32>
        %select_n3A_500 = arith.select %lt3A_496, %add3A_499, %min3A_483 : vector<16xi1>, vector<16xi32>
        %broadcast_in_dim3A_501 = vector.shape_cast %select_n3A_500 : vector<16xi32> to vector<16x1xi32>
        %gather3A_502 = vector.shape_cast %broadcast_in_dim3A_501 : vector<16x1xi32> to vector<16xi32>
        %gather3A_503 = tpu.dynamic_gather %while3A_47#2[%gather3A_502] in [0] : vector<16xf32>, vector<16xi32> -> vector<16xf32>
        %select_n3A_504 = arith.select %lt3A_471, %get3A_465, %gather3A_503 : vector<16xi1>, vector<16xf32>
        %jit3A_505 = arith.constant 262144 : i32
        %div3A_506 = vector.broadcast %jit3A_505 : i32 to vector<16xi32>
        %div3A_507 = arith.divsi %select_n3A_493, %div3A_506 : vector<16xi32>
        %sign3A_508 = arith.constant 0 : i32
        %sign3A_509 = vector.broadcast %sign3A_508 : i32 to vector<16xi32>
        %sign3A_510 = arith.cmpi sgt, %select_n3A_493, %sign3A_509 : vector<16xi32>
        %sign3A_511 = arith.extui %sign3A_510 : vector<16xi1> to vector<16xi32>
        %sign3A_512 = arith.constant 0 : i32
        %sign3A_513 = vector.broadcast %sign3A_512 : i32 to vector<16xi32>
        %sign3A_514 = arith.cmpi slt, %select_n3A_493, %sign3A_513 : vector<16xi32>
        %sign3A_515 = arith.extui %sign3A_514 : vector<16xi1> to vector<16xi32>
        %sign3A_516 = arith.subi %sign3A_511, %sign3A_515 : vector<16xi32>
        %sign3A_517 = arith.constant 0 : i32
        %sign3A_518 = arith.cmpi sgt, %jit3A_505, %sign3A_517 : i32
        %sign3A_519 = arith.extui %sign3A_518 : i1 to i32
        %sign3A_520 = arith.constant 0 : i32
        %sign3A_521 = arith.cmpi slt, %jit3A_505, %sign3A_520 : i32
        %sign3A_522 = arith.extui %sign3A_521 : i1 to i32
        %sign3A_523 = arith.subi %sign3A_519, %sign3A_522 : i32
        %ne3A_524 = vector.broadcast %sign3A_523 : i32 to vector<16xi32>
        %ne3A_525 = arith.cmpi ne, %sign3A_516, %ne3A_524 : vector<16xi32>
        %rem3A_526 = vector.broadcast %jit3A_505 : i32 to vector<16xi32>
        %rem3A_527 = arith.remsi %select_n3A_493, %rem3A_526 : vector<16xi32>
        %ne3A_528 = arith.constant 0 : i32
        %ne3A_529 = vector.broadcast %ne3A_528 : i32 to vector<16xi32>
        %ne3A_530 = arith.cmpi ne, %rem3A_527, %ne3A_529 : vector<16xi32>
        %and3A_531 = arith.andi %ne3A_525, %ne3A_530 : vector<16xi1>
        %sub3A_532 = arith.constant 1 : i32
        %sub3A_533 = vector.broadcast %sub3A_532 : i32 to vector<16xi32>
        %sub3A_534 = arith.subi %div3A_507, %sub3A_533 : vector<16xi32>
        %select_n3A_535 = arith.select %and3A_531, %sub3A_534, %div3A_507 : vector<16xi1>, vector<16xi32>
        %jit3A_536 = arith.constant 262144 : i32
        %eq3A_537 = arith.constant 0 : i32
        %eq3A_538 = arith.cmpi eq, %jit3A_536, %eq3A_537 : i32
        %jit3A_539 = arith.constant 1 : i32
        %select_n3A_540 = arith.select %eq3A_538, %jit3A_539, %jit3A_536 : i32
        %rem3A_541 = vector.broadcast %select_n3A_540 : i32 to vector<16xi32>
        %rem3A_542 = arith.remsi %select_n3A_493, %rem3A_541 : vector<16xi32>
        %ne3A_543 = arith.constant 0 : i32
        %ne3A_544 = vector.broadcast %ne3A_543 : i32 to vector<16xi32>
        %ne3A_545 = arith.cmpi ne, %rem3A_542, %ne3A_544 : vector<16xi32>
        %lt3A_546 = arith.constant 0 : i32
        %lt3A_547 = vector.broadcast %lt3A_546 : i32 to vector<16xi32>
        %lt3A_548 = arith.cmpi slt, %rem3A_542, %lt3A_547 : vector<16xi32>
        %lt3A_549 = arith.constant 0 : i32
        %lt3A_550 = arith.cmpi slt, %select_n3A_540, %lt3A_549 : i32
        %ne3A_551 = vector.broadcast %lt3A_550 : i1 to vector<16xi1>
        %ne3A_552 = vector.broadcast %ne3A_551 : vector<16xi1> to vector<16xi1>
        %ne3A_553 = arith.xori %lt3A_548, %ne3A_552 : vector<16xi1>
        %and3A_554 = arith.andi %ne3A_553, %ne3A_545 : vector<16xi1>
        %add3A_555 = vector.broadcast %select_n3A_540 : i32 to vector<16xi32>
        %add3A_556 = arith.addi %rem3A_542, %add3A_555 : vector<16xi32>
        %select_n3A_557 = arith.select %and3A_554, %add3A_556, %rem3A_542 : vector<16xi1>, vector<16xi32>
        %jit3A_558 = arith.constant 512 : i32
        %div3A_559 = vector.broadcast %jit3A_558 : i32 to vector<16xi32>
        %div3A_560 = arith.divsi %select_n3A_557, %div3A_559 : vector<16xi32>
        %sign3A_561 = arith.constant 0 : i32
        %sign3A_562 = vector.broadcast %sign3A_561 : i32 to vector<16xi32>
        %sign3A_563 = arith.cmpi sgt, %select_n3A_557, %sign3A_562 : vector<16xi32>
        %sign3A_564 = arith.extui %sign3A_563 : vector<16xi1> to vector<16xi32>
        %sign3A_565 = arith.constant 0 : i32
        %sign3A_566 = vector.broadcast %sign3A_565 : i32 to vector<16xi32>
        %sign3A_567 = arith.cmpi slt, %select_n3A_557, %sign3A_566 : vector<16xi32>
        %sign3A_568 = arith.extui %sign3A_567 : vector<16xi1> to vector<16xi32>
        %sign3A_569 = arith.subi %sign3A_564, %sign3A_568 : vector<16xi32>
        %sign3A_570 = arith.constant 0 : i32
        %sign3A_571 = arith.cmpi sgt, %jit3A_558, %sign3A_570 : i32
        %sign3A_572 = arith.extui %sign3A_571 : i1 to i32
        %sign3A_573 = arith.constant 0 : i32
        %sign3A_574 = arith.cmpi slt, %jit3A_558, %sign3A_573 : i32
        %sign3A_575 = arith.extui %sign3A_574 : i1 to i32
        %sign3A_576 = arith.subi %sign3A_572, %sign3A_575 : i32
        %ne3A_577 = vector.broadcast %sign3A_576 : i32 to vector<16xi32>
        %ne3A_578 = arith.cmpi ne, %sign3A_569, %ne3A_577 : vector<16xi32>
        %rem3A_579 = vector.broadcast %jit3A_558 : i32 to vector<16xi32>
        %rem3A_580 = arith.remsi %select_n3A_557, %rem3A_579 : vector<16xi32>
        %ne3A_581 = arith.constant 0 : i32
        %ne3A_582 = vector.broadcast %ne3A_581 : i32 to vector<16xi32>
        %ne3A_583 = arith.cmpi ne, %rem3A_580, %ne3A_582 : vector<16xi32>
        %and3A_584 = arith.andi %ne3A_578, %ne3A_583 : vector<16xi1>
        %sub3A_585 = arith.constant 1 : i32
        %sub3A_586 = vector.broadcast %sub3A_585 : i32 to vector<16xi32>
        %sub3A_587 = arith.subi %div3A_560, %sub3A_586 : vector<16xi32>
        %select_n3A_588 = arith.select %and3A_584, %sub3A_587, %div3A_560 : vector<16xi1>, vector<16xi32>
        %jit3A_589 = arith.constant 512 : i32
        %eq3A_590 = arith.constant 0 : i32
        %eq3A_591 = arith.cmpi eq, %jit3A_589, %eq3A_590 : i32
        %jit3A_592 = arith.constant 1 : i32
        %select_n3A_593 = arith.select %eq3A_591, %jit3A_592, %jit3A_589 : i32
        %rem3A_594 = vector.broadcast %select_n3A_593 : i32 to vector<16xi32>
        %rem3A_595 = arith.remsi %select_n3A_557, %rem3A_594 : vector<16xi32>
        %ne3A_596 = arith.constant 0 : i32
        %ne3A_597 = vector.broadcast %ne3A_596 : i32 to vector<16xi32>
        %ne3A_598 = arith.cmpi ne, %rem3A_595, %ne3A_597 : vector<16xi32>
        %lt3A_599 = arith.constant 0 : i32
        %lt3A_600 = vector.broadcast %lt3A_599 : i32 to vector<16xi32>
        %lt3A_601 = arith.cmpi slt, %rem3A_595, %lt3A_600 : vector<16xi32>
        %lt3A_602 = arith.constant 0 : i32
        %lt3A_603 = arith.cmpi slt, %select_n3A_593, %lt3A_602 : i32
        %ne3A_604 = vector.broadcast %lt3A_603 : i1 to vector<16xi1>
        %ne3A_605 = vector.broadcast %ne3A_604 : vector<16xi1> to vector<16xi1>
        %ne3A_606 = arith.xori %lt3A_601, %ne3A_605 : vector<16xi1>
        %and3A_607 = arith.andi %ne3A_606, %ne3A_598 : vector<16xi1>
        %add3A_608 = vector.broadcast %select_n3A_593 : i32 to vector<16xi32>
        %add3A_609 = arith.addi %rem3A_595, %add3A_608 : vector<16xi32>
        %select_n3A_610 = arith.select %and3A_607, %add3A_609, %rem3A_595 : vector<16xi1>, vector<16xi32>
        %mul3A_611 = arith.constant 128 : i32
        %mul3A_612 = arith.muli %while3A_408, %mul3A_611 : i32
        %sub3A_613 = arith.subi %while3A_454, %mul3A_612 : i32
        %mul3A_614 = arith.constant 48 : i32
        %mul3A_615 = arith.muli %sub3A_613, %mul3A_614 : i32
        %mul3A_616 = arith.constant 3 : i32
        %mul3A_617 = vector.broadcast %mul3A_616 : i32 to vector<16xi32>
        %mul3A_618 = arith.muli %iota3A, %mul3A_617 : vector<16xi32>
        %add3A_619 = vector.broadcast %mul3A_615 : i32 to vector<16xi32>
        %add3A_620 = arith.addi %add3A_619, %mul3A_618 : vector<16xi32>
        tpu.vector_store_idx %arg14[%add3A_620], %select_n3A_535 : memref<6144xi32, #tpu.memory_space<vmem>>[vector<16xi32>], vector<16xi32>,
        %add3A_621 = arith.constant 1 : i32
        %add3A_622 = vector.broadcast %add3A_621 : i32 to vector<16xi32>
        %add3A_623 = arith.addi %add3A_620, %add3A_622 : vector<16xi32>
        tpu.vector_store_idx %arg14[%add3A_623], %select_n3A_588 : memref<6144xi32, #tpu.memory_space<vmem>>[vector<16xi32>], vector<16xi32>,
        %add3A_624 = arith.constant 2 : i32
        %add3A_625 = vector.broadcast %add3A_624 : i32 to vector<16xi32>
        %add3A_626 = arith.addi %add3A_620, %add3A_625 : vector<16xi32>
        tpu.vector_store_idx %arg14[%add3A_626], %select_n3A_610 : memref<6144xi32, #tpu.memory_space<vmem>>[vector<16xi32>], vector<16xi32>,
        %mul3A_627 = arith.constant 16 : i32
        %mul3A_628 = arith.muli %sub3A_613, %mul3A_627 : i32
        %swap3A = arith.index_cast %mul3A_628 : i32 to index
        %swap3A_629 = tpu.vector_load %arg15[%swap3A] {strides = array<i32>} : memref<2048xf32, #tpu.memory_space<vmem>>, vector<16xf32>,
        tpu.vector_store %arg15[%swap3A], %select_n3A_504 {strides = array<i32>} : memref<2048xf32, #tpu.memory_space<vmem>>, vector<16xf32>,
        %while3A_630 = arith.constant 0 : i32
        scf.yield %while3A_630 : i32
      }
      %while3A_436 = arith.constant 1 : i32
      %while3A_437 = scf.for %while3A_454 = %while3A_433 to %while3A_429 step %while3A_436 iter_args(%while3A_455 = %while3A_435) -> (i32)  : i32 {
        %mul3A_456 = arith.constant 16 : i32
        %mul3A_457 = arith.muli %mul3A_456, %while3A_454 : i32
        %add3A_458 = arith.addi %sub3A_68, %mul3A_457 : i32
        %mul3A_459 = arith.constant 2048 : i32
        %mul3A_460 = arith.muli %while3A_408, %mul3A_459 : i32
        %sub3A_461 = arith.subi %add3A_458, %mul3A_460 : i32
        %get3A_462 = arith.index_cast %sub3A_461 : i32 to index
        %get3A_463 = tpu.vector_load %arg12[%get3A_462] {strides = array<i32>} : memref<2064xi32, #tpu.memory_space<vmem>>, vector<16xi32>,
        %get3A_464 = arith.index_cast %sub3A_461 : i32 to index
        %get3A_465 = tpu.vector_load %arg13[%get3A_464] {strides = array<i32>} : memref<2064xf32, #tpu.memory_space<vmem>>, vector<16xf32>,
        %mul3A_466 = arith.constant 16 : i32
        %mul3A_467 = arith.muli %mul3A_466, %while3A_454 : i32
        %add3A_468 = arith.addi %sub3A_68, %mul3A_467 : i32
        %add3A_469 = vector.broadcast %add3A_468 : i32 to vector<16xi32>
        %add3A_470 = arith.addi %add3A_469, %iota3A : vector<16xi32>
        %lt3A = vector.broadcast %squeeze3A : i32 to vector<16xi32>
        %lt3A_471 = arith.cmpi slt, %add3A_470, %lt3A : vector<16xi32>
        %mul3A_472 = arith.constant 16 : i32
        %mul3A_473 = arith.muli %mul3A_472, %while3A_454 : i32
        %add3A_474 = arith.addi %sub3A_68, %mul3A_473 : i32
        %add3A_475 = vector.broadcast %add3A_474 : i32 to vector<16xi32>
        %add3A_476 = arith.addi %add3A_475, %iota3A : vector<16xi32>
        %sub3A_477 = vector.broadcast %squeeze3A : i32 to vector<16xi32>
        %sub3A_478 = arith.subi %add3A_476, %sub3A_477 : vector<16xi32>
        %jit3A_479 = arith.constant 0 : i32
        %jit3A_480 = arith.constant 15 : i32
        %max3A = vector.broadcast %jit3A_479 : i32 to vector<16xi32>
        %max3A_481 = arith.maxsi %max3A, %sub3A_478 : vector<16xi32>
        %min3A_482 = vector.broadcast %jit3A_480 : i32 to vector<16xi32>
        %min3A_483 = arith.minsi %min3A_482, %max3A_481 : vector<16xi32>
        %lt3A_484 = arith.constant 0 : i32
        %lt3A_485 = vector.broadcast %lt3A_484 : i32 to vector<16xi32>
        %lt3A_486 = arith.cmpi slt, %min3A_483, %lt3A_485 : vector<16xi32>
        %add3A_487 = arith.constant 16 : i32
        %add3A_488 = vector.broadcast %add3A_487 : i32 to vector<16xi32>
        %add3A_489 = arith.addi %min3A_483, %add3A_488 : vector<16xi32>
        %select_n3A_490 = arith.select %lt3A_486, %add3A_489, %min3A_483 : vector<16xi1>, vector<16xi32>
        %broadcast_in_dim3A_491 = vector.shape_cast %select_n3A_490 : vector<16xi32> to vector<16x1xi32>
        %gather3A = vector.shape_cast %broadcast_in_dim3A_491 : vector<16x1xi32> to vector<16xi32>
        %gather3A_492 = tpu.dynamic_gather %while3A_47#1[%gather3A] in [0] : vector<16xi32>, vector<16xi32> -> vector<16xi32>
        %select_n3A_493 = arith.select %lt3A_471, %get3A_463, %gather3A_492 : vector<16xi1>, vector<16xi32>
        %lt3A_494 = arith.constant 0 : i32
        %lt3A_495 = vector.broadcast %lt3A_494 : i32 to vector<16xi32>
        %lt3A_496 = arith.cmpi slt, %min3A_483, %lt3A_495 : vector<16xi32>
        %add3A_497 = arith.constant 16 : i32
        %add3A_498 = vector.broadcast %add3A_497 : i32 to vector<16xi32>
        %add3A_499 = arith.addi %min3A_483, %add3A_498 : vector<16xi32>
        %select_n3A_500 = arith.select %lt3A_496, %add3A_499, %min3A_483 : vector<16xi1>, vector<16xi32>
        %broadcast_in_dim3A_501 = vector.shape_cast %select_n3A_500 : vector<16xi32> to vector<16x1xi32>
        %gather3A_502 = vector.shape_cast %broadcast_in_dim3A_501 : vector<16x1xi32> to vector<16xi32>
        %gather3A_503 = tpu.dynamic_gather %while3A_47#2[%gather3A_502] in [0] : vector<16xf32>, vector<16xi32> -> vector<16xf32>
        %select_n3A_504 = arith.select %lt3A_471, %get3A_465, %gather3A_503 : vector<16xi1>, vector<16xf32>
        %jit3A_505 = arith.constant 262144 : i32
        %div3A_506 = vector.broadcast %jit3A_505 : i32 to vector<16xi32>
        %div3A_507 = arith.divsi %select_n3A_493, %div3A_506 : vector<16xi32>
        %sign3A_508 = arith.constant 0 : i32
        %sign3A_509 = vector.broadcast %sign3A_508 : i32 to vector<16xi32>
        %sign3A_510 = arith.cmpi sgt, %select_n3A_493, %sign3A_509 : vector<16xi32>
        %sign3A_511 = arith.extui %sign3A_510 : vector<16xi1> to vector<16xi32>
        %sign3A_512 = arith.constant 0 : i32
        %sign3A_513 = vector.broadcast %sign3A_512 : i32 to vector<16xi32>
        %sign3A_514 = arith.cmpi slt, %select_n3A_493, %sign3A_513 : vector<16xi32>
        %sign3A_515 = arith.extui %sign3A_514 : vector<16xi1> to vector<16xi32>
        %sign3A_516 = arith.subi %sign3A_511, %sign3A_515 : vector<16xi32>
        %sign3A_517 = arith.constant 0 : i32
        %sign3A_518 = arith.cmpi sgt, %jit3A_505, %sign3A_517 : i32
        %sign3A_519 = arith.extui %sign3A_518 : i1 to i32
        %sign3A_520 = arith.constant 0 : i32
        %sign3A_521 = arith.cmpi slt, %jit3A_505, %sign3A_520 : i32
        %sign3A_522 = arith.extui %sign3A_521 : i1 to i32
        %sign3A_523 = arith.subi %sign3A_519, %sign3A_522 : i32
        %ne3A_524 = vector.broadcast %sign3A_523 : i32 to vector<16xi32>
        %ne3A_525 = arith.cmpi ne, %sign3A_516, %ne3A_524 : vector<16xi32>
        %rem3A_526 = vector.broadcast %jit3A_505 : i32 to vector<16xi32>
        %rem3A_527 = arith.remsi %select_n3A_493, %rem3A_526 : vector<16xi32>
        %ne3A_528 = arith.constant 0 : i32
        %ne3A_529 = vector.broadcast %ne3A_528 : i32 to vector<16xi32>
        %ne3A_530 = arith.cmpi ne, %rem3A_527, %ne3A_529 : vector<16xi32>
        %and3A_531 = arith.andi %ne3A_525, %ne3A_530 : vector<16xi1>
        %sub3A_532 = arith.constant 1 : i32
        %sub3A_533 = vector.broadcast %sub3A_532 : i32 to vector<16xi32>
        %sub3A_534 = arith.subi %div3A_507, %sub3A_533 : vector<16xi32>
        %select_n3A_535 = arith.select %and3A_531, %sub3A_534, %div3A_507 : vector<16xi1>, vector<16xi32>
        %jit3A_536 = arith.constant 262144 : i32
        %eq3A_537 = arith.constant 0 : i32
        %eq3A_538 = arith.cmpi eq, %jit3A_536, %eq3A_537 : i32
        %jit3A_539 = arith.constant 1 : i32
        %select_n3A_540 = arith.select %eq3A_538, %jit3A_539, %jit3A_536 : i32
        %rem3A_541 = vector.broadcast %select_n3A_540 : i32 to vector<16xi32>
        %rem3A_542 = arith.remsi %select_n3A_493, %rem3A_541 : vector<16xi32>
        %ne3A_543 = arith.constant 0 : i32
        %ne3A_544 = vector.broadcast %ne3A_543 : i32 to vector<16xi32>
        %ne3A_545 = arith.cmpi ne, %rem3A_542, %ne3A_544 : vector<16xi32>
        %lt3A_546 = arith.constant 0 : i32
        %lt3A_547 = vector.broadcast %lt3A_546 : i32 to vector<16xi32>
        %lt3A_548 = arith.cmpi slt, %rem3A_542, %lt3A_547 : vector<16xi32>
        %lt3A_549 = arith.constant 0 : i32
        %lt3A_550 = arith.cmpi slt, %select_n3A_540, %lt3A_549 : i32
        %ne3A_551 = vector.broadcast %lt3A_550 : i1 to vector<16xi1>
        %ne3A_552 = vector.broadcast %ne3A_551 : vector<16xi1> to vector<16xi1>
        %ne3A_553 = arith.xori %lt3A_548, %ne3A_552 : vector<16xi1>
        %and3A_554 = arith.andi %ne3A_553, %ne3A_545 : vector<16xi1>
        %add3A_555 = vector.broadcast %select_n3A_540 : i32 to vector<16xi32>
        %add3A_556 = arith.addi %rem3A_542, %add3A_555 : vector<16xi32>
        %select_n3A_557 = arith.select %and3A_554, %add3A_556, %rem3A_542 : vector<16xi1>, vector<16xi32>
        %jit3A_558 = arith.constant 512 : i32
        %div3A_559 = vector.broadcast %jit3A_558 : i32 to vector<16xi32>
        %div3A_560 = arith.divsi %select_n3A_557, %div3A_559 : vector<16xi32>
        %sign3A_561 = arith.constant 0 : i32
        %sign3A_562 = vector.broadcast %sign3A_561 : i32 to vector<16xi32>
        %sign3A_563 = arith.cmpi sgt, %select_n3A_557, %sign3A_562 : vector<16xi32>
        %sign3A_564 = arith.extui %sign3A_563 : vector<16xi1> to vector<16xi32>
        %sign3A_565 = arith.constant 0 : i32
        %sign3A_566 = vector.broadcast %sign3A_565 : i32 to vector<16xi32>
        %sign3A_567 = arith.cmpi slt, %select_n3A_557, %sign3A_566 : vector<16xi32>
        %sign3A_568 = arith.extui %sign3A_567 : vector<16xi1> to vector<16xi32>
        %sign3A_569 = arith.subi %sign3A_564, %sign3A_568 : vector<16xi32>
        %sign3A_570 = arith.constant 0 : i32
        %sign3A_571 = arith.cmpi sgt, %jit3A_558, %sign3A_570 : i32
        %sign3A_572 = arith.extui %sign3A_571 : i1 to i32
        %sign3A_573 = arith.constant 0 : i32
        %sign3A_574 = arith.cmpi slt, %jit3A_558, %sign3A_573 : i32
        %sign3A_575 = arith.extui %sign3A_574 : i1 to i32
        %sign3A_576 = arith.subi %sign3A_572, %sign3A_575 : i32
        %ne3A_577 = vector.broadcast %sign3A_576 : i32 to vector<16xi32>
        %ne3A_578 = arith.cmpi ne, %sign3A_569, %ne3A_577 : vector<16xi32>
        %rem3A_579 = vector.broadcast %jit3A_558 : i32 to vector<16xi32>
        %rem3A_580 = arith.remsi %select_n3A_557, %rem3A_579 : vector<16xi32>
        %ne3A_581 = arith.constant 0 : i32
        %ne3A_582 = vector.broadcast %ne3A_581 : i32 to vector<16xi32>
        %ne3A_583 = arith.cmpi ne, %rem3A_580, %ne3A_582 : vector<16xi32>
        %and3A_584 = arith.andi %ne3A_578, %ne3A_583 : vector<16xi1>
        %sub3A_585 = arith.constant 1 : i32
        %sub3A_586 = vector.broadcast %sub3A_585 : i32 to vector<16xi32>
        %sub3A_587 = arith.subi %div3A_560, %sub3A_586 : vector<16xi32>
        %select_n3A_588 = arith.select %and3A_584, %sub3A_587, %div3A_560 : vector<16xi1>, vector<16xi32>
        %jit3A_589 = arith.constant 512 : i32
        %eq3A_590 = arith.constant 0 : i32
        %eq3A_591 = arith.cmpi eq, %jit3A_589, %eq3A_590 : i32
        %jit3A_592 = arith.constant 1 : i32
        %select_n3A_593 = arith.select %eq3A_591, %jit3A_592, %jit3A_589 : i32
        %rem3A_594 = vector.broadcast %select_n3A_593 : i32 to vector<16xi32>
        %rem3A_595 = arith.remsi %select_n3A_557, %rem3A_594 : vector<16xi32>
        %ne3A_596 = arith.constant 0 : i32
        %ne3A_597 = vector.broadcast %ne3A_596 : i32 to vector<16xi32>
        %ne3A_598 = arith.cmpi ne, %rem3A_595, %ne3A_597 : vector<16xi32>
        %lt3A_599 = arith.constant 0 : i32
        %lt3A_600 = vector.broadcast %lt3A_599 : i32 to vector<16xi32>
        %lt3A_601 = arith.cmpi slt, %rem3A_595, %lt3A_600 : vector<16xi32>
        %lt3A_602 = arith.constant 0 : i32
        %lt3A_603 = arith.cmpi slt, %select_n3A_593, %lt3A_602 : i32
        %ne3A_604 = vector.broadcast %lt3A_603 : i1 to vector<16xi1>
        %ne3A_605 = vector.broadcast %ne3A_604 : vector<16xi1> to vector<16xi1>
        %ne3A_606 = arith.xori %lt3A_601, %ne3A_605 : vector<16xi1>
        %and3A_607 = arith.andi %ne3A_606, %ne3A_598 : vector<16xi1>
        %add3A_608 = vector.broadcast %select_n3A_593 : i32 to vector<16xi32>
        %add3A_609 = arith.addi %rem3A_595, %add3A_608 : vector<16xi32>
        %select_n3A_610 = arith.select %and3A_607, %add3A_609, %rem3A_595 : vector<16xi1>, vector<16xi32>
        %mul3A_611 = arith.constant 128 : i32
        %mul3A_612 = arith.muli %while3A_408, %mul3A_611 : i32
        %sub3A_613 = arith.subi %while3A_454, %mul3A_612 : i32
        %mul3A_614 = arith.constant 48 : i32
        %mul3A_615 = arith.muli %sub3A_613, %mul3A_614 : i32
        %mul3A_616 = arith.constant 3 : i32
        %mul3A_617 = vector.broadcast %mul3A_616 : i32 to vector<16xi32>
        %mul3A_618 = arith.muli %iota3A, %mul3A_617 : vector<16xi32>
        %add3A_619 = vector.broadcast %mul3A_615 : i32 to vector<16xi32>
        %add3A_620 = arith.addi %add3A_619, %mul3A_618 : vector<16xi32>
        tpu.vector_store_idx %arg14[%add3A_620], %select_n3A_535 : memref<6144xi32, #tpu.memory_space<vmem>>[vector<16xi32>], vector<16xi32>,
        %add3A_621 = arith.constant 1 : i32
        %add3A_622 = vector.broadcast %add3A_621 : i32 to vector<16xi32>
        %add3A_623 = arith.addi %add3A_620, %add3A_622 : vector<16xi32>
        tpu.vector_store_idx %arg14[%add3A_623], %select_n3A_588 : memref<6144xi32, #tpu.memory_space<vmem>>[vector<16xi32>], vector<16xi32>,
        %add3A_624 = arith.constant 2 : i32
        %add3A_625 = vector.broadcast %add3A_624 : i32 to vector<16xi32>
        %add3A_626 = arith.addi %add3A_620, %add3A_625 : vector<16xi32>
        tpu.vector_store_idx %arg14[%add3A_626], %select_n3A_610 : memref<6144xi32, #tpu.memory_space<vmem>>[vector<16xi32>], vector<16xi32>,
        %mul3A_627 = arith.constant 16 : i32
        %mul3A_628 = arith.muli %sub3A_613, %mul3A_627 : i32
        %swap3A = arith.index_cast %mul3A_628 : i32 to index
        %swap3A_629 = tpu.vector_load %arg15[%swap3A] {strides = array<i32>} : memref<2048xf32, #tpu.memory_space<vmem>>, vector<16xf32>,
        tpu.vector_store %arg15[%swap3A], %select_n3A_504 {strides = array<i32>} : memref<2048xf32, #tpu.memory_space<vmem>>, vector<16xf32>,
        %while3A_630 = arith.constant 0 : i32
        scf.yield %while3A_630 : i32
      }
      %mul3A_438 = arith.constant 128 : i32
      %mul3A_439 = arith.muli %while3A_408, %mul3A_438 : i32
      %sub3A_440 = arith.subi %min3A, %mul3A_439 : i32
      %mul3A_441 = arith.constant 2048 : i32
      %mul3A_442 = arith.muli %while3A_408, %mul3A_441 : i32
      %add3A_443 = arith.addi %mul3A_67, %mul3A_442 : i32
      %eq3A_444 = arith.constant 128 : i32
      %eq3A_445 = arith.cmpi eq, %sub3A_440, %eq3A_444 : i32
      %convert_element_type3A_446 = arith.extui %eq3A_445 : i1 to i32
      %cond3A_447 = arith.constant 0 : i32
      %cond3A_448 = arith.cmpi ne, %convert_element_type3A_446, %cond3A_447 : i32
      scf.if %cond3A_448 {
        %mul3A_454 = arith.constant 3 : i32
        %mul3A_455 = arith.muli %add3A_443, %mul3A_454 : i32
        %multiple_of3A_456 = tpu.assume_multiple %mul3A_455, 48 : i32
        "tpu.region"() ({
          %run_scoped3A = tpu.sem_alloc : memref<!tpu.dma_semaphore, #tpu.memory_space<semaphore_mem>>
          %dma_start3A = tpu.memref_slice %arg6[%multiple_of3A_456] : memref<6291456xi32, #tpu.memory_space<hbm>> -> memref<6144xi32, #tpu.memory_space<hbm>>
          %dma_start3A_458 = tpu.memref_slice %arg6[%multiple_of3A_456] : memref<6291456xi32, #tpu.memory_space<hbm>> -> memref<6144xi32, #tpu.memory_space<hbm>>
          tpu.enqueue_dma source(%arg14 : memref<6144xi32, #tpu.memory_space<vmem>>) target(%dma_start3A_458 : memref<6144xi32, #tpu.memory_space<hbm>>) target_semaphore(%run_scoped3A : memref<!tpu.dma_semaphore, #tpu.memory_space<semaphore_mem>>)
          %dma_wait3A = tpu.memref_slice %arg6[%multiple_of3A_456] : memref<6291456xi32, #tpu.memory_space<hbm>> -> memref<6144xi32, #tpu.memory_space<hbm>>
          %dma_wait3A_459 = tpu.memref_slice %arg6[%multiple_of3A_456] : memref<6291456xi32, #tpu.memory_space<hbm>> -> memref<6144xi32, #tpu.memory_space<hbm>>
          tpu.wait_dma2 semaphore(%run_scoped3A : memref<!tpu.dma_semaphore, #tpu.memory_space<semaphore_mem>>) src(%arg14 : memref<6144xi32, #tpu.memory_space<vmem>>) dst(%dma_wait3A_459 : memref<6144xi32, #tpu.memory_space<hbm>>)
          tpu.yield
        }) : () -> ()
        %multiple_of3A_457 = tpu.assume_multiple %add3A_443, 16 : i32
        "tpu.region"() ({
          %run_scoped3A = tpu.sem_alloc : memref<!tpu.dma_semaphore, #tpu.memory_space<semaphore_mem>>
          %dma_start3A = tpu.memref_slice %arg7[%multiple_of3A_457] : memref<2097152xf32, #tpu.memory_space<hbm>> -> memref<2048xf32, #tpu.memory_space<hbm>>
          %dma_start3A_458 = tpu.memref_slice %arg7[%multiple_of3A_457] : memref<2097152xf32, #tpu.memory_space<hbm>> -> memref<2048xf32, #tpu.memory_space<hbm>>
          tpu.enqueue_dma source(%arg15 : memref<2048xf32, #tpu.memory_space<vmem>>) target(%dma_start3A_458 : memref<2048xf32, #tpu.memory_space<hbm>>) target_semaphore(%run_scoped3A : memref<!tpu.dma_semaphore, #tpu.memory_space<semaphore_mem>>)
          %dma_wait3A = tpu.memref_slice %arg7[%multiple_of3A_457] : memref<2097152xf32, #tpu.memory_space<hbm>> -> memref<2048xf32, #tpu.memory_space<hbm>>
          %dma_wait3A_459 = tpu.memref_slice %arg7[%multiple_of3A_457] : memref<2097152xf32, #tpu.memory_space<hbm>> -> memref<2048xf32, #tpu.memory_space<hbm>>
          tpu.wait_dma2 semaphore(%run_scoped3A : memref<!tpu.dma_semaphore, #tpu.memory_space<semaphore_mem>>) src(%arg15 : memref<2048xf32, #tpu.memory_space<vmem>>) dst(%dma_wait3A_459 : memref<2048xf32, #tpu.memory_space<hbm>>)
          tpu.yield
        }) : () -> ()
      } else {
      }
      %not3A = arith.constant true
      %not3A_449 = arith.xori %eq3A_445, %not3A : i1
      %convert_element_type3A_450 = arith.extui %not3A_449 : i1 to i32
      %cond3A_451 = arith.constant 0 : i32
      %cond3A_452 = arith.cmpi ne, %convert_element_type3A_450, %cond3A_451 : i32
      scf.if %cond3A_452 {
        %ge3A_454 = arith.constant 64 : i32
        %ge3A_455 = arith.cmpi sge, %sub3A_440, %ge3A_454 : i32
        %convert_element_type3A_456 = arith.extui %ge3A_455 : i1 to i32
        %cond3A_457 = arith.constant 0 : i32
        %cond3A_458 = arith.constant 0 : i32
        %cond3A_459 = arith.cmpi ne, %convert_element_type3A_456, %cond3A_458 : i32
        scf.if %cond3A_459 {
          %mul3A_526 = arith.constant 48 : i32
          %mul3A_527 = arith.muli %cond3A_457, %mul3A_526 : i32
          %mul3A_528 = arith.constant 16 : i32
          %mul3A_529 = arith.muli %cond3A_457, %mul3A_528 : i32
          %add3A_530 = arith.addi %add3A_443, %mul3A_529 : i32
          %mul3A_531 = arith.constant 3 : i32
          %mul3A_532 = arith.muli %add3A_530, %mul3A_531 : i32
          %multiple_of3A_533 = tpu.assume_multiple %mul3A_532, 48 : i32
          "tpu.region"() ({
            %run_scoped3A = tpu.sem_alloc : memref<!tpu.dma_semaphore, #tpu.memory_space<semaphore_mem>>
            %dma_start3A = tpu.memref_slice %arg14[%mul3A_527] : memref<6144xi32, #tpu.memory_space<vmem>> -> memref<3072xi32, #tpu.memory_space<vmem>>
            %dma_start3A_540 = tpu.memref_slice %arg6[%multiple_of3A_533] : memref<6291456xi32, #tpu.memory_space<hbm>> -> memref<3072xi32, #tpu.memory_space<hbm>>
            %dma_start3A_541 = tpu.memref_slice %arg6[%multiple_of3A_533] : memref<6291456xi32, #tpu.memory_space<hbm>> -> memref<3072xi32, #tpu.memory_space<hbm>>
            %dma_start3A_542 = tpu.memref_slice %arg14[%mul3A_527] : memref<6144xi32, #tpu.memory_space<vmem>> -> memref<3072xi32, #tpu.memory_space<vmem>>
            tpu.enqueue_dma source(%dma_start3A_542 : memref<3072xi32, #tpu.memory_space<vmem>>) target(%dma_start3A_541 : memref<3072xi32, #tpu.memory_space<hbm>>) target_semaphore(%run_scoped3A : memref<!tpu.dma_semaphore, #tpu.memory_space<semaphore_mem>>)
            %dma_wait3A = tpu.memref_slice %arg14[%mul3A_527] : memref<6144xi32, #tpu.memory_space<vmem>> -> memref<3072xi32, #tpu.memory_space<vmem>>
            %dma_wait3A_543 = tpu.memref_slice %arg6[%multiple_of3A_533] : memref<6291456xi32, #tpu.memory_space<hbm>> -> memref<3072xi32, #tpu.memory_space<hbm>>
            %dma_wait3A_544 = tpu.memref_slice %arg6[%multiple_of3A_533] : memref<6291456xi32, #tpu.memory_space<hbm>> -> memref<3072xi32, #tpu.memory_space<hbm>>
            %dma_wait3A_545 = tpu.memref_slice %arg14[%mul3A_527] : memref<6144xi32, #tpu.memory_space<vmem>> -> memref<3072xi32, #tpu.memory_space<vmem>>
            tpu.wait_dma2 semaphore(%run_scoped3A : memref<!tpu.dma_semaphore, #tpu.memory_space<semaphore_mem>>) src(%dma_wait3A_545 : memref<3072xi32, #tpu.memory_space<vmem>>) dst(%dma_wait3A_544 : memref<3072xi32, #tpu.memory_space<hbm>>)
            tpu.yield
          }) : () -> ()
          %mul3A_534 = arith.constant 16 : i32
          %mul3A_535 = arith.muli %cond3A_457, %mul3A_534 : i32
          %mul3A_536 = arith.constant 16 : i32
          %mul3A_537 = arith.muli %cond3A_457, %mul3A_536 : i32
          %add3A_538 = arith.addi %add3A_443, %mul3A_537 : i32
          %multiple_of3A_539 = tpu.assume_multiple %add3A_538, 16 : i32
          "tpu.region"() ({
            %run_scoped3A = tpu.sem_alloc : memref<!tpu.dma_semaphore, #tpu.memory_space<semaphore_mem>>
            %dma_start3A = tpu.memref_slice %arg15[%mul3A_535] : memref<2048xf32, #tpu.memory_space<vmem>> -> memref<1024xf32, #tpu.memory_space<vmem>>
            %dma_start3A_540 = tpu.memref_slice %arg7[%multiple_of3A_539] : memref<2097152xf32, #tpu.memory_space<hbm>> -> memref<1024xf32, #tpu.memory_space<hbm>>
            %dma_start3A_541 = tpu.memref_slice %arg7[%multiple_of3A_539] : memref<2097152xf32, #tpu.memory_space<hbm>> -> memref<1024xf32, #tpu.memory_space<hbm>>
            %dma_start3A_542 = tpu.memref_slice %arg15[%mul3A_535] : memref<2048xf32, #tpu.memory_space<vmem>> -> memref<1024xf32, #tpu.memory_space<vmem>>
            tpu.enqueue_dma source(%dma_start3A_542 : memref<1024xf32, #tpu.memory_space<vmem>>) target(%dma_start3A_541 : memref<1024xf32, #tpu.memory_space<hbm>>) target_semaphore(%run_scoped3A : memref<!tpu.dma_semaphore, #tpu.memory_space<semaphore_mem>>)
            %dma_wait3A = tpu.memref_slice %arg15[%mul3A_535] : memref<2048xf32, #tpu.memory_space<vmem>> -> memref<1024xf32, #tpu.memory_space<vmem>>
            %dma_wait3A_543 = tpu.memref_slice %arg7[%multiple_of3A_539] : memref<2097152xf32, #tpu.memory_space<hbm>> -> memref<1024xf32, #tpu.memory_space<hbm>>
            %dma_wait3A_544 = tpu.memref_slice %arg7[%multiple_of3A_539] : memref<2097152xf32, #tpu.memory_space<hbm>> -> memref<1024xf32, #tpu.memory_space<hbm>>
            %dma_wait3A_545 = tpu.memref_slice %arg15[%mul3A_535] : memref<2048xf32, #tpu.memory_space<vmem>> -> memref<1024xf32, #tpu.memory_space<vmem>>
            tpu.wait_dma2 semaphore(%run_scoped3A : memref<!tpu.dma_semaphore, #tpu.memory_space<semaphore_mem>>) src(%dma_wait3A_545 : memref<1024xf32, #tpu.memory_space<vmem>>) dst(%dma_wait3A_544 : memref<1024xf32, #tpu.memory_space<hbm>>)
            tpu.yield
          }) : () -> ()
        } else {
        }
        %jit3A_460 = arith.constant 64 : i32
        %jit3A_461 = arith.constant 0 : i32
        %select_n3A_462 = arith.select %ge3A_455, %jit3A_460, %jit3A_461 : i32
        %add3A_463 = arith.constant 0 : i32
        %add3A_464 = arith.addi %add3A_463, %select_n3A_462 : i32
        %sub3A_465 = arith.subi %sub3A_440, %select_n3A_462 : i32
        %ge3A_466 = arith.constant 32 : i32
        %ge3A_467 = arith.cmpi sge, %sub3A_465, %ge3A_466 : i32
        %convert_element_type3A_468 = arith.extui %ge3A_467 : i1 to i32
        %cond3A_469 = arith.constant 0 : i32
        %cond3A_470 = arith.cmpi ne, %convert_element_type3A_468, %cond3A_469 : i32
        scf.if %cond3A_470 {
          %mul3A_526 = arith.constant 48 : i32
          %mul3A_527 = arith.muli %add3A_464, %mul3A_526 : i32
          %mul3A_528 = arith.constant 16 : i32
          %mul3A_529 = arith.muli %add3A_464, %mul3A_528 : i32
          %add3A_530 = arith.addi %add3A_443, %mul3A_529 : i32
          %mul3A_531 = arith.constant 3 : i32
          %mul3A_532 = arith.muli %add3A_530, %mul3A_531 : i32
          %multiple_of3A_533 = tpu.assume_multiple %mul3A_532, 48 : i32
          "tpu.region"() ({
            %run_scoped3A = tpu.sem_alloc : memref<!tpu.dma_semaphore, #tpu.memory_space<semaphore_mem>>
            %dma_start3A = tpu.memref_slice %arg14[%mul3A_527] : memref<6144xi32, #tpu.memory_space<vmem>> -> memref<1536xi32, #tpu.memory_space<vmem>>
            %dma_start3A_540 = tpu.memref_slice %arg6[%multiple_of3A_533] : memref<6291456xi32, #tpu.memory_space<hbm>> -> memref<1536xi32, #tpu.memory_space<hbm>>
            %dma_start3A_541 = tpu.memref_slice %arg6[%multiple_of3A_533] : memref<6291456xi32, #tpu.memory_space<hbm>> -> memref<1536xi32, #tpu.memory_space<hbm>>
            %dma_start3A_542 = tpu.memref_slice %arg14[%mul3A_527] : memref<6144xi32, #tpu.memory_space<vmem>> -> memref<1536xi32, #tpu.memory_space<vmem>>
            tpu.enqueue_dma source(%dma_start3A_542 : memref<1536xi32, #tpu.memory_space<vmem>>) target(%dma_start3A_541 : memref<1536xi32, #tpu.memory_space<hbm>>) target_semaphore(%run_scoped3A : memref<!tpu.dma_semaphore, #tpu.memory_space<semaphore_mem>>)
            %dma_wait3A = tpu.memref_slice %arg14[%mul3A_527] : memref<6144xi32, #tpu.memory_space<vmem>> -> memref<1536xi32, #tpu.memory_space<vmem>>
            %dma_wait3A_543 = tpu.memref_slice %arg6[%multiple_of3A_533] : memref<6291456xi32, #tpu.memory_space<hbm>> -> memref<1536xi32, #tpu.memory_space<hbm>>
            %dma_wait3A_544 = tpu.memref_slice %arg6[%multiple_of3A_533] : memref<6291456xi32, #tpu.memory_space<hbm>> -> memref<1536xi32, #tpu.memory_space<hbm>>
            %dma_wait3A_545 = tpu.memref_slice %arg14[%mul3A_527] : memref<6144xi32, #tpu.memory_space<vmem>> -> memref<1536xi32, #tpu.memory_space<vmem>>
            tpu.wait_dma2 semaphore(%run_scoped3A : memref<!tpu.dma_semaphore, #tpu.memory_space<semaphore_mem>>) src(%dma_wait3A_545 : memref<1536xi32, #tpu.memory_space<vmem>>) dst(%dma_wait3A_544 : memref<1536xi32, #tpu.memory_space<hbm>>)
            tpu.yield
          }) : () -> ()
          %mul3A_534 = arith.constant 16 : i32
          %mul3A_535 = arith.muli %add3A_464, %mul3A_534 : i32
          %mul3A_536 = arith.constant 16 : i32
          %mul3A_537 = arith.muli %add3A_464, %mul3A_536 : i32
          %add3A_538 = arith.addi %add3A_443, %mul3A_537 : i32
          %multiple_of3A_539 = tpu.assume_multiple %add3A_538, 16 : i32
          "tpu.region"() ({
            %run_scoped3A = tpu.sem_alloc : memref<!tpu.dma_semaphore, #tpu.memory_space<semaphore_mem>>
            %dma_start3A = tpu.memref_slice %arg15[%mul3A_535] : memref<2048xf32, #tpu.memory_space<vmem>> -> memref<512xf32, #tpu.memory_space<vmem>>
            %dma_start3A_540 = tpu.memref_slice %arg7[%multiple_of3A_539] : memref<2097152xf32, #tpu.memory_space<hbm>> -> memref<512xf32, #tpu.memory_space<hbm>>
            %dma_start3A_541 = tpu.memref_slice %arg7[%multiple_of3A_539] : memref<2097152xf32, #tpu.memory_space<hbm>> -> memref<512xf32, #tpu.memory_space<hbm>>
            %dma_start3A_542 = tpu.memref_slice %arg15[%mul3A_535] : memref<2048xf32, #tpu.memory_space<vmem>> -> memref<512xf32, #tpu.memory_space<vmem>>
            tpu.enqueue_dma source(%dma_start3A_542 : memref<512xf32, #tpu.memory_space<vmem>>) target(%dma_start3A_541 : memref<512xf32, #tpu.memory_space<hbm>>) target_semaphore(%run_scoped3A : memref<!tpu.dma_semaphore, #tpu.memory_space<semaphore_mem>>)
            %dma_wait3A = tpu.memref_slice %arg15[%mul3A_535] : memref<2048xf32, #tpu.memory_space<vmem>> -> memref<512xf32, #tpu.memory_space<vmem>>
            %dma_wait3A_543 = tpu.memref_slice %arg7[%multiple_of3A_539] : memref<2097152xf32, #tpu.memory_space<hbm>> -> memref<512xf32, #tpu.memory_space<hbm>>
            %dma_wait3A_544 = tpu.memref_slice %arg7[%multiple_of3A_539] : memref<2097152xf32, #tpu.memory_space<hbm>> -> memref<512xf32, #tpu.memory_space<hbm>>
            %dma_wait3A_545 = tpu.memref_slice %arg15[%mul3A_535] : memref<2048xf32, #tpu.memory_space<vmem>> -> memref<512xf32, #tpu.memory_space<vmem>>
            tpu.wait_dma2 semaphore(%run_scoped3A : memref<!tpu.dma_semaphore, #tpu.memory_space<semaphore_mem>>) src(%dma_wait3A_545 : memref<512xf32, #tpu.memory_space<vmem>>) dst(%dma_wait3A_544 : memref<512xf32, #tpu.memory_space<hbm>>)
            tpu.yield
          }) : () -> ()
        } else {
        }
        %jit3A_471 = arith.constant 32 : i32
        %jit3A_472 = arith.constant 0 : i32
        %select_n3A_473 = arith.select %ge3A_467, %jit3A_471, %jit3A_472 : i32
        %add3A_474 = arith.addi %add3A_464, %select_n3A_473 : i32
        %sub3A_475 = arith.subi %sub3A_465, %select_n3A_473 : i32
        %ge3A_476 = arith.constant 16 : i32
        %ge3A_477 = arith.cmpi sge, %sub3A_475, %ge3A_476 : i32
        %convert_element_type3A_478 = arith.extui %ge3A_477 : i1 to i32
        %cond3A_479 = arith.constant 0 : i32
        %cond3A_480 = arith.cmpi ne, %convert_element_type3A_478, %cond3A_479 : i32
        scf.if %cond3A_480 {
          %mul3A_526 = arith.constant 48 : i32
          %mul3A_527 = arith.muli %add3A_474, %mul3A_526 : i32
          %mul3A_528 = arith.constant 16 : i32
          %mul3A_529 = arith.muli %add3A_474, %mul3A_528 : i32
          %add3A_530 = arith.addi %add3A_443, %mul3A_529 : i32
          %mul3A_531 = arith.constant 3 : i32
          %mul3A_532 = arith.muli %add3A_530, %mul3A_531 : i32
          %multiple_of3A_533 = tpu.assume_multiple %mul3A_532, 48 : i32
          "tpu.region"() ({
            %run_scoped3A = tpu.sem_alloc : memref<!tpu.dma_semaphore, #tpu.memory_space<semaphore_mem>>
            %dma_start3A = tpu.memref_slice %arg14[%mul3A_527] : memref<6144xi32, #tpu.memory_space<vmem>> -> memref<768xi32, #tpu.memory_space<vmem>>
            %dma_start3A_540 = tpu.memref_slice %arg6[%multiple_of3A_533] : memref<6291456xi32, #tpu.memory_space<hbm>> -> memref<768xi32, #tpu.memory_space<hbm>>
            %dma_start3A_541 = tpu.memref_slice %arg6[%multiple_of3A_533] : memref<6291456xi32, #tpu.memory_space<hbm>> -> memref<768xi32, #tpu.memory_space<hbm>>
            %dma_start3A_542 = tpu.memref_slice %arg14[%mul3A_527] : memref<6144xi32, #tpu.memory_space<vmem>> -> memref<768xi32, #tpu.memory_space<vmem>>
            tpu.enqueue_dma source(%dma_start3A_542 : memref<768xi32, #tpu.memory_space<vmem>>) target(%dma_start3A_541 : memref<768xi32, #tpu.memory_space<hbm>>) target_semaphore(%run_scoped3A : memref<!tpu.dma_semaphore, #tpu.memory_space<semaphore_mem>>)
            %dma_wait3A = tpu.memref_slice %arg14[%mul3A_527] : memref<6144xi32, #tpu.memory_space<vmem>> -> memref<768xi32, #tpu.memory_space<vmem>>
            %dma_wait3A_543 = tpu.memref_slice %arg6[%multiple_of3A_533] : memref<6291456xi32, #tpu.memory_space<hbm>> -> memref<768xi32, #tpu.memory_space<hbm>>
            %dma_wait3A_544 = tpu.memref_slice %arg6[%multiple_of3A_533] : memref<6291456xi32, #tpu.memory_space<hbm>> -> memref<768xi32, #tpu.memory_space<hbm>>
            %dma_wait3A_545 = tpu.memref_slice %arg14[%mul3A_527] : memref<6144xi32, #tpu.memory_space<vmem>> -> memref<768xi32, #tpu.memory_space<vmem>>
            tpu.wait_dma2 semaphore(%run_scoped3A : memref<!tpu.dma_semaphore, #tpu.memory_space<semaphore_mem>>) src(%dma_wait3A_545 : memref<768xi32, #tpu.memory_space<vmem>>) dst(%dma_wait3A_544 : memref<768xi32, #tpu.memory_space<hbm>>)
            tpu.yield
          }) : () -> ()
          %mul3A_534 = arith.constant 16 : i32
          %mul3A_535 = arith.muli %add3A_474, %mul3A_534 : i32
          %mul3A_536 = arith.constant 16 : i32
          %mul3A_537 = arith.muli %add3A_474, %mul3A_536 : i32
          %add3A_538 = arith.addi %add3A_443, %mul3A_537 : i32
          %multiple_of3A_539 = tpu.assume_multiple %add3A_538, 16 : i32
          "tpu.region"() ({
            %run_scoped3A = tpu.sem_alloc : memref<!tpu.dma_semaphore, #tpu.memory_space<semaphore_mem>>
            %dma_start3A = tpu.memref_slice %arg15[%mul3A_535] : memref<2048xf32, #tpu.memory_space<vmem>> -> memref<256xf32, #tpu.memory_space<vmem>>
            %dma_start3A_540 = tpu.memref_slice %arg7[%multiple_of3A_539] : memref<2097152xf32, #tpu.memory_space<hbm>> -> memref<256xf32, #tpu.memory_space<hbm>>
            %dma_start3A_541 = tpu.memref_slice %arg7[%multiple_of3A_539] : memref<2097152xf32, #tpu.memory_space<hbm>> -> memref<256xf32, #tpu.memory_space<hbm>>
            %dma_start3A_542 = tpu.memref_slice %arg15[%mul3A_535] : memref<2048xf32, #tpu.memory_space<vmem>> -> memref<256xf32, #tpu.memory_space<vmem>>
            tpu.enqueue_dma source(%dma_start3A_542 : memref<256xf32, #tpu.memory_space<vmem>>) target(%dma_start3A_541 : memref<256xf32, #tpu.memory_space<hbm>>) target_semaphore(%run_scoped3A : memref<!tpu.dma_semaphore, #tpu.memory_space<semaphore_mem>>)
            %dma_wait3A = tpu.memref_slice %arg15[%mul3A_535] : memref<2048xf32, #tpu.memory_space<vmem>> -> memref<256xf32, #tpu.memory_space<vmem>>
            %dma_wait3A_543 = tpu.memref_slice %arg7[%multiple_of3A_539] : memref<2097152xf32, #tpu.memory_space<hbm>> -> memref<256xf32, #tpu.memory_space<hbm>>
            %dma_wait3A_544 = tpu.memref_slice %arg7[%multiple_of3A_539] : memref<2097152xf32, #tpu.memory_space<hbm>> -> memref<256xf32, #tpu.memory_space<hbm>>
            %dma_wait3A_545 = tpu.memref_slice %arg15[%mul3A_535] : memref<2048xf32, #tpu.memory_space<vmem>> -> memref<256xf32, #tpu.memory_space<vmem>>
            tpu.wait_dma2 semaphore(%run_scoped3A : memref<!tpu.dma_semaphore, #tpu.memory_space<semaphore_mem>>) src(%dma_wait3A_545 : memref<256xf32, #tpu.memory_space<vmem>>) dst(%dma_wait3A_544 : memref<256xf32, #tpu.memory_space<hbm>>)
            tpu.yield
          }) : () -> ()
        } else {
        }
        %jit3A_481 = arith.constant 16 : i32
        %jit3A_482 = arith.constant 0 : i32
        %select_n3A_483 = arith.select %ge3A_477, %jit3A_481, %jit3A_482 : i32
        %add3A_484 = arith.addi %add3A_474, %select_n3A_483 : i32
        %sub3A_485 = arith.subi %sub3A_475, %select_n3A_483 : i32
        %ge3A_486 = arith.constant 8 : i32
        %ge3A_487 = arith.cmpi sge, %sub3A_485, %ge3A_486 : i32
        %convert_element_type3A_488 = arith.extui %ge3A_487 : i1 to i32
        %cond3A_489 = arith.constant 0 : i32
        %cond3A_490 = arith.cmpi ne, %convert_element_type3A_488, %cond3A_489 : i32
        scf.if %cond3A_490 {
          %mul3A_526 = arith.constant 48 : i32
          %mul3A_527 = arith.muli %add3A_484, %mul3A_526 : i32
          %mul3A_528 = arith.constant 16 : i32
          %mul3A_529 = arith.muli %add3A_484, %mul3A_528 : i32
          %add3A_530 = arith.addi %add3A_443, %mul3A_529 : i32
          %mul3A_531 = arith.constant 3 : i32
          %mul3A_532 = arith.muli %add3A_530, %mul3A_531 : i32
          %multiple_of3A_533 = tpu.assume_multiple %mul3A_532, 48 : i32
          "tpu.region"() ({
            %run_scoped3A = tpu.sem_alloc : memref<!tpu.dma_semaphore, #tpu.memory_space<semaphore_mem>>
            %dma_start3A = tpu.memref_slice %arg14[%mul3A_527] : memref<6144xi32, #tpu.memory_space<vmem>> -> memref<384xi32, #tpu.memory_space<vmem>>
            %dma_start3A_540 = tpu.memref_slice %arg6[%multiple_of3A_533] : memref<6291456xi32, #tpu.memory_space<hbm>> -> memref<384xi32, #tpu.memory_space<hbm>>
            %dma_start3A_541 = tpu.memref_slice %arg6[%multiple_of3A_533] : memref<6291456xi32, #tpu.memory_space<hbm>> -> memref<384xi32, #tpu.memory_space<hbm>>
            %dma_start3A_542 = tpu.memref_slice %arg14[%mul3A_527] : memref<6144xi32, #tpu.memory_space<vmem>> -> memref<384xi32, #tpu.memory_space<vmem>>
            tpu.enqueue_dma source(%dma_start3A_542 : memref<384xi32, #tpu.memory_space<vmem>>) target(%dma_start3A_541 : memref<384xi32, #tpu.memory_space<hbm>>) target_semaphore(%run_scoped3A : memref<!tpu.dma_semaphore, #tpu.memory_space<semaphore_mem>>)
            %dma_wait3A = tpu.memref_slice %arg14[%mul3A_527] : memref<6144xi32, #tpu.memory_space<vmem>> -> memref<384xi32, #tpu.memory_space<vmem>>
            %dma_wait3A_543 = tpu.memref_slice %arg6[%multiple_of3A_533] : memref<6291456xi32, #tpu.memory_space<hbm>> -> memref<384xi32, #tpu.memory_space<hbm>>
            %dma_wait3A_544 = tpu.memref_slice %arg6[%multiple_of3A_533] : memref<6291456xi32, #tpu.memory_space<hbm>> -> memref<384xi32, #tpu.memory_space<hbm>>
            %dma_wait3A_545 = tpu.memref_slice %arg14[%mul3A_527] : memref<6144xi32, #tpu.memory_space<vmem>> -> memref<384xi32, #tpu.memory_space<vmem>>
            tpu.wait_dma2 semaphore(%run_scoped3A : memref<!tpu.dma_semaphore, #tpu.memory_space<semaphore_mem>>) src(%dma_wait3A_545 : memref<384xi32, #tpu.memory_space<vmem>>) dst(%dma_wait3A_544 : memref<384xi32, #tpu.memory_space<hbm>>)
            tpu.yield
          }) : () -> ()
          %mul3A_534 = arith.constant 16 : i32
          %mul3A_535 = arith.muli %add3A_484, %mul3A_534 : i32
          %mul3A_536 = arith.constant 16 : i32
          %mul3A_537 = arith.muli %add3A_484, %mul3A_536 : i32
          %add3A_538 = arith.addi %add3A_443, %mul3A_537 : i32
          %multiple_of3A_539 = tpu.assume_multiple %add3A_538, 16 : i32
          "tpu.region"() ({
            %run_scoped3A = tpu.sem_alloc : memref<!tpu.dma_semaphore, #tpu.memory_space<semaphore_mem>>
            %dma_start3A = tpu.memref_slice %arg15[%mul3A_535] : memref<2048xf32, #tpu.memory_space<vmem>> -> memref<128xf32, #tpu.memory_space<vmem>>
            %dma_start3A_540 = tpu.memref_slice %arg7[%multiple_of3A_539] : memref<2097152xf32, #tpu.memory_space<hbm>> -> memref<128xf32, #tpu.memory_space<hbm>>
            %dma_start3A_541 = tpu.memref_slice %arg7[%multiple_of3A_539] : memref<2097152xf32, #tpu.memory_space<hbm>> -> memref<128xf32, #tpu.memory_space<hbm>>
            %dma_start3A_542 = tpu.memref_slice %arg15[%mul3A_535] : memref<2048xf32, #tpu.memory_space<vmem>> -> memref<128xf32, #tpu.memory_space<vmem>>
            tpu.enqueue_dma source(%dma_start3A_542 : memref<128xf32, #tpu.memory_space<vmem>>) target(%dma_start3A_541 : memref<128xf32, #tpu.memory_space<hbm>>) target_semaphore(%run_scoped3A : memref<!tpu.dma_semaphore, #tpu.memory_space<semaphore_mem>>)
            %dma_wait3A = tpu.memref_slice %arg15[%mul3A_535] : memref<2048xf32, #tpu.memory_space<vmem>> -> memref<128xf32, #tpu.memory_space<vmem>>
            %dma_wait3A_543 = tpu.memref_slice %arg7[%multiple_of3A_539] : memref<2097152xf32, #tpu.memory_space<hbm>> -> memref<128xf32, #tpu.memory_space<hbm>>
            %dma_wait3A_544 = tpu.memref_slice %arg7[%multiple_of3A_539] : memref<2097152xf32, #tpu.memory_space<hbm>> -> memref<128xf32, #tpu.memory_space<hbm>>
            %dma_wait3A_545 = tpu.memref_slice %arg15[%mul3A_535] : memref<2048xf32, #tpu.memory_space<vmem>> -> memref<128xf32, #tpu.memory_space<vmem>>
            tpu.wait_dma2 semaphore(%run_scoped3A : memref<!tpu.dma_semaphore, #tpu.memory_space<semaphore_mem>>) src(%dma_wait3A_545 : memref<128xf32, #tpu.memory_space<vmem>>) dst(%dma_wait3A_544 : memref<128xf32, #tpu.memory_space<hbm>>)
            tpu.yield
          }) : () -> ()
        } else {
        }
        %jit3A_491 = arith.constant 8 : i32
        %jit3A_492 = arith.constant 0 : i32
        %select_n3A_493 = arith.select %ge3A_487, %jit3A_491, %jit3A_492 : i32
        %add3A_494 = arith.addi %add3A_484, %select_n3A_493 : i32
        %sub3A_495 = arith.subi %sub3A_485, %select_n3A_493 : i32
        %ge3A_496 = arith.constant 4 : i32
        %ge3A_497 = arith.cmpi sge, %sub3A_495, %ge3A_496 : i32
        %convert_element_type3A_498 = arith.extui %ge3A_497 : i1 to i32
        %cond3A_499 = arith.constant 0 : i32
        %cond3A_500 = arith.cmpi ne, %convert_element_type3A_498, %cond3A_499 : i32
        scf.if %cond3A_500 {
          %mul3A_526 = arith.constant 48 : i32
          %mul3A_527 = arith.muli %add3A_494, %mul3A_526 : i32
          %mul3A_528 = arith.constant 16 : i32
          %mul3A_529 = arith.muli %add3A_494, %mul3A_528 : i32
          %add3A_530 = arith.addi %add3A_443, %mul3A_529 : i32
          %mul3A_531 = arith.constant 3 : i32
          %mul3A_532 = arith.muli %add3A_530, %mul3A_531 : i32
          %multiple_of3A_533 = tpu.assume_multiple %mul3A_532, 48 : i32
          "tpu.region"() ({
            %run_scoped3A = tpu.sem_alloc : memref<!tpu.dma_semaphore, #tpu.memory_space<semaphore_mem>>
            %dma_start3A = tpu.memref_slice %arg14[%mul3A_527] : memref<6144xi32, #tpu.memory_space<vmem>> -> memref<192xi32, #tpu.memory_space<vmem>>
            %dma_start3A_540 = tpu.memref_slice %arg6[%multiple_of3A_533] : memref<6291456xi32, #tpu.memory_space<hbm>> -> memref<192xi32, #tpu.memory_space<hbm>>
            %dma_start3A_541 = tpu.memref_slice %arg6[%multiple_of3A_533] : memref<6291456xi32, #tpu.memory_space<hbm>> -> memref<192xi32, #tpu.memory_space<hbm>>
            %dma_start3A_542 = tpu.memref_slice %arg14[%mul3A_527] : memref<6144xi32, #tpu.memory_space<vmem>> -> memref<192xi32, #tpu.memory_space<vmem>>
            tpu.enqueue_dma source(%dma_start3A_542 : memref<192xi32, #tpu.memory_space<vmem>>) target(%dma_start3A_541 : memref<192xi32, #tpu.memory_space<hbm>>) target_semaphore(%run_scoped3A : memref<!tpu.dma_semaphore, #tpu.memory_space<semaphore_mem>>)
            %dma_wait3A = tpu.memref_slice %arg14[%mul3A_527] : memref<6144xi32, #tpu.memory_space<vmem>> -> memref<192xi32, #tpu.memory_space<vmem>>
            %dma_wait3A_543 = tpu.memref_slice %arg6[%multiple_of3A_533] : memref<6291456xi32, #tpu.memory_space<hbm>> -> memref<192xi32, #tpu.memory_space<hbm>>
            %dma_wait3A_544 = tpu.memref_slice %arg6[%multiple_of3A_533] : memref<6291456xi32, #tpu.memory_space<hbm>> -> memref<192xi32, #tpu.memory_space<hbm>>
            %dma_wait3A_545 = tpu.memref_slice %arg14[%mul3A_527] : memref<6144xi32, #tpu.memory_space<vmem>> -> memref<192xi32, #tpu.memory_space<vmem>>
            tpu.wait_dma2 semaphore(%run_scoped3A : memref<!tpu.dma_semaphore, #tpu.memory_space<semaphore_mem>>) src(%dma_wait3A_545 : memref<192xi32, #tpu.memory_space<vmem>>) dst(%dma_wait3A_544 : memref<192xi32, #tpu.memory_space<hbm>>)
            tpu.yield
          }) : () -> ()
          %mul3A_534 = arith.constant 16 : i32
          %mul3A_535 = arith.muli %add3A_494, %mul3A_534 : i32
          %mul3A_536 = arith.constant 16 : i32
          %mul3A_537 = arith.muli %add3A_494, %mul3A_536 : i32
          %add3A_538 = arith.addi %add3A_443, %mul3A_537 : i32
          %multiple_of3A_539 = tpu.assume_multiple %add3A_538, 16 : i32
          "tpu.region"() ({
            %run_scoped3A = tpu.sem_alloc : memref<!tpu.dma_semaphore, #tpu.memory_space<semaphore_mem>>
            %dma_start3A = tpu.memref_slice %arg15[%mul3A_535] : memref<2048xf32, #tpu.memory_space<vmem>> -> memref<64xf32, #tpu.memory_space<vmem>>
            %dma_start3A_540 = tpu.memref_slice %arg7[%multiple_of3A_539] : memref<2097152xf32, #tpu.memory_space<hbm>> -> memref<64xf32, #tpu.memory_space<hbm>>
            %dma_start3A_541 = tpu.memref_slice %arg7[%multiple_of3A_539] : memref<2097152xf32, #tpu.memory_space<hbm>> -> memref<64xf32, #tpu.memory_space<hbm>>
            %dma_start3A_542 = tpu.memref_slice %arg15[%mul3A_535] : memref<2048xf32, #tpu.memory_space<vmem>> -> memref<64xf32, #tpu.memory_space<vmem>>
            tpu.enqueue_dma source(%dma_start3A_542 : memref<64xf32, #tpu.memory_space<vmem>>) target(%dma_start3A_541 : memref<64xf32, #tpu.memory_space<hbm>>) target_semaphore(%run_scoped3A : memref<!tpu.dma_semaphore, #tpu.memory_space<semaphore_mem>>)
            %dma_wait3A = tpu.memref_slice %arg15[%mul3A_535] : memref<2048xf32, #tpu.memory_space<vmem>> -> memref<64xf32, #tpu.memory_space<vmem>>
            %dma_wait3A_543 = tpu.memref_slice %arg7[%multiple_of3A_539] : memref<2097152xf32, #tpu.memory_space<hbm>> -> memref<64xf32, #tpu.memory_space<hbm>>
            %dma_wait3A_544 = tpu.memref_slice %arg7[%multiple_of3A_539] : memref<2097152xf32, #tpu.memory_space<hbm>> -> memref<64xf32, #tpu.memory_space<hbm>>
            %dma_wait3A_545 = tpu.memref_slice %arg15[%mul3A_535] : memref<2048xf32, #tpu.memory_space<vmem>> -> memref<64xf32, #tpu.memory_space<vmem>>
            tpu.wait_dma2 semaphore(%run_scoped3A : memref<!tpu.dma_semaphore, #tpu.memory_space<semaphore_mem>>) src(%dma_wait3A_545 : memref<64xf32, #tpu.memory_space<vmem>>) dst(%dma_wait3A_544 : memref<64xf32, #tpu.memory_space<hbm>>)
            tpu.yield
          }) : () -> ()
        } else {
        }
        %jit3A_501 = arith.constant 4 : i32
        %jit3A_502 = arith.constant 0 : i32
        %select_n3A_503 = arith.select %ge3A_497, %jit3A_501, %jit3A_502 : i32
        %add3A_504 = arith.addi %add3A_494, %select_n3A_503 : i32
        %sub3A_505 = arith.subi %sub3A_495, %select_n3A_503 : i32
        %ge3A_506 = arith.constant 2 : i32
        %ge3A_507 = arith.cmpi sge, %sub3A_505, %ge3A_506 : i32
        %convert_element_type3A_508 = arith.extui %ge3A_507 : i1 to i32
        %cond3A_509 = arith.constant 0 : i32
        %cond3A_510 = arith.cmpi ne, %convert_element_type3A_508, %cond3A_509 : i32
        scf.if %cond3A_510 {
          %mul3A_526 = arith.constant 48 : i32
          %mul3A_527 = arith.muli %add3A_504, %mul3A_526 : i32
          %mul3A_528 = arith.constant 16 : i32
          %mul3A_529 = arith.muli %add3A_504, %mul3A_528 : i32
          %add3A_530 = arith.addi %add3A_443, %mul3A_529 : i32
          %mul3A_531 = arith.constant 3 : i32
          %mul3A_532 = arith.muli %add3A_530, %mul3A_531 : i32
          %multiple_of3A_533 = tpu.assume_multiple %mul3A_532, 48 : i32
          "tpu.region"() ({
            %run_scoped3A = tpu.sem_alloc : memref<!tpu.dma_semaphore, #tpu.memory_space<semaphore_mem>>
            %dma_start3A = tpu.memref_slice %arg14[%mul3A_527] : memref<6144xi32, #tpu.memory_space<vmem>> -> memref<96xi32, #tpu.memory_space<vmem>>
            %dma_start3A_540 = tpu.memref_slice %arg6[%multiple_of3A_533] : memref<6291456xi32, #tpu.memory_space<hbm>> -> memref<96xi32, #tpu.memory_space<hbm>>
            %dma_start3A_541 = tpu.memref_slice %arg6[%multiple_of3A_533] : memref<6291456xi32, #tpu.memory_space<hbm>> -> memref<96xi32, #tpu.memory_space<hbm>>
            %dma_start3A_542 = tpu.memref_slice %arg14[%mul3A_527] : memref<6144xi32, #tpu.memory_space<vmem>> -> memref<96xi32, #tpu.memory_space<vmem>>
            tpu.enqueue_dma source(%dma_start3A_542 : memref<96xi32, #tpu.memory_space<vmem>>) target(%dma_start3A_541 : memref<96xi32, #tpu.memory_space<hbm>>) target_semaphore(%run_scoped3A : memref<!tpu.dma_semaphore, #tpu.memory_space<semaphore_mem>>)
            %dma_wait3A = tpu.memref_slice %arg14[%mul3A_527] : memref<6144xi32, #tpu.memory_space<vmem>> -> memref<96xi32, #tpu.memory_space<vmem>>
            %dma_wait3A_543 = tpu.memref_slice %arg6[%multiple_of3A_533] : memref<6291456xi32, #tpu.memory_space<hbm>> -> memref<96xi32, #tpu.memory_space<hbm>>
            %dma_wait3A_544 = tpu.memref_slice %arg6[%multiple_of3A_533] : memref<6291456xi32, #tpu.memory_space<hbm>> -> memref<96xi32, #tpu.memory_space<hbm>>
            %dma_wait3A_545 = tpu.memref_slice %arg14[%mul3A_527] : memref<6144xi32, #tpu.memory_space<vmem>> -> memref<96xi32, #tpu.memory_space<vmem>>
            tpu.wait_dma2 semaphore(%run_scoped3A : memref<!tpu.dma_semaphore, #tpu.memory_space<semaphore_mem>>) src(%dma_wait3A_545 : memref<96xi32, #tpu.memory_space<vmem>>) dst(%dma_wait3A_544 : memref<96xi32, #tpu.memory_space<hbm>>)
            tpu.yield
          }) : () -> ()
          %mul3A_534 = arith.constant 16 : i32
          %mul3A_535 = arith.muli %add3A_504, %mul3A_534 : i32
          %mul3A_536 = arith.constant 16 : i32
          %mul3A_537 = arith.muli %add3A_504, %mul3A_536 : i32
          %add3A_538 = arith.addi %add3A_443, %mul3A_537 : i32
          %multiple_of3A_539 = tpu.assume_multiple %add3A_538, 16 : i32
          "tpu.region"() ({
            %run_scoped3A = tpu.sem_alloc : memref<!tpu.dma_semaphore, #tpu.memory_space<semaphore_mem>>
            %dma_start3A = tpu.memref_slice %arg15[%mul3A_535] : memref<2048xf32, #tpu.memory_space<vmem>> -> memref<32xf32, #tpu.memory_space<vmem>>
            %dma_start3A_540 = tpu.memref_slice %arg7[%multiple_of3A_539] : memref<2097152xf32, #tpu.memory_space<hbm>> -> memref<32xf32, #tpu.memory_space<hbm>>
            %dma_start3A_541 = tpu.memref_slice %arg7[%multiple_of3A_539] : memref<2097152xf32, #tpu.memory_space<hbm>> -> memref<32xf32, #tpu.memory_space<hbm>>
            %dma_start3A_542 = tpu.memref_slice %arg15[%mul3A_535] : memref<2048xf32, #tpu.memory_space<vmem>> -> memref<32xf32, #tpu.memory_space<vmem>>
            tpu.enqueue_dma source(%dma_start3A_542 : memref<32xf32, #tpu.memory_space<vmem>>) target(%dma_start3A_541 : memref<32xf32, #tpu.memory_space<hbm>>) target_semaphore(%run_scoped3A : memref<!tpu.dma_semaphore, #tpu.memory_space<semaphore_mem>>)
            %dma_wait3A = tpu.memref_slice %arg15[%mul3A_535] : memref<2048xf32, #tpu.memory_space<vmem>> -> memref<32xf32, #tpu.memory_space<vmem>>
            %dma_wait3A_543 = tpu.memref_slice %arg7[%multiple_of3A_539] : memref<2097152xf32, #tpu.memory_space<hbm>> -> memref<32xf32, #tpu.memory_space<hbm>>
            %dma_wait3A_544 = tpu.memref_slice %arg7[%multiple_of3A_539] : memref<2097152xf32, #tpu.memory_space<hbm>> -> memref<32xf32, #tpu.memory_space<hbm>>
            %dma_wait3A_545 = tpu.memref_slice %arg15[%mul3A_535] : memref<2048xf32, #tpu.memory_space<vmem>> -> memref<32xf32, #tpu.memory_space<vmem>>
            tpu.wait_dma2 semaphore(%run_scoped3A : memref<!tpu.dma_semaphore, #tpu.memory_space<semaphore_mem>>) src(%dma_wait3A_545 : memref<32xf32, #tpu.memory_space<vmem>>) dst(%dma_wait3A_544 : memref<32xf32, #tpu.memory_space<hbm>>)
            tpu.yield
          }) : () -> ()
        } else {
        }
        %jit3A_511 = arith.constant 2 : i32
        %jit3A_512 = arith.constant 0 : i32
        %select_n3A_513 = arith.select %ge3A_507, %jit3A_511, %jit3A_512 : i32
        %add3A_514 = arith.addi %add3A_504, %select_n3A_513 : i32
        %sub3A_515 = arith.subi %sub3A_505, %select_n3A_513 : i32
        %ge3A_516 = arith.constant 1 : i32
        %ge3A_517 = arith.cmpi sge, %sub3A_515, %ge3A_516 : i32
        %convert_element_type3A_518 = arith.extui %ge3A_517 : i1 to i32
        %cond3A_519 = arith.constant 0 : i32
        %cond3A_520 = arith.cmpi ne, %convert_element_type3A_518, %cond3A_519 : i32
        scf.if %cond3A_520 {
          %mul3A_526 = arith.constant 48 : i32
          %mul3A_527 = arith.muli %add3A_514, %mul3A_526 : i32
          %mul3A_528 = arith.constant 16 : i32
          %mul3A_529 = arith.muli %add3A_514, %mul3A_528 : i32
          %add3A_530 = arith.addi %add3A_443, %mul3A_529 : i32
          %mul3A_531 = arith.constant 3 : i32
          %mul3A_532 = arith.muli %add3A_530, %mul3A_531 : i32
          %multiple_of3A_533 = tpu.assume_multiple %mul3A_532, 48 : i32
          "tpu.region"() ({
            %run_scoped3A = tpu.sem_alloc : memref<!tpu.dma_semaphore, #tpu.memory_space<semaphore_mem>>
            %dma_start3A = tpu.memref_slice %arg14[%mul3A_527] : memref<6144xi32, #tpu.memory_space<vmem>> -> memref<48xi32, #tpu.memory_space<vmem>>
            %dma_start3A_540 = tpu.memref_slice %arg6[%multiple_of3A_533] : memref<6291456xi32, #tpu.memory_space<hbm>> -> memref<48xi32, #tpu.memory_space<hbm>>
            %dma_start3A_541 = tpu.memref_slice %arg6[%multiple_of3A_533] : memref<6291456xi32, #tpu.memory_space<hbm>> -> memref<48xi32, #tpu.memory_space<hbm>>
            %dma_start3A_542 = tpu.memref_slice %arg14[%mul3A_527] : memref<6144xi32, #tpu.memory_space<vmem>> -> memref<48xi32, #tpu.memory_space<vmem>>
            tpu.enqueue_dma source(%dma_start3A_542 : memref<48xi32, #tpu.memory_space<vmem>>) target(%dma_start3A_541 : memref<48xi32, #tpu.memory_space<hbm>>) target_semaphore(%run_scoped3A : memref<!tpu.dma_semaphore, #tpu.memory_space<semaphore_mem>>)
            %dma_wait3A = tpu.memref_slice %arg14[%mul3A_527] : memref<6144xi32, #tpu.memory_space<vmem>> -> memref<48xi32, #tpu.memory_space<vmem>>
            %dma_wait3A_543 = tpu.memref_slice %arg6[%multiple_of3A_533] : memref<6291456xi32, #tpu.memory_space<hbm>> -> memref<48xi32, #tpu.memory_space<hbm>>
            %dma_wait3A_544 = tpu.memref_slice %arg6[%multiple_of3A_533] : memref<6291456xi32, #tpu.memory_space<hbm>> -> memref<48xi32, #tpu.memory_space<hbm>>
            %dma_wait3A_545 = tpu.memref_slice %arg14[%mul3A_527] : memref<6144xi32, #tpu.memory_space<vmem>> -> memref<48xi32, #tpu.memory_space<vmem>>
            tpu.wait_dma2 semaphore(%run_scoped3A : memref<!tpu.dma_semaphore, #tpu.memory_space<semaphore_mem>>) src(%dma_wait3A_545 : memref<48xi32, #tpu.memory_space<vmem>>) dst(%dma_wait3A_544 : memref<48xi32, #tpu.memory_space<hbm>>)
            tpu.yield
          }) : () -> ()
          %mul3A_534 = arith.constant 16 : i32
          %mul3A_535 = arith.muli %add3A_514, %mul3A_534 : i32
          %mul3A_536 = arith.constant 16 : i32
          %mul3A_537 = arith.muli %add3A_514, %mul3A_536 : i32
          %add3A_538 = arith.addi %add3A_443, %mul3A_537 : i32
          %multiple_of3A_539 = tpu.assume_multiple %add3A_538, 16 : i32
          "tpu.region"() ({
            %run_scoped3A = tpu.sem_alloc : memref<!tpu.dma_semaphore, #tpu.memory_space<semaphore_mem>>
            %dma_start3A = tpu.memref_slice %arg15[%mul3A_535] : memref<2048xf32, #tpu.memory_space<vmem>> -> memref<16xf32, #tpu.memory_space<vmem>>
            %dma_start3A_540 = tpu.memref_slice %arg7[%multiple_of3A_539] : memref<2097152xf32, #tpu.memory_space<hbm>> -> memref<16xf32, #tpu.memory_space<hbm>>
            %dma_start3A_541 = tpu.memref_slice %arg7[%multiple_of3A_539] : memref<2097152xf32, #tpu.memory_space<hbm>> -> memref<16xf32, #tpu.memory_space<hbm>>
            %dma_start3A_542 = tpu.memref_slice %arg15[%mul3A_535] : memref<2048xf32, #tpu.memory_space<vmem>> -> memref<16xf32, #tpu.memory_space<vmem>>
            tpu.enqueue_dma source(%dma_start3A_542 : memref<16xf32, #tpu.memory_space<vmem>>) target(%dma_start3A_541 : memref<16xf32, #tpu.memory_space<hbm>>) target_semaphore(%run_scoped3A : memref<!tpu.dma_semaphore, #tpu.memory_space<semaphore_mem>>)
            %dma_wait3A = tpu.memref_slice %arg15[%mul3A_535] : memref<2048xf32, #tpu.memory_space<vmem>> -> memref<16xf32, #tpu.memory_space<vmem>>
            %dma_wait3A_543 = tpu.memref_slice %arg7[%multiple_of3A_539] : memref<2097152xf32, #tpu.memory_space<hbm>> -> memref<16xf32, #tpu.memory_space<hbm>>
            %dma_wait3A_544 = tpu.memref_slice %arg7[%multiple_of3A_539] : memref<2097152xf32, #tpu.memory_space<hbm>> -> memref<16xf32, #tpu.memory_space<hbm>>
            %dma_wait3A_545 = tpu.memref_slice %arg15[%mul3A_535] : memref<2048xf32, #tpu.memory_space<vmem>> -> memref<16xf32, #tpu.memory_space<vmem>>
            tpu.wait_dma2 semaphore(%run_scoped3A : memref<!tpu.dma_semaphore, #tpu.memory_space<semaphore_mem>>) src(%dma_wait3A_545 : memref<16xf32, #tpu.memory_space<vmem>>) dst(%dma_wait3A_544 : memref<16xf32, #tpu.memory_space<hbm>>)
            tpu.yield
          }) : () -> ()
        } else {
        }
        %jit3A_521 = arith.constant 1 : i32
        %jit3A_522 = arith.constant 0 : i32
        %select_n3A_523 = arith.select %ge3A_517, %jit3A_521, %jit3A_522 : i32
        %add3A_524 = arith.addi %add3A_514, %select_n3A_523 : i32
        %sub3A_525 = arith.subi %sub3A_515, %select_n3A_523 : i32
      } else {
      }
      %while3A_453 = arith.constant 0 : i32
      scf.yield %while3A_453 : i32
    }
    %scan3A_160 = arith.constant 0 : i32
    %scan3A_161 = arith.constant 0 : i32
    %scan3A_162 = arith.constant 384 : i32
    %scan3A_163 = arith.addi %scan3A_161, %scan3A_162 : i32
    %scan3A_164 = arith.constant 1 : i32
    %scan3A_165 = scf.for %scan3A_408 = %scan3A_161 to %scan3A_163 step %scan3A_164 iter_args(%scan3A_409 = %scan3A_160) -> (i32)  : i32 {
      %broadcast_in_dim3A_410 = arith.constant 0 : i32
      %broadcast_in_dim3A_411 = vector.broadcast %broadcast_in_dim3A_410 : i32 to vector<16xi32>
      %mul3A_412 = arith.constant 16 : i32
      %mul3A_413 = arith.muli %scan3A_408, %mul3A_412 : i32
      %swap3A = arith.index_cast %mul3A_413 : i32 to index
      %swap3A_414 = tpu.vector_load %arg14[%swap3A] {strides = array<i32>} : memref<6144xi32, #tpu.memory_space<vmem>>, vector<16xi32>,
      tpu.vector_store %arg14[%swap3A], %broadcast_in_dim3A_411 {strides = array<i32>} : memref<6144xi32, #tpu.memory_space<vmem>>, vector<16xi32>,
      %scan3A_415 = arith.constant 0 : i32
      scf.yield %scan3A_415 : i32
    }
    %scan3A_166 = arith.constant 384 : i32
    %scan3A_167 = arith.constant 0 : i32
    %scan3A_168 = arith.constant 0 : i32
    %scan3A_169 = arith.constant 128 : i32
    %scan3A_170 = arith.addi %scan3A_168, %scan3A_169 : i32
    %scan3A_171 = arith.constant 1 : i32
    %scan3A_172 = scf.for %scan3A_408 = %scan3A_168 to %scan3A_170 step %scan3A_171 iter_args(%scan3A_409 = %scan3A_167) -> (i32)  : i32 {
      %mul3A_410 = arith.constant 16 : i32
      %mul3A_411 = arith.muli %scan3A_408, %mul3A_410 : i32
      %swap3A = arith.index_cast %mul3A_411 : i32 to index
      %swap3A_412 = tpu.vector_load %arg15[%swap3A] {strides = array<i32>} : memref<2048xf32, #tpu.memory_space<vmem>>, vector<16xf32>,
      tpu.vector_store %arg15[%swap3A], %add3A_18 {strides = array<i32>} : memref<2048xf32, #tpu.memory_space<vmem>>, vector<16xf32>,
      %scan3A_413 = arith.constant 0 : i32
      scf.yield %scan3A_413 : i32
    }
    %scan3A_173 = arith.constant 128 : i32
    %add3A_174 = arith.constant 15 : i32
    %add3A_175 = arith.addi %scan3A_6#1, %add3A_174 : i32
    %jit3A_176 = arith.constant 16 : i32
    %div3A_177 = arith.divsi %add3A_175, %jit3A_176 : i32
    %sign3A_178 = arith.constant 0 : i32
    %sign3A_179 = arith.cmpi sgt, %add3A_175, %sign3A_178 : i32
    %sign3A_180 = arith.extui %sign3A_179 : i1 to i32
    %sign3A_181 = arith.constant 0 : i32
    %sign3A_182 = arith.cmpi slt, %add3A_175, %sign3A_181 : i32
    %sign3A_183 = arith.extui %sign3A_182 : i1 to i32
    %sign3A_184 = arith.subi %sign3A_180, %sign3A_183 : i32
    %sign3A_185 = arith.constant 0 : i32
    %sign3A_186 = arith.cmpi sgt, %jit3A_176, %sign3A_185 : i32
    %sign3A_187 = arith.extui %sign3A_186 : i1 to i32
    %sign3A_188 = arith.constant 0 : i32
    %sign3A_189 = arith.cmpi slt, %jit3A_176, %sign3A_188 : i32
    %sign3A_190 = arith.extui %sign3A_189 : i1 to i32
    %sign3A_191 = arith.subi %sign3A_187, %sign3A_190 : i32
    %ne3A_192 = arith.cmpi ne, %sign3A_184, %sign3A_191 : i32
    %rem3A_193 = arith.remsi %add3A_175, %jit3A_176 : i32
    %ne3A_194 = arith.constant 0 : i32
    %ne3A_195 = arith.cmpi ne, %rem3A_193, %ne3A_194 : i32
    %and3A_196 = arith.andi %ne3A_192, %ne3A_195 : i1
    %sub3A_197 = arith.constant 1 : i32
    %sub3A_198 = arith.subi %div3A_177, %sub3A_197 : i32
    %select_n3A_199 = arith.select %and3A_196, %sub3A_198, %div3A_177 : i32
    %mul3A_200 = arith.constant 16 : i32
    %mul3A_201 = arith.muli %select_n3A_199, %mul3A_200 : i32
    %sub3A_202 = arith.constant 2097152 : i32
    %sub3A_203 = arith.subi %sub3A_202, %mul3A_201 : i32
    %jit3A_204 = arith.constant 16 : i32
    %div3A_205 = arith.divsi %sub3A_203, %jit3A_204 : i32
    %sign3A_206 = arith.constant 0 : i32
    %sign3A_207 = arith.cmpi sgt, %sub3A_203, %sign3A_206 : i32
    %sign3A_208 = arith.extui %sign3A_207 : i1 to i32
    %sign3A_209 = arith.constant 0 : i32
    %sign3A_210 = arith.cmpi slt, %sub3A_203, %sign3A_209 : i32
    %sign3A_211 = arith.extui %sign3A_210 : i1 to i32
    %sign3A_212 = arith.subi %sign3A_208, %sign3A_211 : i32
    %sign3A_213 = arith.constant 0 : i32
    %sign3A_214 = arith.cmpi sgt, %jit3A_204, %sign3A_213 : i32
    %sign3A_215 = arith.extui %sign3A_214 : i1 to i32
    %sign3A_216 = arith.constant 0 : i32
    %sign3A_217 = arith.cmpi slt, %jit3A_204, %sign3A_216 : i32
    %sign3A_218 = arith.extui %sign3A_217 : i1 to i32
    %sign3A_219 = arith.subi %sign3A_215, %sign3A_218 : i32
    %ne3A_220 = arith.cmpi ne, %sign3A_212, %sign3A_219 : i32
    %rem3A_221 = arith.remsi %sub3A_203, %jit3A_204 : i32
    %ne3A_222 = arith.constant 0 : i32
    %ne3A_223 = arith.cmpi ne, %rem3A_221, %ne3A_222 : i32
    %and3A_224 = arith.andi %ne3A_220, %ne3A_223 : i1
    %sub3A_225 = arith.constant 1 : i32
    %sub3A_226 = arith.subi %div3A_205, %sub3A_225 : i32
    %select_n3A_227 = arith.select %and3A_224, %sub3A_226, %div3A_205 : i32
    %mul3A_228 = arith.muli %add3A, %select_n3A_227 : i32
    %jit3A_229 = arith.constant 32 : i32
    %div3A_230 = arith.divsi %mul3A_228, %jit3A_229 : i32
    %sign3A_231 = arith.constant 0 : i32
    %sign3A_232 = arith.cmpi sgt, %mul3A_228, %sign3A_231 : i32
    %sign3A_233 = arith.extui %sign3A_232 : i1 to i32
    %sign3A_234 = arith.constant 0 : i32
    %sign3A_235 = arith.cmpi slt, %mul3A_228, %sign3A_234 : i32
    %sign3A_236 = arith.extui %sign3A_235 : i1 to i32
    %sign3A_237 = arith.subi %sign3A_233, %sign3A_236 : i32
    %sign3A_238 = arith.constant 0 : i32
    %sign3A_239 = arith.cmpi sgt, %jit3A_229, %sign3A_238 : i32
    %sign3A_240 = arith.extui %sign3A_239 : i1 to i32
    %sign3A_241 = arith.constant 0 : i32
    %sign3A_242 = arith.cmpi slt, %jit3A_229, %sign3A_241 : i32
    %sign3A_243 = arith.extui %sign3A_242 : i1 to i32
    %sign3A_244 = arith.subi %sign3A_240, %sign3A_243 : i32
    %ne3A_245 = arith.cmpi ne, %sign3A_237, %sign3A_244 : i32
    %rem3A_246 = arith.remsi %mul3A_228, %jit3A_229 : i32
    %ne3A_247 = arith.constant 0 : i32
    %ne3A_248 = arith.cmpi ne, %rem3A_246, %ne3A_247 : i32
    %and3A_249 = arith.andi %ne3A_245, %ne3A_248 : i1
    %sub3A_250 = arith.constant 1 : i32
    %sub3A_251 = arith.subi %div3A_230, %sub3A_250 : i32
    %select_n3A_252 = arith.select %and3A_249, %sub3A_251, %div3A_230 : i32
    %add3A_253 = arith.constant 1 : i32
    %add3A_254 = arith.addi %add3A, %add3A_253 : i32
    %mul3A_255 = arith.muli %add3A_254, %select_n3A_227 : i32
    %jit3A_256 = arith.constant 32 : i32
    %div3A_257 = arith.divsi %mul3A_255, %jit3A_256 : i32
    %sign3A_258 = arith.constant 0 : i32
    %sign3A_259 = arith.cmpi sgt, %mul3A_255, %sign3A_258 : i32
    %sign3A_260 = arith.extui %sign3A_259 : i1 to i32
    %sign3A_261 = arith.constant 0 : i32
    %sign3A_262 = arith.cmpi slt, %mul3A_255, %sign3A_261 : i32
    %sign3A_263 = arith.extui %sign3A_262 : i1 to i32
    %sign3A_264 = arith.subi %sign3A_260, %sign3A_263 : i32
    %sign3A_265 = arith.constant 0 : i32
    %sign3A_266 = arith.cmpi sgt, %jit3A_256, %sign3A_265 : i32
    %sign3A_267 = arith.extui %sign3A_266 : i1 to i32
    %sign3A_268 = arith.constant 0 : i32
    %sign3A_269 = arith.cmpi slt, %jit3A_256, %sign3A_268 : i32
    %sign3A_270 = arith.extui %sign3A_269 : i1 to i32
    %sign3A_271 = arith.subi %sign3A_267, %sign3A_270 : i32
    %ne3A_272 = arith.cmpi ne, %sign3A_264, %sign3A_271 : i32
    %rem3A_273 = arith.remsi %mul3A_255, %jit3A_256 : i32
    %ne3A_274 = arith.constant 0 : i32
    %ne3A_275 = arith.cmpi ne, %rem3A_273, %ne3A_274 : i32
    %and3A_276 = arith.andi %ne3A_272, %ne3A_275 : i1
    %sub3A_277 = arith.constant 1 : i32
    %sub3A_278 = arith.subi %div3A_257, %sub3A_277 : i32
    %select_n3A_279 = arith.select %and3A_276, %sub3A_278, %div3A_257 : i32
    %mul3A_280 = arith.constant 16 : i32
    %mul3A_281 = arith.muli %select_n3A_252, %mul3A_280 : i32
    %add3A_282 = arith.addi %mul3A_201, %mul3A_281 : i32
    %sub3A_283 = arith.subi %select_n3A_279, %select_n3A_252 : i32
    %jit3A_284 = arith.constant 128 : i32
    %div3A_285 = arith.divsi %sub3A_283, %jit3A_284 : i32
    %sign3A_286 = arith.constant 0 : i32
    %sign3A_287 = arith.cmpi sgt, %sub3A_283, %sign3A_286 : i32
    %sign3A_288 = arith.extui %sign3A_287 : i1 to i32
    %sign3A_289 = arith.constant 0 : i32
    %sign3A_290 = arith.cmpi slt, %sub3A_283, %sign3A_289 : i32
    %sign3A_291 = arith.extui %sign3A_290 : i1 to i32
    %sign3A_292 = arith.subi %sign3A_288, %sign3A_291 : i32
    %sign3A_293 = arith.constant 0 : i32
    %sign3A_294 = arith.cmpi sgt, %jit3A_284, %sign3A_293 : i32
    %sign3A_295 = arith.extui %sign3A_294 : i1 to i32
    %sign3A_296 = arith.constant 0 : i32
    %sign3A_297 = arith.cmpi slt, %jit3A_284, %sign3A_296 : i32
    %sign3A_298 = arith.extui %sign3A_297 : i1 to i32
    %sign3A_299 = arith.subi %sign3A_295, %sign3A_298 : i32
    %ne3A_300 = arith.cmpi ne, %sign3A_292, %sign3A_299 : i32
    %rem3A_301 = arith.remsi %sub3A_283, %jit3A_284 : i32
    %ne3A_302 = arith.constant 0 : i32
    %ne3A_303 = arith.cmpi ne, %rem3A_301, %ne3A_302 : i32
    %and3A_304 = arith.andi %ne3A_300, %ne3A_303 : i1
    %sub3A_305 = arith.constant 1 : i32
    %sub3A_306 = arith.subi %div3A_285, %sub3A_305 : i32
    %select_n3A_307 = arith.select %and3A_304, %sub3A_306, %div3A_285 : i32
    %while3A_308 = arith.constant 0 : i32
    %while3A_309 = arith.constant 0 : i32
    %while3A_310 = arith.subi %select_n3A_307, %while3A_308 : i32
    %while3A_311 = arith.addi %while3A_308, %while3A_310 : i32
    %while3A_312 = arith.constant 1 : i32
    %while3A_313 = arith.divsi %while3A_310, %while3A_312 : i32
    %while3A_314 = arith.muli %while3A_313, %while3A_312 : i32
    %while3A_315 = arith.addi %while3A_308, %while3A_314 : i32
    %while3A_316 = arith.constant 1 : i32
    %while3A_317 = scf.for %while3A_408 = %while3A_308 to %while3A_315 step %while3A_316 iter_args(%while3A_409 = %while3A_309) -> (i32)  : i32 {
      %mul3A_410 = arith.constant 2048 : i32
      %mul3A_411 = arith.muli %while3A_408, %mul3A_410 : i32
      %add3A_412 = arith.addi %add3A_282, %mul3A_411 : i32
      %mul3A_413 = arith.constant 3 : i32
      %mul3A_414 = arith.muli %add3A_412, %mul3A_413 : i32
      %multiple_of3A = tpu.assume_multiple %mul3A_414, 48 : i32
      %dma_start3A = tpu.memref_slice %arg6[%multiple_of3A] : memref<6291456xi32, #tpu.memory_space<hbm>> -> memref<6144xi32, #tpu.memory_space<hbm>>
      %dma_start3A_415 = tpu.memref_slice %arg6[%multiple_of3A] : memref<6291456xi32, #tpu.memory_space<hbm>> -> memref<6144xi32, #tpu.memory_space<hbm>>
      tpu.enqueue_dma source(%arg14 : memref<6144xi32, #tpu.memory_space<vmem>>) target(%dma_start3A_415 : memref<6144xi32, #tpu.memory_space<hbm>>) target_semaphore(%arg17 : memref<!tpu.dma_semaphore, #tpu.memory_space<semaphore_mem>>)
      %mul3A_416 = arith.constant 2048 : i32
      %mul3A_417 = arith.muli %while3A_408, %mul3A_416 : i32
      %add3A_418 = arith.addi %add3A_282, %mul3A_417 : i32
      %multiple_of3A_419 = tpu.assume_multiple %add3A_418, 16 : i32
      %dma_start3A_420 = tpu.memref_slice %arg7[%multiple_of3A_419] : memref<2097152xf32, #tpu.memory_space<hbm>> -> memref<2048xf32, #tpu.memory_space<hbm>>
      %dma_start3A_421 = tpu.memref_slice %arg7[%multiple_of3A_419] : memref<2097152xf32, #tpu.memory_space<hbm>> -> memref<2048xf32, #tpu.memory_space<hbm>>
      tpu.enqueue_dma source(%arg15 : memref<2048xf32, #tpu.memory_space<vmem>>) target(%dma_start3A_421 : memref<2048xf32, #tpu.memory_space<hbm>>) target_semaphore(%arg17 : memref<!tpu.dma_semaphore, #tpu.memory_space<semaphore_mem>>)
      %while3A_422 = arith.constant 0 : i32
      scf.yield %while3A_422 : i32
    }
    %while3A_318 = arith.constant 1 : i32
    %while3A_319 = scf.for %while3A_408 = %while3A_315 to %while3A_311 step %while3A_318 iter_args(%while3A_409 = %while3A_317) -> (i32)  : i32 {
      %mul3A_410 = arith.constant 2048 : i32
      %mul3A_411 = arith.muli %while3A_408, %mul3A_410 : i32
      %add3A_412 = arith.addi %add3A_282, %mul3A_411 : i32
      %mul3A_413 = arith.constant 3 : i32
      %mul3A_414 = arith.muli %add3A_412, %mul3A_413 : i32
      %multiple_of3A = tpu.assume_multiple %mul3A_414, 48 : i32
      %dma_start3A = tpu.memref_slice %arg6[%multiple_of3A] : memref<6291456xi32, #tpu.memory_space<hbm>> -> memref<6144xi32, #tpu.memory_space<hbm>>
      %dma_start3A_415 = tpu.memref_slice %arg6[%multiple_of3A] : memref<6291456xi32, #tpu.memory_space<hbm>> -> memref<6144xi32, #tpu.memory_space<hbm>>
      tpu.enqueue_dma source(%arg14 : memref<6144xi32, #tpu.memory_space<vmem>>) target(%dma_start3A_415 : memref<6144xi32, #tpu.memory_space<hbm>>) target_semaphore(%arg17 : memref<!tpu.dma_semaphore, #tpu.memory_space<semaphore_mem>>)
      %mul3A_416 = arith.constant 2048 : i32
      %mul3A_417 = arith.muli %while3A_408, %mul3A_416 : i32
      %add3A_418 = arith.addi %add3A_282, %mul3A_417 : i32
      %multiple_of3A_419 = tpu.assume_multiple %add3A_418, 16 : i32
      %dma_start3A_420 = tpu.memref_slice %arg7[%multiple_of3A_419] : memref<2097152xf32, #tpu.memory_space<hbm>> -> memref<2048xf32, #tpu.memory_space<hbm>>
      %dma_start3A_421 = tpu.memref_slice %arg7[%multiple_of3A_419] : memref<2097152xf32, #tpu.memory_space<hbm>> -> memref<2048xf32, #tpu.memory_space<hbm>>
      tpu.enqueue_dma source(%arg15 : memref<2048xf32, #tpu.memory_space<vmem>>) target(%dma_start3A_421 : memref<2048xf32, #tpu.memory_space<hbm>>) target_semaphore(%arg17 : memref<!tpu.dma_semaphore, #tpu.memory_space<semaphore_mem>>)
      %while3A_422 = arith.constant 0 : i32
      scf.yield %while3A_422 : i32
    }
    %mul3A_320 = arith.constant 128 : i32
    %mul3A_321 = arith.muli %select_n3A_307, %mul3A_320 : i32
    %sub3A_322 = arith.subi %sub3A_283, %mul3A_321 : i32
    %ge3A = arith.constant 64 : i32
    %ge3A_323 = arith.cmpi sge, %sub3A_322, %ge3A : i32
    %convert_element_type3A = arith.extui %ge3A_323 : i1 to i32
    %cond3A = arith.constant 0 : i32
    %cond3A_324 = arith.constant 0 : i32
    %cond3A_325 = arith.cmpi ne, %convert_element_type3A, %cond3A_324 : i32
    scf.if %cond3A_325 {
      %mul3A_408 = arith.constant 2048 : i32
      %mul3A_409 = arith.muli %select_n3A_307, %mul3A_408 : i32
      %add3A_410 = arith.addi %add3A_282, %mul3A_409 : i32
      %mul3A_411 = arith.constant 16 : i32
      %mul3A_412 = arith.muli %cond3A, %mul3A_411 : i32
      %add3A_413 = arith.addi %add3A_410, %mul3A_412 : i32
      %mul3A_414 = arith.constant 3 : i32
      %mul3A_415 = arith.muli %add3A_413, %mul3A_414 : i32
      %multiple_of3A = tpu.assume_multiple %mul3A_415, 48 : i32
      "tpu.region"() ({
        %run_scoped3A = tpu.sem_alloc : memref<!tpu.dma_semaphore, #tpu.memory_space<semaphore_mem>>
        %dma_start3A = arith.constant 0 : i32
        %dma_start3A_417 = tpu.memref_slice %arg14[%dma_start3A] : memref<6144xi32, #tpu.memory_space<vmem>> -> memref<3072xi32, #tpu.memory_space<vmem>>
        %dma_start3A_418 = tpu.memref_slice %arg6[%multiple_of3A] : memref<6291456xi32, #tpu.memory_space<hbm>> -> memref<3072xi32, #tpu.memory_space<hbm>>
        %dma_start3A_419 = tpu.memref_slice %arg6[%multiple_of3A] : memref<6291456xi32, #tpu.memory_space<hbm>> -> memref<3072xi32, #tpu.memory_space<hbm>>
        %dma_start3A_420 = arith.constant 0 : i32
        %dma_start3A_421 = tpu.memref_slice %arg14[%dma_start3A_420] : memref<6144xi32, #tpu.memory_space<vmem>> -> memref<3072xi32, #tpu.memory_space<vmem>>
        tpu.enqueue_dma source(%dma_start3A_421 : memref<3072xi32, #tpu.memory_space<vmem>>) target(%dma_start3A_419 : memref<3072xi32, #tpu.memory_space<hbm>>) target_semaphore(%run_scoped3A : memref<!tpu.dma_semaphore, #tpu.memory_space<semaphore_mem>>)
        %dma_wait3A = arith.constant 0 : i32
        %dma_wait3A_422 = tpu.memref_slice %arg14[%dma_wait3A] : memref<6144xi32, #tpu.memory_space<vmem>> -> memref<3072xi32, #tpu.memory_space<vmem>>
        %dma_wait3A_423 = tpu.memref_slice %arg6[%multiple_of3A] : memref<6291456xi32, #tpu.memory_space<hbm>> -> memref<3072xi32, #tpu.memory_space<hbm>>
        %dma_wait3A_424 = tpu.memref_slice %arg6[%multiple_of3A] : memref<6291456xi32, #tpu.memory_space<hbm>> -> memref<3072xi32, #tpu.memory_space<hbm>>
        %dma_wait3A_425 = arith.constant 0 : i32
        %dma_wait3A_426 = tpu.memref_slice %arg14[%dma_wait3A_425] : memref<6144xi32, #tpu.memory_space<vmem>> -> memref<3072xi32, #tpu.memory_space<vmem>>
        tpu.wait_dma2 semaphore(%run_scoped3A : memref<!tpu.dma_semaphore, #tpu.memory_space<semaphore_mem>>) src(%dma_wait3A_426 : memref<3072xi32, #tpu.memory_space<vmem>>) dst(%dma_wait3A_424 : memref<3072xi32, #tpu.memory_space<hbm>>)
        tpu.yield
      }) : () -> ()
      %multiple_of3A_416 = tpu.assume_multiple %add3A_413, 16 : i32
      "tpu.region"() ({
        %run_scoped3A = tpu.sem_alloc : memref<!tpu.dma_semaphore, #tpu.memory_space<semaphore_mem>>
        %dma_start3A = arith.constant 0 : i32
        %dma_start3A_417 = tpu.memref_slice %arg15[%dma_start3A] : memref<2048xf32, #tpu.memory_space<vmem>> -> memref<1024xf32, #tpu.memory_space<vmem>>
        %dma_start3A_418 = tpu.memref_slice %arg7[%multiple_of3A_416] : memref<2097152xf32, #tpu.memory_space<hbm>> -> memref<1024xf32, #tpu.memory_space<hbm>>
        %dma_start3A_419 = tpu.memref_slice %arg7[%multiple_of3A_416] : memref<2097152xf32, #tpu.memory_space<hbm>> -> memref<1024xf32, #tpu.memory_space<hbm>>
        %dma_start3A_420 = arith.constant 0 : i32
        %dma_start3A_421 = tpu.memref_slice %arg15[%dma_start3A_420] : memref<2048xf32, #tpu.memory_space<vmem>> -> memref<1024xf32, #tpu.memory_space<vmem>>
        tpu.enqueue_dma source(%dma_start3A_421 : memref<1024xf32, #tpu.memory_space<vmem>>) target(%dma_start3A_419 : memref<1024xf32, #tpu.memory_space<hbm>>) target_semaphore(%run_scoped3A : memref<!tpu.dma_semaphore, #tpu.memory_space<semaphore_mem>>)
        %dma_wait3A = arith.constant 0 : i32
        %dma_wait3A_422 = tpu.memref_slice %arg15[%dma_wait3A] : memref<2048xf32, #tpu.memory_space<vmem>> -> memref<1024xf32, #tpu.memory_space<vmem>>
        %dma_wait3A_423 = tpu.memref_slice %arg7[%multiple_of3A_416] : memref<2097152xf32, #tpu.memory_space<hbm>> -> memref<1024xf32, #tpu.memory_space<hbm>>
        %dma_wait3A_424 = tpu.memref_slice %arg7[%multiple_of3A_416] : memref<2097152xf32, #tpu.memory_space<hbm>> -> memref<1024xf32, #tpu.memory_space<hbm>>
        %dma_wait3A_425 = arith.constant 0 : i32
        %dma_wait3A_426 = tpu.memref_slice %arg15[%dma_wait3A_425] : memref<2048xf32, #tpu.memory_space<vmem>> -> memref<1024xf32, #tpu.memory_space<vmem>>
        tpu.wait_dma2 semaphore(%run_scoped3A : memref<!tpu.dma_semaphore, #tpu.memory_space<semaphore_mem>>) src(%dma_wait3A_426 : memref<1024xf32, #tpu.memory_space<vmem>>) dst(%dma_wait3A_424 : memref<1024xf32, #tpu.memory_space<hbm>>)
        tpu.yield
      }) : () -> ()
    } else {
    }
    %jit3A_326 = arith.constant 64 : i32
    %jit3A_327 = arith.constant 0 : i32
    %select_n3A_328 = arith.select %ge3A_323, %jit3A_326, %jit3A_327 : i32
    %add3A_329 = arith.constant 0 : i32
    %add3A_330 = arith.addi %add3A_329, %select_n3A_328 : i32
    %sub3A_331 = arith.subi %sub3A_322, %select_n3A_328 : i32
    %ge3A_332 = arith.constant 32 : i32
    %ge3A_333 = arith.cmpi sge, %sub3A_331, %ge3A_332 : i32
    %convert_element_type3A_334 = arith.extui %ge3A_333 : i1 to i32
    %cond3A_335 = arith.constant 0 : i32
    %cond3A_336 = arith.cmpi ne, %convert_element_type3A_334, %cond3A_335 : i32
    scf.if %cond3A_336 {
      %mul3A_408 = arith.constant 2048 : i32
      %mul3A_409 = arith.muli %select_n3A_307, %mul3A_408 : i32
      %add3A_410 = arith.addi %add3A_282, %mul3A_409 : i32
      %mul3A_411 = arith.constant 16 : i32
      %mul3A_412 = arith.muli %add3A_330, %mul3A_411 : i32
      %add3A_413 = arith.addi %add3A_410, %mul3A_412 : i32
      %mul3A_414 = arith.constant 3 : i32
      %mul3A_415 = arith.muli %add3A_413, %mul3A_414 : i32
      %multiple_of3A = tpu.assume_multiple %mul3A_415, 48 : i32
      "tpu.region"() ({
        %run_scoped3A = tpu.sem_alloc : memref<!tpu.dma_semaphore, #tpu.memory_space<semaphore_mem>>
        %dma_start3A = arith.constant 0 : i32
        %dma_start3A_417 = tpu.memref_slice %arg14[%dma_start3A] : memref<6144xi32, #tpu.memory_space<vmem>> -> memref<1536xi32, #tpu.memory_space<vmem>>
        %dma_start3A_418 = tpu.memref_slice %arg6[%multiple_of3A] : memref<6291456xi32, #tpu.memory_space<hbm>> -> memref<1536xi32, #tpu.memory_space<hbm>>
        %dma_start3A_419 = tpu.memref_slice %arg6[%multiple_of3A] : memref<6291456xi32, #tpu.memory_space<hbm>> -> memref<1536xi32, #tpu.memory_space<hbm>>
        %dma_start3A_420 = arith.constant 0 : i32
        %dma_start3A_421 = tpu.memref_slice %arg14[%dma_start3A_420] : memref<6144xi32, #tpu.memory_space<vmem>> -> memref<1536xi32, #tpu.memory_space<vmem>>
        tpu.enqueue_dma source(%dma_start3A_421 : memref<1536xi32, #tpu.memory_space<vmem>>) target(%dma_start3A_419 : memref<1536xi32, #tpu.memory_space<hbm>>) target_semaphore(%run_scoped3A : memref<!tpu.dma_semaphore, #tpu.memory_space<semaphore_mem>>)
        %dma_wait3A = arith.constant 0 : i32
        %dma_wait3A_422 = tpu.memref_slice %arg14[%dma_wait3A] : memref<6144xi32, #tpu.memory_space<vmem>> -> memref<1536xi32, #tpu.memory_space<vmem>>
        %dma_wait3A_423 = tpu.memref_slice %arg6[%multiple_of3A] : memref<6291456xi32, #tpu.memory_space<hbm>> -> memref<1536xi32, #tpu.memory_space<hbm>>
        %dma_wait3A_424 = tpu.memref_slice %arg6[%multiple_of3A] : memref<6291456xi32, #tpu.memory_space<hbm>> -> memref<1536xi32, #tpu.memory_space<hbm>>
        %dma_wait3A_425 = arith.constant 0 : i32
        %dma_wait3A_426 = tpu.memref_slice %arg14[%dma_wait3A_425] : memref<6144xi32, #tpu.memory_space<vmem>> -> memref<1536xi32, #tpu.memory_space<vmem>>
        tpu.wait_dma2 semaphore(%run_scoped3A : memref<!tpu.dma_semaphore, #tpu.memory_space<semaphore_mem>>) src(%dma_wait3A_426 : memref<1536xi32, #tpu.memory_space<vmem>>) dst(%dma_wait3A_424 : memref<1536xi32, #tpu.memory_space<hbm>>)
        tpu.yield
      }) : () -> ()
      %multiple_of3A_416 = tpu.assume_multiple %add3A_413, 16 : i32
      "tpu.region"() ({
        %run_scoped3A = tpu.sem_alloc : memref<!tpu.dma_semaphore, #tpu.memory_space<semaphore_mem>>
        %dma_start3A = arith.constant 0 : i32
        %dma_start3A_417 = tpu.memref_slice %arg15[%dma_start3A] : memref<2048xf32, #tpu.memory_space<vmem>> -> memref<512xf32, #tpu.memory_space<vmem>>
        %dma_start3A_418 = tpu.memref_slice %arg7[%multiple_of3A_416] : memref<2097152xf32, #tpu.memory_space<hbm>> -> memref<512xf32, #tpu.memory_space<hbm>>
        %dma_start3A_419 = tpu.memref_slice %arg7[%multiple_of3A_416] : memref<2097152xf32, #tpu.memory_space<hbm>> -> memref<512xf32, #tpu.memory_space<hbm>>
        %dma_start3A_420 = arith.constant 0 : i32
        %dma_start3A_421 = tpu.memref_slice %arg15[%dma_start3A_420] : memref<2048xf32, #tpu.memory_space<vmem>> -> memref<512xf32, #tpu.memory_space<vmem>>
        tpu.enqueue_dma source(%dma_start3A_421 : memref<512xf32, #tpu.memory_space<vmem>>) target(%dma_start3A_419 : memref<512xf32, #tpu.memory_space<hbm>>) target_semaphore(%run_scoped3A : memref<!tpu.dma_semaphore, #tpu.memory_space<semaphore_mem>>)
        %dma_wait3A = arith.constant 0 : i32
        %dma_wait3A_422 = tpu.memref_slice %arg15[%dma_wait3A] : memref<2048xf32, #tpu.memory_space<vmem>> -> memref<512xf32, #tpu.memory_space<vmem>>
        %dma_wait3A_423 = tpu.memref_slice %arg7[%multiple_of3A_416] : memref<2097152xf32, #tpu.memory_space<hbm>> -> memref<512xf32, #tpu.memory_space<hbm>>
        %dma_wait3A_424 = tpu.memref_slice %arg7[%multiple_of3A_416] : memref<2097152xf32, #tpu.memory_space<hbm>> -> memref<512xf32, #tpu.memory_space<hbm>>
        %dma_wait3A_425 = arith.constant 0 : i32
        %dma_wait3A_426 = tpu.memref_slice %arg15[%dma_wait3A_425] : memref<2048xf32, #tpu.memory_space<vmem>> -> memref<512xf32, #tpu.memory_space<vmem>>
        tpu.wait_dma2 semaphore(%run_scoped3A : memref<!tpu.dma_semaphore, #tpu.memory_space<semaphore_mem>>) src(%dma_wait3A_426 : memref<512xf32, #tpu.memory_space<vmem>>) dst(%dma_wait3A_424 : memref<512xf32, #tpu.memory_space<hbm>>)
        tpu.yield
      }) : () -> ()
    } else {
    }
    %jit3A_337 = arith.constant 32 : i32
    %jit3A_338 = arith.constant 0 : i32
    %select_n3A_339 = arith.select %ge3A_333, %jit3A_337, %jit3A_338 : i32
    %add3A_340 = arith.addi %add3A_330, %select_n3A_339 : i32
    %sub3A_341 = arith.subi %sub3A_331, %select_n3A_339 : i32
    %ge3A_342 = arith.constant 16 : i32
    %ge3A_343 = arith.cmpi sge, %sub3A_341, %ge3A_342 : i32
    %convert_element_type3A_344 = arith.extui %ge3A_343 : i1 to i32
    %cond3A_345 = arith.constant 0 : i32
    %cond3A_346 = arith.cmpi ne, %convert_element_type3A_344, %cond3A_345 : i32
    scf.if %cond3A_346 {
      %mul3A_408 = arith.constant 2048 : i32
      %mul3A_409 = arith.muli %select_n3A_307, %mul3A_408 : i32
      %add3A_410 = arith.addi %add3A_282, %mul3A_409 : i32
      %mul3A_411 = arith.constant 16 : i32
      %mul3A_412 = arith.muli %add3A_340, %mul3A_411 : i32
      %add3A_413 = arith.addi %add3A_410, %mul3A_412 : i32
      %mul3A_414 = arith.constant 3 : i32
      %mul3A_415 = arith.muli %add3A_413, %mul3A_414 : i32
      %multiple_of3A = tpu.assume_multiple %mul3A_415, 48 : i32
      "tpu.region"() ({
        %run_scoped3A = tpu.sem_alloc : memref<!tpu.dma_semaphore, #tpu.memory_space<semaphore_mem>>
        %dma_start3A = arith.constant 0 : i32
        %dma_start3A_417 = tpu.memref_slice %arg14[%dma_start3A] : memref<6144xi32, #tpu.memory_space<vmem>> -> memref<768xi32, #tpu.memory_space<vmem>>
        %dma_start3A_418 = tpu.memref_slice %arg6[%multiple_of3A] : memref<6291456xi32, #tpu.memory_space<hbm>> -> memref<768xi32, #tpu.memory_space<hbm>>
        %dma_start3A_419 = tpu.memref_slice %arg6[%multiple_of3A] : memref<6291456xi32, #tpu.memory_space<hbm>> -> memref<768xi32, #tpu.memory_space<hbm>>
        %dma_start3A_420 = arith.constant 0 : i32
        %dma_start3A_421 = tpu.memref_slice %arg14[%dma_start3A_420] : memref<6144xi32, #tpu.memory_space<vmem>> -> memref<768xi32, #tpu.memory_space<vmem>>
        tpu.enqueue_dma source(%dma_start3A_421 : memref<768xi32, #tpu.memory_space<vmem>>) target(%dma_start3A_419 : memref<768xi32, #tpu.memory_space<hbm>>) target_semaphore(%run_scoped3A : memref<!tpu.dma_semaphore, #tpu.memory_space<semaphore_mem>>)
        %dma_wait3A = arith.constant 0 : i32
        %dma_wait3A_422 = tpu.memref_slice %arg14[%dma_wait3A] : memref<6144xi32, #tpu.memory_space<vmem>> -> memref<768xi32, #tpu.memory_space<vmem>>
        %dma_wait3A_423 = tpu.memref_slice %arg6[%multiple_of3A] : memref<6291456xi32, #tpu.memory_space<hbm>> -> memref<768xi32, #tpu.memory_space<hbm>>
        %dma_wait3A_424 = tpu.memref_slice %arg6[%multiple_of3A] : memref<6291456xi32, #tpu.memory_space<hbm>> -> memref<768xi32, #tpu.memory_space<hbm>>
        %dma_wait3A_425 = arith.constant 0 : i32
        %dma_wait3A_426 = tpu.memref_slice %arg14[%dma_wait3A_425] : memref<6144xi32, #tpu.memory_space<vmem>> -> memref<768xi32, #tpu.memory_space<vmem>>
        tpu.wait_dma2 semaphore(%run_scoped3A : memref<!tpu.dma_semaphore, #tpu.memory_space<semaphore_mem>>) src(%dma_wait3A_426 : memref<768xi32, #tpu.memory_space<vmem>>) dst(%dma_wait3A_424 : memref<768xi32, #tpu.memory_space<hbm>>)
        tpu.yield
      }) : () -> ()
      %multiple_of3A_416 = tpu.assume_multiple %add3A_413, 16 : i32
      "tpu.region"() ({
        %run_scoped3A = tpu.sem_alloc : memref<!tpu.dma_semaphore, #tpu.memory_space<semaphore_mem>>
        %dma_start3A = arith.constant 0 : i32
        %dma_start3A_417 = tpu.memref_slice %arg15[%dma_start3A] : memref<2048xf32, #tpu.memory_space<vmem>> -> memref<256xf32, #tpu.memory_space<vmem>>
        %dma_start3A_418 = tpu.memref_slice %arg7[%multiple_of3A_416] : memref<2097152xf32, #tpu.memory_space<hbm>> -> memref<256xf32, #tpu.memory_space<hbm>>
        %dma_start3A_419 = tpu.memref_slice %arg7[%multiple_of3A_416] : memref<2097152xf32, #tpu.memory_space<hbm>> -> memref<256xf32, #tpu.memory_space<hbm>>
        %dma_start3A_420 = arith.constant 0 : i32
        %dma_start3A_421 = tpu.memref_slice %arg15[%dma_start3A_420] : memref<2048xf32, #tpu.memory_space<vmem>> -> memref<256xf32, #tpu.memory_space<vmem>>
        tpu.enqueue_dma source(%dma_start3A_421 : memref<256xf32, #tpu.memory_space<vmem>>) target(%dma_start3A_419 : memref<256xf32, #tpu.memory_space<hbm>>) target_semaphore(%run_scoped3A : memref<!tpu.dma_semaphore, #tpu.memory_space<semaphore_mem>>)
        %dma_wait3A = arith.constant 0 : i32
        %dma_wait3A_422 = tpu.memref_slice %arg15[%dma_wait3A] : memref<2048xf32, #tpu.memory_space<vmem>> -> memref<256xf32, #tpu.memory_space<vmem>>
        %dma_wait3A_423 = tpu.memref_slice %arg7[%multiple_of3A_416] : memref<2097152xf32, #tpu.memory_space<hbm>> -> memref<256xf32, #tpu.memory_space<hbm>>
        %dma_wait3A_424 = tpu.memref_slice %arg7[%multiple_of3A_416] : memref<2097152xf32, #tpu.memory_space<hbm>> -> memref<256xf32, #tpu.memory_space<hbm>>
        %dma_wait3A_425 = arith.constant 0 : i32
        %dma_wait3A_426 = tpu.memref_slice %arg15[%dma_wait3A_425] : memref<2048xf32, #tpu.memory_space<vmem>> -> memref<256xf32, #tpu.memory_space<vmem>>
        tpu.wait_dma2 semaphore(%run_scoped3A : memref<!tpu.dma_semaphore, #tpu.memory_space<semaphore_mem>>) src(%dma_wait3A_426 : memref<256xf32, #tpu.memory_space<vmem>>) dst(%dma_wait3A_424 : memref<256xf32, #tpu.memory_space<hbm>>)
        tpu.yield
      }) : () -> ()
    } else {
    }
    %jit3A_347 = arith.constant 16 : i32
    %jit3A_348 = arith.constant 0 : i32
    %select_n3A_349 = arith.select %ge3A_343, %jit3A_347, %jit3A_348 : i32
    %add3A_350 = arith.addi %add3A_340, %select_n3A_349 : i32
    %sub3A_351 = arith.subi %sub3A_341, %select_n3A_349 : i32
    %ge3A_352 = arith.constant 8 : i32
    %ge3A_353 = arith.cmpi sge, %sub3A_351, %ge3A_352 : i32
    %convert_element_type3A_354 = arith.extui %ge3A_353 : i1 to i32
    %cond3A_355 = arith.constant 0 : i32
    %cond3A_356 = arith.cmpi ne, %convert_element_type3A_354, %cond3A_355 : i32
    scf.if %cond3A_356 {
      %mul3A_408 = arith.constant 2048 : i32
      %mul3A_409 = arith.muli %select_n3A_307, %mul3A_408 : i32
      %add3A_410 = arith.addi %add3A_282, %mul3A_409 : i32
      %mul3A_411 = arith.constant 16 : i32
      %mul3A_412 = arith.muli %add3A_350, %mul3A_411 : i32
      %add3A_413 = arith.addi %add3A_410, %mul3A_412 : i32
      %mul3A_414 = arith.constant 3 : i32
      %mul3A_415 = arith.muli %add3A_413, %mul3A_414 : i32
      %multiple_of3A = tpu.assume_multiple %mul3A_415, 48 : i32
      "tpu.region"() ({
        %run_scoped3A = tpu.sem_alloc : memref<!tpu.dma_semaphore, #tpu.memory_space<semaphore_mem>>
        %dma_start3A = arith.constant 0 : i32
        %dma_start3A_417 = tpu.memref_slice %arg14[%dma_start3A] : memref<6144xi32, #tpu.memory_space<vmem>> -> memref<384xi32, #tpu.memory_space<vmem>>
        %dma_start3A_418 = tpu.memref_slice %arg6[%multiple_of3A] : memref<6291456xi32, #tpu.memory_space<hbm>> -> memref<384xi32, #tpu.memory_space<hbm>>
        %dma_start3A_419 = tpu.memref_slice %arg6[%multiple_of3A] : memref<6291456xi32, #tpu.memory_space<hbm>> -> memref<384xi32, #tpu.memory_space<hbm>>
        %dma_start3A_420 = arith.constant 0 : i32
        %dma_start3A_421 = tpu.memref_slice %arg14[%dma_start3A_420] : memref<6144xi32, #tpu.memory_space<vmem>> -> memref<384xi32, #tpu.memory_space<vmem>>
        tpu.enqueue_dma source(%dma_start3A_421 : memref<384xi32, #tpu.memory_space<vmem>>) target(%dma_start3A_419 : memref<384xi32, #tpu.memory_space<hbm>>) target_semaphore(%run_scoped3A : memref<!tpu.dma_semaphore, #tpu.memory_space<semaphore_mem>>)
        %dma_wait3A = arith.constant 0 : i32
        %dma_wait3A_422 = tpu.memref_slice %arg14[%dma_wait3A] : memref<6144xi32, #tpu.memory_space<vmem>> -> memref<384xi32, #tpu.memory_space<vmem>>
        %dma_wait3A_423 = tpu.memref_slice %arg6[%multiple_of3A] : memref<6291456xi32, #tpu.memory_space<hbm>> -> memref<384xi32, #tpu.memory_space<hbm>>
        %dma_wait3A_424 = tpu.memref_slice %arg6[%multiple_of3A] : memref<6291456xi32, #tpu.memory_space<hbm>> -> memref<384xi32, #tpu.memory_space<hbm>>
        %dma_wait3A_425 = arith.constant 0 : i32
        %dma_wait3A_426 = tpu.memref_slice %arg14[%dma_wait3A_425] : memref<6144xi32, #tpu.memory_space<vmem>> -> memref<384xi32, #tpu.memory_space<vmem>>
        tpu.wait_dma2 semaphore(%run_scoped3A : memref<!tpu.dma_semaphore, #tpu.memory_space<semaphore_mem>>) src(%dma_wait3A_426 : memref<384xi32, #tpu.memory_space<vmem>>) dst(%dma_wait3A_424 : memref<384xi32, #tpu.memory_space<hbm>>)
        tpu.yield
      }) : () -> ()
      %multiple_of3A_416 = tpu.assume_multiple %add3A_413, 16 : i32
      "tpu.region"() ({
        %run_scoped3A = tpu.sem_alloc : memref<!tpu.dma_semaphore, #tpu.memory_space<semaphore_mem>>
        %dma_start3A = arith.constant 0 : i32
        %dma_start3A_417 = tpu.memref_slice %arg15[%dma_start3A] : memref<2048xf32, #tpu.memory_space<vmem>> -> memref<128xf32, #tpu.memory_space<vmem>>
        %dma_start3A_418 = tpu.memref_slice %arg7[%multiple_of3A_416] : memref<2097152xf32, #tpu.memory_space<hbm>> -> memref<128xf32, #tpu.memory_space<hbm>>
        %dma_start3A_419 = tpu.memref_slice %arg7[%multiple_of3A_416] : memref<2097152xf32, #tpu.memory_space<hbm>> -> memref<128xf32, #tpu.memory_space<hbm>>
        %dma_start3A_420 = arith.constant 0 : i32
        %dma_start3A_421 = tpu.memref_slice %arg15[%dma_start3A_420] : memref<2048xf32, #tpu.memory_space<vmem>> -> memref<128xf32, #tpu.memory_space<vmem>>
        tpu.enqueue_dma source(%dma_start3A_421 : memref<128xf32, #tpu.memory_space<vmem>>) target(%dma_start3A_419 : memref<128xf32, #tpu.memory_space<hbm>>) target_semaphore(%run_scoped3A : memref<!tpu.dma_semaphore, #tpu.memory_space<semaphore_mem>>)
        %dma_wait3A = arith.constant 0 : i32
        %dma_wait3A_422 = tpu.memref_slice %arg15[%dma_wait3A] : memref<2048xf32, #tpu.memory_space<vmem>> -> memref<128xf32, #tpu.memory_space<vmem>>
        %dma_wait3A_423 = tpu.memref_slice %arg7[%multiple_of3A_416] : memref<2097152xf32, #tpu.memory_space<hbm>> -> memref<128xf32, #tpu.memory_space<hbm>>
        %dma_wait3A_424 = tpu.memref_slice %arg7[%multiple_of3A_416] : memref<2097152xf32, #tpu.memory_space<hbm>> -> memref<128xf32, #tpu.memory_space<hbm>>
        %dma_wait3A_425 = arith.constant 0 : i32
        %dma_wait3A_426 = tpu.memref_slice %arg15[%dma_wait3A_425] : memref<2048xf32, #tpu.memory_space<vmem>> -> memref<128xf32, #tpu.memory_space<vmem>>
        tpu.wait_dma2 semaphore(%run_scoped3A : memref<!tpu.dma_semaphore, #tpu.memory_space<semaphore_mem>>) src(%dma_wait3A_426 : memref<128xf32, #tpu.memory_space<vmem>>) dst(%dma_wait3A_424 : memref<128xf32, #tpu.memory_space<hbm>>)
        tpu.yield
      }) : () -> ()
    } else {
    }
    %jit3A_357 = arith.constant 8 : i32
    %jit3A_358 = arith.constant 0 : i32
    %select_n3A_359 = arith.select %ge3A_353, %jit3A_357, %jit3A_358 : i32
    %add3A_360 = arith.addi %add3A_350, %select_n3A_359 : i32
    %sub3A_361 = arith.subi %sub3A_351, %select_n3A_359 : i32
    %ge3A_362 = arith.constant 4 : i32
    %ge3A_363 = arith.cmpi sge, %sub3A_361, %ge3A_362 : i32
    %convert_element_type3A_364 = arith.extui %ge3A_363 : i1 to i32
    %cond3A_365 = arith.constant 0 : i32
    %cond3A_366 = arith.cmpi ne, %convert_element_type3A_364, %cond3A_365 : i32
    scf.if %cond3A_366 {
      %mul3A_408 = arith.constant 2048 : i32
      %mul3A_409 = arith.muli %select_n3A_307, %mul3A_408 : i32
      %add3A_410 = arith.addi %add3A_282, %mul3A_409 : i32
      %mul3A_411 = arith.constant 16 : i32
      %mul3A_412 = arith.muli %add3A_360, %mul3A_411 : i32
      %add3A_413 = arith.addi %add3A_410, %mul3A_412 : i32
      %mul3A_414 = arith.constant 3 : i32
      %mul3A_415 = arith.muli %add3A_413, %mul3A_414 : i32
      %multiple_of3A = tpu.assume_multiple %mul3A_415, 48 : i32
      "tpu.region"() ({
        %run_scoped3A = tpu.sem_alloc : memref<!tpu.dma_semaphore, #tpu.memory_space<semaphore_mem>>
        %dma_start3A = arith.constant 0 : i32
        %dma_start3A_417 = tpu.memref_slice %arg14[%dma_start3A] : memref<6144xi32, #tpu.memory_space<vmem>> -> memref<192xi32, #tpu.memory_space<vmem>>
        %dma_start3A_418 = tpu.memref_slice %arg6[%multiple_of3A] : memref<6291456xi32, #tpu.memory_space<hbm>> -> memref<192xi32, #tpu.memory_space<hbm>>
        %dma_start3A_419 = tpu.memref_slice %arg6[%multiple_of3A] : memref<6291456xi32, #tpu.memory_space<hbm>> -> memref<192xi32, #tpu.memory_space<hbm>>
        %dma_start3A_420 = arith.constant 0 : i32
        %dma_start3A_421 = tpu.memref_slice %arg14[%dma_start3A_420] : memref<6144xi32, #tpu.memory_space<vmem>> -> memref<192xi32, #tpu.memory_space<vmem>>
        tpu.enqueue_dma source(%dma_start3A_421 : memref<192xi32, #tpu.memory_space<vmem>>) target(%dma_start3A_419 : memref<192xi32, #tpu.memory_space<hbm>>) target_semaphore(%run_scoped3A : memref<!tpu.dma_semaphore, #tpu.memory_space<semaphore_mem>>)
        %dma_wait3A = arith.constant 0 : i32
        %dma_wait3A_422 = tpu.memref_slice %arg14[%dma_wait3A] : memref<6144xi32, #tpu.memory_space<vmem>> -> memref<192xi32, #tpu.memory_space<vmem>>
        %dma_wait3A_423 = tpu.memref_slice %arg6[%multiple_of3A] : memref<6291456xi32, #tpu.memory_space<hbm>> -> memref<192xi32, #tpu.memory_space<hbm>>
        %dma_wait3A_424 = tpu.memref_slice %arg6[%multiple_of3A] : memref<6291456xi32, #tpu.memory_space<hbm>> -> memref<192xi32, #tpu.memory_space<hbm>>
        %dma_wait3A_425 = arith.constant 0 : i32
        %dma_wait3A_426 = tpu.memref_slice %arg14[%dma_wait3A_425] : memref<6144xi32, #tpu.memory_space<vmem>> -> memref<192xi32, #tpu.memory_space<vmem>>
        tpu.wait_dma2 semaphore(%run_scoped3A : memref<!tpu.dma_semaphore, #tpu.memory_space<semaphore_mem>>) src(%dma_wait3A_426 : memref<192xi32, #tpu.memory_space<vmem>>) dst(%dma_wait3A_424 : memref<192xi32, #tpu.memory_space<hbm>>)
        tpu.yield
      }) : () -> ()
      %multiple_of3A_416 = tpu.assume_multiple %add3A_413, 16 : i32
      "tpu.region"() ({
        %run_scoped3A = tpu.sem_alloc : memref<!tpu.dma_semaphore, #tpu.memory_space<semaphore_mem>>
        %dma_start3A = arith.constant 0 : i32
        %dma_start3A_417 = tpu.memref_slice %arg15[%dma_start3A] : memref<2048xf32, #tpu.memory_space<vmem>> -> memref<64xf32, #tpu.memory_space<vmem>>
        %dma_start3A_418 = tpu.memref_slice %arg7[%multiple_of3A_416] : memref<2097152xf32, #tpu.memory_space<hbm>> -> memref<64xf32, #tpu.memory_space<hbm>>
        %dma_start3A_419 = tpu.memref_slice %arg7[%multiple_of3A_416] : memref<2097152xf32, #tpu.memory_space<hbm>> -> memref<64xf32, #tpu.memory_space<hbm>>
        %dma_start3A_420 = arith.constant 0 : i32
        %dma_start3A_421 = tpu.memref_slice %arg15[%dma_start3A_420] : memref<2048xf32, #tpu.memory_space<vmem>> -> memref<64xf32, #tpu.memory_space<vmem>>
        tpu.enqueue_dma source(%dma_start3A_421 : memref<64xf32, #tpu.memory_space<vmem>>) target(%dma_start3A_419 : memref<64xf32, #tpu.memory_space<hbm>>) target_semaphore(%run_scoped3A : memref<!tpu.dma_semaphore, #tpu.memory_space<semaphore_mem>>)
        %dma_wait3A = arith.constant 0 : i32
        %dma_wait3A_422 = tpu.memref_slice %arg15[%dma_wait3A] : memref<2048xf32, #tpu.memory_space<vmem>> -> memref<64xf32, #tpu.memory_space<vmem>>
        %dma_wait3A_423 = tpu.memref_slice %arg7[%multiple_of3A_416] : memref<2097152xf32, #tpu.memory_space<hbm>> -> memref<64xf32, #tpu.memory_space<hbm>>
        %dma_wait3A_424 = tpu.memref_slice %arg7[%multiple_of3A_416] : memref<2097152xf32, #tpu.memory_space<hbm>> -> memref<64xf32, #tpu.memory_space<hbm>>
        %dma_wait3A_425 = arith.constant 0 : i32
        %dma_wait3A_426 = tpu.memref_slice %arg15[%dma_wait3A_425] : memref<2048xf32, #tpu.memory_space<vmem>> -> memref<64xf32, #tpu.memory_space<vmem>>
        tpu.wait_dma2 semaphore(%run_scoped3A : memref<!tpu.dma_semaphore, #tpu.memory_space<semaphore_mem>>) src(%dma_wait3A_426 : memref<64xf32, #tpu.memory_space<vmem>>) dst(%dma_wait3A_424 : memref<64xf32, #tpu.memory_space<hbm>>)
        tpu.yield
      }) : () -> ()
    } else {
    }
    %jit3A_367 = arith.constant 4 : i32
    %jit3A_368 = arith.constant 0 : i32
    %select_n3A_369 = arith.select %ge3A_363, %jit3A_367, %jit3A_368 : i32
    %add3A_370 = arith.addi %add3A_360, %select_n3A_369 : i32
    %sub3A_371 = arith.subi %sub3A_361, %select_n3A_369 : i32
    %ge3A_372 = arith.constant 2 : i32
    %ge3A_373 = arith.cmpi sge, %sub3A_371, %ge3A_372 : i32
    %convert_element_type3A_374 = arith.extui %ge3A_373 : i1 to i32
    %cond3A_375 = arith.constant 0 : i32
    %cond3A_376 = arith.cmpi ne, %convert_element_type3A_374, %cond3A_375 : i32
    scf.if %cond3A_376 {
      %mul3A_408 = arith.constant 2048 : i32
      %mul3A_409 = arith.muli %select_n3A_307, %mul3A_408 : i32
      %add3A_410 = arith.addi %add3A_282, %mul3A_409 : i32
      %mul3A_411 = arith.constant 16 : i32
      %mul3A_412 = arith.muli %add3A_370, %mul3A_411 : i32
      %add3A_413 = arith.addi %add3A_410, %mul3A_412 : i32
      %mul3A_414 = arith.constant 3 : i32
      %mul3A_415 = arith.muli %add3A_413, %mul3A_414 : i32
      %multiple_of3A = tpu.assume_multiple %mul3A_415, 48 : i32
      "tpu.region"() ({
        %run_scoped3A = tpu.sem_alloc : memref<!tpu.dma_semaphore, #tpu.memory_space<semaphore_mem>>
        %dma_start3A = arith.constant 0 : i32
        %dma_start3A_417 = tpu.memref_slice %arg14[%dma_start3A] : memref<6144xi32, #tpu.memory_space<vmem>> -> memref<96xi32, #tpu.memory_space<vmem>>
        %dma_start3A_418 = tpu.memref_slice %arg6[%multiple_of3A] : memref<6291456xi32, #tpu.memory_space<hbm>> -> memref<96xi32, #tpu.memory_space<hbm>>
        %dma_start3A_419 = tpu.memref_slice %arg6[%multiple_of3A] : memref<6291456xi32, #tpu.memory_space<hbm>> -> memref<96xi32, #tpu.memory_space<hbm>>
        %dma_start3A_420 = arith.constant 0 : i32
        %dma_start3A_421 = tpu.memref_slice %arg14[%dma_start3A_420] : memref<6144xi32, #tpu.memory_space<vmem>> -> memref<96xi32, #tpu.memory_space<vmem>>
        tpu.enqueue_dma source(%dma_start3A_421 : memref<96xi32, #tpu.memory_space<vmem>>) target(%dma_start3A_419 : memref<96xi32, #tpu.memory_space<hbm>>) target_semaphore(%run_scoped3A : memref<!tpu.dma_semaphore, #tpu.memory_space<semaphore_mem>>)
        %dma_wait3A = arith.constant 0 : i32
        %dma_wait3A_422 = tpu.memref_slice %arg14[%dma_wait3A] : memref<6144xi32, #tpu.memory_space<vmem>> -> memref<96xi32, #tpu.memory_space<vmem>>
        %dma_wait3A_423 = tpu.memref_slice %arg6[%multiple_of3A] : memref<6291456xi32, #tpu.memory_space<hbm>> -> memref<96xi32, #tpu.memory_space<hbm>>
        %dma_wait3A_424 = tpu.memref_slice %arg6[%multiple_of3A] : memref<6291456xi32, #tpu.memory_space<hbm>> -> memref<96xi32, #tpu.memory_space<hbm>>
        %dma_wait3A_425 = arith.constant 0 : i32
        %dma_wait3A_426 = tpu.memref_slice %arg14[%dma_wait3A_425] : memref<6144xi32, #tpu.memory_space<vmem>> -> memref<96xi32, #tpu.memory_space<vmem>>
        tpu.wait_dma2 semaphore(%run_scoped3A : memref<!tpu.dma_semaphore, #tpu.memory_space<semaphore_mem>>) src(%dma_wait3A_426 : memref<96xi32, #tpu.memory_space<vmem>>) dst(%dma_wait3A_424 : memref<96xi32, #tpu.memory_space<hbm>>)
        tpu.yield
      }) : () -> ()
      %multiple_of3A_416 = tpu.assume_multiple %add3A_413, 16 : i32
      "tpu.region"() ({
        %run_scoped3A = tpu.sem_alloc : memref<!tpu.dma_semaphore, #tpu.memory_space<semaphore_mem>>
        %dma_start3A = arith.constant 0 : i32
        %dma_start3A_417 = tpu.memref_slice %arg15[%dma_start3A] : memref<2048xf32, #tpu.memory_space<vmem>> -> memref<32xf32, #tpu.memory_space<vmem>>
        %dma_start3A_418 = tpu.memref_slice %arg7[%multiple_of3A_416] : memref<2097152xf32, #tpu.memory_space<hbm>> -> memref<32xf32, #tpu.memory_space<hbm>>
        %dma_start3A_419 = tpu.memref_slice %arg7[%multiple_of3A_416] : memref<2097152xf32, #tpu.memory_space<hbm>> -> memref<32xf32, #tpu.memory_space<hbm>>
        %dma_start3A_420 = arith.constant 0 : i32
        %dma_start3A_421 = tpu.memref_slice %arg15[%dma_start3A_420] : memref<2048xf32, #tpu.memory_space<vmem>> -> memref<32xf32, #tpu.memory_space<vmem>>
        tpu.enqueue_dma source(%dma_start3A_421 : memref<32xf32, #tpu.memory_space<vmem>>) target(%dma_start3A_419 : memref<32xf32, #tpu.memory_space<hbm>>) target_semaphore(%run_scoped3A : memref<!tpu.dma_semaphore, #tpu.memory_space<semaphore_mem>>)
        %dma_wait3A = arith.constant 0 : i32
        %dma_wait3A_422 = tpu.memref_slice %arg15[%dma_wait3A] : memref<2048xf32, #tpu.memory_space<vmem>> -> memref<32xf32, #tpu.memory_space<vmem>>
        %dma_wait3A_423 = tpu.memref_slice %arg7[%multiple_of3A_416] : memref<2097152xf32, #tpu.memory_space<hbm>> -> memref<32xf32, #tpu.memory_space<hbm>>
        %dma_wait3A_424 = tpu.memref_slice %arg7[%multiple_of3A_416] : memref<2097152xf32, #tpu.memory_space<hbm>> -> memref<32xf32, #tpu.memory_space<hbm>>
        %dma_wait3A_425 = arith.constant 0 : i32
        %dma_wait3A_426 = tpu.memref_slice %arg15[%dma_wait3A_425] : memref<2048xf32, #tpu.memory_space<vmem>> -> memref<32xf32, #tpu.memory_space<vmem>>
        tpu.wait_dma2 semaphore(%run_scoped3A : memref<!tpu.dma_semaphore, #tpu.memory_space<semaphore_mem>>) src(%dma_wait3A_426 : memref<32xf32, #tpu.memory_space<vmem>>) dst(%dma_wait3A_424 : memref<32xf32, #tpu.memory_space<hbm>>)
        tpu.yield
      }) : () -> ()
    } else {
    }
    %jit3A_377 = arith.constant 2 : i32
    %jit3A_378 = arith.constant 0 : i32
    %select_n3A_379 = arith.select %ge3A_373, %jit3A_377, %jit3A_378 : i32
    %add3A_380 = arith.addi %add3A_370, %select_n3A_379 : i32
    %sub3A_381 = arith.subi %sub3A_371, %select_n3A_379 : i32
    %ge3A_382 = arith.constant 1 : i32
    %ge3A_383 = arith.cmpi sge, %sub3A_381, %ge3A_382 : i32
    %convert_element_type3A_384 = arith.extui %ge3A_383 : i1 to i32
    %cond3A_385 = arith.constant 0 : i32
    %cond3A_386 = arith.cmpi ne, %convert_element_type3A_384, %cond3A_385 : i32
    scf.if %cond3A_386 {
      %mul3A_408 = arith.constant 2048 : i32
      %mul3A_409 = arith.muli %select_n3A_307, %mul3A_408 : i32
      %add3A_410 = arith.addi %add3A_282, %mul3A_409 : i32
      %mul3A_411 = arith.constant 16 : i32
      %mul3A_412 = arith.muli %add3A_380, %mul3A_411 : i32
      %add3A_413 = arith.addi %add3A_410, %mul3A_412 : i32
      %mul3A_414 = arith.constant 3 : i32
      %mul3A_415 = arith.muli %add3A_413, %mul3A_414 : i32
      %multiple_of3A = tpu.assume_multiple %mul3A_415, 48 : i32
      "tpu.region"() ({
        %run_scoped3A = tpu.sem_alloc : memref<!tpu.dma_semaphore, #tpu.memory_space<semaphore_mem>>
        %dma_start3A = arith.constant 0 : i32
        %dma_start3A_417 = tpu.memref_slice %arg14[%dma_start3A] : memref<6144xi32, #tpu.memory_space<vmem>> -> memref<48xi32, #tpu.memory_space<vmem>>
        %dma_start3A_418 = tpu.memref_slice %arg6[%multiple_of3A] : memref<6291456xi32, #tpu.memory_space<hbm>> -> memref<48xi32, #tpu.memory_space<hbm>>
        %dma_start3A_419 = tpu.memref_slice %arg6[%multiple_of3A] : memref<6291456xi32, #tpu.memory_space<hbm>> -> memref<48xi32, #tpu.memory_space<hbm>>
        %dma_start3A_420 = arith.constant 0 : i32
        %dma_start3A_421 = tpu.memref_slice %arg14[%dma_start3A_420] : memref<6144xi32, #tpu.memory_space<vmem>> -> memref<48xi32, #tpu.memory_space<vmem>>
        tpu.enqueue_dma source(%dma_start3A_421 : memref<48xi32, #tpu.memory_space<vmem>>) target(%dma_start3A_419 : memref<48xi32, #tpu.memory_space<hbm>>) target_semaphore(%run_scoped3A : memref<!tpu.dma_semaphore, #tpu.memory_space<semaphore_mem>>)
        %dma_wait3A = arith.constant 0 : i32
        %dma_wait3A_422 = tpu.memref_slice %arg14[%dma_wait3A] : memref<6144xi32, #tpu.memory_space<vmem>> -> memref<48xi32, #tpu.memory_space<vmem>>
        %dma_wait3A_423 = tpu.memref_slice %arg6[%multiple_of3A] : memref<6291456xi32, #tpu.memory_space<hbm>> -> memref<48xi32, #tpu.memory_space<hbm>>
        %dma_wait3A_424 = tpu.memref_slice %arg6[%multiple_of3A] : memref<6291456xi32, #tpu.memory_space<hbm>> -> memref<48xi32, #tpu.memory_space<hbm>>
        %dma_wait3A_425 = arith.constant 0 : i32
        %dma_wait3A_426 = tpu.memref_slice %arg14[%dma_wait3A_425] : memref<6144xi32, #tpu.memory_space<vmem>> -> memref<48xi32, #tpu.memory_space<vmem>>
        tpu.wait_dma2 semaphore(%run_scoped3A : memref<!tpu.dma_semaphore, #tpu.memory_space<semaphore_mem>>) src(%dma_wait3A_426 : memref<48xi32, #tpu.memory_space<vmem>>) dst(%dma_wait3A_424 : memref<48xi32, #tpu.memory_space<hbm>>)
        tpu.yield
      }) : () -> ()
      %multiple_of3A_416 = tpu.assume_multiple %add3A_413, 16 : i32
      "tpu.region"() ({
        %run_scoped3A = tpu.sem_alloc : memref<!tpu.dma_semaphore, #tpu.memory_space<semaphore_mem>>
        %dma_start3A = arith.constant 0 : i32
        %dma_start3A_417 = tpu.memref_slice %arg15[%dma_start3A] : memref<2048xf32, #tpu.memory_space<vmem>> -> memref<16xf32, #tpu.memory_space<vmem>>
        %dma_start3A_418 = tpu.memref_slice %arg7[%multiple_of3A_416] : memref<2097152xf32, #tpu.memory_space<hbm>> -> memref<16xf32, #tpu.memory_space<hbm>>
        %dma_start3A_419 = tpu.memref_slice %arg7[%multiple_of3A_416] : memref<2097152xf32, #tpu.memory_space<hbm>> -> memref<16xf32, #tpu.memory_space<hbm>>
        %dma_start3A_420 = arith.constant 0 : i32
        %dma_start3A_421 = tpu.memref_slice %arg15[%dma_start3A_420] : memref<2048xf32, #tpu.memory_space<vmem>> -> memref<16xf32, #tpu.memory_space<vmem>>
        tpu.enqueue_dma source(%dma_start3A_421 : memref<16xf32, #tpu.memory_space<vmem>>) target(%dma_start3A_419 : memref<16xf32, #tpu.memory_space<hbm>>) target_semaphore(%run_scoped3A : memref<!tpu.dma_semaphore, #tpu.memory_space<semaphore_mem>>)
        %dma_wait3A = arith.constant 0 : i32
        %dma_wait3A_422 = tpu.memref_slice %arg15[%dma_wait3A] : memref<2048xf32, #tpu.memory_space<vmem>> -> memref<16xf32, #tpu.memory_space<vmem>>
        %dma_wait3A_423 = tpu.memref_slice %arg7[%multiple_of3A_416] : memref<2097152xf32, #tpu.memory_space<hbm>> -> memref<16xf32, #tpu.memory_space<hbm>>
        %dma_wait3A_424 = tpu.memref_slice %arg7[%multiple_of3A_416] : memref<2097152xf32, #tpu.memory_space<hbm>> -> memref<16xf32, #tpu.memory_space<hbm>>
        %dma_wait3A_425 = arith.constant 0 : i32
        %dma_wait3A_426 = tpu.memref_slice %arg15[%dma_wait3A_425] : memref<2048xf32, #tpu.memory_space<vmem>> -> memref<16xf32, #tpu.memory_space<vmem>>
        tpu.wait_dma2 semaphore(%run_scoped3A : memref<!tpu.dma_semaphore, #tpu.memory_space<semaphore_mem>>) src(%dma_wait3A_426 : memref<16xf32, #tpu.memory_space<vmem>>) dst(%dma_wait3A_424 : memref<16xf32, #tpu.memory_space<hbm>>)
        tpu.yield
      }) : () -> ()
    } else {
    }
    %jit3A_387 = arith.constant 1 : i32
    %jit3A_388 = arith.constant 0 : i32
    %select_n3A_389 = arith.select %ge3A_383, %jit3A_387, %jit3A_388 : i32
    %add3A_390 = arith.addi %add3A_380, %select_n3A_389 : i32
    %sub3A_391 = arith.subi %sub3A_381, %select_n3A_389 : i32
    %while3A_392 = arith.constant 0 : i32
    %while3A_393 = arith.constant 0 : i32
    %while3A_394 = arith.subi %select_n3A_307, %while3A_392 : i32
    %while3A_395 = arith.addi %while3A_392, %while3A_394 : i32
    %while3A_396 = arith.constant 1 : i32
    %while3A_397 = arith.divsi %while3A_394, %while3A_396 : i32
    %while3A_398 = arith.muli %while3A_397, %while3A_396 : i32
    %while3A_399 = arith.addi %while3A_392, %while3A_398 : i32
    %while3A_400 = arith.constant 1 : i32
    %while3A_401 = scf.for %while3A_408 = %while3A_392 to %while3A_399 step %while3A_400 iter_args(%while3A_409 = %while3A_393) -> (i32)  : i32 {
      %dma_wait3A = arith.constant 0 : i32
      %dma_wait3A_410 = tpu.memref_slice %arg6[%dma_wait3A] : memref<6291456xi32, #tpu.memory_space<hbm>> -> memref<6144xi32, #tpu.memory_space<hbm>>
      %dma_wait3A_411 = arith.constant 0 : i32
      %dma_wait3A_412 = tpu.memref_slice %arg6[%dma_wait3A_411] : memref<6291456xi32, #tpu.memory_space<hbm>> -> memref<6144xi32, #tpu.memory_space<hbm>>
      tpu.wait_dma2 semaphore(%arg17 : memref<!tpu.dma_semaphore, #tpu.memory_space<semaphore_mem>>) src(%dma_wait3A_412 : memref<6144xi32, #tpu.memory_space<hbm>>) dst(%arg14 : memref<6144xi32, #tpu.memory_space<vmem>>)
      %dma_wait3A_413 = arith.constant 0 : i32
      %dma_wait3A_414 = tpu.memref_slice %arg7[%dma_wait3A_413] : memref<2097152xf32, #tpu.memory_space<hbm>> -> memref<2048xf32, #tpu.memory_space<hbm>>
      %dma_wait3A_415 = arith.constant 0 : i32
      %dma_wait3A_416 = tpu.memref_slice %arg7[%dma_wait3A_415] : memref<2097152xf32, #tpu.memory_space<hbm>> -> memref<2048xf32, #tpu.memory_space<hbm>>
      tpu.wait_dma2 semaphore(%arg17 : memref<!tpu.dma_semaphore, #tpu.memory_space<semaphore_mem>>) src(%dma_wait3A_416 : memref<2048xf32, #tpu.memory_space<hbm>>) dst(%arg15 : memref<2048xf32, #tpu.memory_space<vmem>>)
      %while3A_417 = arith.constant 0 : i32
      scf.yield %while3A_417 : i32
    }
    %while3A_402 = arith.constant 1 : i32
    %while3A_403 = scf.for %while3A_408 = %while3A_399 to %while3A_395 step %while3A_402 iter_args(%while3A_409 = %while3A_401) -> (i32)  : i32 {
      %dma_wait3A = arith.constant 0 : i32
      %dma_wait3A_410 = tpu.memref_slice %arg6[%dma_wait3A] : memref<6291456xi32, #tpu.memory_space<hbm>> -> memref<6144xi32, #tpu.memory_space<hbm>>
      %dma_wait3A_411 = arith.constant 0 : i32
      %dma_wait3A_412 = tpu.memref_slice %arg6[%dma_wait3A_411] : memref<6291456xi32, #tpu.memory_space<hbm>> -> memref<6144xi32, #tpu.memory_space<hbm>>
      tpu.wait_dma2 semaphore(%arg17 : memref<!tpu.dma_semaphore, #tpu.memory_space<semaphore_mem>>) src(%dma_wait3A_412 : memref<6144xi32, #tpu.memory_space<hbm>>) dst(%arg14 : memref<6144xi32, #tpu.memory_space<vmem>>)
      %dma_wait3A_413 = arith.constant 0 : i32
      %dma_wait3A_414 = tpu.memref_slice %arg7[%dma_wait3A_413] : memref<2097152xf32, #tpu.memory_space<hbm>> -> memref<2048xf32, #tpu.memory_space<hbm>>
      %dma_wait3A_415 = arith.constant 0 : i32
      %dma_wait3A_416 = tpu.memref_slice %arg7[%dma_wait3A_415] : memref<2097152xf32, #tpu.memory_space<hbm>> -> memref<2048xf32, #tpu.memory_space<hbm>>
      tpu.wait_dma2 semaphore(%arg17 : memref<!tpu.dma_semaphore, #tpu.memory_space<semaphore_mem>>) src(%dma_wait3A_416 : memref<2048xf32, #tpu.memory_space<hbm>>) dst(%arg15 : memref<2048xf32, #tpu.memory_space<vmem>>)
      %while3A_417 = arith.constant 0 : i32
      scf.yield %while3A_417 : i32
    }
    %eq3A = arith.constant 0 : i32
    %eq3A_404 = arith.cmpi eq, %add3A, %eq3A : i32
    %convert_element_type3A_405 = arith.extui %eq3A_404 : i1 to i32
    %cond3A_406 = arith.constant 0 : i32
    %cond3A_407 = arith.cmpi ne, %convert_element_type3A_405, %cond3A_406 : i32
    scf.if %cond3A_407 {
      %broadcast_in_dim3A_408 = arith.constant 0 : i32
      %broadcast_in_dim3A_409 = vector.broadcast %broadcast_in_dim3A_408 : i32 to vector<16xi32>
      %swap3A = arith.constant 0 : index
      %swap3A_410 = tpu.vector_load %arg16[%swap3A] {strides = array<i32>} : memref<16xi32, #tpu.memory_space<vmem>>, vector<16xi32>,
      tpu.vector_store %arg16[%swap3A], %broadcast_in_dim3A_409 {strides = array<i32>} : memref<16xi32, #tpu.memory_space<vmem>>, vector<16xi32>,
      "tpu.region"() ({
        %run_scoped3A = tpu.sem_alloc : memref<!tpu.dma_semaphore, #tpu.memory_space<semaphore_mem>>
        tpu.enqueue_dma source(%arg16 : memref<16xi32, #tpu.memory_space<vmem>>) target(%arg8 : memref<16xi32, #tpu.memory_space<hbm>>) target_semaphore(%run_scoped3A : memref<!tpu.dma_semaphore, #tpu.memory_space<semaphore_mem>>)
        tpu.wait_dma2 semaphore(%run_scoped3A : memref<!tpu.dma_semaphore, #tpu.memory_space<semaphore_mem>>) src(%arg16 : memref<16xi32, #tpu.memory_space<vmem>>) dst(%arg8 : memref<16xi32, #tpu.memory_space<hbm>>)
        tpu.yield
      }) : () -> ()
    } else {
    }
    return
  }
}

#map = affine_map<(d0, d1) -> (0)>
module attributes {stable_mosaic.version = 14 : i64} {
  func.func @_p1_body(%arg0: i32, %arg1: i32, %arg2: memref<2097152xf32, #tpu.memory_space<hbm>>, %arg3: memref<2097664xi32, #tpu.memory_space<hbm>>, %arg4: memref<2097664xf32, #tpu.memory_space<hbm>>, %arg5: memref<512xi32, #tpu.memory_space<hbm>>, %arg6: memref<18432xf32, #tpu.memory_space<vmem>>, %arg7: memref<528xf32, #tpu.memory_space<vmem>>, %arg8: memref<2576xi32, #tpu.memory_space<vmem>>, %arg9: memref<2576xf32, #tpu.memory_space<vmem>>, %arg10: memref<16xi32, #tpu.memory_space<vmem>>, %arg11: memref<!tpu.dma_semaphore, #tpu.memory_space<semaphore_mem>>, %arg12: memref<!tpu.dma_semaphore, #tpu.memory_space<semaphore_mem>>) attributes {dimension_semantics = [#tpu.dimension_semantics<core_parallel>, #tpu.dimension_semantics<subcore_parallel>], iteration_bounds = array<i64: 2, 16>, scalar_prefetch = 0 : i64, scratch_operands = 7 : i64, tpu.core_type = #tpu.core_type<sc_vector_subcore>, window_params = [{transform_indices = #map}, {transform_indices = #map}, {transform_indices = #map}, {transform_indices = #map}]} {
    %mul3A = arith.constant 2 : i32
    %mul3A_0 = arith.muli %arg1, %mul3A : i32
    %add3A = arith.addi %mul3A_0, %arg0 : i32
    %iota3A = tpu.iota {dimensions = array<i32: 0>} : vector<16xi32>
    %broadcast_in_dim3A = arith.constant 0 : i32
    %broadcast_in_dim3A_1 = vector.broadcast %broadcast_in_dim3A : i32 to vector<16xi32>
    %broadcast_in_dim3A_2 = arith.constant 0.000000e+00 : f32
    %broadcast_in_dim3A_3 = vector.broadcast %broadcast_in_dim3A_2 : f32 to vector<16xf32>
    %add3A_4 = arith.constant 0xFF800000 : f32
    %add3A_5 = vector.broadcast %add3A_4 : f32 to vector<16xf32>
    %add3A_6 = arith.addf %broadcast_in_dim3A_3, %add3A_5 : vector<16xf32>
    %swap3A = arith.constant 0 : index
    %swap3A_7 = tpu.vector_load %arg7[%swap3A] {strides = array<i32>} : memref<528xf32, #tpu.memory_space<vmem>>, vector<16xf32>,
    tpu.vector_store %arg7[%swap3A], %add3A_6 {strides = array<i32>} : memref<528xf32, #tpu.memory_space<vmem>>, vector<16xf32>,
    %swap3A_8 = arith.constant 512 : index
    %swap3A_9 = tpu.vector_load %arg7[%swap3A_8] {strides = array<i32>} : memref<528xf32, #tpu.memory_space<vmem>>, vector<16xf32>,
    tpu.vector_store %arg7[%swap3A_8], %add3A_6 {strides = array<i32>} : memref<528xf32, #tpu.memory_space<vmem>>, vector<16xf32>,
    %mul3A_10 = arith.constant 128 : i32
    %mul3A_11 = arith.muli %add3A, %mul3A_10 : i32
    %mul3A_12 = arith.constant 0 : i32
    %mul3A_13 = arith.constant 16 : i32
    %mul3A_14 = arith.muli %mul3A_12, %mul3A_13 : i32
    %add3A_15 = arith.addi %mul3A_11, %mul3A_14 : i32
    %rem3A = arith.constant 0 : i32
    %rem3A_16 = arith.constant 2 : i32
    %rem3A_17 = arith.remsi %rem3A, %rem3A_16 : i32
    %mul3A_18 = arith.constant 9216 : i32
    %mul3A_19 = arith.muli %rem3A_17, %mul3A_18 : i32
    %mul3A_20 = arith.constant 512 : i32
    %mul3A_21 = arith.muli %add3A_15, %mul3A_20 : i32
    %multiple_of3A = tpu.assume_multiple %mul3A_21, 512 : i32
    %add3A_22 = arith.constant 512 : i32
    %add3A_23 = arith.addi %mul3A_19, %add3A_22 : i32
    %multiple_of3A_24 = tpu.assume_multiple %add3A_23, 16 : i32
    %dma_start3A = tpu.memref_slice %arg6[%multiple_of3A_24] : memref<18432xf32, #tpu.memory_space<vmem>> -> memref<8192xf32, #tpu.memory_space<vmem>>
    %dma_start3A_25 = tpu.memref_slice %arg2[%multiple_of3A] : memref<2097152xf32, #tpu.memory_space<hbm>> -> memref<8192xf32, #tpu.memory_space<hbm>>
    %dma_start3A_26 = tpu.memref_slice %arg6[%multiple_of3A_24] : memref<18432xf32, #tpu.memory_space<vmem>> -> memref<8192xf32, #tpu.memory_space<vmem>>
    %dma_start3A_27 = tpu.memref_slice %arg2[%multiple_of3A] : memref<2097152xf32, #tpu.memory_space<hbm>> -> memref<8192xf32, #tpu.memory_space<hbm>>
    tpu.enqueue_dma source(%dma_start3A_27 : memref<8192xf32, #tpu.memory_space<hbm>>) target(%dma_start3A_26 : memref<8192xf32, #tpu.memory_space<vmem>>) target_semaphore(%arg11 : memref<!tpu.dma_semaphore, #tpu.memory_space<semaphore_mem>>)
    %rem3A_28 = arith.constant 512 : i32
    %rem3A_29 = arith.remsi %add3A_15, %rem3A_28 : i32
    %ne3A = arith.constant 0 : i32
    %ne3A_30 = arith.cmpi ne, %rem3A_29, %ne3A : i32
    %convert_element_type3A = arith.extui %ne3A_30 : i1 to i32
    %cond3A = arith.constant 0 : i32
    %cond3A_31 = arith.cmpi ne, %convert_element_type3A, %cond3A : i32
    scf.if %cond3A_31 {
      %sub3A_128 = arith.constant 1 : i32
      %sub3A_129 = arith.subi %add3A_15, %sub3A_128 : i32
      %mul3A_130 = arith.constant 512 : i32
      %mul3A_131 = arith.muli %sub3A_129, %mul3A_130 : i32
      %multiple_of3A_132 = tpu.assume_multiple %mul3A_131, 512 : i32
      %multiple_of3A_133 = tpu.assume_multiple %mul3A_19, 16 : i32
      %dma_start3A_134 = tpu.memref_slice %arg6[%multiple_of3A_133] : memref<18432xf32, #tpu.memory_space<vmem>> -> memref<512xf32, #tpu.memory_space<vmem>>
      %dma_start3A_135 = tpu.memref_slice %arg2[%multiple_of3A_132] : memref<2097152xf32, #tpu.memory_space<hbm>> -> memref<512xf32, #tpu.memory_space<hbm>>
      %dma_start3A_136 = tpu.memref_slice %arg6[%multiple_of3A_133] : memref<18432xf32, #tpu.memory_space<vmem>> -> memref<512xf32, #tpu.memory_space<vmem>>
      %dma_start3A_137 = tpu.memref_slice %arg2[%multiple_of3A_132] : memref<2097152xf32, #tpu.memory_space<hbm>> -> memref<512xf32, #tpu.memory_space<hbm>>
      tpu.enqueue_dma source(%dma_start3A_137 : memref<512xf32, #tpu.memory_space<hbm>>) target(%dma_start3A_136 : memref<512xf32, #tpu.memory_space<vmem>>) target_semaphore(%arg11 : memref<!tpu.dma_semaphore, #tpu.memory_space<semaphore_mem>>)
    } else {
    }
    %add3A_32 = arith.constant 16 : i32
    %add3A_33 = arith.addi %add3A_15, %add3A_32 : i32
    %rem3A_34 = arith.constant 512 : i32
    %rem3A_35 = arith.remsi %add3A_33, %rem3A_34 : i32
    %ne3A_36 = arith.constant 0 : i32
    %ne3A_37 = arith.cmpi ne, %rem3A_35, %ne3A_36 : i32
    %convert_element_type3A_38 = arith.extui %ne3A_37 : i1 to i32
    %cond3A_39 = arith.constant 0 : i32
    %cond3A_40 = arith.cmpi ne, %convert_element_type3A_38, %cond3A_39 : i32
    scf.if %cond3A_40 {
      %add3A_128 = arith.constant 16 : i32
      %add3A_129 = arith.addi %add3A_15, %add3A_128 : i32
      %mul3A_130 = arith.constant 512 : i32
      %mul3A_131 = arith.muli %add3A_129, %mul3A_130 : i32
      %multiple_of3A_132 = tpu.assume_multiple %mul3A_131, 512 : i32
      %add3A_133 = arith.constant 8704 : i32
      %add3A_134 = arith.addi %mul3A_19, %add3A_133 : i32
      %multiple_of3A_135 = tpu.assume_multiple %add3A_134, 16 : i32
      %dma_start3A_136 = tpu.memref_slice %arg6[%multiple_of3A_135] : memref<18432xf32, #tpu.memory_space<vmem>> -> memref<512xf32, #tpu.memory_space<vmem>>
      %dma_start3A_137 = tpu.memref_slice %arg2[%multiple_of3A_132] : memref<2097152xf32, #tpu.memory_space<hbm>> -> memref<512xf32, #tpu.memory_space<hbm>>
      %dma_start3A_138 = tpu.memref_slice %arg6[%multiple_of3A_135] : memref<18432xf32, #tpu.memory_space<vmem>> -> memref<512xf32, #tpu.memory_space<vmem>>
      %dma_start3A_139 = tpu.memref_slice %arg2[%multiple_of3A_132] : memref<2097152xf32, #tpu.memory_space<hbm>> -> memref<512xf32, #tpu.memory_space<hbm>>
      tpu.enqueue_dma source(%dma_start3A_139 : memref<512xf32, #tpu.memory_space<hbm>>) target(%dma_start3A_138 : memref<512xf32, #tpu.memory_space<vmem>>) target_semaphore(%arg11 : memref<!tpu.dma_semaphore, #tpu.memory_space<semaphore_mem>>)
    } else {
    }
    %scan3A = arith.constant 0 : i32
    %scan3A_41 = arith.constant 0 : i32
    %scan3A_42 = arith.constant 0 : i32
    %scan3A_43 = arith.constant 4 : i32
    %scan3A_44 = arith.addi %scan3A_42, %scan3A_43 : i32
    %scan3A_45 = arith.constant 1 : i32
    %scan3A_46:2 = scf.for %scan3A_128 = %scan3A_42 to %scan3A_44 step %scan3A_45 iter_args(%scan3A_129 = %scan3A, %scan3A_130 = %scan3A_41) -> (i32, i32)  : i32 {
      %mul3A_131 = arith.constant 2 : i32
      %mul3A_132 = arith.muli %mul3A_131, %scan3A_128 : i32
      %mul3A_133 = arith.constant 128 : i32
      %mul3A_134 = arith.muli %add3A, %mul3A_133 : i32
      %mul3A_135 = arith.constant 16 : i32
      %mul3A_136 = arith.muli %mul3A_132, %mul3A_135 : i32
      %add3A_137 = arith.addi %mul3A_134, %mul3A_136 : i32
      %rem3A_138 = arith.constant 2 : i32
      %rem3A_139 = arith.remsi %mul3A_132, %rem3A_138 : i32
      %mul3A_140 = arith.constant 9216 : i32
      %mul3A_141 = arith.muli %rem3A_139, %mul3A_140 : i32
      %rem3A_142 = arith.constant 512 : i32
      %rem3A_143 = arith.remsi %add3A_137, %rem3A_142 : i32
      %ne3A_144 = arith.constant 0 : i32
      %ne3A_145 = arith.cmpi ne, %rem3A_143, %ne3A_144 : i32
      %add3A_146 = arith.constant 16 : i32
      %add3A_147 = arith.addi %add3A_137, %add3A_146 : i32
      %rem3A_148 = arith.constant 512 : i32
      %rem3A_149 = arith.remsi %add3A_147, %rem3A_148 : i32
      %ne3A_150 = arith.constant 0 : i32
      %ne3A_151 = arith.cmpi ne, %rem3A_149, %ne3A_150 : i32
      %add3A_152 = arith.constant 512 : i32
      %add3A_153 = arith.addi %mul3A_141, %add3A_152 : i32
      %multiple_of3A_154 = tpu.assume_multiple %add3A_153, 16 : i32
      %dma_wait3A = tpu.memref_slice %arg6[%multiple_of3A_154] : memref<18432xf32, #tpu.memory_space<vmem>> -> memref<8192xf32, #tpu.memory_space<vmem>>
      %dma_wait3A_155 = arith.constant 0 : i32
      %dma_wait3A_156 = tpu.memref_slice %arg2[%dma_wait3A_155] : memref<2097152xf32, #tpu.memory_space<hbm>> -> memref<8192xf32, #tpu.memory_space<hbm>>
      %dma_wait3A_157 = tpu.memref_slice %arg6[%multiple_of3A_154] : memref<18432xf32, #tpu.memory_space<vmem>> -> memref<8192xf32, #tpu.memory_space<vmem>>
      %dma_wait3A_158 = arith.constant 0 : i32
      %dma_wait3A_159 = tpu.memref_slice %arg2[%dma_wait3A_158] : memref<2097152xf32, #tpu.memory_space<hbm>> -> memref<8192xf32, #tpu.memory_space<hbm>>
      tpu.wait_dma2 semaphore(%arg11 : memref<!tpu.dma_semaphore, #tpu.memory_space<semaphore_mem>>) src(%dma_wait3A_159 : memref<8192xf32, #tpu.memory_space<hbm>>) dst(%dma_wait3A_157 : memref<8192xf32, #tpu.memory_space<vmem>>)
      %convert_element_type3A_160 = arith.extui %ne3A_145 : i1 to i32
      %cond3A_161 = arith.constant 0 : i32
      %cond3A_162 = arith.cmpi ne, %convert_element_type3A_160, %cond3A_161 : i32
      scf.if %cond3A_162 {
        %multiple_of3A_248 = tpu.assume_multiple %mul3A_141, 16 : i32
        %dma_wait3A_249 = tpu.memref_slice %arg6[%multiple_of3A_248] : memref<18432xf32, #tpu.memory_space<vmem>> -> memref<512xf32, #tpu.memory_space<vmem>>
        %dma_wait3A_250 = arith.constant 0 : i32
        %dma_wait3A_251 = tpu.memref_slice %arg2[%dma_wait3A_250] : memref<2097152xf32, #tpu.memory_space<hbm>> -> memref<512xf32, #tpu.memory_space<hbm>>
        %dma_wait3A_252 = tpu.memref_slice %arg6[%multiple_of3A_248] : memref<18432xf32, #tpu.memory_space<vmem>> -> memref<512xf32, #tpu.memory_space<vmem>>
        %dma_wait3A_253 = arith.constant 0 : i32
        %dma_wait3A_254 = tpu.memref_slice %arg2[%dma_wait3A_253] : memref<2097152xf32, #tpu.memory_space<hbm>> -> memref<512xf32, #tpu.memory_space<hbm>>
        tpu.wait_dma2 semaphore(%arg11 : memref<!tpu.dma_semaphore, #tpu.memory_space<semaphore_mem>>) src(%dma_wait3A_254 : memref<512xf32, #tpu.memory_space<hbm>>) dst(%dma_wait3A_252 : memref<512xf32, #tpu.memory_space<vmem>>)
      } else {
      }
      %not3A = arith.constant true
      %not3A_163 = arith.xori %ne3A_145, %not3A : i1
      %convert_element_type3A_164 = arith.extui %not3A_163 : i1 to i32
      %cond3A_165 = arith.constant 0 : i32
      %cond3A_166 = arith.cmpi ne, %convert_element_type3A_164, %cond3A_165 : i32
      scf.if %cond3A_166 {
        %scan3A_248 = arith.constant 0 : i32
        %scan3A_249 = arith.constant 0 : i32
        %scan3A_250 = arith.constant 32 : i32
        %scan3A_251 = arith.addi %scan3A_249, %scan3A_250 : i32
        %scan3A_252 = arith.constant 1 : i32
        %scan3A_253 = scf.for %scan3A_255 = %scan3A_249 to %scan3A_251 step %scan3A_252 iter_args(%scan3A_256 = %scan3A_248) -> (i32)  : i32 {
          %mul3A_257 = arith.constant 16 : i32
          %mul3A_258 = arith.muli %scan3A_255, %mul3A_257 : i32
          %add3A_259 = arith.addi %mul3A_141, %mul3A_258 : i32
          %swap3A_260 = arith.index_cast %add3A_259 : i32 to index
          %swap3A_261 = tpu.vector_load %arg6[%swap3A_260] {strides = array<i32>} : memref<18432xf32, #tpu.memory_space<vmem>>, vector<16xf32>,
          tpu.vector_store %arg6[%swap3A_260], %add3A_6 {strides = array<i32>} : memref<18432xf32, #tpu.memory_space<vmem>>, vector<16xf32>,
          %scan3A_262 = arith.constant 0 : i32
          scf.yield %scan3A_262 : i32
        }
        %scan3A_254 = arith.constant 32 : i32
      } else {
      }
      %convert_element_type3A_167 = arith.extui %ne3A_151 : i1 to i32
      %cond3A_168 = arith.constant 0 : i32
      %cond3A_169 = arith.cmpi ne, %convert_element_type3A_167, %cond3A_168 : i32
      scf.if %cond3A_169 {
        %add3A_248 = arith.constant 8704 : i32
        %add3A_249 = arith.addi %mul3A_141, %add3A_248 : i32
        %multiple_of3A_250 = tpu.assume_multiple %add3A_249, 16 : i32
        %dma_wait3A_251 = tpu.memref_slice %arg6[%multiple_of3A_250] : memref<18432xf32, #tpu.memory_space<vmem>> -> memref<512xf32, #tpu.memory_space<vmem>>
        %dma_wait3A_252 = arith.constant 0 : i32
        %dma_wait3A_253 = tpu.memref_slice %arg2[%dma_wait3A_252] : memref<2097152xf32, #tpu.memory_space<hbm>> -> memref<512xf32, #tpu.memory_space<hbm>>
        %dma_wait3A_254 = tpu.memref_slice %arg6[%multiple_of3A_250] : memref<18432xf32, #tpu.memory_space<vmem>> -> memref<512xf32, #tpu.memory_space<vmem>>
        %dma_wait3A_255 = arith.constant 0 : i32
        %dma_wait3A_256 = tpu.memref_slice %arg2[%dma_wait3A_255] : memref<2097152xf32, #tpu.memory_space<hbm>> -> memref<512xf32, #tpu.memory_space<hbm>>
        tpu.wait_dma2 semaphore(%arg11 : memref<!tpu.dma_semaphore, #tpu.memory_space<semaphore_mem>>) src(%dma_wait3A_256 : memref<512xf32, #tpu.memory_space<hbm>>) dst(%dma_wait3A_254 : memref<512xf32, #tpu.memory_space<vmem>>)
      } else {
      }
      %not3A_170 = arith.constant true
      %not3A_171 = arith.xori %ne3A_151, %not3A_170 : i1
      %convert_element_type3A_172 = arith.extui %not3A_171 : i1 to i32
      %cond3A_173 = arith.constant 0 : i32
      %cond3A_174 = arith.cmpi ne, %convert_element_type3A_172, %cond3A_173 : i32
      scf.if %cond3A_174 {
        %scan3A_248 = arith.constant 0 : i32
        %scan3A_249 = arith.constant 0 : i32
        %scan3A_250 = arith.constant 32 : i32
        %scan3A_251 = arith.addi %scan3A_249, %scan3A_250 : i32
        %scan3A_252 = arith.constant 1 : i32
        %scan3A_253 = scf.for %scan3A_255 = %scan3A_249 to %scan3A_251 step %scan3A_252 iter_args(%scan3A_256 = %scan3A_248) -> (i32)  : i32 {
          %add3A_257 = arith.constant 8704 : i32
          %add3A_258 = arith.addi %mul3A_141, %add3A_257 : i32
          %mul3A_259 = arith.constant 16 : i32
          %mul3A_260 = arith.muli %scan3A_255, %mul3A_259 : i32
          %add3A_261 = arith.addi %add3A_258, %mul3A_260 : i32
          %swap3A_262 = arith.index_cast %add3A_261 : i32 to index
          %swap3A_263 = tpu.vector_load %arg6[%swap3A_262] {strides = array<i32>} : memref<18432xf32, #tpu.memory_space<vmem>>, vector<16xf32>,
          tpu.vector_store %arg6[%swap3A_262], %add3A_6 {strides = array<i32>} : memref<18432xf32, #tpu.memory_space<vmem>>, vector<16xf32>,
          %scan3A_264 = arith.constant 0 : i32
          scf.yield %scan3A_264 : i32
        }
        %scan3A_254 = arith.constant 32 : i32
      } else {
      }
      %add3A_175 = arith.constant 1 : i32
      %add3A_176 = arith.addi %mul3A_132, %add3A_175 : i32
      %lt3A = arith.constant 8 : i32
      %lt3A_177 = arith.cmpi slt, %add3A_176, %lt3A : i32
      %convert_element_type3A_178 = arith.extui %lt3A_177 : i1 to i32
      %cond3A_179 = arith.constant 0 : i32
      %cond3A_180 = arith.cmpi ne, %convert_element_type3A_178, %cond3A_179 : i32
      scf.if %cond3A_180 {
        %add3A_248 = arith.constant 1 : i32
        %add3A_249 = arith.addi %mul3A_132, %add3A_248 : i32
        %mul3A_250 = arith.constant 128 : i32
        %mul3A_251 = arith.muli %add3A, %mul3A_250 : i32
        %mul3A_252 = arith.constant 16 : i32
        %mul3A_253 = arith.muli %add3A_249, %mul3A_252 : i32
        %add3A_254 = arith.addi %mul3A_251, %mul3A_253 : i32
        %rem3A_255 = arith.constant 2 : i32
        %rem3A_256 = arith.remsi %add3A_249, %rem3A_255 : i32
        %mul3A_257 = arith.constant 9216 : i32
        %mul3A_258 = arith.muli %rem3A_256, %mul3A_257 : i32
        %mul3A_259 = arith.constant 512 : i32
        %mul3A_260 = arith.muli %add3A_254, %mul3A_259 : i32
        %multiple_of3A_261 = tpu.assume_multiple %mul3A_260, 512 : i32
        %add3A_262 = arith.constant 512 : i32
        %add3A_263 = arith.addi %mul3A_258, %add3A_262 : i32
        %multiple_of3A_264 = tpu.assume_multiple %add3A_263, 16 : i32
        %dma_start3A_265 = tpu.memref_slice %arg6[%multiple_of3A_264] : memref<18432xf32, #tpu.memory_space<vmem>> -> memref<8192xf32, #tpu.memory_space<vmem>>
        %dma_start3A_266 = tpu.memref_slice %arg2[%multiple_of3A_261] : memref<2097152xf32, #tpu.memory_space<hbm>> -> memref<8192xf32, #tpu.memory_space<hbm>>
        %dma_start3A_267 = tpu.memref_slice %arg6[%multiple_of3A_264] : memref<18432xf32, #tpu.memory_space<vmem>> -> memref<8192xf32, #tpu.memory_space<vmem>>
        %dma_start3A_268 = tpu.memref_slice %arg2[%multiple_of3A_261] : memref<2097152xf32, #tpu.memory_space<hbm>> -> memref<8192xf32, #tpu.memory_space<hbm>>
        tpu.enqueue_dma source(%dma_start3A_268 : memref<8192xf32, #tpu.memory_space<hbm>>) target(%dma_start3A_267 : memref<8192xf32, #tpu.memory_space<vmem>>) target_semaphore(%arg12 : memref<!tpu.dma_semaphore, #tpu.memory_space<semaphore_mem>>)
        %rem3A_269 = arith.constant 512 : i32
        %rem3A_270 = arith.remsi %add3A_254, %rem3A_269 : i32
        %ne3A_271 = arith.constant 0 : i32
        %ne3A_272 = arith.cmpi ne, %rem3A_270, %ne3A_271 : i32
        %convert_element_type3A_273 = arith.extui %ne3A_272 : i1 to i32
        %cond3A_274 = arith.constant 0 : i32
        %cond3A_275 = arith.cmpi ne, %convert_element_type3A_273, %cond3A_274 : i32
        scf.if %cond3A_275 {
          %sub3A_285 = arith.constant 1 : i32
          %sub3A_286 = arith.subi %add3A_254, %sub3A_285 : i32
          %mul3A_287 = arith.constant 512 : i32
          %mul3A_288 = arith.muli %sub3A_286, %mul3A_287 : i32
          %multiple_of3A_289 = tpu.assume_multiple %mul3A_288, 512 : i32
          %multiple_of3A_290 = tpu.assume_multiple %mul3A_258, 16 : i32
          %dma_start3A_291 = tpu.memref_slice %arg6[%multiple_of3A_290] : memref<18432xf32, #tpu.memory_space<vmem>> -> memref<512xf32, #tpu.memory_space<vmem>>
          %dma_start3A_292 = tpu.memref_slice %arg2[%multiple_of3A_289] : memref<2097152xf32, #tpu.memory_space<hbm>> -> memref<512xf32, #tpu.memory_space<hbm>>
          %dma_start3A_293 = tpu.memref_slice %arg6[%multiple_of3A_290] : memref<18432xf32, #tpu.memory_space<vmem>> -> memref<512xf32, #tpu.memory_space<vmem>>
          %dma_start3A_294 = tpu.memref_slice %arg2[%multiple_of3A_289] : memref<2097152xf32, #tpu.memory_space<hbm>> -> memref<512xf32, #tpu.memory_space<hbm>>
          tpu.enqueue_dma source(%dma_start3A_294 : memref<512xf32, #tpu.memory_space<hbm>>) target(%dma_start3A_293 : memref<512xf32, #tpu.memory_space<vmem>>) target_semaphore(%arg12 : memref<!tpu.dma_semaphore, #tpu.memory_space<semaphore_mem>>)
        } else {
        }
        %add3A_276 = arith.constant 16 : i32
        %add3A_277 = arith.addi %add3A_254, %add3A_276 : i32
        %rem3A_278 = arith.constant 512 : i32
        %rem3A_279 = arith.remsi %add3A_277, %rem3A_278 : i32
        %ne3A_280 = arith.constant 0 : i32
        %ne3A_281 = arith.cmpi ne, %rem3A_279, %ne3A_280 : i32
        %convert_element_type3A_282 = arith.extui %ne3A_281 : i1 to i32
        %cond3A_283 = arith.constant 0 : i32
        %cond3A_284 = arith.cmpi ne, %convert_element_type3A_282, %cond3A_283 : i32
        scf.if %cond3A_284 {
          %add3A_285 = arith.constant 16 : i32
          %add3A_286 = arith.addi %add3A_254, %add3A_285 : i32
          %mul3A_287 = arith.constant 512 : i32
          %mul3A_288 = arith.muli %add3A_286, %mul3A_287 : i32
          %multiple_of3A_289 = tpu.assume_multiple %mul3A_288, 512 : i32
          %add3A_290 = arith.constant 8704 : i32
          %add3A_291 = arith.addi %mul3A_258, %add3A_290 : i32
          %multiple_of3A_292 = tpu.assume_multiple %add3A_291, 16 : i32
          %dma_start3A_293 = tpu.memref_slice %arg6[%multiple_of3A_292] : memref<18432xf32, #tpu.memory_space<vmem>> -> memref<512xf32, #tpu.memory_space<vmem>>
          %dma_start3A_294 = tpu.memref_slice %arg2[%multiple_of3A_289] : memref<2097152xf32, #tpu.memory_space<hbm>> -> memref<512xf32, #tpu.memory_space<hbm>>
          %dma_start3A_295 = tpu.memref_slice %arg6[%multiple_of3A_292] : memref<18432xf32, #tpu.memory_space<vmem>> -> memref<512xf32, #tpu.memory_space<vmem>>
          %dma_start3A_296 = tpu.memref_slice %arg2[%multiple_of3A_289] : memref<2097152xf32, #tpu.memory_space<hbm>> -> memref<512xf32, #tpu.memory_space<hbm>>
          tpu.enqueue_dma source(%dma_start3A_296 : memref<512xf32, #tpu.memory_space<hbm>>) target(%dma_start3A_295 : memref<512xf32, #tpu.memory_space<vmem>>) target_semaphore(%arg12 : memref<!tpu.dma_semaphore, #tpu.memory_space<semaphore_mem>>)
        } else {
        }
      } else {
      }
      %scan3A_181 = arith.constant 1 : i32
      %scan3A_182 = arith.constant 16 : i32
      %scan3A_183 = arith.addi %scan3A_181, %scan3A_182 : i32
      %scan3A_184 = arith.constant 1 : i32
      %scan3A_185:2 = scf.for %scan3A_248 = %scan3A_181 to %scan3A_183 step %scan3A_184 iter_args(%scan3A_249 = %scan3A_129, %scan3A_250 = %scan3A_130) -> (i32, i32)  : i32 {
        %add3A_251 = arith.addi %add3A_137, %scan3A_248 : i32
        %sub3A_252 = arith.constant 1 : i32
        %sub3A_253 = arith.subi %add3A_251, %sub3A_252 : i32
        %scan3A_254 = arith.constant 0 : i32
        %scan3A_255 = arith.constant 0 : i32
        %scan3A_256 = arith.constant 8 : i32
        %scan3A_257 = arith.addi %scan3A_255, %scan3A_256 : i32
        %scan3A_258 = arith.constant 1 : i32
        %scan3A_259 = scf.for %scan3A_278 = %scan3A_255 to %scan3A_257 step %scan3A_258 iter_args(%scan3A_279 = %scan3A_254) -> (i32)  : i32 {
          %mul3A_280 = arith.constant 64 : i32
          %mul3A_281 = arith.muli %scan3A_278, %mul3A_280 : i32
          %add3A_282 = arith.constant 0 : i32
          %add3A_283 = arith.addi %mul3A_281, %add3A_282 : i32
          %sub3A_284 = arith.constant 1 : i32
          %sub3A_285 = arith.subi %scan3A_248, %sub3A_284 : i32
          %mul3A_286 = arith.constant 512 : i32
          %mul3A_287 = arith.muli %sub3A_285, %mul3A_286 : i32
          %add3A_288 = arith.addi %mul3A_141, %mul3A_287 : i32
          %add3A_289 = arith.addi %add3A_288, %add3A_283 : i32
          %get3A = arith.index_cast %add3A_289 : i32 to index
          %get3A_290 = tpu.vector_load %arg6[%get3A] {strides = array<i32>} : memref<18432xf32, #tpu.memory_space<vmem>>, vector<16xf32>,
          %mul3A_291 = arith.constant 512 : i32
          %mul3A_292 = arith.muli %scan3A_248, %mul3A_291 : i32
          %add3A_293 = arith.addi %mul3A_141, %mul3A_292 : i32
          %add3A_294 = arith.addi %add3A_293, %add3A_283 : i32
          %get3A_295 = arith.index_cast %add3A_294 : i32 to index
          %get3A_296 = tpu.vector_load %arg6[%get3A_295] {strides = array<i32>} : memref<18432xf32, #tpu.memory_space<vmem>>, vector<16xf32>,
          %max3A = arith.maximumf %get3A_290, %get3A_296 : vector<16xf32>
          %add3A_297 = arith.constant 1 : i32
          %add3A_298 = arith.addi %scan3A_248, %add3A_297 : i32
          %mul3A_299 = arith.constant 512 : i32
          %mul3A_300 = arith.muli %add3A_298, %mul3A_299 : i32
          %add3A_301 = arith.addi %mul3A_141, %mul3A_300 : i32
          %add3A_302 = arith.addi %add3A_301, %add3A_283 : i32
          %get3A_303 = arith.index_cast %add3A_302 : i32 to index
          %get3A_304 = tpu.vector_load %arg6[%get3A_303] {strides = array<i32>} : memref<18432xf32, #tpu.memory_space<vmem>>, vector<16xf32>,
          %max3A_305 = arith.maximumf %max3A, %get3A_304 : vector<16xf32>
          %add3A_306 = arith.constant 8 : i32
          %add3A_307 = arith.addi %add3A_306, %add3A_283 : i32
          %swap3A_308 = arith.index_cast %add3A_307 : i32 to index
          %swap3A_309 = tpu.vector_load %arg7[%swap3A_308] {strides = array<i32>} : memref<528xf32, #tpu.memory_space<vmem>>, vector<16xf32>,
          tpu.vector_store %arg7[%swap3A_308], %max3A_305 {strides = array<i32>} : memref<528xf32, #tpu.memory_space<vmem>>, vector<16xf32>,
          %mul3A_310 = arith.constant 64 : i32
          %mul3A_311 = arith.muli %scan3A_278, %mul3A_310 : i32
          %add3A_312 = arith.constant 16 : i32
          %add3A_313 = arith.addi %mul3A_311, %add3A_312 : i32
          %sub3A_314 = arith.constant 1 : i32
          %sub3A_315 = arith.subi %scan3A_248, %sub3A_314 : i32
          %mul3A_316 = arith.constant 512 : i32
          %mul3A_317 = arith.muli %sub3A_315, %mul3A_316 : i32
          %add3A_318 = arith.addi %mul3A_141, %mul3A_317 : i32
          %add3A_319 = arith.addi %add3A_318, %add3A_313 : i32
          %get3A_320 = arith.index_cast %add3A_319 : i32 to index
          %get3A_321 = tpu.vector_load %arg6[%get3A_320] {strides = array<i32>} : memref<18432xf32, #tpu.memory_space<vmem>>, vector<16xf32>,
          %mul3A_322 = arith.constant 512 : i32
          %mul3A_323 = arith.muli %scan3A_248, %mul3A_322 : i32
          %add3A_324 = arith.addi %mul3A_141, %mul3A_323 : i32
          %add3A_325 = arith.addi %add3A_324, %add3A_313 : i32
          %get3A_326 = arith.index_cast %add3A_325 : i32 to index
          %get3A_327 = tpu.vector_load %arg6[%get3A_326] {strides = array<i32>} : memref<18432xf32, #tpu.memory_space<vmem>>, vector<16xf32>,
          %max3A_328 = arith.maximumf %get3A_321, %get3A_327 : vector<16xf32>
          %add3A_329 = arith.constant 1 : i32
          %add3A_330 = arith.addi %scan3A_248, %add3A_329 : i32
          %mul3A_331 = arith.constant 512 : i32
          %mul3A_332 = arith.muli %add3A_330, %mul3A_331 : i32
          %add3A_333 = arith.addi %mul3A_141, %mul3A_332 : i32
          %add3A_334 = arith.addi %add3A_333, %add3A_313 : i32
          %get3A_335 = arith.index_cast %add3A_334 : i32 to index
          %get3A_336 = tpu.vector_load %arg6[%get3A_335] {strides = array<i32>} : memref<18432xf32, #tpu.memory_space<vmem>>, vector<16xf32>,
          %max3A_337 = arith.maximumf %max3A_328, %get3A_336 : vector<16xf32>
          %add3A_338 = arith.constant 8 : i32
          %add3A_339 = arith.addi %add3A_338, %add3A_313 : i32
          %swap3A_340 = arith.index_cast %add3A_339 : i32 to index
          %swap3A_341 = tpu.vector_load %arg7[%swap3A_340] {strides = array<i32>} : memref<528xf32, #tpu.memory_space<vmem>>, vector<16xf32>,
          tpu.vector_store %arg7[%swap3A_340], %max3A_337 {strides = array<i32>} : memref<528xf32, #tpu.memory_space<vmem>>, vector<16xf32>,
          %mul3A_342 = arith.constant 64 : i32
          %mul3A_343 = arith.muli %scan3A_278, %mul3A_342 : i32
          %add3A_344 = arith.constant 32 : i32
          %add3A_345 = arith.addi %mul3A_343, %add3A_344 : i32
          %sub3A_346 = arith.constant 1 : i32
          %sub3A_347 = arith.subi %scan3A_248, %sub3A_346 : i32
          %mul3A_348 = arith.constant 512 : i32
          %mul3A_349 = arith.muli %sub3A_347, %mul3A_348 : i32
          %add3A_350 = arith.addi %mul3A_141, %mul3A_349 : i32
          %add3A_351 = arith.addi %add3A_350, %add3A_345 : i32
          %get3A_352 = arith.index_cast %add3A_351 : i32 to index
          %get3A_353 = tpu.vector_load %arg6[%get3A_352] {strides = array<i32>} : memref<18432xf32, #tpu.memory_space<vmem>>, vector<16xf32>,
          %mul3A_354 = arith.constant 512 : i32
          %mul3A_355 = arith.muli %scan3A_248, %mul3A_354 : i32
          %add3A_356 = arith.addi %mul3A_141, %mul3A_355 : i32
          %add3A_357 = arith.addi %add3A_356, %add3A_345 : i32
          %get3A_358 = arith.index_cast %add3A_357 : i32 to index
          %get3A_359 = tpu.vector_load %arg6[%get3A_358] {strides = array<i32>} : memref<18432xf32, #tpu.memory_space<vmem>>, vector<16xf32>,
          %max3A_360 = arith.maximumf %get3A_353, %get3A_359 : vector<16xf32>
          %add3A_361 = arith.constant 1 : i32
          %add3A_362 = arith.addi %scan3A_248, %add3A_361 : i32
          %mul3A_363 = arith.constant 512 : i32
          %mul3A_364 = arith.muli %add3A_362, %mul3A_363 : i32
          %add3A_365 = arith.addi %mul3A_141, %mul3A_364 : i32
          %add3A_366 = arith.addi %add3A_365, %add3A_345 : i32
          %get3A_367 = arith.index_cast %add3A_366 : i32 to index
          %get3A_368 = tpu.vector_load %arg6[%get3A_367] {strides = array<i32>} : memref<18432xf32, #tpu.memory_space<vmem>>, vector<16xf32>,
          %max3A_369 = arith.maximumf %max3A_360, %get3A_368 : vector<16xf32>
          %add3A_370 = arith.constant 8 : i32
          %add3A_371 = arith.addi %add3A_370, %add3A_345 : i32
          %swap3A_372 = arith.index_cast %add3A_371 : i32 to index
          %swap3A_373 = tpu.vector_load %arg7[%swap3A_372] {strides = array<i32>} : memref<528xf32, #tpu.memory_space<vmem>>, vector<16xf32>,
          tpu.vector_store %arg7[%swap3A_372], %max3A_369 {strides = array<i32>} : memref<528xf32, #tpu.memory_space<vmem>>, vector<16xf32>,
          %mul3A_374 = arith.constant 64 : i32
          %mul3A_375 = arith.muli %scan3A_278, %mul3A_374 : i32
          %add3A_376 = arith.constant 48 : i32
          %add3A_377 = arith.addi %mul3A_375, %add3A_376 : i32
          %sub3A_378 = arith.constant 1 : i32
          %sub3A_379 = arith.subi %scan3A_248, %sub3A_378 : i32
          %mul3A_380 = arith.constant 512 : i32
          %mul3A_381 = arith.muli %sub3A_379, %mul3A_380 : i32
          %add3A_382 = arith.addi %mul3A_141, %mul3A_381 : i32
          %add3A_383 = arith.addi %add3A_382, %add3A_377 : i32
          %get3A_384 = arith.index_cast %add3A_383 : i32 to index
          %get3A_385 = tpu.vector_load %arg6[%get3A_384] {strides = array<i32>} : memref<18432xf32, #tpu.memory_space<vmem>>, vector<16xf32>,
          %mul3A_386 = arith.constant 512 : i32
          %mul3A_387 = arith.muli %scan3A_248, %mul3A_386 : i32
          %add3A_388 = arith.addi %mul3A_141, %mul3A_387 : i32
          %add3A_389 = arith.addi %add3A_388, %add3A_377 : i32
          %get3A_390 = arith.index_cast %add3A_389 : i32 to index
          %get3A_391 = tpu.vector_load %arg6[%get3A_390] {strides = array<i32>} : memref<18432xf32, #tpu.memory_space<vmem>>, vector<16xf32>,
          %max3A_392 = arith.maximumf %get3A_385, %get3A_391 : vector<16xf32>
          %add3A_393 = arith.constant 1 : i32
          %add3A_394 = arith.addi %scan3A_248, %add3A_393 : i32
          %mul3A_395 = arith.constant 512 : i32
          %mul3A_396 = arith.muli %add3A_394, %mul3A_395 : i32
          %add3A_397 = arith.addi %mul3A_141, %mul3A_396 : i32
          %add3A_398 = arith.addi %add3A_397, %add3A_377 : i32
          %get3A_399 = arith.index_cast %add3A_398 : i32 to index
          %get3A_400 = tpu.vector_load %arg6[%get3A_399] {strides = array<i32>} : memref<18432xf32, #tpu.memory_space<vmem>>, vector<16xf32>,
          %max3A_401 = arith.maximumf %max3A_392, %get3A_400 : vector<16xf32>
          %add3A_402 = arith.constant 8 : i32
          %add3A_403 = arith.addi %add3A_402, %add3A_377 : i32
          %swap3A_404 = arith.index_cast %add3A_403 : i32 to index
          %swap3A_405 = tpu.vector_load %arg7[%swap3A_404] {strides = array<i32>} : memref<528xf32, #tpu.memory_space<vmem>>, vector<16xf32>,
          tpu.vector_store %arg7[%swap3A_404], %max3A_401 {strides = array<i32>} : memref<528xf32, #tpu.memory_space<vmem>>, vector<16xf32>,
          %scan3A_406 = arith.constant 0 : i32
          scf.yield %scan3A_406 : i32
        }
        %scan3A_260 = arith.constant 8 : i32
        %scan3A_261 = arith.constant 0 : i32
        %scan3A_262 = arith.constant 8 : i32
        %scan3A_263 = arith.addi %scan3A_261, %scan3A_262 : i32
        %scan3A_264 = arith.constant 1 : i32
        %scan3A_265 = scf.for %scan3A_278 = %scan3A_261 to %scan3A_263 step %scan3A_264 iter_args(%scan3A_279 = %scan3A_249) -> (i32)  : i32 {
          %mul3A_280 = arith.constant 64 : i32
          %mul3A_281 = arith.muli %scan3A_278, %mul3A_280 : i32
          %add3A_282 = arith.constant 0 : i32
          %add3A_283 = arith.addi %mul3A_281, %add3A_282 : i32
          %add3A_284 = arith.constant 7 : i32
          %add3A_285 = arith.addi %add3A_284, %add3A_283 : i32
          %get3A = arith.index_cast %add3A_285 : i32 to index
          %get3A_286 = tpu.vector_load %arg7[%get3A] {strides = array<i32>} : memref<528xf32, #tpu.memory_space<vmem>>, vector<16xf32>,
          %add3A_287 = arith.constant 8 : i32
          %add3A_288 = arith.addi %add3A_287, %add3A_283 : i32
          %get3A_289 = arith.index_cast %add3A_288 : i32 to index
          %get3A_290 = tpu.vector_load %arg7[%get3A_289] {strides = array<i32>} : memref<528xf32, #tpu.memory_space<vmem>>, vector<16xf32>,
          %max3A = arith.maximumf %get3A_286, %get3A_290 : vector<16xf32>
          %add3A_291 = arith.constant 9 : i32
          %add3A_292 = arith.addi %add3A_291, %add3A_283 : i32
          %get3A_293 = arith.index_cast %add3A_292 : i32 to index
          %get3A_294 = tpu.vector_load %arg7[%get3A_293] {strides = array<i32>} : memref<528xf32, #tpu.memory_space<vmem>>, vector<16xf32>,
          %max3A_295 = arith.maximumf %max3A, %get3A_294 : vector<16xf32>
          %mul3A_296 = arith.constant 512 : i32
          %mul3A_297 = arith.muli %scan3A_248, %mul3A_296 : i32
          %add3A_298 = arith.addi %mul3A_141, %mul3A_297 : i32
          %add3A_299 = arith.addi %add3A_298, %add3A_283 : i32
          %get3A_300 = arith.index_cast %add3A_299 : i32 to index
          %get3A_301 = tpu.vector_load %arg6[%get3A_300] {strides = array<i32>} : memref<18432xf32, #tpu.memory_space<vmem>>, vector<16xf32>,
          %eq3A = arith.cmpf oeq, %max3A_295, %get3A_301 : vector<16xf32>
          %gt3A_302 = arith.constant 5.000000e-01 : f32
          %gt3A_303 = vector.broadcast %gt3A_302 : f32 to vector<16xf32>
          %gt3A_304 = arith.cmpf ogt, %get3A_301, %gt3A_303 : vector<16xf32>
          %and3A = arith.andi %eq3A, %gt3A_304 : vector<16xi1>
          %jit3A_305 = arith.constant 1 : i32
          %jit3A_306 = arith.constant 0 : i32
          %broadcast_in_dim3A_307 = vector.broadcast %jit3A_305 : i32 to vector<16xi32>
          %broadcast_in_dim3A_308 = vector.broadcast %jit3A_306 : i32 to vector<16xi32>
          %select_n3A_309 = arith.select %and3A, %broadcast_in_dim3A_307, %broadcast_in_dim3A_308 : vector<16xi1>, vector<16xi32>
          %broadcast_in_dim3A_310 = arith.constant true
          %broadcast_in_dim3A_311 = vector.broadcast %broadcast_in_dim3A_310 : i1 to vector<16xi1>
          %masked_cumsum3A = tpu.scan <sum>, %select_n3A_309 masked %broadcast_in_dim3A_311 : vector<16xi32>, vector<16xi1> -> vector<16xi32>
          %all_reduce_population_count3A = tpu.all_reduce %and3A {dim = 0 : i64, kind = #tpu.reduction_kind<sum>} : vector<16xi1> -> vector<16xi32>
          %mul3A_312 = arith.constant 64 : i32
          %mul3A_313 = arith.muli %scan3A_278, %mul3A_312 : i32
          %add3A_314 = arith.constant 16 : i32
          %add3A_315 = arith.addi %mul3A_313, %add3A_314 : i32
          %add3A_316 = arith.constant 7 : i32
          %add3A_317 = arith.addi %add3A_316, %add3A_315 : i32
          %get3A_318 = arith.index_cast %add3A_317 : i32 to index
          %get3A_319 = tpu.vector_load %arg7[%get3A_318] {strides = array<i32>} : memref<528xf32, #tpu.memory_space<vmem>>, vector<16xf32>,
          %add3A_320 = arith.constant 8 : i32
          %add3A_321 = arith.addi %add3A_320, %add3A_315 : i32
          %get3A_322 = arith.index_cast %add3A_321 : i32 to index
          %get3A_323 = tpu.vector_load %arg7[%get3A_322] {strides = array<i32>} : memref<528xf32, #tpu.memory_space<vmem>>, vector<16xf32>,
          %max3A_324 = arith.maximumf %get3A_319, %get3A_323 : vector<16xf32>
          %add3A_325 = arith.constant 9 : i32
          %add3A_326 = arith.addi %add3A_325, %add3A_315 : i32
          %get3A_327 = arith.index_cast %add3A_326 : i32 to index
          %get3A_328 = tpu.vector_load %arg7[%get3A_327] {strides = array<i32>} : memref<528xf32, #tpu.memory_space<vmem>>, vector<16xf32>,
          %max3A_329 = arith.maximumf %max3A_324, %get3A_328 : vector<16xf32>
          %mul3A_330 = arith.constant 512 : i32
          %mul3A_331 = arith.muli %scan3A_248, %mul3A_330 : i32
          %add3A_332 = arith.addi %mul3A_141, %mul3A_331 : i32
          %add3A_333 = arith.addi %add3A_332, %add3A_315 : i32
          %get3A_334 = arith.index_cast %add3A_333 : i32 to index
          %get3A_335 = tpu.vector_load %arg6[%get3A_334] {strides = array<i32>} : memref<18432xf32, #tpu.memory_space<vmem>>, vector<16xf32>,
          %eq3A_336 = arith.cmpf oeq, %max3A_329, %get3A_335 : vector<16xf32>
          %gt3A_337 = arith.constant 5.000000e-01 : f32
          %gt3A_338 = vector.broadcast %gt3A_337 : f32 to vector<16xf32>
          %gt3A_339 = arith.cmpf ogt, %get3A_335, %gt3A_338 : vector<16xf32>
          %and3A_340 = arith.andi %eq3A_336, %gt3A_339 : vector<16xi1>
          %jit3A_341 = arith.constant 1 : i32
          %jit3A_342 = arith.constant 0 : i32
          %broadcast_in_dim3A_343 = vector.broadcast %jit3A_341 : i32 to vector<16xi32>
          %broadcast_in_dim3A_344 = vector.broadcast %jit3A_342 : i32 to vector<16xi32>
          %select_n3A_345 = arith.select %and3A_340, %broadcast_in_dim3A_343, %broadcast_in_dim3A_344 : vector<16xi1>, vector<16xi32>
          %broadcast_in_dim3A_346 = arith.constant true
          %broadcast_in_dim3A_347 = vector.broadcast %broadcast_in_dim3A_346 : i1 to vector<16xi1>
          %masked_cumsum3A_348 = tpu.scan <sum>, %select_n3A_345 masked %broadcast_in_dim3A_347 : vector<16xi32>, vector<16xi1> -> vector<16xi32>
          %all_reduce_population_count3A_349 = tpu.all_reduce %and3A_340 {dim = 0 : i64, kind = #tpu.reduction_kind<sum>} : vector<16xi1> -> vector<16xi32>
          %mul3A_350 = arith.constant 64 : i32
          %mul3A_351 = arith.muli %scan3A_278, %mul3A_350 : i32
          %add3A_352 = arith.constant 32 : i32
          %add3A_353 = arith.addi %mul3A_351, %add3A_352 : i32
          %add3A_354 = arith.constant 7 : i32
          %add3A_355 = arith.addi %add3A_354, %add3A_353 : i32
          %get3A_356 = arith.index_cast %add3A_355 : i32 to index
          %get3A_357 = tpu.vector_load %arg7[%get3A_356] {strides = array<i32>} : memref<528xf32, #tpu.memory_space<vmem>>, vector<16xf32>,
          %add3A_358 = arith.constant 8 : i32
          %add3A_359 = arith.addi %add3A_358, %add3A_353 : i32
          %get3A_360 = arith.index_cast %add3A_359 : i32 to index
          %get3A_361 = tpu.vector_load %arg7[%get3A_360] {strides = array<i32>} : memref<528xf32, #tpu.memory_space<vmem>>, vector<16xf32>,
          %max3A_362 = arith.maximumf %get3A_357, %get3A_361 : vector<16xf32>
          %add3A_363 = arith.constant 9 : i32
          %add3A_364 = arith.addi %add3A_363, %add3A_353 : i32
          %get3A_365 = arith.index_cast %add3A_364 : i32 to index
          %get3A_366 = tpu.vector_load %arg7[%get3A_365] {strides = array<i32>} : memref<528xf32, #tpu.memory_space<vmem>>, vector<16xf32>,
          %max3A_367 = arith.maximumf %max3A_362, %get3A_366 : vector<16xf32>
          %mul3A_368 = arith.constant 512 : i32
          %mul3A_369 = arith.muli %scan3A_248, %mul3A_368 : i32
          %add3A_370 = arith.addi %mul3A_141, %mul3A_369 : i32
          %add3A_371 = arith.addi %add3A_370, %add3A_353 : i32
          %get3A_372 = arith.index_cast %add3A_371 : i32 to index
          %get3A_373 = tpu.vector_load %arg6[%get3A_372] {strides = array<i32>} : memref<18432xf32, #tpu.memory_space<vmem>>, vector<16xf32>,
          %eq3A_374 = arith.cmpf oeq, %max3A_367, %get3A_373 : vector<16xf32>
          %gt3A_375 = arith.constant 5.000000e-01 : f32
          %gt3A_376 = vector.broadcast %gt3A_375 : f32 to vector<16xf32>
          %gt3A_377 = arith.cmpf ogt, %get3A_373, %gt3A_376 : vector<16xf32>
          %and3A_378 = arith.andi %eq3A_374, %gt3A_377 : vector<16xi1>
          %jit3A_379 = arith.constant 1 : i32
          %jit3A_380 = arith.constant 0 : i32
          %broadcast_in_dim3A_381 = vector.broadcast %jit3A_379 : i32 to vector<16xi32>
          %broadcast_in_dim3A_382 = vector.broadcast %jit3A_380 : i32 to vector<16xi32>
          %select_n3A_383 = arith.select %and3A_378, %broadcast_in_dim3A_381, %broadcast_in_dim3A_382 : vector<16xi1>, vector<16xi32>
          %broadcast_in_dim3A_384 = arith.constant true
          %broadcast_in_dim3A_385 = vector.broadcast %broadcast_in_dim3A_384 : i1 to vector<16xi1>
          %masked_cumsum3A_386 = tpu.scan <sum>, %select_n3A_383 masked %broadcast_in_dim3A_385 : vector<16xi32>, vector<16xi1> -> vector<16xi32>
          %all_reduce_population_count3A_387 = tpu.all_reduce %and3A_378 {dim = 0 : i64, kind = #tpu.reduction_kind<sum>} : vector<16xi1> -> vector<16xi32>
          %mul3A_388 = arith.constant 64 : i32
          %mul3A_389 = arith.muli %scan3A_278, %mul3A_388 : i32
          %add3A_390 = arith.constant 48 : i32
          %add3A_391 = arith.addi %mul3A_389, %add3A_390 : i32
          %add3A_392 = arith.constant 7 : i32
          %add3A_393 = arith.addi %add3A_392, %add3A_391 : i32
          %get3A_394 = arith.index_cast %add3A_393 : i32 to index
          %get3A_395 = tpu.vector_load %arg7[%get3A_394] {strides = array<i32>} : memref<528xf32, #tpu.memory_space<vmem>>, vector<16xf32>,
          %add3A_396 = arith.constant 8 : i32
          %add3A_397 = arith.addi %add3A_396, %add3A_391 : i32
          %get3A_398 = arith.index_cast %add3A_397 : i32 to index
          %get3A_399 = tpu.vector_load %arg7[%get3A_398] {strides = array<i32>} : memref<528xf32, #tpu.memory_space<vmem>>, vector<16xf32>,
          %max3A_400 = arith.maximumf %get3A_395, %get3A_399 : vector<16xf32>
          %add3A_401 = arith.constant 9 : i32
          %add3A_402 = arith.addi %add3A_401, %add3A_391 : i32
          %get3A_403 = arith.index_cast %add3A_402 : i32 to index
          %get3A_404 = tpu.vector_load %arg7[%get3A_403] {strides = array<i32>} : memref<528xf32, #tpu.memory_space<vmem>>, vector<16xf32>,
          %max3A_405 = arith.maximumf %max3A_400, %get3A_404 : vector<16xf32>
          %mul3A_406 = arith.constant 512 : i32
          %mul3A_407 = arith.muli %scan3A_248, %mul3A_406 : i32
          %add3A_408 = arith.addi %mul3A_141, %mul3A_407 : i32
          %add3A_409 = arith.addi %add3A_408, %add3A_391 : i32
          %get3A_410 = arith.index_cast %add3A_409 : i32 to index
          %get3A_411 = tpu.vector_load %arg6[%get3A_410] {strides = array<i32>} : memref<18432xf32, #tpu.memory_space<vmem>>, vector<16xf32>,
          %eq3A_412 = arith.cmpf oeq, %max3A_405, %get3A_411 : vector<16xf32>
          %gt3A_413 = arith.constant 5.000000e-01 : f32
          %gt3A_414 = vector.broadcast %gt3A_413 : f32 to vector<16xf32>
          %gt3A_415 = arith.cmpf ogt, %get3A_411, %gt3A_414 : vector<16xf32>
          %and3A_416 = arith.andi %eq3A_412, %gt3A_415 : vector<16xi1>
          %jit3A_417 = arith.constant 1 : i32
          %jit3A_418 = arith.constant 0 : i32
          %broadcast_in_dim3A_419 = vector.broadcast %jit3A_417 : i32 to vector<16xi32>
          %broadcast_in_dim3A_420 = vector.broadcast %jit3A_418 : i32 to vector<16xi32>
          %select_n3A_421 = arith.select %and3A_416, %broadcast_in_dim3A_419, %broadcast_in_dim3A_420 : vector<16xi1>, vector<16xi32>
          %broadcast_in_dim3A_422 = arith.constant true
          %broadcast_in_dim3A_423 = vector.broadcast %broadcast_in_dim3A_422 : i1 to vector<16xi1>
          %masked_cumsum3A_424 = tpu.scan <sum>, %select_n3A_421 masked %broadcast_in_dim3A_423 : vector<16xi32>, vector<16xi1> -> vector<16xi32>
          %all_reduce_population_count3A_425 = tpu.all_reduce %and3A_416 {dim = 0 : i64, kind = #tpu.reduction_kind<sum>} : vector<16xi1> -> vector<16xi32>
          %mul3A_426 = arith.constant 64 : i32
          %mul3A_427 = arith.muli %scan3A_278, %mul3A_426 : i32
          %add3A_428 = arith.constant 0 : i32
          %add3A_429 = arith.addi %mul3A_427, %add3A_428 : i32
          %add3A_430 = vector.broadcast %scan3A_279 : i32 to vector<16xi32>
          %add3A_431 = arith.addi %add3A_430, %masked_cumsum3A : vector<16xi32>
          %sub3A_432 = arith.constant 1 : i32
          %sub3A_433 = vector.broadcast %sub3A_432 : i32 to vector<16xi32>
          %sub3A_434 = arith.subi %add3A_431, %sub3A_433 : vector<16xi32>
          %max3A_435 = arith.constant 0 : i32
          %max3A_436 = vector.broadcast %max3A_435 : i32 to vector<16xi32>
          %max3A_437 = arith.maxsi %sub3A_434, %max3A_436 : vector<16xi32>
          %mul3A_438 = arith.constant 512 : i32
          %mul3A_439 = arith.muli %sub3A_253, %mul3A_438 : i32
          %add3A_440 = arith.addi %mul3A_439, %add3A_429 : i32
          %add3A_441 = vector.broadcast %add3A_440 : i32 to vector<16xi32>
          %add3A_442 = arith.addi %add3A_441, %iota3A : vector<16xi32>
          tpu.vector_store_idx %arg8[%max3A_437], %add3A_442 masked %and3A : memref<2576xi32, #tpu.memory_space<vmem>>[vector<16xi32>], vector<16xi32>, vector<16xi1>
          tpu.vector_store_idx %arg9[%max3A_437], %get3A_301 masked %and3A : memref<2576xf32, #tpu.memory_space<vmem>>[vector<16xi32>], vector<16xf32>, vector<16xi1>
          %slice3A = vector.extract_strided_slice %all_reduce_population_count3A {offsets = [0], sizes = [1], strides = [1]} : vector<16xi32> to vector<1xi32>
          %squeeze3A = vector.extract %slice3A[0] : i32 from vector<1xi32>
          %add3A_443 = arith.addi %scan3A_279, %squeeze3A : i32
          %mul3A_444 = arith.constant 64 : i32
          %mul3A_445 = arith.muli %scan3A_278, %mul3A_444 : i32
          %add3A_446 = arith.constant 16 : i32
          %add3A_447 = arith.addi %mul3A_445, %add3A_446 : i32
          %add3A_448 = vector.broadcast %add3A_443 : i32 to vector<16xi32>
          %add3A_449 = arith.addi %add3A_448, %masked_cumsum3A_348 : vector<16xi32>
          %sub3A_450 = arith.constant 1 : i32
          %sub3A_451 = vector.broadcast %sub3A_450 : i32 to vector<16xi32>
          %sub3A_452 = arith.subi %add3A_449, %sub3A_451 : vector<16xi32>
          %max3A_453 = arith.constant 0 : i32
          %max3A_454 = vector.broadcast %max3A_453 : i32 to vector<16xi32>
          %max3A_455 = arith.maxsi %sub3A_452, %max3A_454 : vector<16xi32>
          %mul3A_456 = arith.constant 512 : i32
          %mul3A_457 = arith.muli %sub3A_253, %mul3A_456 : i32
          %add3A_458 = arith.addi %mul3A_457, %add3A_447 : i32
          %add3A_459 = vector.broadcast %add3A_458 : i32 to vector<16xi32>
          %add3A_460 = arith.addi %add3A_459, %iota3A : vector<16xi32>
          tpu.vector_store_idx %arg8[%max3A_455], %add3A_460 masked %and3A_340 : memref<2576xi32, #tpu.memory_space<vmem>>[vector<16xi32>], vector<16xi32>, vector<16xi1>
          tpu.vector_store_idx %arg9[%max3A_455], %get3A_335 masked %and3A_340 : memref<2576xf32, #tpu.memory_space<vmem>>[vector<16xi32>], vector<16xf32>, vector<16xi1>
          %slice3A_461 = vector.extract_strided_slice %all_reduce_population_count3A_349 {offsets = [0], sizes = [1], strides = [1]} : vector<16xi32> to vector<1xi32>
          %squeeze3A_462 = vector.extract %slice3A_461[0] : i32 from vector<1xi32>
          %add3A_463 = arith.addi %add3A_443, %squeeze3A_462 : i32
          %mul3A_464 = arith.constant 64 : i32
          %mul3A_465 = arith.muli %scan3A_278, %mul3A_464 : i32
          %add3A_466 = arith.constant 32 : i32
          %add3A_467 = arith.addi %mul3A_465, %add3A_466 : i32
          %add3A_468 = vector.broadcast %add3A_463 : i32 to vector<16xi32>
          %add3A_469 = arith.addi %add3A_468, %masked_cumsum3A_386 : vector<16xi32>
          %sub3A_470 = arith.constant 1 : i32
          %sub3A_471 = vector.broadcast %sub3A_470 : i32 to vector<16xi32>
          %sub3A_472 = arith.subi %add3A_469, %sub3A_471 : vector<16xi32>
          %max3A_473 = arith.constant 0 : i32
          %max3A_474 = vector.broadcast %max3A_473 : i32 to vector<16xi32>
          %max3A_475 = arith.maxsi %sub3A_472, %max3A_474 : vector<16xi32>
          %mul3A_476 = arith.constant 512 : i32
          %mul3A_477 = arith.muli %sub3A_253, %mul3A_476 : i32
          %add3A_478 = arith.addi %mul3A_477, %add3A_467 : i32
          %add3A_479 = vector.broadcast %add3A_478 : i32 to vector<16xi32>
          %add3A_480 = arith.addi %add3A_479, %iota3A : vector<16xi32>
          tpu.vector_store_idx %arg8[%max3A_475], %add3A_480 masked %and3A_378 : memref<2576xi32, #tpu.memory_space<vmem>>[vector<16xi32>], vector<16xi32>, vector<16xi1>
          tpu.vector_store_idx %arg9[%max3A_475], %get3A_373 masked %and3A_378 : memref<2576xf32, #tpu.memory_space<vmem>>[vector<16xi32>], vector<16xf32>, vector<16xi1>
          %slice3A_481 = vector.extract_strided_slice %all_reduce_population_count3A_387 {offsets = [0], sizes = [1], strides = [1]} : vector<16xi32> to vector<1xi32>
          %squeeze3A_482 = vector.extract %slice3A_481[0] : i32 from vector<1xi32>
          %add3A_483 = arith.addi %add3A_463, %squeeze3A_482 : i32
          %mul3A_484 = arith.constant 64 : i32
          %mul3A_485 = arith.muli %scan3A_278, %mul3A_484 : i32
          %add3A_486 = arith.constant 48 : i32
          %add3A_487 = arith.addi %mul3A_485, %add3A_486 : i32
          %add3A_488 = vector.broadcast %add3A_483 : i32 to vector<16xi32>
          %add3A_489 = arith.addi %add3A_488, %masked_cumsum3A_424 : vector<16xi32>
          %sub3A_490 = arith.constant 1 : i32
          %sub3A_491 = vector.broadcast %sub3A_490 : i32 to vector<16xi32>
          %sub3A_492 = arith.subi %add3A_489, %sub3A_491 : vector<16xi32>
          %max3A_493 = arith.constant 0 : i32
          %max3A_494 = vector.broadcast %max3A_493 : i32 to vector<16xi32>
          %max3A_495 = arith.maxsi %sub3A_492, %max3A_494 : vector<16xi32>
          %mul3A_496 = arith.constant 512 : i32
          %mul3A_497 = arith.muli %sub3A_253, %mul3A_496 : i32
          %add3A_498 = arith.addi %mul3A_497, %add3A_487 : i32
          %add3A_499 = vector.broadcast %add3A_498 : i32 to vector<16xi32>
          %add3A_500 = arith.addi %add3A_499, %iota3A : vector<16xi32>
          tpu.vector_store_idx %arg8[%max3A_495], %add3A_500 masked %and3A_416 : memref<2576xi32, #tpu.memory_space<vmem>>[vector<16xi32>], vector<16xi32>, vector<16xi1>
          tpu.vector_store_idx %arg9[%max3A_495], %get3A_411 masked %and3A_416 : memref<2576xf32, #tpu.memory_space<vmem>>[vector<16xi32>], vector<16xf32>, vector<16xi1>
          %slice3A_501 = vector.extract_strided_slice %all_reduce_population_count3A_425 {offsets = [0], sizes = [1], strides = [1]} : vector<16xi32> to vector<1xi32>
          %squeeze3A_502 = vector.extract %slice3A_501[0] : i32 from vector<1xi32>
          %add3A_503 = arith.addi %add3A_483, %squeeze3A_502 : i32
          scf.yield %add3A_503 : i32
        }
        %scan3A_266 = arith.constant 8 : i32
        %ge3A_267 = arith.constant 2048 : i32
        %ge3A_268 = arith.cmpi sge, %scan3A_265, %ge3A_267 : i32
        %convert_element_type3A_269 = arith.extui %ge3A_268 : i1 to i32
        %cond3A_270 = arith.constant 0 : i32
        %cond3A_271 = arith.cmpi ne, %convert_element_type3A_269, %cond3A_270 : i32
        scf.if %cond3A_271 {
          %mul3A_278 = arith.constant 65552 : i32
          %mul3A_279 = arith.muli %add3A, %mul3A_278 : i32
          %add3A_280 = arith.addi %mul3A_279, %scan3A_250 : i32
          %multiple_of3A_281 = tpu.assume_multiple %add3A_280, 16 : i32
          "tpu.region"() ({
            %run_scoped3A = tpu.sem_alloc : memref<!tpu.dma_semaphore, #tpu.memory_space<semaphore_mem>>
            %dma_start3A_293 = arith.constant 0 : i32
            %dma_start3A_294 = tpu.memref_slice %arg8[%dma_start3A_293] : memref<2576xi32, #tpu.memory_space<vmem>> -> memref<2048xi32, #tpu.memory_space<vmem>>
            %dma_start3A_295 = tpu.memref_slice %arg3[%multiple_of3A_281] : memref<2097664xi32, #tpu.memory_space<hbm>> -> memref<2048xi32, #tpu.memory_space<hbm>>
            %dma_start3A_296 = tpu.memref_slice %arg3[%multiple_of3A_281] : memref<2097664xi32, #tpu.memory_space<hbm>> -> memref<2048xi32, #tpu.memory_space<hbm>>
            %dma_start3A_297 = arith.constant 0 : i32
            %dma_start3A_298 = tpu.memref_slice %arg8[%dma_start3A_297] : memref<2576xi32, #tpu.memory_space<vmem>> -> memref<2048xi32, #tpu.memory_space<vmem>>
            tpu.enqueue_dma source(%dma_start3A_298 : memref<2048xi32, #tpu.memory_space<vmem>>) target(%dma_start3A_296 : memref<2048xi32, #tpu.memory_space<hbm>>) target_semaphore(%run_scoped3A : memref<!tpu.dma_semaphore, #tpu.memory_space<semaphore_mem>>)
            %dma_wait3A_299 = arith.constant 0 : i32
            %dma_wait3A_300 = tpu.memref_slice %arg8[%dma_wait3A_299] : memref<2576xi32, #tpu.memory_space<vmem>> -> memref<2048xi32, #tpu.memory_space<vmem>>
            %dma_wait3A_301 = tpu.memref_slice %arg3[%multiple_of3A_281] : memref<2097664xi32, #tpu.memory_space<hbm>> -> memref<2048xi32, #tpu.memory_space<hbm>>
            %dma_wait3A_302 = tpu.memref_slice %arg3[%multiple_of3A_281] : memref<2097664xi32, #tpu.memory_space<hbm>> -> memref<2048xi32, #tpu.memory_space<hbm>>
            %dma_wait3A_303 = arith.constant 0 : i32
            %dma_wait3A_304 = tpu.memref_slice %arg8[%dma_wait3A_303] : memref<2576xi32, #tpu.memory_space<vmem>> -> memref<2048xi32, #tpu.memory_space<vmem>>
            tpu.wait_dma2 semaphore(%run_scoped3A : memref<!tpu.dma_semaphore, #tpu.memory_space<semaphore_mem>>) src(%dma_wait3A_304 : memref<2048xi32, #tpu.memory_space<vmem>>) dst(%dma_wait3A_302 : memref<2048xi32, #tpu.memory_space<hbm>>)
            tpu.yield
          }) : () -> ()
          %mul3A_282 = arith.constant 65552 : i32
          %mul3A_283 = arith.muli %add3A, %mul3A_282 : i32
          %add3A_284 = arith.addi %mul3A_283, %scan3A_250 : i32
          %multiple_of3A_285 = tpu.assume_multiple %add3A_284, 16 : i32
          "tpu.region"() ({
            %run_scoped3A = tpu.sem_alloc : memref<!tpu.dma_semaphore, #tpu.memory_space<semaphore_mem>>
            %dma_start3A_293 = arith.constant 0 : i32
            %dma_start3A_294 = tpu.memref_slice %arg9[%dma_start3A_293] : memref<2576xf32, #tpu.memory_space<vmem>> -> memref<2048xf32, #tpu.memory_space<vmem>>
            %dma_start3A_295 = tpu.memref_slice %arg4[%multiple_of3A_285] : memref<2097664xf32, #tpu.memory_space<hbm>> -> memref<2048xf32, #tpu.memory_space<hbm>>
            %dma_start3A_296 = tpu.memref_slice %arg4[%multiple_of3A_285] : memref<2097664xf32, #tpu.memory_space<hbm>> -> memref<2048xf32, #tpu.memory_space<hbm>>
            %dma_start3A_297 = arith.constant 0 : i32
            %dma_start3A_298 = tpu.memref_slice %arg9[%dma_start3A_297] : memref<2576xf32, #tpu.memory_space<vmem>> -> memref<2048xf32, #tpu.memory_space<vmem>>
            tpu.enqueue_dma source(%dma_start3A_298 : memref<2048xf32, #tpu.memory_space<vmem>>) target(%dma_start3A_296 : memref<2048xf32, #tpu.memory_space<hbm>>) target_semaphore(%run_scoped3A : memref<!tpu.dma_semaphore, #tpu.memory_space<semaphore_mem>>)
            %dma_wait3A_299 = arith.constant 0 : i32
            %dma_wait3A_300 = tpu.memref_slice %arg9[%dma_wait3A_299] : memref<2576xf32, #tpu.memory_space<vmem>> -> memref<2048xf32, #tpu.memory_space<vmem>>
            %dma_wait3A_301 = tpu.memref_slice %arg4[%multiple_of3A_285] : memref<2097664xf32, #tpu.memory_space<hbm>> -> memref<2048xf32, #tpu.memory_space<hbm>>
            %dma_wait3A_302 = tpu.memref_slice %arg4[%multiple_of3A_285] : memref<2097664xf32, #tpu.memory_space<hbm>> -> memref<2048xf32, #tpu.memory_space<hbm>>
            %dma_wait3A_303 = arith.constant 0 : i32
            %dma_wait3A_304 = tpu.memref_slice %arg9[%dma_wait3A_303] : memref<2576xf32, #tpu.memory_space<vmem>> -> memref<2048xf32, #tpu.memory_space<vmem>>
            tpu.wait_dma2 semaphore(%run_scoped3A : memref<!tpu.dma_semaphore, #tpu.memory_space<semaphore_mem>>) src(%dma_wait3A_304 : memref<2048xf32, #tpu.memory_space<vmem>>) dst(%dma_wait3A_302 : memref<2048xf32, #tpu.memory_space<hbm>>)
            tpu.yield
          }) : () -> ()
          %scan3A_286 = arith.constant 0 : i32
          %scan3A_287 = arith.constant 0 : i32
          %scan3A_288 = arith.constant 33 : i32
          %scan3A_289 = arith.addi %scan3A_287, %scan3A_288 : i32
          %scan3A_290 = arith.constant 1 : i32
          %scan3A_291 = scf.for %scan3A_293 = %scan3A_287 to %scan3A_289 step %scan3A_290 iter_args(%scan3A_294 = %scan3A_286) -> (i32)  : i32 {
            %mul3A_295 = arith.constant 16 : i32
            %mul3A_296 = arith.muli %scan3A_293, %mul3A_295 : i32
            %add3A_297 = arith.constant 2048 : i32
            %add3A_298 = arith.addi %add3A_297, %mul3A_296 : i32
            %get3A = arith.index_cast %add3A_298 : i32 to index
            %get3A_299 = tpu.vector_load %arg8[%get3A] {strides = array<i32>} : memref<2576xi32, #tpu.memory_space<vmem>>, vector<16xi32>,
            %mul3A_300 = arith.constant 16 : i32
            %mul3A_301 = arith.muli %scan3A_293, %mul3A_300 : i32
            %swap3A_302 = arith.index_cast %mul3A_301 : i32 to index
            %swap3A_303 = tpu.vector_load %arg8[%swap3A_302] {strides = array<i32>} : memref<2576xi32, #tpu.memory_space<vmem>>, vector<16xi32>,
            tpu.vector_store %arg8[%swap3A_302], %get3A_299 {strides = array<i32>} : memref<2576xi32, #tpu.memory_space<vmem>>, vector<16xi32>,
            %mul3A_304 = arith.constant 16 : i32
            %mul3A_305 = arith.muli %scan3A_293, %mul3A_304 : i32
            %add3A_306 = arith.constant 2048 : i32
            %add3A_307 = arith.addi %add3A_306, %mul3A_305 : i32
            %get3A_308 = arith.index_cast %add3A_307 : i32 to index
            %get3A_309 = tpu.vector_load %arg9[%get3A_308] {strides = array<i32>} : memref<2576xf32, #tpu.memory_space<vmem>>, vector<16xf32>,
            %mul3A_310 = arith.constant 16 : i32
            %mul3A_311 = arith.muli %scan3A_293, %mul3A_310 : i32
            %swap3A_312 = arith.index_cast %mul3A_311 : i32 to index
            %swap3A_313 = tpu.vector_load %arg9[%swap3A_312] {strides = array<i32>} : memref<2576xf32, #tpu.memory_space<vmem>>, vector<16xf32>,
            tpu.vector_store %arg9[%swap3A_312], %get3A_309 {strides = array<i32>} : memref<2576xf32, #tpu.memory_space<vmem>>, vector<16xf32>,
            %scan3A_314 = arith.constant 0 : i32
            scf.yield %scan3A_314 : i32
          }
          %scan3A_292 = arith.constant 33 : i32
        } else {
        }
        %sub3A_272 = arith.constant 2048 : i32
        %sub3A_273 = arith.subi %scan3A_265, %sub3A_272 : i32
        %select_n3A_274 = arith.select %ge3A_268, %sub3A_273, %scan3A_265 : i32
        %add3A_275 = arith.constant 2048 : i32
        %add3A_276 = arith.addi %scan3A_250, %add3A_275 : i32
        %select_n3A_277 = arith.select %ge3A_268, %add3A_276, %scan3A_250 : i32
        scf.yield %select_n3A_274, %select_n3A_277 : i32, i32
      }
      %scan3A_186 = arith.constant 16 : i32
      %mul3A_187 = arith.constant 2 : i32
      %mul3A_188 = arith.muli %mul3A_187, %scan3A_128 : i32
      %add3A_189 = arith.constant 1 : i32
      %add3A_190 = arith.addi %mul3A_188, %add3A_189 : i32
      %mul3A_191 = arith.constant 128 : i32
      %mul3A_192 = arith.muli %add3A, %mul3A_191 : i32
      %mul3A_193 = arith.constant 16 : i32
      %mul3A_194 = arith.muli %add3A_190, %mul3A_193 : i32
      %add3A_195 = arith.addi %mul3A_192, %mul3A_194 : i32
      %rem3A_196 = arith.constant 2 : i32
      %rem3A_197 = arith.remsi %add3A_190, %rem3A_196 : i32
      %mul3A_198 = arith.constant 9216 : i32
      %mul3A_199 = arith.muli %rem3A_197, %mul3A_198 : i32
      %rem3A_200 = arith.constant 512 : i32
      %rem3A_201 = arith.remsi %add3A_195, %rem3A_200 : i32
      %ne3A_202 = arith.constant 0 : i32
      %ne3A_203 = arith.cmpi ne, %rem3A_201, %ne3A_202 : i32
      %add3A_204 = arith.constant 16 : i32
      %add3A_205 = arith.addi %add3A_195, %add3A_204 : i32
      %rem3A_206 = arith.constant 512 : i32
      %rem3A_207 = arith.remsi %add3A_205, %rem3A_206 : i32
      %ne3A_208 = arith.constant 0 : i32
      %ne3A_209 = arith.cmpi ne, %rem3A_207, %ne3A_208 : i32
      %add3A_210 = arith.constant 512 : i32
      %add3A_211 = arith.addi %mul3A_199, %add3A_210 : i32
      %multiple_of3A_212 = tpu.assume_multiple %add3A_211, 16 : i32
      %dma_wait3A_213 = tpu.memref_slice %arg6[%multiple_of3A_212] : memref<18432xf32, #tpu.memory_space<vmem>> -> memref<8192xf32, #tpu.memory_space<vmem>>
      %dma_wait3A_214 = arith.constant 0 : i32
      %dma_wait3A_215 = tpu.memref_slice %arg2[%dma_wait3A_214] : memref<2097152xf32, #tpu.memory_space<hbm>> -> memref<8192xf32, #tpu.memory_space<hbm>>
      %dma_wait3A_216 = tpu.memref_slice %arg6[%multiple_of3A_212] : memref<18432xf32, #tpu.memory_space<vmem>> -> memref<8192xf32, #tpu.memory_space<vmem>>
      %dma_wait3A_217 = arith.constant 0 : i32
      %dma_wait3A_218 = tpu.memref_slice %arg2[%dma_wait3A_217] : memref<2097152xf32, #tpu.memory_space<hbm>> -> memref<8192xf32, #tpu.memory_space<hbm>>
      tpu.wait_dma2 semaphore(%arg12 : memref<!tpu.dma_semaphore, #tpu.memory_space<semaphore_mem>>) src(%dma_wait3A_218 : memref<8192xf32, #tpu.memory_space<hbm>>) dst(%dma_wait3A_216 : memref<8192xf32, #tpu.memory_space<vmem>>)
      %convert_element_type3A_219 = arith.extui %ne3A_203 : i1 to i32
      %cond3A_220 = arith.constant 0 : i32
      %cond3A_221 = arith.cmpi ne, %convert_element_type3A_219, %cond3A_220 : i32
      scf.if %cond3A_221 {
        %multiple_of3A_248 = tpu.assume_multiple %mul3A_199, 16 : i32
        %dma_wait3A_249 = tpu.memref_slice %arg6[%multiple_of3A_248] : memref<18432xf32, #tpu.memory_space<vmem>> -> memref<512xf32, #tpu.memory_space<vmem>>
        %dma_wait3A_250 = arith.constant 0 : i32
        %dma_wait3A_251 = tpu.memref_slice %arg2[%dma_wait3A_250] : memref<2097152xf32, #tpu.memory_space<hbm>> -> memref<512xf32, #tpu.memory_space<hbm>>
        %dma_wait3A_252 = tpu.memref_slice %arg6[%multiple_of3A_248] : memref<18432xf32, #tpu.memory_space<vmem>> -> memref<512xf32, #tpu.memory_space<vmem>>
        %dma_wait3A_253 = arith.constant 0 : i32
        %dma_wait3A_254 = tpu.memref_slice %arg2[%dma_wait3A_253] : memref<2097152xf32, #tpu.memory_space<hbm>> -> memref<512xf32, #tpu.memory_space<hbm>>
        tpu.wait_dma2 semaphore(%arg12 : memref<!tpu.dma_semaphore, #tpu.memory_space<semaphore_mem>>) src(%dma_wait3A_254 : memref<512xf32, #tpu.memory_space<hbm>>) dst(%dma_wait3A_252 : memref<512xf32, #tpu.memory_space<vmem>>)
      } else {
      }
      %not3A_222 = arith.constant true
      %not3A_223 = arith.xori %ne3A_203, %not3A_222 : i1
      %convert_element_type3A_224 = arith.extui %not3A_223 : i1 to i32
      %cond3A_225 = arith.constant 0 : i32
      %cond3A_226 = arith.cmpi ne, %convert_element_type3A_224, %cond3A_225 : i32
      scf.if %cond3A_226 {
        %scan3A_248 = arith.constant 0 : i32
        %scan3A_249 = arith.constant 0 : i32
        %scan3A_250 = arith.constant 32 : i32
        %scan3A_251 = arith.addi %scan3A_249, %scan3A_250 : i32
        %scan3A_252 = arith.constant 1 : i32
        %scan3A_253 = scf.for %scan3A_255 = %scan3A_249 to %scan3A_251 step %scan3A_252 iter_args(%scan3A_256 = %scan3A_248) -> (i32)  : i32 {
          %mul3A_257 = arith.constant 16 : i32
          %mul3A_258 = arith.muli %scan3A_255, %mul3A_257 : i32
          %add3A_259 = arith.addi %mul3A_199, %mul3A_258 : i32
          %swap3A_260 = arith.index_cast %add3A_259 : i32 to index
          %swap3A_261 = tpu.vector_load %arg6[%swap3A_260] {strides = array<i32>} : memref<18432xf32, #tpu.memory_space<vmem>>, vector<16xf32>,
          tpu.vector_store %arg6[%swap3A_260], %add3A_6 {strides = array<i32>} : memref<18432xf32, #tpu.memory_space<vmem>>, vector<16xf32>,
          %scan3A_262 = arith.constant 0 : i32
          scf.yield %scan3A_262 : i32
        }
        %scan3A_254 = arith.constant 32 : i32
      } else {
      }
      %convert_element_type3A_227 = arith.extui %ne3A_209 : i1 to i32
      %cond3A_228 = arith.constant 0 : i32
      %cond3A_229 = arith.cmpi ne, %convert_element_type3A_227, %cond3A_228 : i32
      scf.if %cond3A_229 {
        %add3A_248 = arith.constant 8704 : i32
        %add3A_249 = arith.addi %mul3A_199, %add3A_248 : i32
        %multiple_of3A_250 = tpu.assume_multiple %add3A_249, 16 : i32
        %dma_wait3A_251 = tpu.memref_slice %arg6[%multiple_of3A_250] : memref<18432xf32, #tpu.memory_space<vmem>> -> memref<512xf32, #tpu.memory_space<vmem>>
        %dma_wait3A_252 = arith.constant 0 : i32
        %dma_wait3A_253 = tpu.memref_slice %arg2[%dma_wait3A_252] : memref<2097152xf32, #tpu.memory_space<hbm>> -> memref<512xf32, #tpu.memory_space<hbm>>
        %dma_wait3A_254 = tpu.memref_slice %arg6[%multiple_of3A_250] : memref<18432xf32, #tpu.memory_space<vmem>> -> memref<512xf32, #tpu.memory_space<vmem>>
        %dma_wait3A_255 = arith.constant 0 : i32
        %dma_wait3A_256 = tpu.memref_slice %arg2[%dma_wait3A_255] : memref<2097152xf32, #tpu.memory_space<hbm>> -> memref<512xf32, #tpu.memory_space<hbm>>
        tpu.wait_dma2 semaphore(%arg12 : memref<!tpu.dma_semaphore, #tpu.memory_space<semaphore_mem>>) src(%dma_wait3A_256 : memref<512xf32, #tpu.memory_space<hbm>>) dst(%dma_wait3A_254 : memref<512xf32, #tpu.memory_space<vmem>>)
      } else {
      }
      %not3A_230 = arith.constant true
      %not3A_231 = arith.xori %ne3A_209, %not3A_230 : i1
      %convert_element_type3A_232 = arith.extui %not3A_231 : i1 to i32
      %cond3A_233 = arith.constant 0 : i32
      %cond3A_234 = arith.cmpi ne, %convert_element_type3A_232, %cond3A_233 : i32
      scf.if %cond3A_234 {
        %scan3A_248 = arith.constant 0 : i32
        %scan3A_249 = arith.constant 0 : i32
        %scan3A_250 = arith.constant 32 : i32
        %scan3A_251 = arith.addi %scan3A_249, %scan3A_250 : i32
        %scan3A_252 = arith.constant 1 : i32
        %scan3A_253 = scf.for %scan3A_255 = %scan3A_249 to %scan3A_251 step %scan3A_252 iter_args(%scan3A_256 = %scan3A_248) -> (i32)  : i32 {
          %add3A_257 = arith.constant 8704 : i32
          %add3A_258 = arith.addi %mul3A_199, %add3A_257 : i32
          %mul3A_259 = arith.constant 16 : i32
          %mul3A_260 = arith.muli %scan3A_255, %mul3A_259 : i32
          %add3A_261 = arith.addi %add3A_258, %mul3A_260 : i32
          %swap3A_262 = arith.index_cast %add3A_261 : i32 to index
          %swap3A_263 = tpu.vector_load %arg6[%swap3A_262] {strides = array<i32>} : memref<18432xf32, #tpu.memory_space<vmem>>, vector<16xf32>,
          tpu.vector_store %arg6[%swap3A_262], %add3A_6 {strides = array<i32>} : memref<18432xf32, #tpu.memory_space<vmem>>, vector<16xf32>,
          %scan3A_264 = arith.constant 0 : i32
          scf.yield %scan3A_264 : i32
        }
        %scan3A_254 = arith.constant 32 : i32
      } else {
      }
      %add3A_235 = arith.constant 1 : i32
      %add3A_236 = arith.addi %add3A_190, %add3A_235 : i32
      %lt3A_237 = arith.constant 8 : i32
      %lt3A_238 = arith.cmpi slt, %add3A_236, %lt3A_237 : i32
      %convert_element_type3A_239 = arith.extui %lt3A_238 : i1 to i32
      %cond3A_240 = arith.constant 0 : i32
      %cond3A_241 = arith.cmpi ne, %convert_element_type3A_239, %cond3A_240 : i32
      scf.if %cond3A_241 {
        %add3A_248 = arith.constant 1 : i32
        %add3A_249 = arith.addi %add3A_190, %add3A_248 : i32
        %mul3A_250 = arith.constant 128 : i32
        %mul3A_251 = arith.muli %add3A, %mul3A_250 : i32
        %mul3A_252 = arith.constant 16 : i32
        %mul3A_253 = arith.muli %add3A_249, %mul3A_252 : i32
        %add3A_254 = arith.addi %mul3A_251, %mul3A_253 : i32
        %rem3A_255 = arith.constant 2 : i32
        %rem3A_256 = arith.remsi %add3A_249, %rem3A_255 : i32
        %mul3A_257 = arith.constant 9216 : i32
        %mul3A_258 = arith.muli %rem3A_256, %mul3A_257 : i32
        %mul3A_259 = arith.constant 512 : i32
        %mul3A_260 = arith.muli %add3A_254, %mul3A_259 : i32
        %multiple_of3A_261 = tpu.assume_multiple %mul3A_260, 512 : i32
        %add3A_262 = arith.constant 512 : i32
        %add3A_263 = arith.addi %mul3A_258, %add3A_262 : i32
        %multiple_of3A_264 = tpu.assume_multiple %add3A_263, 16 : i32
        %dma_start3A_265 = tpu.memref_slice %arg6[%multiple_of3A_264] : memref<18432xf32, #tpu.memory_space<vmem>> -> memref<8192xf32, #tpu.memory_space<vmem>>
        %dma_start3A_266 = tpu.memref_slice %arg2[%multiple_of3A_261] : memref<2097152xf32, #tpu.memory_space<hbm>> -> memref<8192xf32, #tpu.memory_space<hbm>>
        %dma_start3A_267 = tpu.memref_slice %arg6[%multiple_of3A_264] : memref<18432xf32, #tpu.memory_space<vmem>> -> memref<8192xf32, #tpu.memory_space<vmem>>
        %dma_start3A_268 = tpu.memref_slice %arg2[%multiple_of3A_261] : memref<2097152xf32, #tpu.memory_space<hbm>> -> memref<8192xf32, #tpu.memory_space<hbm>>
        tpu.enqueue_dma source(%dma_start3A_268 : memref<8192xf32, #tpu.memory_space<hbm>>) target(%dma_start3A_267 : memref<8192xf32, #tpu.memory_space<vmem>>) target_semaphore(%arg11 : memref<!tpu.dma_semaphore, #tpu.memory_space<semaphore_mem>>)
        %rem3A_269 = arith.constant 512 : i32
        %rem3A_270 = arith.remsi %add3A_254, %rem3A_269 : i32
        %ne3A_271 = arith.constant 0 : i32
        %ne3A_272 = arith.cmpi ne, %rem3A_270, %ne3A_271 : i32
        %convert_element_type3A_273 = arith.extui %ne3A_272 : i1 to i32
        %cond3A_274 = arith.constant 0 : i32
        %cond3A_275 = arith.cmpi ne, %convert_element_type3A_273, %cond3A_274 : i32
        scf.if %cond3A_275 {
          %sub3A_285 = arith.constant 1 : i32
          %sub3A_286 = arith.subi %add3A_254, %sub3A_285 : i32
          %mul3A_287 = arith.constant 512 : i32
          %mul3A_288 = arith.muli %sub3A_286, %mul3A_287 : i32
          %multiple_of3A_289 = tpu.assume_multiple %mul3A_288, 512 : i32
          %multiple_of3A_290 = tpu.assume_multiple %mul3A_258, 16 : i32
          %dma_start3A_291 = tpu.memref_slice %arg6[%multiple_of3A_290] : memref<18432xf32, #tpu.memory_space<vmem>> -> memref<512xf32, #tpu.memory_space<vmem>>
          %dma_start3A_292 = tpu.memref_slice %arg2[%multiple_of3A_289] : memref<2097152xf32, #tpu.memory_space<hbm>> -> memref<512xf32, #tpu.memory_space<hbm>>
          %dma_start3A_293 = tpu.memref_slice %arg6[%multiple_of3A_290] : memref<18432xf32, #tpu.memory_space<vmem>> -> memref<512xf32, #tpu.memory_space<vmem>>
          %dma_start3A_294 = tpu.memref_slice %arg2[%multiple_of3A_289] : memref<2097152xf32, #tpu.memory_space<hbm>> -> memref<512xf32, #tpu.memory_space<hbm>>
          tpu.enqueue_dma source(%dma_start3A_294 : memref<512xf32, #tpu.memory_space<hbm>>) target(%dma_start3A_293 : memref<512xf32, #tpu.memory_space<vmem>>) target_semaphore(%arg11 : memref<!tpu.dma_semaphore, #tpu.memory_space<semaphore_mem>>)
        } else {
        }
        %add3A_276 = arith.constant 16 : i32
        %add3A_277 = arith.addi %add3A_254, %add3A_276 : i32
        %rem3A_278 = arith.constant 512 : i32
        %rem3A_279 = arith.remsi %add3A_277, %rem3A_278 : i32
        %ne3A_280 = arith.constant 0 : i32
        %ne3A_281 = arith.cmpi ne, %rem3A_279, %ne3A_280 : i32
        %convert_element_type3A_282 = arith.extui %ne3A_281 : i1 to i32
        %cond3A_283 = arith.constant 0 : i32
        %cond3A_284 = arith.cmpi ne, %convert_element_type3A_282, %cond3A_283 : i32
        scf.if %cond3A_284 {
          %add3A_285 = arith.constant 16 : i32
          %add3A_286 = arith.addi %add3A_254, %add3A_285 : i32
          %mul3A_287 = arith.constant 512 : i32
          %mul3A_288 = arith.muli %add3A_286, %mul3A_287 : i32
          %multiple_of3A_289 = tpu.assume_multiple %mul3A_288, 512 : i32
          %add3A_290 = arith.constant 8704 : i32
          %add3A_291 = arith.addi %mul3A_258, %add3A_290 : i32
          %multiple_of3A_292 = tpu.assume_multiple %add3A_291, 16 : i32
          %dma_start3A_293 = tpu.memref_slice %arg6[%multiple_of3A_292] : memref<18432xf32, #tpu.memory_space<vmem>> -> memref<512xf32, #tpu.memory_space<vmem>>
          %dma_start3A_294 = tpu.memref_slice %arg2[%multiple_of3A_289] : memref<2097152xf32, #tpu.memory_space<hbm>> -> memref<512xf32, #tpu.memory_space<hbm>>
          %dma_start3A_295 = tpu.memref_slice %arg6[%multiple_of3A_292] : memref<18432xf32, #tpu.memory_space<vmem>> -> memref<512xf32, #tpu.memory_space<vmem>>
          %dma_start3A_296 = tpu.memref_slice %arg2[%multiple_of3A_289] : memref<2097152xf32, #tpu.memory_space<hbm>> -> memref<512xf32, #tpu.memory_space<hbm>>
          tpu.enqueue_dma source(%dma_start3A_296 : memref<512xf32, #tpu.memory_space<hbm>>) target(%dma_start3A_295 : memref<512xf32, #tpu.memory_space<vmem>>) target_semaphore(%arg11 : memref<!tpu.dma_semaphore, #tpu.memory_space<semaphore_mem>>)
        } else {
        }
      } else {
      }
      %scan3A_242 = arith.constant 1 : i32
      %scan3A_243 = arith.constant 16 : i32
      %scan3A_244 = arith.addi %scan3A_242, %scan3A_243 : i32
      %scan3A_245 = arith.constant 1 : i32
      %scan3A_246:2 = scf.for %scan3A_248 = %scan3A_242 to %scan3A_244 step %scan3A_245 iter_args(%scan3A_249 = %scan3A_185#0, %scan3A_250 = %scan3A_185#1) -> (i32, i32)  : i32 {
        %add3A_251 = arith.addi %add3A_195, %scan3A_248 : i32
        %sub3A_252 = arith.constant 1 : i32
        %sub3A_253 = arith.subi %add3A_251, %sub3A_252 : i32
        %scan3A_254 = arith.constant 0 : i32
        %scan3A_255 = arith.constant 0 : i32
        %scan3A_256 = arith.constant 8 : i32
        %scan3A_257 = arith.addi %scan3A_255, %scan3A_256 : i32
        %scan3A_258 = arith.constant 1 : i32
        %scan3A_259 = scf.for %scan3A_278 = %scan3A_255 to %scan3A_257 step %scan3A_258 iter_args(%scan3A_279 = %scan3A_254) -> (i32)  : i32 {
          %mul3A_280 = arith.constant 64 : i32
          %mul3A_281 = arith.muli %scan3A_278, %mul3A_280 : i32
          %add3A_282 = arith.constant 0 : i32
          %add3A_283 = arith.addi %mul3A_281, %add3A_282 : i32
          %sub3A_284 = arith.constant 1 : i32
          %sub3A_285 = arith.subi %scan3A_248, %sub3A_284 : i32
          %mul3A_286 = arith.constant 512 : i32
          %mul3A_287 = arith.muli %sub3A_285, %mul3A_286 : i32
          %add3A_288 = arith.addi %mul3A_199, %mul3A_287 : i32
          %add3A_289 = arith.addi %add3A_288, %add3A_283 : i32
          %get3A = arith.index_cast %add3A_289 : i32 to index
          %get3A_290 = tpu.vector_load %arg6[%get3A] {strides = array<i32>} : memref<18432xf32, #tpu.memory_space<vmem>>, vector<16xf32>,
          %mul3A_291 = arith.constant 512 : i32
          %mul3A_292 = arith.muli %scan3A_248, %mul3A_291 : i32
          %add3A_293 = arith.addi %mul3A_199, %mul3A_292 : i32
          %add3A_294 = arith.addi %add3A_293, %add3A_283 : i32
          %get3A_295 = arith.index_cast %add3A_294 : i32 to index
          %get3A_296 = tpu.vector_load %arg6[%get3A_295] {strides = array<i32>} : memref<18432xf32, #tpu.memory_space<vmem>>, vector<16xf32>,
          %max3A = arith.maximumf %get3A_290, %get3A_296 : vector<16xf32>
          %add3A_297 = arith.constant 1 : i32
          %add3A_298 = arith.addi %scan3A_248, %add3A_297 : i32
          %mul3A_299 = arith.constant 512 : i32
          %mul3A_300 = arith.muli %add3A_298, %mul3A_299 : i32
          %add3A_301 = arith.addi %mul3A_199, %mul3A_300 : i32
          %add3A_302 = arith.addi %add3A_301, %add3A_283 : i32
          %get3A_303 = arith.index_cast %add3A_302 : i32 to index
          %get3A_304 = tpu.vector_load %arg6[%get3A_303] {strides = array<i32>} : memref<18432xf32, #tpu.memory_space<vmem>>, vector<16xf32>,
          %max3A_305 = arith.maximumf %max3A, %get3A_304 : vector<16xf32>
          %add3A_306 = arith.constant 8 : i32
          %add3A_307 = arith.addi %add3A_306, %add3A_283 : i32
          %swap3A_308 = arith.index_cast %add3A_307 : i32 to index
          %swap3A_309 = tpu.vector_load %arg7[%swap3A_308] {strides = array<i32>} : memref<528xf32, #tpu.memory_space<vmem>>, vector<16xf32>,
          tpu.vector_store %arg7[%swap3A_308], %max3A_305 {strides = array<i32>} : memref<528xf32, #tpu.memory_space<vmem>>, vector<16xf32>,
          %mul3A_310 = arith.constant 64 : i32
          %mul3A_311 = arith.muli %scan3A_278, %mul3A_310 : i32
          %add3A_312 = arith.constant 16 : i32
          %add3A_313 = arith.addi %mul3A_311, %add3A_312 : i32
          %sub3A_314 = arith.constant 1 : i32
          %sub3A_315 = arith.subi %scan3A_248, %sub3A_314 : i32
          %mul3A_316 = arith.constant 512 : i32
          %mul3A_317 = arith.muli %sub3A_315, %mul3A_316 : i32
          %add3A_318 = arith.addi %mul3A_199, %mul3A_317 : i32
          %add3A_319 = arith.addi %add3A_318, %add3A_313 : i32
          %get3A_320 = arith.index_cast %add3A_319 : i32 to index
          %get3A_321 = tpu.vector_load %arg6[%get3A_320] {strides = array<i32>} : memref<18432xf32, #tpu.memory_space<vmem>>, vector<16xf32>,
          %mul3A_322 = arith.constant 512 : i32
          %mul3A_323 = arith.muli %scan3A_248, %mul3A_322 : i32
          %add3A_324 = arith.addi %mul3A_199, %mul3A_323 : i32
          %add3A_325 = arith.addi %add3A_324, %add3A_313 : i32
          %get3A_326 = arith.index_cast %add3A_325 : i32 to index
          %get3A_327 = tpu.vector_load %arg6[%get3A_326] {strides = array<i32>} : memref<18432xf32, #tpu.memory_space<vmem>>, vector<16xf32>,
          %max3A_328 = arith.maximumf %get3A_321, %get3A_327 : vector<16xf32>
          %add3A_329 = arith.constant 1 : i32
          %add3A_330 = arith.addi %scan3A_248, %add3A_329 : i32
          %mul3A_331 = arith.constant 512 : i32
          %mul3A_332 = arith.muli %add3A_330, %mul3A_331 : i32
          %add3A_333 = arith.addi %mul3A_199, %mul3A_332 : i32
          %add3A_334 = arith.addi %add3A_333, %add3A_313 : i32
          %get3A_335 = arith.index_cast %add3A_334 : i32 to index
          %get3A_336 = tpu.vector_load %arg6[%get3A_335] {strides = array<i32>} : memref<18432xf32, #tpu.memory_space<vmem>>, vector<16xf32>,
          %max3A_337 = arith.maximumf %max3A_328, %get3A_336 : vector<16xf32>
          %add3A_338 = arith.constant 8 : i32
          %add3A_339 = arith.addi %add3A_338, %add3A_313 : i32
          %swap3A_340 = arith.index_cast %add3A_339 : i32 to index
          %swap3A_341 = tpu.vector_load %arg7[%swap3A_340] {strides = array<i32>} : memref<528xf32, #tpu.memory_space<vmem>>, vector<16xf32>,
          tpu.vector_store %arg7[%swap3A_340], %max3A_337 {strides = array<i32>} : memref<528xf32, #tpu.memory_space<vmem>>, vector<16xf32>,
          %mul3A_342 = arith.constant 64 : i32
          %mul3A_343 = arith.muli %scan3A_278, %mul3A_342 : i32
          %add3A_344 = arith.constant 32 : i32
          %add3A_345 = arith.addi %mul3A_343, %add3A_344 : i32
          %sub3A_346 = arith.constant 1 : i32
          %sub3A_347 = arith.subi %scan3A_248, %sub3A_346 : i32
          %mul3A_348 = arith.constant 512 : i32
          %mul3A_349 = arith.muli %sub3A_347, %mul3A_348 : i32
          %add3A_350 = arith.addi %mul3A_199, %mul3A_349 : i32
          %add3A_351 = arith.addi %add3A_350, %add3A_345 : i32
          %get3A_352 = arith.index_cast %add3A_351 : i32 to index
          %get3A_353 = tpu.vector_load %arg6[%get3A_352] {strides = array<i32>} : memref<18432xf32, #tpu.memory_space<vmem>>, vector<16xf32>,
          %mul3A_354 = arith.constant 512 : i32
          %mul3A_355 = arith.muli %scan3A_248, %mul3A_354 : i32
          %add3A_356 = arith.addi %mul3A_199, %mul3A_355 : i32
          %add3A_357 = arith.addi %add3A_356, %add3A_345 : i32
          %get3A_358 = arith.index_cast %add3A_357 : i32 to index
          %get3A_359 = tpu.vector_load %arg6[%get3A_358] {strides = array<i32>} : memref<18432xf32, #tpu.memory_space<vmem>>, vector<16xf32>,
          %max3A_360 = arith.maximumf %get3A_353, %get3A_359 : vector<16xf32>
          %add3A_361 = arith.constant 1 : i32
          %add3A_362 = arith.addi %scan3A_248, %add3A_361 : i32
          %mul3A_363 = arith.constant 512 : i32
          %mul3A_364 = arith.muli %add3A_362, %mul3A_363 : i32
          %add3A_365 = arith.addi %mul3A_199, %mul3A_364 : i32
          %add3A_366 = arith.addi %add3A_365, %add3A_345 : i32
          %get3A_367 = arith.index_cast %add3A_366 : i32 to index
          %get3A_368 = tpu.vector_load %arg6[%get3A_367] {strides = array<i32>} : memref<18432xf32, #tpu.memory_space<vmem>>, vector<16xf32>,
          %max3A_369 = arith.maximumf %max3A_360, %get3A_368 : vector<16xf32>
          %add3A_370 = arith.constant 8 : i32
          %add3A_371 = arith.addi %add3A_370, %add3A_345 : i32
          %swap3A_372 = arith.index_cast %add3A_371 : i32 to index
          %swap3A_373 = tpu.vector_load %arg7[%swap3A_372] {strides = array<i32>} : memref<528xf32, #tpu.memory_space<vmem>>, vector<16xf32>,
          tpu.vector_store %arg7[%swap3A_372], %max3A_369 {strides = array<i32>} : memref<528xf32, #tpu.memory_space<vmem>>, vector<16xf32>,
          %mul3A_374 = arith.constant 64 : i32
          %mul3A_375 = arith.muli %scan3A_278, %mul3A_374 : i32
          %add3A_376 = arith.constant 48 : i32
          %add3A_377 = arith.addi %mul3A_375, %add3A_376 : i32
          %sub3A_378 = arith.constant 1 : i32
          %sub3A_379 = arith.subi %scan3A_248, %sub3A_378 : i32
          %mul3A_380 = arith.constant 512 : i32
          %mul3A_381 = arith.muli %sub3A_379, %mul3A_380 : i32
          %add3A_382 = arith.addi %mul3A_199, %mul3A_381 : i32
          %add3A_383 = arith.addi %add3A_382, %add3A_377 : i32
          %get3A_384 = arith.index_cast %add3A_383 : i32 to index
          %get3A_385 = tpu.vector_load %arg6[%get3A_384] {strides = array<i32>} : memref<18432xf32, #tpu.memory_space<vmem>>, vector<16xf32>,
          %mul3A_386 = arith.constant 512 : i32
          %mul3A_387 = arith.muli %scan3A_248, %mul3A_386 : i32
          %add3A_388 = arith.addi %mul3A_199, %mul3A_387 : i32
          %add3A_389 = arith.addi %add3A_388, %add3A_377 : i32
          %get3A_390 = arith.index_cast %add3A_389 : i32 to index
          %get3A_391 = tpu.vector_load %arg6[%get3A_390] {strides = array<i32>} : memref<18432xf32, #tpu.memory_space<vmem>>, vector<16xf32>,
          %max3A_392 = arith.maximumf %get3A_385, %get3A_391 : vector<16xf32>
          %add3A_393 = arith.constant 1 : i32
          %add3A_394 = arith.addi %scan3A_248, %add3A_393 : i32
          %mul3A_395 = arith.constant 512 : i32
          %mul3A_396 = arith.muli %add3A_394, %mul3A_395 : i32
          %add3A_397 = arith.addi %mul3A_199, %mul3A_396 : i32
          %add3A_398 = arith.addi %add3A_397, %add3A_377 : i32
          %get3A_399 = arith.index_cast %add3A_398 : i32 to index
          %get3A_400 = tpu.vector_load %arg6[%get3A_399] {strides = array<i32>} : memref<18432xf32, #tpu.memory_space<vmem>>, vector<16xf32>,
          %max3A_401 = arith.maximumf %max3A_392, %get3A_400 : vector<16xf32>
          %add3A_402 = arith.constant 8 : i32
          %add3A_403 = arith.addi %add3A_402, %add3A_377 : i32
          %swap3A_404 = arith.index_cast %add3A_403 : i32 to index
          %swap3A_405 = tpu.vector_load %arg7[%swap3A_404] {strides = array<i32>} : memref<528xf32, #tpu.memory_space<vmem>>, vector<16xf32>,
          tpu.vector_store %arg7[%swap3A_404], %max3A_401 {strides = array<i32>} : memref<528xf32, #tpu.memory_space<vmem>>, vector<16xf32>,
          %scan3A_406 = arith.constant 0 : i32
          scf.yield %scan3A_406 : i32
        }
        %scan3A_260 = arith.constant 8 : i32
        %scan3A_261 = arith.constant 0 : i32
        %scan3A_262 = arith.constant 8 : i32
        %scan3A_263 = arith.addi %scan3A_261, %scan3A_262 : i32
        %scan3A_264 = arith.constant 1 : i32
        %scan3A_265 = scf.for %scan3A_278 = %scan3A_261 to %scan3A_263 step %scan3A_264 iter_args(%scan3A_279 = %scan3A_249) -> (i32)  : i32 {
          %mul3A_280 = arith.constant 64 : i32
          %mul3A_281 = arith.muli %scan3A_278, %mul3A_280 : i32
          %add3A_282 = arith.constant 0 : i32
          %add3A_283 = arith.addi %mul3A_281, %add3A_282 : i32
          %add3A_284 = arith.constant 7 : i32
          %add3A_285 = arith.addi %add3A_284, %add3A_283 : i32
          %get3A = arith.index_cast %add3A_285 : i32 to index
          %get3A_286 = tpu.vector_load %arg7[%get3A] {strides = array<i32>} : memref<528xf32, #tpu.memory_space<vmem>>, vector<16xf32>,
          %add3A_287 = arith.constant 8 : i32
          %add3A_288 = arith.addi %add3A_287, %add3A_283 : i32
          %get3A_289 = arith.index_cast %add3A_288 : i32 to index
          %get3A_290 = tpu.vector_load %arg7[%get3A_289] {strides = array<i32>} : memref<528xf32, #tpu.memory_space<vmem>>, vector<16xf32>,
          %max3A = arith.maximumf %get3A_286, %get3A_290 : vector<16xf32>
          %add3A_291 = arith.constant 9 : i32
          %add3A_292 = arith.addi %add3A_291, %add3A_283 : i32
          %get3A_293 = arith.index_cast %add3A_292 : i32 to index
          %get3A_294 = tpu.vector_load %arg7[%get3A_293] {strides = array<i32>} : memref<528xf32, #tpu.memory_space<vmem>>, vector<16xf32>,
          %max3A_295 = arith.maximumf %max3A, %get3A_294 : vector<16xf32>
          %mul3A_296 = arith.constant 512 : i32
          %mul3A_297 = arith.muli %scan3A_248, %mul3A_296 : i32
          %add3A_298 = arith.addi %mul3A_199, %mul3A_297 : i32
          %add3A_299 = arith.addi %add3A_298, %add3A_283 : i32
          %get3A_300 = arith.index_cast %add3A_299 : i32 to index
          %get3A_301 = tpu.vector_load %arg6[%get3A_300] {strides = array<i32>} : memref<18432xf32, #tpu.memory_space<vmem>>, vector<16xf32>,
          %eq3A = arith.cmpf oeq, %max3A_295, %get3A_301 : vector<16xf32>
          %gt3A_302 = arith.constant 5.000000e-01 : f32
          %gt3A_303 = vector.broadcast %gt3A_302 : f32 to vector<16xf32>
          %gt3A_304 = arith.cmpf ogt, %get3A_301, %gt3A_303 : vector<16xf32>
          %and3A = arith.andi %eq3A, %gt3A_304 : vector<16xi1>
          %jit3A_305 = arith.constant 1 : i32
          %jit3A_306 = arith.constant 0 : i32
          %broadcast_in_dim3A_307 = vector.broadcast %jit3A_305 : i32 to vector<16xi32>
          %broadcast_in_dim3A_308 = vector.broadcast %jit3A_306 : i32 to vector<16xi32>
          %select_n3A_309 = arith.select %and3A, %broadcast_in_dim3A_307, %broadcast_in_dim3A_308 : vector<16xi1>, vector<16xi32>
          %broadcast_in_dim3A_310 = arith.constant true
          %broadcast_in_dim3A_311 = vector.broadcast %broadcast_in_dim3A_310 : i1 to vector<16xi1>
          %masked_cumsum3A = tpu.scan <sum>, %select_n3A_309 masked %broadcast_in_dim3A_311 : vector<16xi32>, vector<16xi1> -> vector<16xi32>
          %all_reduce_population_count3A = tpu.all_reduce %and3A {dim = 0 : i64, kind = #tpu.reduction_kind<sum>} : vector<16xi1> -> vector<16xi32>
          %mul3A_312 = arith.constant 64 : i32
          %mul3A_313 = arith.muli %scan3A_278, %mul3A_312 : i32
          %add3A_314 = arith.constant 16 : i32
          %add3A_315 = arith.addi %mul3A_313, %add3A_314 : i32
          %add3A_316 = arith.constant 7 : i32
          %add3A_317 = arith.addi %add3A_316, %add3A_315 : i32
          %get3A_318 = arith.index_cast %add3A_317 : i32 to index
          %get3A_319 = tpu.vector_load %arg7[%get3A_318] {strides = array<i32>} : memref<528xf32, #tpu.memory_space<vmem>>, vector<16xf32>,
          %add3A_320 = arith.constant 8 : i32
          %add3A_321 = arith.addi %add3A_320, %add3A_315 : i32
          %get3A_322 = arith.index_cast %add3A_321 : i32 to index
          %get3A_323 = tpu.vector_load %arg7[%get3A_322] {strides = array<i32>} : memref<528xf32, #tpu.memory_space<vmem>>, vector<16xf32>,
          %max3A_324 = arith.maximumf %get3A_319, %get3A_323 : vector<16xf32>
          %add3A_325 = arith.constant 9 : i32
          %add3A_326 = arith.addi %add3A_325, %add3A_315 : i32
          %get3A_327 = arith.index_cast %add3A_326 : i32 to index
          %get3A_328 = tpu.vector_load %arg7[%get3A_327] {strides = array<i32>} : memref<528xf32, #tpu.memory_space<vmem>>, vector<16xf32>,
          %max3A_329 = arith.maximumf %max3A_324, %get3A_328 : vector<16xf32>
          %mul3A_330 = arith.constant 512 : i32
          %mul3A_331 = arith.muli %scan3A_248, %mul3A_330 : i32
          %add3A_332 = arith.addi %mul3A_199, %mul3A_331 : i32
          %add3A_333 = arith.addi %add3A_332, %add3A_315 : i32
          %get3A_334 = arith.index_cast %add3A_333 : i32 to index
          %get3A_335 = tpu.vector_load %arg6[%get3A_334] {strides = array<i32>} : memref<18432xf32, #tpu.memory_space<vmem>>, vector<16xf32>,
          %eq3A_336 = arith.cmpf oeq, %max3A_329, %get3A_335 : vector<16xf32>
          %gt3A_337 = arith.constant 5.000000e-01 : f32
          %gt3A_338 = vector.broadcast %gt3A_337 : f32 to vector<16xf32>
          %gt3A_339 = arith.cmpf ogt, %get3A_335, %gt3A_338 : vector<16xf32>
          %and3A_340 = arith.andi %eq3A_336, %gt3A_339 : vector<16xi1>
          %jit3A_341 = arith.constant 1 : i32
          %jit3A_342 = arith.constant 0 : i32
          %broadcast_in_dim3A_343 = vector.broadcast %jit3A_341 : i32 to vector<16xi32>
          %broadcast_in_dim3A_344 = vector.broadcast %jit3A_342 : i32 to vector<16xi32>
          %select_n3A_345 = arith.select %and3A_340, %broadcast_in_dim3A_343, %broadcast_in_dim3A_344 : vector<16xi1>, vector<16xi32>
          %broadcast_in_dim3A_346 = arith.constant true
          %broadcast_in_dim3A_347 = vector.broadcast %broadcast_in_dim3A_346 : i1 to vector<16xi1>
          %masked_cumsum3A_348 = tpu.scan <sum>, %select_n3A_345 masked %broadcast_in_dim3A_347 : vector<16xi32>, vector<16xi1> -> vector<16xi32>
          %all_reduce_population_count3A_349 = tpu.all_reduce %and3A_340 {dim = 0 : i64, kind = #tpu.reduction_kind<sum>} : vector<16xi1> -> vector<16xi32>
          %mul3A_350 = arith.constant 64 : i32
          %mul3A_351 = arith.muli %scan3A_278, %mul3A_350 : i32
          %add3A_352 = arith.constant 32 : i32
          %add3A_353 = arith.addi %mul3A_351, %add3A_352 : i32
          %add3A_354 = arith.constant 7 : i32
          %add3A_355 = arith.addi %add3A_354, %add3A_353 : i32
          %get3A_356 = arith.index_cast %add3A_355 : i32 to index
          %get3A_357 = tpu.vector_load %arg7[%get3A_356] {strides = array<i32>} : memref<528xf32, #tpu.memory_space<vmem>>, vector<16xf32>,
          %add3A_358 = arith.constant 8 : i32
          %add3A_359 = arith.addi %add3A_358, %add3A_353 : i32
          %get3A_360 = arith.index_cast %add3A_359 : i32 to index
          %get3A_361 = tpu.vector_load %arg7[%get3A_360] {strides = array<i32>} : memref<528xf32, #tpu.memory_space<vmem>>, vector<16xf32>,
          %max3A_362 = arith.maximumf %get3A_357, %get3A_361 : vector<16xf32>
          %add3A_363 = arith.constant 9 : i32
          %add3A_364 = arith.addi %add3A_363, %add3A_353 : i32
          %get3A_365 = arith.index_cast %add3A_364 : i32 to index
          %get3A_366 = tpu.vector_load %arg7[%get3A_365] {strides = array<i32>} : memref<528xf32, #tpu.memory_space<vmem>>, vector<16xf32>,
          %max3A_367 = arith.maximumf %max3A_362, %get3A_366 : vector<16xf32>
          %mul3A_368 = arith.constant 512 : i32
          %mul3A_369 = arith.muli %scan3A_248, %mul3A_368 : i32
          %add3A_370 = arith.addi %mul3A_199, %mul3A_369 : i32
          %add3A_371 = arith.addi %add3A_370, %add3A_353 : i32
          %get3A_372 = arith.index_cast %add3A_371 : i32 to index
          %get3A_373 = tpu.vector_load %arg6[%get3A_372] {strides = array<i32>} : memref<18432xf32, #tpu.memory_space<vmem>>, vector<16xf32>,
          %eq3A_374 = arith.cmpf oeq, %max3A_367, %get3A_373 : vector<16xf32>
          %gt3A_375 = arith.constant 5.000000e-01 : f32
          %gt3A_376 = vector.broadcast %gt3A_375 : f32 to vector<16xf32>
          %gt3A_377 = arith.cmpf ogt, %get3A_373, %gt3A_376 : vector<16xf32>
          %and3A_378 = arith.andi %eq3A_374, %gt3A_377 : vector<16xi1>
          %jit3A_379 = arith.constant 1 : i32
          %jit3A_380 = arith.constant 0 : i32
          %broadcast_in_dim3A_381 = vector.broadcast %jit3A_379 : i32 to vector<16xi32>
          %broadcast_in_dim3A_382 = vector.broadcast %jit3A_380 : i32 to vector<16xi32>
          %select_n3A_383 = arith.select %and3A_378, %broadcast_in_dim3A_381, %broadcast_in_dim3A_382 : vector<16xi1>, vector<16xi32>
          %broadcast_in_dim3A_384 = arith.constant true
          %broadcast_in_dim3A_385 = vector.broadcast %broadcast_in_dim3A_384 : i1 to vector<16xi1>
          %masked_cumsum3A_386 = tpu.scan <sum>, %select_n3A_383 masked %broadcast_in_dim3A_385 : vector<16xi32>, vector<16xi1> -> vector<16xi32>
          %all_reduce_population_count3A_387 = tpu.all_reduce %and3A_378 {dim = 0 : i64, kind = #tpu.reduction_kind<sum>} : vector<16xi1> -> vector<16xi32>
          %mul3A_388 = arith.constant 64 : i32
          %mul3A_389 = arith.muli %scan3A_278, %mul3A_388 : i32
          %add3A_390 = arith.constant 48 : i32
          %add3A_391 = arith.addi %mul3A_389, %add3A_390 : i32
          %add3A_392 = arith.constant 7 : i32
          %add3A_393 = arith.addi %add3A_392, %add3A_391 : i32
          %get3A_394 = arith.index_cast %add3A_393 : i32 to index
          %get3A_395 = tpu.vector_load %arg7[%get3A_394] {strides = array<i32>} : memref<528xf32, #tpu.memory_space<vmem>>, vector<16xf32>,
          %add3A_396 = arith.constant 8 : i32
          %add3A_397 = arith.addi %add3A_396, %add3A_391 : i32
          %get3A_398 = arith.index_cast %add3A_397 : i32 to index
          %get3A_399 = tpu.vector_load %arg7[%get3A_398] {strides = array<i32>} : memref<528xf32, #tpu.memory_space<vmem>>, vector<16xf32>,
          %max3A_400 = arith.maximumf %get3A_395, %get3A_399 : vector<16xf32>
          %add3A_401 = arith.constant 9 : i32
          %add3A_402 = arith.addi %add3A_401, %add3A_391 : i32
          %get3A_403 = arith.index_cast %add3A_402 : i32 to index
          %get3A_404 = tpu.vector_load %arg7[%get3A_403] {strides = array<i32>} : memref<528xf32, #tpu.memory_space<vmem>>, vector<16xf32>,
          %max3A_405 = arith.maximumf %max3A_400, %get3A_404 : vector<16xf32>
          %mul3A_406 = arith.constant 512 : i32
          %mul3A_407 = arith.muli %scan3A_248, %mul3A_406 : i32
          %add3A_408 = arith.addi %mul3A_199, %mul3A_407 : i32
          %add3A_409 = arith.addi %add3A_408, %add3A_391 : i32
          %get3A_410 = arith.index_cast %add3A_409 : i32 to index
          %get3A_411 = tpu.vector_load %arg6[%get3A_410] {strides = array<i32>} : memref<18432xf32, #tpu.memory_space<vmem>>, vector<16xf32>,
          %eq3A_412 = arith.cmpf oeq, %max3A_405, %get3A_411 : vector<16xf32>
          %gt3A_413 = arith.constant 5.000000e-01 : f32
          %gt3A_414 = vector.broadcast %gt3A_413 : f32 to vector<16xf32>
          %gt3A_415 = arith.cmpf ogt, %get3A_411, %gt3A_414 : vector<16xf32>
          %and3A_416 = arith.andi %eq3A_412, %gt3A_415 : vector<16xi1>
          %jit3A_417 = arith.constant 1 : i32
          %jit3A_418 = arith.constant 0 : i32
          %broadcast_in_dim3A_419 = vector.broadcast %jit3A_417 : i32 to vector<16xi32>
          %broadcast_in_dim3A_420 = vector.broadcast %jit3A_418 : i32 to vector<16xi32>
          %select_n3A_421 = arith.select %and3A_416, %broadcast_in_dim3A_419, %broadcast_in_dim3A_420 : vector<16xi1>, vector<16xi32>
          %broadcast_in_dim3A_422 = arith.constant true
          %broadcast_in_dim3A_423 = vector.broadcast %broadcast_in_dim3A_422 : i1 to vector<16xi1>
          %masked_cumsum3A_424 = tpu.scan <sum>, %select_n3A_421 masked %broadcast_in_dim3A_423 : vector<16xi32>, vector<16xi1> -> vector<16xi32>
          %all_reduce_population_count3A_425 = tpu.all_reduce %and3A_416 {dim = 0 : i64, kind = #tpu.reduction_kind<sum>} : vector<16xi1> -> vector<16xi32>
          %mul3A_426 = arith.constant 64 : i32
          %mul3A_427 = arith.muli %scan3A_278, %mul3A_426 : i32
          %add3A_428 = arith.constant 0 : i32
          %add3A_429 = arith.addi %mul3A_427, %add3A_428 : i32
          %add3A_430 = vector.broadcast %scan3A_279 : i32 to vector<16xi32>
          %add3A_431 = arith.addi %add3A_430, %masked_cumsum3A : vector<16xi32>
          %sub3A_432 = arith.constant 1 : i32
          %sub3A_433 = vector.broadcast %sub3A_432 : i32 to vector<16xi32>
          %sub3A_434 = arith.subi %add3A_431, %sub3A_433 : vector<16xi32>
          %max3A_435 = arith.constant 0 : i32
          %max3A_436 = vector.broadcast %max3A_435 : i32 to vector<16xi32>
          %max3A_437 = arith.maxsi %sub3A_434, %max3A_436 : vector<16xi32>
          %mul3A_438 = arith.constant 512 : i32
          %mul3A_439 = arith.muli %sub3A_253, %mul3A_438 : i32
          %add3A_440 = arith.addi %mul3A_439, %add3A_429 : i32
          %add3A_441 = vector.broadcast %add3A_440 : i32 to vector<16xi32>
          %add3A_442 = arith.addi %add3A_441, %iota3A : vector<16xi32>
          tpu.vector_store_idx %arg8[%max3A_437], %add3A_442 masked %and3A : memref<2576xi32, #tpu.memory_space<vmem>>[vector<16xi32>], vector<16xi32>, vector<16xi1>
          tpu.vector_store_idx %arg9[%max3A_437], %get3A_301 masked %and3A : memref<2576xf32, #tpu.memory_space<vmem>>[vector<16xi32>], vector<16xf32>, vector<16xi1>
          %slice3A = vector.extract_strided_slice %all_reduce_population_count3A {offsets = [0], sizes = [1], strides = [1]} : vector<16xi32> to vector<1xi32>
          %squeeze3A = vector.extract %slice3A[0] : i32 from vector<1xi32>
          %add3A_443 = arith.addi %scan3A_279, %squeeze3A : i32
          %mul3A_444 = arith.constant 64 : i32
          %mul3A_445 = arith.muli %scan3A_278, %mul3A_444 : i32
          %add3A_446 = arith.constant 16 : i32
          %add3A_447 = arith.addi %mul3A_445, %add3A_446 : i32
          %add3A_448 = vector.broadcast %add3A_443 : i32 to vector<16xi32>
          %add3A_449 = arith.addi %add3A_448, %masked_cumsum3A_348 : vector<16xi32>
          %sub3A_450 = arith.constant 1 : i32
          %sub3A_451 = vector.broadcast %sub3A_450 : i32 to vector<16xi32>
          %sub3A_452 = arith.subi %add3A_449, %sub3A_451 : vector<16xi32>
          %max3A_453 = arith.constant 0 : i32
          %max3A_454 = vector.broadcast %max3A_453 : i32 to vector<16xi32>
          %max3A_455 = arith.maxsi %sub3A_452, %max3A_454 : vector<16xi32>
          %mul3A_456 = arith.constant 512 : i32
          %mul3A_457 = arith.muli %sub3A_253, %mul3A_456 : i32
          %add3A_458 = arith.addi %mul3A_457, %add3A_447 : i32
          %add3A_459 = vector.broadcast %add3A_458 : i32 to vector<16xi32>
          %add3A_460 = arith.addi %add3A_459, %iota3A : vector<16xi32>
          tpu.vector_store_idx %arg8[%max3A_455], %add3A_460 masked %and3A_340 : memref<2576xi32, #tpu.memory_space<vmem>>[vector<16xi32>], vector<16xi32>, vector<16xi1>
          tpu.vector_store_idx %arg9[%max3A_455], %get3A_335 masked %and3A_340 : memref<2576xf32, #tpu.memory_space<vmem>>[vector<16xi32>], vector<16xf32>, vector<16xi1>
          %slice3A_461 = vector.extract_strided_slice %all_reduce_population_count3A_349 {offsets = [0], sizes = [1], strides = [1]} : vector<16xi32> to vector<1xi32>
          %squeeze3A_462 = vector.extract %slice3A_461[0] : i32 from vector<1xi32>
          %add3A_463 = arith.addi %add3A_443, %squeeze3A_462 : i32
          %mul3A_464 = arith.constant 64 : i32
          %mul3A_465 = arith.muli %scan3A_278, %mul3A_464 : i32
          %add3A_466 = arith.constant 32 : i32
          %add3A_467 = arith.addi %mul3A_465, %add3A_466 : i32
          %add3A_468 = vector.broadcast %add3A_463 : i32 to vector<16xi32>
          %add3A_469 = arith.addi %add3A_468, %masked_cumsum3A_386 : vector<16xi32>
          %sub3A_470 = arith.constant 1 : i32
          %sub3A_471 = vector.broadcast %sub3A_470 : i32 to vector<16xi32>
          %sub3A_472 = arith.subi %add3A_469, %sub3A_471 : vector<16xi32>
          %max3A_473 = arith.constant 0 : i32
          %max3A_474 = vector.broadcast %max3A_473 : i32 to vector<16xi32>
          %max3A_475 = arith.maxsi %sub3A_472, %max3A_474 : vector<16xi32>
          %mul3A_476 = arith.constant 512 : i32
          %mul3A_477 = arith.muli %sub3A_253, %mul3A_476 : i32
          %add3A_478 = arith.addi %mul3A_477, %add3A_467 : i32
          %add3A_479 = vector.broadcast %add3A_478 : i32 to vector<16xi32>
          %add3A_480 = arith.addi %add3A_479, %iota3A : vector<16xi32>
          tpu.vector_store_idx %arg8[%max3A_475], %add3A_480 masked %and3A_378 : memref<2576xi32, #tpu.memory_space<vmem>>[vector<16xi32>], vector<16xi32>, vector<16xi1>
          tpu.vector_store_idx %arg9[%max3A_475], %get3A_373 masked %and3A_378 : memref<2576xf32, #tpu.memory_space<vmem>>[vector<16xi32>], vector<16xf32>, vector<16xi1>
          %slice3A_481 = vector.extract_strided_slice %all_reduce_population_count3A_387 {offsets = [0], sizes = [1], strides = [1]} : vector<16xi32> to vector<1xi32>
          %squeeze3A_482 = vector.extract %slice3A_481[0] : i32 from vector<1xi32>
          %add3A_483 = arith.addi %add3A_463, %squeeze3A_482 : i32
          %mul3A_484 = arith.constant 64 : i32
          %mul3A_485 = arith.muli %scan3A_278, %mul3A_484 : i32
          %add3A_486 = arith.constant 48 : i32
          %add3A_487 = arith.addi %mul3A_485, %add3A_486 : i32
          %add3A_488 = vector.broadcast %add3A_483 : i32 to vector<16xi32>
          %add3A_489 = arith.addi %add3A_488, %masked_cumsum3A_424 : vector<16xi32>
          %sub3A_490 = arith.constant 1 : i32
          %sub3A_491 = vector.broadcast %sub3A_490 : i32 to vector<16xi32>
          %sub3A_492 = arith.subi %add3A_489, %sub3A_491 : vector<16xi32>
          %max3A_493 = arith.constant 0 : i32
          %max3A_494 = vector.broadcast %max3A_493 : i32 to vector<16xi32>
          %max3A_495 = arith.maxsi %sub3A_492, %max3A_494 : vector<16xi32>
          %mul3A_496 = arith.constant 512 : i32
          %mul3A_497 = arith.muli %sub3A_253, %mul3A_496 : i32
          %add3A_498 = arith.addi %mul3A_497, %add3A_487 : i32
          %add3A_499 = vector.broadcast %add3A_498 : i32 to vector<16xi32>
          %add3A_500 = arith.addi %add3A_499, %iota3A : vector<16xi32>
          tpu.vector_store_idx %arg8[%max3A_495], %add3A_500 masked %and3A_416 : memref<2576xi32, #tpu.memory_space<vmem>>[vector<16xi32>], vector<16xi32>, vector<16xi1>
          tpu.vector_store_idx %arg9[%max3A_495], %get3A_411 masked %and3A_416 : memref<2576xf32, #tpu.memory_space<vmem>>[vector<16xi32>], vector<16xf32>, vector<16xi1>
          %slice3A_501 = vector.extract_strided_slice %all_reduce_population_count3A_425 {offsets = [0], sizes = [1], strides = [1]} : vector<16xi32> to vector<1xi32>
          %squeeze3A_502 = vector.extract %slice3A_501[0] : i32 from vector<1xi32>
          %add3A_503 = arith.addi %add3A_483, %squeeze3A_502 : i32
          scf.yield %add3A_503 : i32
        }
        %scan3A_266 = arith.constant 8 : i32
        %ge3A_267 = arith.constant 2048 : i32
        %ge3A_268 = arith.cmpi sge, %scan3A_265, %ge3A_267 : i32
        %convert_element_type3A_269 = arith.extui %ge3A_268 : i1 to i32
        %cond3A_270 = arith.constant 0 : i32
        %cond3A_271 = arith.cmpi ne, %convert_element_type3A_269, %cond3A_270 : i32
        scf.if %cond3A_271 {
          %mul3A_278 = arith.constant 65552 : i32
          %mul3A_279 = arith.muli %add3A, %mul3A_278 : i32
          %add3A_280 = arith.addi %mul3A_279, %scan3A_250 : i32
          %multiple_of3A_281 = tpu.assume_multiple %add3A_280, 16 : i32
          "tpu.region"() ({
            %run_scoped3A = tpu.sem_alloc : memref<!tpu.dma_semaphore, #tpu.memory_space<semaphore_mem>>
            %dma_start3A_293 = arith.constant 0 : i32
            %dma_start3A_294 = tpu.memref_slice %arg8[%dma_start3A_293] : memref<2576xi32, #tpu.memory_space<vmem>> -> memref<2048xi32, #tpu.memory_space<vmem>>
            %dma_start3A_295 = tpu.memref_slice %arg3[%multiple_of3A_281] : memref<2097664xi32, #tpu.memory_space<hbm>> -> memref<2048xi32, #tpu.memory_space<hbm>>
            %dma_start3A_296 = tpu.memref_slice %arg3[%multiple_of3A_281] : memref<2097664xi32, #tpu.memory_space<hbm>> -> memref<2048xi32, #tpu.memory_space<hbm>>
            %dma_start3A_297 = arith.constant 0 : i32
            %dma_start3A_298 = tpu.memref_slice %arg8[%dma_start3A_297] : memref<2576xi32, #tpu.memory_space<vmem>> -> memref<2048xi32, #tpu.memory_space<vmem>>
            tpu.enqueue_dma source(%dma_start3A_298 : memref<2048xi32, #tpu.memory_space<vmem>>) target(%dma_start3A_296 : memref<2048xi32, #tpu.memory_space<hbm>>) target_semaphore(%run_scoped3A : memref<!tpu.dma_semaphore, #tpu.memory_space<semaphore_mem>>)
            %dma_wait3A_299 = arith.constant 0 : i32
            %dma_wait3A_300 = tpu.memref_slice %arg8[%dma_wait3A_299] : memref<2576xi32, #tpu.memory_space<vmem>> -> memref<2048xi32, #tpu.memory_space<vmem>>
            %dma_wait3A_301 = tpu.memref_slice %arg3[%multiple_of3A_281] : memref<2097664xi32, #tpu.memory_space<hbm>> -> memref<2048xi32, #tpu.memory_space<hbm>>
            %dma_wait3A_302 = tpu.memref_slice %arg3[%multiple_of3A_281] : memref<2097664xi32, #tpu.memory_space<hbm>> -> memref<2048xi32, #tpu.memory_space<hbm>>
            %dma_wait3A_303 = arith.constant 0 : i32
            %dma_wait3A_304 = tpu.memref_slice %arg8[%dma_wait3A_303] : memref<2576xi32, #tpu.memory_space<vmem>> -> memref<2048xi32, #tpu.memory_space<vmem>>
            tpu.wait_dma2 semaphore(%run_scoped3A : memref<!tpu.dma_semaphore, #tpu.memory_space<semaphore_mem>>) src(%dma_wait3A_304 : memref<2048xi32, #tpu.memory_space<vmem>>) dst(%dma_wait3A_302 : memref<2048xi32, #tpu.memory_space<hbm>>)
            tpu.yield
          }) : () -> ()
          %mul3A_282 = arith.constant 65552 : i32
          %mul3A_283 = arith.muli %add3A, %mul3A_282 : i32
          %add3A_284 = arith.addi %mul3A_283, %scan3A_250 : i32
          %multiple_of3A_285 = tpu.assume_multiple %add3A_284, 16 : i32
          "tpu.region"() ({
            %run_scoped3A = tpu.sem_alloc : memref<!tpu.dma_semaphore, #tpu.memory_space<semaphore_mem>>
            %dma_start3A_293 = arith.constant 0 : i32
            %dma_start3A_294 = tpu.memref_slice %arg9[%dma_start3A_293] : memref<2576xf32, #tpu.memory_space<vmem>> -> memref<2048xf32, #tpu.memory_space<vmem>>
            %dma_start3A_295 = tpu.memref_slice %arg4[%multiple_of3A_285] : memref<2097664xf32, #tpu.memory_space<hbm>> -> memref<2048xf32, #tpu.memory_space<hbm>>
            %dma_start3A_296 = tpu.memref_slice %arg4[%multiple_of3A_285] : memref<2097664xf32, #tpu.memory_space<hbm>> -> memref<2048xf32, #tpu.memory_space<hbm>>
            %dma_start3A_297 = arith.constant 0 : i32
            %dma_start3A_298 = tpu.memref_slice %arg9[%dma_start3A_297] : memref<2576xf32, #tpu.memory_space<vmem>> -> memref<2048xf32, #tpu.memory_space<vmem>>
            tpu.enqueue_dma source(%dma_start3A_298 : memref<2048xf32, #tpu.memory_space<vmem>>) target(%dma_start3A_296 : memref<2048xf32, #tpu.memory_space<hbm>>) target_semaphore(%run_scoped3A : memref<!tpu.dma_semaphore, #tpu.memory_space<semaphore_mem>>)
            %dma_wait3A_299 = arith.constant 0 : i32
            %dma_wait3A_300 = tpu.memref_slice %arg9[%dma_wait3A_299] : memref<2576xf32, #tpu.memory_space<vmem>> -> memref<2048xf32, #tpu.memory_space<vmem>>
            %dma_wait3A_301 = tpu.memref_slice %arg4[%multiple_of3A_285] : memref<2097664xf32, #tpu.memory_space<hbm>> -> memref<2048xf32, #tpu.memory_space<hbm>>
            %dma_wait3A_302 = tpu.memref_slice %arg4[%multiple_of3A_285] : memref<2097664xf32, #tpu.memory_space<hbm>> -> memref<2048xf32, #tpu.memory_space<hbm>>
            %dma_wait3A_303 = arith.constant 0 : i32
            %dma_wait3A_304 = tpu.memref_slice %arg9[%dma_wait3A_303] : memref<2576xf32, #tpu.memory_space<vmem>> -> memref<2048xf32, #tpu.memory_space<vmem>>
            tpu.wait_dma2 semaphore(%run_scoped3A : memref<!tpu.dma_semaphore, #tpu.memory_space<semaphore_mem>>) src(%dma_wait3A_304 : memref<2048xf32, #tpu.memory_space<vmem>>) dst(%dma_wait3A_302 : memref<2048xf32, #tpu.memory_space<hbm>>)
            tpu.yield
          }) : () -> ()
          %scan3A_286 = arith.constant 0 : i32
          %scan3A_287 = arith.constant 0 : i32
          %scan3A_288 = arith.constant 33 : i32
          %scan3A_289 = arith.addi %scan3A_287, %scan3A_288 : i32
          %scan3A_290 = arith.constant 1 : i32
          %scan3A_291 = scf.for %scan3A_293 = %scan3A_287 to %scan3A_289 step %scan3A_290 iter_args(%scan3A_294 = %scan3A_286) -> (i32)  : i32 {
            %mul3A_295 = arith.constant 16 : i32
            %mul3A_296 = arith.muli %scan3A_293, %mul3A_295 : i32
            %add3A_297 = arith.constant 2048 : i32
            %add3A_298 = arith.addi %add3A_297, %mul3A_296 : i32
            %get3A = arith.index_cast %add3A_298 : i32 to index
            %get3A_299 = tpu.vector_load %arg8[%get3A] {strides = array<i32>} : memref<2576xi32, #tpu.memory_space<vmem>>, vector<16xi32>,
            %mul3A_300 = arith.constant 16 : i32
            %mul3A_301 = arith.muli %scan3A_293, %mul3A_300 : i32
            %swap3A_302 = arith.index_cast %mul3A_301 : i32 to index
            %swap3A_303 = tpu.vector_load %arg8[%swap3A_302] {strides = array<i32>} : memref<2576xi32, #tpu.memory_space<vmem>>, vector<16xi32>,
            tpu.vector_store %arg8[%swap3A_302], %get3A_299 {strides = array<i32>} : memref<2576xi32, #tpu.memory_space<vmem>>, vector<16xi32>,
            %mul3A_304 = arith.constant 16 : i32
            %mul3A_305 = arith.muli %scan3A_293, %mul3A_304 : i32
            %add3A_306 = arith.constant 2048 : i32
            %add3A_307 = arith.addi %add3A_306, %mul3A_305 : i32
            %get3A_308 = arith.index_cast %add3A_307 : i32 to index
            %get3A_309 = tpu.vector_load %arg9[%get3A_308] {strides = array<i32>} : memref<2576xf32, #tpu.memory_space<vmem>>, vector<16xf32>,
            %mul3A_310 = arith.constant 16 : i32
            %mul3A_311 = arith.muli %scan3A_293, %mul3A_310 : i32
            %swap3A_312 = arith.index_cast %mul3A_311 : i32 to index
            %swap3A_313 = tpu.vector_load %arg9[%swap3A_312] {strides = array<i32>} : memref<2576xf32, #tpu.memory_space<vmem>>, vector<16xf32>,
            tpu.vector_store %arg9[%swap3A_312], %get3A_309 {strides = array<i32>} : memref<2576xf32, #tpu.memory_space<vmem>>, vector<16xf32>,
            %scan3A_314 = arith.constant 0 : i32
            scf.yield %scan3A_314 : i32
          }
          %scan3A_292 = arith.constant 33 : i32
        } else {
        }
        %sub3A_272 = arith.constant 2048 : i32
        %sub3A_273 = arith.subi %scan3A_265, %sub3A_272 : i32
        %select_n3A_274 = arith.select %ge3A_268, %sub3A_273, %scan3A_265 : i32
        %add3A_275 = arith.constant 2048 : i32
        %add3A_276 = arith.addi %scan3A_250, %add3A_275 : i32
        %select_n3A_277 = arith.select %ge3A_268, %add3A_276, %scan3A_250 : i32
        scf.yield %select_n3A_274, %select_n3A_277 : i32, i32
      }
      %scan3A_247 = arith.constant 16 : i32
      scf.yield %scan3A_246#0, %scan3A_246#1 : i32, i32
    }
    %scan3A_47 = arith.constant 4 : i32
    %ge3A = arith.constant 1024 : i32
    %ge3A_48 = arith.cmpi sge, %scan3A_46#0, %ge3A : i32
    %convert_element_type3A_49 = arith.extui %ge3A_48 : i1 to i32
    %cond3A_50 = arith.constant 0 : i32
    %cond3A_51 = arith.constant 0 : i32
    %cond3A_52 = arith.cmpi ne, %convert_element_type3A_49, %cond3A_51 : i32
    scf.if %cond3A_52 {
      %mul3A_128 = arith.constant 65552 : i32
      %mul3A_129 = arith.muli %add3A, %mul3A_128 : i32
      %add3A_130 = arith.addi %mul3A_129, %scan3A_46#1 : i32
      %add3A_131 = arith.addi %add3A_130, %cond3A_50 : i32
      %multiple_of3A_132 = tpu.assume_multiple %add3A_131, 16 : i32
      "tpu.region"() ({
        %run_scoped3A = tpu.sem_alloc : memref<!tpu.dma_semaphore, #tpu.memory_space<semaphore_mem>>
        %dma_start3A_138 = tpu.memref_slice %arg8[%cond3A_50] : memref<2576xi32, #tpu.memory_space<vmem>> -> memref<1024xi32, #tpu.memory_space<vmem>>
        %dma_start3A_139 = tpu.memref_slice %arg3[%multiple_of3A_132] : memref<2097664xi32, #tpu.memory_space<hbm>> -> memref<1024xi32, #tpu.memory_space<hbm>>
        %dma_start3A_140 = tpu.memref_slice %arg3[%multiple_of3A_132] : memref<2097664xi32, #tpu.memory_space<hbm>> -> memref<1024xi32, #tpu.memory_space<hbm>>
        %dma_start3A_141 = tpu.memref_slice %arg8[%cond3A_50] : memref<2576xi32, #tpu.memory_space<vmem>> -> memref<1024xi32, #tpu.memory_space<vmem>>
        tpu.enqueue_dma source(%dma_start3A_141 : memref<1024xi32, #tpu.memory_space<vmem>>) target(%dma_start3A_140 : memref<1024xi32, #tpu.memory_space<hbm>>) target_semaphore(%run_scoped3A : memref<!tpu.dma_semaphore, #tpu.memory_space<semaphore_mem>>)
        %dma_wait3A = tpu.memref_slice %arg8[%cond3A_50] : memref<2576xi32, #tpu.memory_space<vmem>> -> memref<1024xi32, #tpu.memory_space<vmem>>
        %dma_wait3A_142 = tpu.memref_slice %arg3[%multiple_of3A_132] : memref<2097664xi32, #tpu.memory_space<hbm>> -> memref<1024xi32, #tpu.memory_space<hbm>>
        %dma_wait3A_143 = tpu.memref_slice %arg3[%multiple_of3A_132] : memref<2097664xi32, #tpu.memory_space<hbm>> -> memref<1024xi32, #tpu.memory_space<hbm>>
        %dma_wait3A_144 = tpu.memref_slice %arg8[%cond3A_50] : memref<2576xi32, #tpu.memory_space<vmem>> -> memref<1024xi32, #tpu.memory_space<vmem>>
        tpu.wait_dma2 semaphore(%run_scoped3A : memref<!tpu.dma_semaphore, #tpu.memory_space<semaphore_mem>>) src(%dma_wait3A_144 : memref<1024xi32, #tpu.memory_space<vmem>>) dst(%dma_wait3A_143 : memref<1024xi32, #tpu.memory_space<hbm>>)
        tpu.yield
      }) : () -> ()
      %mul3A_133 = arith.constant 65552 : i32
      %mul3A_134 = arith.muli %add3A, %mul3A_133 : i32
      %add3A_135 = arith.addi %mul3A_134, %scan3A_46#1 : i32
      %add3A_136 = arith.addi %add3A_135, %cond3A_50 : i32
      %multiple_of3A_137 = tpu.assume_multiple %add3A_136, 16 : i32
      "tpu.region"() ({
        %run_scoped3A = tpu.sem_alloc : memref<!tpu.dma_semaphore, #tpu.memory_space<semaphore_mem>>
        %dma_start3A_138 = tpu.memref_slice %arg9[%cond3A_50] : memref<2576xf32, #tpu.memory_space<vmem>> -> memref<1024xf32, #tpu.memory_space<vmem>>
        %dma_start3A_139 = tpu.memref_slice %arg4[%multiple_of3A_137] : memref<2097664xf32, #tpu.memory_space<hbm>> -> memref<1024xf32, #tpu.memory_space<hbm>>
        %dma_start3A_140 = tpu.memref_slice %arg4[%multiple_of3A_137] : memref<2097664xf32, #tpu.memory_space<hbm>> -> memref<1024xf32, #tpu.memory_space<hbm>>
        %dma_start3A_141 = tpu.memref_slice %arg9[%cond3A_50] : memref<2576xf32, #tpu.memory_space<vmem>> -> memref<1024xf32, #tpu.memory_space<vmem>>
        tpu.enqueue_dma source(%dma_start3A_141 : memref<1024xf32, #tpu.memory_space<vmem>>) target(%dma_start3A_140 : memref<1024xf32, #tpu.memory_space<hbm>>) target_semaphore(%run_scoped3A : memref<!tpu.dma_semaphore, #tpu.memory_space<semaphore_mem>>)
        %dma_wait3A = tpu.memref_slice %arg9[%cond3A_50] : memref<2576xf32, #tpu.memory_space<vmem>> -> memref<1024xf32, #tpu.memory_space<vmem>>
        %dma_wait3A_142 = tpu.memref_slice %arg4[%multiple_of3A_137] : memref<2097664xf32, #tpu.memory_space<hbm>> -> memref<1024xf32, #tpu.memory_space<hbm>>
        %dma_wait3A_143 = tpu.memref_slice %arg4[%multiple_of3A_137] : memref<2097664xf32, #tpu.memory_space<hbm>> -> memref<1024xf32, #tpu.memory_space<hbm>>
        %dma_wait3A_144 = tpu.memref_slice %arg9[%cond3A_50] : memref<2576xf32, #tpu.memory_space<vmem>> -> memref<1024xf32, #tpu.memory_space<vmem>>
        tpu.wait_dma2 semaphore(%run_scoped3A : memref<!tpu.dma_semaphore, #tpu.memory_space<semaphore_mem>>) src(%dma_wait3A_144 : memref<1024xf32, #tpu.memory_space<vmem>>) dst(%dma_wait3A_143 : memref<1024xf32, #tpu.memory_space<hbm>>)
        tpu.yield
      }) : () -> ()
    } else {
    }
    %jit3A = arith.constant 1024 : i32
    %jit3A_53 = arith.constant 0 : i32
    %select_n3A = arith.select %ge3A_48, %jit3A, %jit3A_53 : i32
    %add3A_54 = arith.constant 0 : i32
    %add3A_55 = arith.addi %add3A_54, %select_n3A : i32
    %sub3A = arith.subi %scan3A_46#0, %select_n3A : i32
    %ge3A_56 = arith.constant 512 : i32
    %ge3A_57 = arith.cmpi sge, %sub3A, %ge3A_56 : i32
    %convert_element_type3A_58 = arith.extui %ge3A_57 : i1 to i32
    %cond3A_59 = arith.constant 0 : i32
    %cond3A_60 = arith.cmpi ne, %convert_element_type3A_58, %cond3A_59 : i32
    scf.if %cond3A_60 {
      %mul3A_128 = arith.constant 65552 : i32
      %mul3A_129 = arith.muli %add3A, %mul3A_128 : i32
      %add3A_130 = arith.addi %mul3A_129, %scan3A_46#1 : i32
      %add3A_131 = arith.addi %add3A_130, %add3A_55 : i32
      %multiple_of3A_132 = tpu.assume_multiple %add3A_131, 16 : i32
      "tpu.region"() ({
        %run_scoped3A = tpu.sem_alloc : memref<!tpu.dma_semaphore, #tpu.memory_space<semaphore_mem>>
        %dma_start3A_138 = tpu.memref_slice %arg8[%add3A_55] : memref<2576xi32, #tpu.memory_space<vmem>> -> memref<512xi32, #tpu.memory_space<vmem>>
        %dma_start3A_139 = tpu.memref_slice %arg3[%multiple_of3A_132] : memref<2097664xi32, #tpu.memory_space<hbm>> -> memref<512xi32, #tpu.memory_space<hbm>>
        %dma_start3A_140 = tpu.memref_slice %arg3[%multiple_of3A_132] : memref<2097664xi32, #tpu.memory_space<hbm>> -> memref<512xi32, #tpu.memory_space<hbm>>
        %dma_start3A_141 = tpu.memref_slice %arg8[%add3A_55] : memref<2576xi32, #tpu.memory_space<vmem>> -> memref<512xi32, #tpu.memory_space<vmem>>
        tpu.enqueue_dma source(%dma_start3A_141 : memref<512xi32, #tpu.memory_space<vmem>>) target(%dma_start3A_140 : memref<512xi32, #tpu.memory_space<hbm>>) target_semaphore(%run_scoped3A : memref<!tpu.dma_semaphore, #tpu.memory_space<semaphore_mem>>)
        %dma_wait3A = tpu.memref_slice %arg8[%add3A_55] : memref<2576xi32, #tpu.memory_space<vmem>> -> memref<512xi32, #tpu.memory_space<vmem>>
        %dma_wait3A_142 = tpu.memref_slice %arg3[%multiple_of3A_132] : memref<2097664xi32, #tpu.memory_space<hbm>> -> memref<512xi32, #tpu.memory_space<hbm>>
        %dma_wait3A_143 = tpu.memref_slice %arg3[%multiple_of3A_132] : memref<2097664xi32, #tpu.memory_space<hbm>> -> memref<512xi32, #tpu.memory_space<hbm>>
        %dma_wait3A_144 = tpu.memref_slice %arg8[%add3A_55] : memref<2576xi32, #tpu.memory_space<vmem>> -> memref<512xi32, #tpu.memory_space<vmem>>
        tpu.wait_dma2 semaphore(%run_scoped3A : memref<!tpu.dma_semaphore, #tpu.memory_space<semaphore_mem>>) src(%dma_wait3A_144 : memref<512xi32, #tpu.memory_space<vmem>>) dst(%dma_wait3A_143 : memref<512xi32, #tpu.memory_space<hbm>>)
        tpu.yield
      }) : () -> ()
      %mul3A_133 = arith.constant 65552 : i32
      %mul3A_134 = arith.muli %add3A, %mul3A_133 : i32
      %add3A_135 = arith.addi %mul3A_134, %scan3A_46#1 : i32
      %add3A_136 = arith.addi %add3A_135, %add3A_55 : i32
      %multiple_of3A_137 = tpu.assume_multiple %add3A_136, 16 : i32
      "tpu.region"() ({
        %run_scoped3A = tpu.sem_alloc : memref<!tpu.dma_semaphore, #tpu.memory_space<semaphore_mem>>
        %dma_start3A_138 = tpu.memref_slice %arg9[%add3A_55] : memref<2576xf32, #tpu.memory_space<vmem>> -> memref<512xf32, #tpu.memory_space<vmem>>
        %dma_start3A_139 = tpu.memref_slice %arg4[%multiple_of3A_137] : memref<2097664xf32, #tpu.memory_space<hbm>> -> memref<512xf32, #tpu.memory_space<hbm>>
        %dma_start3A_140 = tpu.memref_slice %arg4[%multiple_of3A_137] : memref<2097664xf32, #tpu.memory_space<hbm>> -> memref<512xf32, #tpu.memory_space<hbm>>
        %dma_start3A_141 = tpu.memref_slice %arg9[%add3A_55] : memref<2576xf32, #tpu.memory_space<vmem>> -> memref<512xf32, #tpu.memory_space<vmem>>
        tpu.enqueue_dma source(%dma_start3A_141 : memref<512xf32, #tpu.memory_space<vmem>>) target(%dma_start3A_140 : memref<512xf32, #tpu.memory_space<hbm>>) target_semaphore(%run_scoped3A : memref<!tpu.dma_semaphore, #tpu.memory_space<semaphore_mem>>)
        %dma_wait3A = tpu.memref_slice %arg9[%add3A_55] : memref<2576xf32, #tpu.memory_space<vmem>> -> memref<512xf32, #tpu.memory_space<vmem>>
        %dma_wait3A_142 = tpu.memref_slice %arg4[%multiple_of3A_137] : memref<2097664xf32, #tpu.memory_space<hbm>> -> memref<512xf32, #tpu.memory_space<hbm>>
        %dma_wait3A_143 = tpu.memref_slice %arg4[%multiple_of3A_137] : memref<2097664xf32, #tpu.memory_space<hbm>> -> memref<512xf32, #tpu.memory_space<hbm>>
        %dma_wait3A_144 = tpu.memref_slice %arg9[%add3A_55] : memref<2576xf32, #tpu.memory_space<vmem>> -> memref<512xf32, #tpu.memory_space<vmem>>
        tpu.wait_dma2 semaphore(%run_scoped3A : memref<!tpu.dma_semaphore, #tpu.memory_space<semaphore_mem>>) src(%dma_wait3A_144 : memref<512xf32, #tpu.memory_space<vmem>>) dst(%dma_wait3A_143 : memref<512xf32, #tpu.memory_space<hbm>>)
        tpu.yield
      }) : () -> ()
    } else {
    }
    %jit3A_61 = arith.constant 512 : i32
    %jit3A_62 = arith.constant 0 : i32
    %select_n3A_63 = arith.select %ge3A_57, %jit3A_61, %jit3A_62 : i32
    %add3A_64 = arith.addi %add3A_55, %select_n3A_63 : i32
    %sub3A_65 = arith.subi %sub3A, %select_n3A_63 : i32
    %ge3A_66 = arith.constant 256 : i32
    %ge3A_67 = arith.cmpi sge, %sub3A_65, %ge3A_66 : i32
    %convert_element_type3A_68 = arith.extui %ge3A_67 : i1 to i32
    %cond3A_69 = arith.constant 0 : i32
    %cond3A_70 = arith.cmpi ne, %convert_element_type3A_68, %cond3A_69 : i32
    scf.if %cond3A_70 {
      %mul3A_128 = arith.constant 65552 : i32
      %mul3A_129 = arith.muli %add3A, %mul3A_128 : i32
      %add3A_130 = arith.addi %mul3A_129, %scan3A_46#1 : i32
      %add3A_131 = arith.addi %add3A_130, %add3A_64 : i32
      %multiple_of3A_132 = tpu.assume_multiple %add3A_131, 16 : i32
      "tpu.region"() ({
        %run_scoped3A = tpu.sem_alloc : memref<!tpu.dma_semaphore, #tpu.memory_space<semaphore_mem>>
        %dma_start3A_138 = tpu.memref_slice %arg8[%add3A_64] : memref<2576xi32, #tpu.memory_space<vmem>> -> memref<256xi32, #tpu.memory_space<vmem>>
        %dma_start3A_139 = tpu.memref_slice %arg3[%multiple_of3A_132] : memref<2097664xi32, #tpu.memory_space<hbm>> -> memref<256xi32, #tpu.memory_space<hbm>>
        %dma_start3A_140 = tpu.memref_slice %arg3[%multiple_of3A_132] : memref<2097664xi32, #tpu.memory_space<hbm>> -> memref<256xi32, #tpu.memory_space<hbm>>
        %dma_start3A_141 = tpu.memref_slice %arg8[%add3A_64] : memref<2576xi32, #tpu.memory_space<vmem>> -> memref<256xi32, #tpu.memory_space<vmem>>
        tpu.enqueue_dma source(%dma_start3A_141 : memref<256xi32, #tpu.memory_space<vmem>>) target(%dma_start3A_140 : memref<256xi32, #tpu.memory_space<hbm>>) target_semaphore(%run_scoped3A : memref<!tpu.dma_semaphore, #tpu.memory_space<semaphore_mem>>)
        %dma_wait3A = tpu.memref_slice %arg8[%add3A_64] : memref<2576xi32, #tpu.memory_space<vmem>> -> memref<256xi32, #tpu.memory_space<vmem>>
        %dma_wait3A_142 = tpu.memref_slice %arg3[%multiple_of3A_132] : memref<2097664xi32, #tpu.memory_space<hbm>> -> memref<256xi32, #tpu.memory_space<hbm>>
        %dma_wait3A_143 = tpu.memref_slice %arg3[%multiple_of3A_132] : memref<2097664xi32, #tpu.memory_space<hbm>> -> memref<256xi32, #tpu.memory_space<hbm>>
        %dma_wait3A_144 = tpu.memref_slice %arg8[%add3A_64] : memref<2576xi32, #tpu.memory_space<vmem>> -> memref<256xi32, #tpu.memory_space<vmem>>
        tpu.wait_dma2 semaphore(%run_scoped3A : memref<!tpu.dma_semaphore, #tpu.memory_space<semaphore_mem>>) src(%dma_wait3A_144 : memref<256xi32, #tpu.memory_space<vmem>>) dst(%dma_wait3A_143 : memref<256xi32, #tpu.memory_space<hbm>>)
        tpu.yield
      }) : () -> ()
      %mul3A_133 = arith.constant 65552 : i32
      %mul3A_134 = arith.muli %add3A, %mul3A_133 : i32
      %add3A_135 = arith.addi %mul3A_134, %scan3A_46#1 : i32
      %add3A_136 = arith.addi %add3A_135, %add3A_64 : i32
      %multiple_of3A_137 = tpu.assume_multiple %add3A_136, 16 : i32
      "tpu.region"() ({
        %run_scoped3A = tpu.sem_alloc : memref<!tpu.dma_semaphore, #tpu.memory_space<semaphore_mem>>
        %dma_start3A_138 = tpu.memref_slice %arg9[%add3A_64] : memref<2576xf32, #tpu.memory_space<vmem>> -> memref<256xf32, #tpu.memory_space<vmem>>
        %dma_start3A_139 = tpu.memref_slice %arg4[%multiple_of3A_137] : memref<2097664xf32, #tpu.memory_space<hbm>> -> memref<256xf32, #tpu.memory_space<hbm>>
        %dma_start3A_140 = tpu.memref_slice %arg4[%multiple_of3A_137] : memref<2097664xf32, #tpu.memory_space<hbm>> -> memref<256xf32, #tpu.memory_space<hbm>>
        %dma_start3A_141 = tpu.memref_slice %arg9[%add3A_64] : memref<2576xf32, #tpu.memory_space<vmem>> -> memref<256xf32, #tpu.memory_space<vmem>>
        tpu.enqueue_dma source(%dma_start3A_141 : memref<256xf32, #tpu.memory_space<vmem>>) target(%dma_start3A_140 : memref<256xf32, #tpu.memory_space<hbm>>) target_semaphore(%run_scoped3A : memref<!tpu.dma_semaphore, #tpu.memory_space<semaphore_mem>>)
        %dma_wait3A = tpu.memref_slice %arg9[%add3A_64] : memref<2576xf32, #tpu.memory_space<vmem>> -> memref<256xf32, #tpu.memory_space<vmem>>
        %dma_wait3A_142 = tpu.memref_slice %arg4[%multiple_of3A_137] : memref<2097664xf32, #tpu.memory_space<hbm>> -> memref<256xf32, #tpu.memory_space<hbm>>
        %dma_wait3A_143 = tpu.memref_slice %arg4[%multiple_of3A_137] : memref<2097664xf32, #tpu.memory_space<hbm>> -> memref<256xf32, #tpu.memory_space<hbm>>
        %dma_wait3A_144 = tpu.memref_slice %arg9[%add3A_64] : memref<2576xf32, #tpu.memory_space<vmem>> -> memref<256xf32, #tpu.memory_space<vmem>>
        tpu.wait_dma2 semaphore(%run_scoped3A : memref<!tpu.dma_semaphore, #tpu.memory_space<semaphore_mem>>) src(%dma_wait3A_144 : memref<256xf32, #tpu.memory_space<vmem>>) dst(%dma_wait3A_143 : memref<256xf32, #tpu.memory_space<hbm>>)
        tpu.yield
      }) : () -> ()
    } else {
    }
    %jit3A_71 = arith.constant 256 : i32
    %jit3A_72 = arith.constant 0 : i32
    %select_n3A_73 = arith.select %ge3A_67, %jit3A_71, %jit3A_72 : i32
    %add3A_74 = arith.addi %add3A_64, %select_n3A_73 : i32
    %sub3A_75 = arith.subi %sub3A_65, %select_n3A_73 : i32
    %ge3A_76 = arith.constant 128 : i32
    %ge3A_77 = arith.cmpi sge, %sub3A_75, %ge3A_76 : i32
    %convert_element_type3A_78 = arith.extui %ge3A_77 : i1 to i32
    %cond3A_79 = arith.constant 0 : i32
    %cond3A_80 = arith.cmpi ne, %convert_element_type3A_78, %cond3A_79 : i32
    scf.if %cond3A_80 {
      %mul3A_128 = arith.constant 65552 : i32
      %mul3A_129 = arith.muli %add3A, %mul3A_128 : i32
      %add3A_130 = arith.addi %mul3A_129, %scan3A_46#1 : i32
      %add3A_131 = arith.addi %add3A_130, %add3A_74 : i32
      %multiple_of3A_132 = tpu.assume_multiple %add3A_131, 16 : i32
      "tpu.region"() ({
        %run_scoped3A = tpu.sem_alloc : memref<!tpu.dma_semaphore, #tpu.memory_space<semaphore_mem>>
        %dma_start3A_138 = tpu.memref_slice %arg8[%add3A_74] : memref<2576xi32, #tpu.memory_space<vmem>> -> memref<128xi32, #tpu.memory_space<vmem>>
        %dma_start3A_139 = tpu.memref_slice %arg3[%multiple_of3A_132] : memref<2097664xi32, #tpu.memory_space<hbm>> -> memref<128xi32, #tpu.memory_space<hbm>>
        %dma_start3A_140 = tpu.memref_slice %arg3[%multiple_of3A_132] : memref<2097664xi32, #tpu.memory_space<hbm>> -> memref<128xi32, #tpu.memory_space<hbm>>
        %dma_start3A_141 = tpu.memref_slice %arg8[%add3A_74] : memref<2576xi32, #tpu.memory_space<vmem>> -> memref<128xi32, #tpu.memory_space<vmem>>
        tpu.enqueue_dma source(%dma_start3A_141 : memref<128xi32, #tpu.memory_space<vmem>>) target(%dma_start3A_140 : memref<128xi32, #tpu.memory_space<hbm>>) target_semaphore(%run_scoped3A : memref<!tpu.dma_semaphore, #tpu.memory_space<semaphore_mem>>)
        %dma_wait3A = tpu.memref_slice %arg8[%add3A_74] : memref<2576xi32, #tpu.memory_space<vmem>> -> memref<128xi32, #tpu.memory_space<vmem>>
        %dma_wait3A_142 = tpu.memref_slice %arg3[%multiple_of3A_132] : memref<2097664xi32, #tpu.memory_space<hbm>> -> memref<128xi32, #tpu.memory_space<hbm>>
        %dma_wait3A_143 = tpu.memref_slice %arg3[%multiple_of3A_132] : memref<2097664xi32, #tpu.memory_space<hbm>> -> memref<128xi32, #tpu.memory_space<hbm>>
        %dma_wait3A_144 = tpu.memref_slice %arg8[%add3A_74] : memref<2576xi32, #tpu.memory_space<vmem>> -> memref<128xi32, #tpu.memory_space<vmem>>
        tpu.wait_dma2 semaphore(%run_scoped3A : memref<!tpu.dma_semaphore, #tpu.memory_space<semaphore_mem>>) src(%dma_wait3A_144 : memref<128xi32, #tpu.memory_space<vmem>>) dst(%dma_wait3A_143 : memref<128xi32, #tpu.memory_space<hbm>>)
        tpu.yield
      }) : () -> ()
      %mul3A_133 = arith.constant 65552 : i32
      %mul3A_134 = arith.muli %add3A, %mul3A_133 : i32
      %add3A_135 = arith.addi %mul3A_134, %scan3A_46#1 : i32
      %add3A_136 = arith.addi %add3A_135, %add3A_74 : i32
      %multiple_of3A_137 = tpu.assume_multiple %add3A_136, 16 : i32
      "tpu.region"() ({
        %run_scoped3A = tpu.sem_alloc : memref<!tpu.dma_semaphore, #tpu.memory_space<semaphore_mem>>
        %dma_start3A_138 = tpu.memref_slice %arg9[%add3A_74] : memref<2576xf32, #tpu.memory_space<vmem>> -> memref<128xf32, #tpu.memory_space<vmem>>
        %dma_start3A_139 = tpu.memref_slice %arg4[%multiple_of3A_137] : memref<2097664xf32, #tpu.memory_space<hbm>> -> memref<128xf32, #tpu.memory_space<hbm>>
        %dma_start3A_140 = tpu.memref_slice %arg4[%multiple_of3A_137] : memref<2097664xf32, #tpu.memory_space<hbm>> -> memref<128xf32, #tpu.memory_space<hbm>>
        %dma_start3A_141 = tpu.memref_slice %arg9[%add3A_74] : memref<2576xf32, #tpu.memory_space<vmem>> -> memref<128xf32, #tpu.memory_space<vmem>>
        tpu.enqueue_dma source(%dma_start3A_141 : memref<128xf32, #tpu.memory_space<vmem>>) target(%dma_start3A_140 : memref<128xf32, #tpu.memory_space<hbm>>) target_semaphore(%run_scoped3A : memref<!tpu.dma_semaphore, #tpu.memory_space<semaphore_mem>>)
        %dma_wait3A = tpu.memref_slice %arg9[%add3A_74] : memref<2576xf32, #tpu.memory_space<vmem>> -> memref<128xf32, #tpu.memory_space<vmem>>
        %dma_wait3A_142 = tpu.memref_slice %arg4[%multiple_of3A_137] : memref<2097664xf32, #tpu.memory_space<hbm>> -> memref<128xf32, #tpu.memory_space<hbm>>
        %dma_wait3A_143 = tpu.memref_slice %arg4[%multiple_of3A_137] : memref<2097664xf32, #tpu.memory_space<hbm>> -> memref<128xf32, #tpu.memory_space<hbm>>
        %dma_wait3A_144 = tpu.memref_slice %arg9[%add3A_74] : memref<2576xf32, #tpu.memory_space<vmem>> -> memref<128xf32, #tpu.memory_space<vmem>>
        tpu.wait_dma2 semaphore(%run_scoped3A : memref<!tpu.dma_semaphore, #tpu.memory_space<semaphore_mem>>) src(%dma_wait3A_144 : memref<128xf32, #tpu.memory_space<vmem>>) dst(%dma_wait3A_143 : memref<128xf32, #tpu.memory_space<hbm>>)
        tpu.yield
      }) : () -> ()
    } else {
    }
    %jit3A_81 = arith.constant 128 : i32
    %jit3A_82 = arith.constant 0 : i32
    %select_n3A_83 = arith.select %ge3A_77, %jit3A_81, %jit3A_82 : i32
    %add3A_84 = arith.addi %add3A_74, %select_n3A_83 : i32
    %sub3A_85 = arith.subi %sub3A_75, %select_n3A_83 : i32
    %ge3A_86 = arith.constant 64 : i32
    %ge3A_87 = arith.cmpi sge, %sub3A_85, %ge3A_86 : i32
    %convert_element_type3A_88 = arith.extui %ge3A_87 : i1 to i32
    %cond3A_89 = arith.constant 0 : i32
    %cond3A_90 = arith.cmpi ne, %convert_element_type3A_88, %cond3A_89 : i32
    scf.if %cond3A_90 {
      %mul3A_128 = arith.constant 65552 : i32
      %mul3A_129 = arith.muli %add3A, %mul3A_128 : i32
      %add3A_130 = arith.addi %mul3A_129, %scan3A_46#1 : i32
      %add3A_131 = arith.addi %add3A_130, %add3A_84 : i32
      %multiple_of3A_132 = tpu.assume_multiple %add3A_131, 16 : i32
      "tpu.region"() ({
        %run_scoped3A = tpu.sem_alloc : memref<!tpu.dma_semaphore, #tpu.memory_space<semaphore_mem>>
        %dma_start3A_138 = tpu.memref_slice %arg8[%add3A_84] : memref<2576xi32, #tpu.memory_space<vmem>> -> memref<64xi32, #tpu.memory_space<vmem>>
        %dma_start3A_139 = tpu.memref_slice %arg3[%multiple_of3A_132] : memref<2097664xi32, #tpu.memory_space<hbm>> -> memref<64xi32, #tpu.memory_space<hbm>>
        %dma_start3A_140 = tpu.memref_slice %arg3[%multiple_of3A_132] : memref<2097664xi32, #tpu.memory_space<hbm>> -> memref<64xi32, #tpu.memory_space<hbm>>
        %dma_start3A_141 = tpu.memref_slice %arg8[%add3A_84] : memref<2576xi32, #tpu.memory_space<vmem>> -> memref<64xi32, #tpu.memory_space<vmem>>
        tpu.enqueue_dma source(%dma_start3A_141 : memref<64xi32, #tpu.memory_space<vmem>>) target(%dma_start3A_140 : memref<64xi32, #tpu.memory_space<hbm>>) target_semaphore(%run_scoped3A : memref<!tpu.dma_semaphore, #tpu.memory_space<semaphore_mem>>)
        %dma_wait3A = tpu.memref_slice %arg8[%add3A_84] : memref<2576xi32, #tpu.memory_space<vmem>> -> memref<64xi32, #tpu.memory_space<vmem>>
        %dma_wait3A_142 = tpu.memref_slice %arg3[%multiple_of3A_132] : memref<2097664xi32, #tpu.memory_space<hbm>> -> memref<64xi32, #tpu.memory_space<hbm>>
        %dma_wait3A_143 = tpu.memref_slice %arg3[%multiple_of3A_132] : memref<2097664xi32, #tpu.memory_space<hbm>> -> memref<64xi32, #tpu.memory_space<hbm>>
        %dma_wait3A_144 = tpu.memref_slice %arg8[%add3A_84] : memref<2576xi32, #tpu.memory_space<vmem>> -> memref<64xi32, #tpu.memory_space<vmem>>
        tpu.wait_dma2 semaphore(%run_scoped3A : memref<!tpu.dma_semaphore, #tpu.memory_space<semaphore_mem>>) src(%dma_wait3A_144 : memref<64xi32, #tpu.memory_space<vmem>>) dst(%dma_wait3A_143 : memref<64xi32, #tpu.memory_space<hbm>>)
        tpu.yield
      }) : () -> ()
      %mul3A_133 = arith.constant 65552 : i32
      %mul3A_134 = arith.muli %add3A, %mul3A_133 : i32
      %add3A_135 = arith.addi %mul3A_134, %scan3A_46#1 : i32
      %add3A_136 = arith.addi %add3A_135, %add3A_84 : i32
      %multiple_of3A_137 = tpu.assume_multiple %add3A_136, 16 : i32
      "tpu.region"() ({
        %run_scoped3A = tpu.sem_alloc : memref<!tpu.dma_semaphore, #tpu.memory_space<semaphore_mem>>
        %dma_start3A_138 = tpu.memref_slice %arg9[%add3A_84] : memref<2576xf32, #tpu.memory_space<vmem>> -> memref<64xf32, #tpu.memory_space<vmem>>
        %dma_start3A_139 = tpu.memref_slice %arg4[%multiple_of3A_137] : memref<2097664xf32, #tpu.memory_space<hbm>> -> memref<64xf32, #tpu.memory_space<hbm>>
        %dma_start3A_140 = tpu.memref_slice %arg4[%multiple_of3A_137] : memref<2097664xf32, #tpu.memory_space<hbm>> -> memref<64xf32, #tpu.memory_space<hbm>>
        %dma_start3A_141 = tpu.memref_slice %arg9[%add3A_84] : memref<2576xf32, #tpu.memory_space<vmem>> -> memref<64xf32, #tpu.memory_space<vmem>>
        tpu.enqueue_dma source(%dma_start3A_141 : memref<64xf32, #tpu.memory_space<vmem>>) target(%dma_start3A_140 : memref<64xf32, #tpu.memory_space<hbm>>) target_semaphore(%run_scoped3A : memref<!tpu.dma_semaphore, #tpu.memory_space<semaphore_mem>>)
        %dma_wait3A = tpu.memref_slice %arg9[%add3A_84] : memref<2576xf32, #tpu.memory_space<vmem>> -> memref<64xf32, #tpu.memory_space<vmem>>
        %dma_wait3A_142 = tpu.memref_slice %arg4[%multiple_of3A_137] : memref<2097664xf32, #tpu.memory_space<hbm>> -> memref<64xf32, #tpu.memory_space<hbm>>
        %dma_wait3A_143 = tpu.memref_slice %arg4[%multiple_of3A_137] : memref<2097664xf32, #tpu.memory_space<hbm>> -> memref<64xf32, #tpu.memory_space<hbm>>
        %dma_wait3A_144 = tpu.memref_slice %arg9[%add3A_84] : memref<2576xf32, #tpu.memory_space<vmem>> -> memref<64xf32, #tpu.memory_space<vmem>>
        tpu.wait_dma2 semaphore(%run_scoped3A : memref<!tpu.dma_semaphore, #tpu.memory_space<semaphore_mem>>) src(%dma_wait3A_144 : memref<64xf32, #tpu.memory_space<vmem>>) dst(%dma_wait3A_143 : memref<64xf32, #tpu.memory_space<hbm>>)
        tpu.yield
      }) : () -> ()
    } else {
    }
    %jit3A_91 = arith.constant 64 : i32
    %jit3A_92 = arith.constant 0 : i32
    %select_n3A_93 = arith.select %ge3A_87, %jit3A_91, %jit3A_92 : i32
    %add3A_94 = arith.addi %add3A_84, %select_n3A_93 : i32
    %sub3A_95 = arith.subi %sub3A_85, %select_n3A_93 : i32
    %ge3A_96 = arith.constant 32 : i32
    %ge3A_97 = arith.cmpi sge, %sub3A_95, %ge3A_96 : i32
    %convert_element_type3A_98 = arith.extui %ge3A_97 : i1 to i32
    %cond3A_99 = arith.constant 0 : i32
    %cond3A_100 = arith.cmpi ne, %convert_element_type3A_98, %cond3A_99 : i32
    scf.if %cond3A_100 {
      %mul3A_128 = arith.constant 65552 : i32
      %mul3A_129 = arith.muli %add3A, %mul3A_128 : i32
      %add3A_130 = arith.addi %mul3A_129, %scan3A_46#1 : i32
      %add3A_131 = arith.addi %add3A_130, %add3A_94 : i32
      %multiple_of3A_132 = tpu.assume_multiple %add3A_131, 16 : i32
      "tpu.region"() ({
        %run_scoped3A = tpu.sem_alloc : memref<!tpu.dma_semaphore, #tpu.memory_space<semaphore_mem>>
        %dma_start3A_138 = tpu.memref_slice %arg8[%add3A_94] : memref<2576xi32, #tpu.memory_space<vmem>> -> memref<32xi32, #tpu.memory_space<vmem>>
        %dma_start3A_139 = tpu.memref_slice %arg3[%multiple_of3A_132] : memref<2097664xi32, #tpu.memory_space<hbm>> -> memref<32xi32, #tpu.memory_space<hbm>>
        %dma_start3A_140 = tpu.memref_slice %arg3[%multiple_of3A_132] : memref<2097664xi32, #tpu.memory_space<hbm>> -> memref<32xi32, #tpu.memory_space<hbm>>
        %dma_start3A_141 = tpu.memref_slice %arg8[%add3A_94] : memref<2576xi32, #tpu.memory_space<vmem>> -> memref<32xi32, #tpu.memory_space<vmem>>
        tpu.enqueue_dma source(%dma_start3A_141 : memref<32xi32, #tpu.memory_space<vmem>>) target(%dma_start3A_140 : memref<32xi32, #tpu.memory_space<hbm>>) target_semaphore(%run_scoped3A : memref<!tpu.dma_semaphore, #tpu.memory_space<semaphore_mem>>)
        %dma_wait3A = tpu.memref_slice %arg8[%add3A_94] : memref<2576xi32, #tpu.memory_space<vmem>> -> memref<32xi32, #tpu.memory_space<vmem>>
        %dma_wait3A_142 = tpu.memref_slice %arg3[%multiple_of3A_132] : memref<2097664xi32, #tpu.memory_space<hbm>> -> memref<32xi32, #tpu.memory_space<hbm>>
        %dma_wait3A_143 = tpu.memref_slice %arg3[%multiple_of3A_132] : memref<2097664xi32, #tpu.memory_space<hbm>> -> memref<32xi32, #tpu.memory_space<hbm>>
        %dma_wait3A_144 = tpu.memref_slice %arg8[%add3A_94] : memref<2576xi32, #tpu.memory_space<vmem>> -> memref<32xi32, #tpu.memory_space<vmem>>
        tpu.wait_dma2 semaphore(%run_scoped3A : memref<!tpu.dma_semaphore, #tpu.memory_space<semaphore_mem>>) src(%dma_wait3A_144 : memref<32xi32, #tpu.memory_space<vmem>>) dst(%dma_wait3A_143 : memref<32xi32, #tpu.memory_space<hbm>>)
        tpu.yield
      }) : () -> ()
      %mul3A_133 = arith.constant 65552 : i32
      %mul3A_134 = arith.muli %add3A, %mul3A_133 : i32
      %add3A_135 = arith.addi %mul3A_134, %scan3A_46#1 : i32
      %add3A_136 = arith.addi %add3A_135, %add3A_94 : i32
      %multiple_of3A_137 = tpu.assume_multiple %add3A_136, 16 : i32
      "tpu.region"() ({
        %run_scoped3A = tpu.sem_alloc : memref<!tpu.dma_semaphore, #tpu.memory_space<semaphore_mem>>
        %dma_start3A_138 = tpu.memref_slice %arg9[%add3A_94] : memref<2576xf32, #tpu.memory_space<vmem>> -> memref<32xf32, #tpu.memory_space<vmem>>
        %dma_start3A_139 = tpu.memref_slice %arg4[%multiple_of3A_137] : memref<2097664xf32, #tpu.memory_space<hbm>> -> memref<32xf32, #tpu.memory_space<hbm>>
        %dma_start3A_140 = tpu.memref_slice %arg4[%multiple_of3A_137] : memref<2097664xf32, #tpu.memory_space<hbm>> -> memref<32xf32, #tpu.memory_space<hbm>>
        %dma_start3A_141 = tpu.memref_slice %arg9[%add3A_94] : memref<2576xf32, #tpu.memory_space<vmem>> -> memref<32xf32, #tpu.memory_space<vmem>>
        tpu.enqueue_dma source(%dma_start3A_141 : memref<32xf32, #tpu.memory_space<vmem>>) target(%dma_start3A_140 : memref<32xf32, #tpu.memory_space<hbm>>) target_semaphore(%run_scoped3A : memref<!tpu.dma_semaphore, #tpu.memory_space<semaphore_mem>>)
        %dma_wait3A = tpu.memref_slice %arg9[%add3A_94] : memref<2576xf32, #tpu.memory_space<vmem>> -> memref<32xf32, #tpu.memory_space<vmem>>
        %dma_wait3A_142 = tpu.memref_slice %arg4[%multiple_of3A_137] : memref<2097664xf32, #tpu.memory_space<hbm>> -> memref<32xf32, #tpu.memory_space<hbm>>
        %dma_wait3A_143 = tpu.memref_slice %arg4[%multiple_of3A_137] : memref<2097664xf32, #tpu.memory_space<hbm>> -> memref<32xf32, #tpu.memory_space<hbm>>
        %dma_wait3A_144 = tpu.memref_slice %arg9[%add3A_94] : memref<2576xf32, #tpu.memory_space<vmem>> -> memref<32xf32, #tpu.memory_space<vmem>>
        tpu.wait_dma2 semaphore(%run_scoped3A : memref<!tpu.dma_semaphore, #tpu.memory_space<semaphore_mem>>) src(%dma_wait3A_144 : memref<32xf32, #tpu.memory_space<vmem>>) dst(%dma_wait3A_143 : memref<32xf32, #tpu.memory_space<hbm>>)
        tpu.yield
      }) : () -> ()
    } else {
    }
    %jit3A_101 = arith.constant 32 : i32
    %jit3A_102 = arith.constant 0 : i32
    %select_n3A_103 = arith.select %ge3A_97, %jit3A_101, %jit3A_102 : i32
    %add3A_104 = arith.addi %add3A_94, %select_n3A_103 : i32
    %sub3A_105 = arith.subi %sub3A_95, %select_n3A_103 : i32
    %ge3A_106 = arith.constant 16 : i32
    %ge3A_107 = arith.cmpi sge, %sub3A_105, %ge3A_106 : i32
    %convert_element_type3A_108 = arith.extui %ge3A_107 : i1 to i32
    %cond3A_109 = arith.constant 0 : i32
    %cond3A_110 = arith.cmpi ne, %convert_element_type3A_108, %cond3A_109 : i32
    scf.if %cond3A_110 {
      %mul3A_128 = arith.constant 65552 : i32
      %mul3A_129 = arith.muli %add3A, %mul3A_128 : i32
      %add3A_130 = arith.addi %mul3A_129, %scan3A_46#1 : i32
      %add3A_131 = arith.addi %add3A_130, %add3A_104 : i32
      %multiple_of3A_132 = tpu.assume_multiple %add3A_131, 16 : i32
      "tpu.region"() ({
        %run_scoped3A = tpu.sem_alloc : memref<!tpu.dma_semaphore, #tpu.memory_space<semaphore_mem>>
        %dma_start3A_138 = tpu.memref_slice %arg8[%add3A_104] : memref<2576xi32, #tpu.memory_space<vmem>> -> memref<16xi32, #tpu.memory_space<vmem>>
        %dma_start3A_139 = tpu.memref_slice %arg3[%multiple_of3A_132] : memref<2097664xi32, #tpu.memory_space<hbm>> -> memref<16xi32, #tpu.memory_space<hbm>>
        %dma_start3A_140 = tpu.memref_slice %arg3[%multiple_of3A_132] : memref<2097664xi32, #tpu.memory_space<hbm>> -> memref<16xi32, #tpu.memory_space<hbm>>
        %dma_start3A_141 = tpu.memref_slice %arg8[%add3A_104] : memref<2576xi32, #tpu.memory_space<vmem>> -> memref<16xi32, #tpu.memory_space<vmem>>
        tpu.enqueue_dma source(%dma_start3A_141 : memref<16xi32, #tpu.memory_space<vmem>>) target(%dma_start3A_140 : memref<16xi32, #tpu.memory_space<hbm>>) target_semaphore(%run_scoped3A : memref<!tpu.dma_semaphore, #tpu.memory_space<semaphore_mem>>)
        %dma_wait3A = tpu.memref_slice %arg8[%add3A_104] : memref<2576xi32, #tpu.memory_space<vmem>> -> memref<16xi32, #tpu.memory_space<vmem>>
        %dma_wait3A_142 = tpu.memref_slice %arg3[%multiple_of3A_132] : memref<2097664xi32, #tpu.memory_space<hbm>> -> memref<16xi32, #tpu.memory_space<hbm>>
        %dma_wait3A_143 = tpu.memref_slice %arg3[%multiple_of3A_132] : memref<2097664xi32, #tpu.memory_space<hbm>> -> memref<16xi32, #tpu.memory_space<hbm>>
        %dma_wait3A_144 = tpu.memref_slice %arg8[%add3A_104] : memref<2576xi32, #tpu.memory_space<vmem>> -> memref<16xi32, #tpu.memory_space<vmem>>
        tpu.wait_dma2 semaphore(%run_scoped3A : memref<!tpu.dma_semaphore, #tpu.memory_space<semaphore_mem>>) src(%dma_wait3A_144 : memref<16xi32, #tpu.memory_space<vmem>>) dst(%dma_wait3A_143 : memref<16xi32, #tpu.memory_space<hbm>>)
        tpu.yield
      }) : () -> ()
      %mul3A_133 = arith.constant 65552 : i32
      %mul3A_134 = arith.muli %add3A, %mul3A_133 : i32
      %add3A_135 = arith.addi %mul3A_134, %scan3A_46#1 : i32
      %add3A_136 = arith.addi %add3A_135, %add3A_104 : i32
      %multiple_of3A_137 = tpu.assume_multiple %add3A_136, 16 : i32
      "tpu.region"() ({
        %run_scoped3A = tpu.sem_alloc : memref<!tpu.dma_semaphore, #tpu.memory_space<semaphore_mem>>
        %dma_start3A_138 = tpu.memref_slice %arg9[%add3A_104] : memref<2576xf32, #tpu.memory_space<vmem>> -> memref<16xf32, #tpu.memory_space<vmem>>
        %dma_start3A_139 = tpu.memref_slice %arg4[%multiple_of3A_137] : memref<2097664xf32, #tpu.memory_space<hbm>> -> memref<16xf32, #tpu.memory_space<hbm>>
        %dma_start3A_140 = tpu.memref_slice %arg4[%multiple_of3A_137] : memref<2097664xf32, #tpu.memory_space<hbm>> -> memref<16xf32, #tpu.memory_space<hbm>>
        %dma_start3A_141 = tpu.memref_slice %arg9[%add3A_104] : memref<2576xf32, #tpu.memory_space<vmem>> -> memref<16xf32, #tpu.memory_space<vmem>>
        tpu.enqueue_dma source(%dma_start3A_141 : memref<16xf32, #tpu.memory_space<vmem>>) target(%dma_start3A_140 : memref<16xf32, #tpu.memory_space<hbm>>) target_semaphore(%run_scoped3A : memref<!tpu.dma_semaphore, #tpu.memory_space<semaphore_mem>>)
        %dma_wait3A = tpu.memref_slice %arg9[%add3A_104] : memref<2576xf32, #tpu.memory_space<vmem>> -> memref<16xf32, #tpu.memory_space<vmem>>
        %dma_wait3A_142 = tpu.memref_slice %arg4[%multiple_of3A_137] : memref<2097664xf32, #tpu.memory_space<hbm>> -> memref<16xf32, #tpu.memory_space<hbm>>
        %dma_wait3A_143 = tpu.memref_slice %arg4[%multiple_of3A_137] : memref<2097664xf32, #tpu.memory_space<hbm>> -> memref<16xf32, #tpu.memory_space<hbm>>
        %dma_wait3A_144 = tpu.memref_slice %arg9[%add3A_104] : memref<2576xf32, #tpu.memory_space<vmem>> -> memref<16xf32, #tpu.memory_space<vmem>>
        tpu.wait_dma2 semaphore(%run_scoped3A : memref<!tpu.dma_semaphore, #tpu.memory_space<semaphore_mem>>) src(%dma_wait3A_144 : memref<16xf32, #tpu.memory_space<vmem>>) dst(%dma_wait3A_143 : memref<16xf32, #tpu.memory_space<hbm>>)
        tpu.yield
      }) : () -> ()
    } else {
    }
    %jit3A_111 = arith.constant 16 : i32
    %jit3A_112 = arith.constant 0 : i32
    %select_n3A_113 = arith.select %ge3A_107, %jit3A_111, %jit3A_112 : i32
    %add3A_114 = arith.addi %add3A_104, %select_n3A_113 : i32
    %sub3A_115 = arith.subi %sub3A_105, %select_n3A_113 : i32
    %gt3A = arith.constant 0 : i32
    %gt3A_116 = arith.cmpi sgt, %sub3A_115, %gt3A : i32
    %convert_element_type3A_117 = arith.extui %gt3A_116 : i1 to i32
    %cond3A_118 = arith.constant 0 : i32
    %cond3A_119 = arith.cmpi ne, %convert_element_type3A_117, %cond3A_118 : i32
    scf.if %cond3A_119 {
      %mul3A_128 = arith.constant 65552 : i32
      %mul3A_129 = arith.muli %add3A, %mul3A_128 : i32
      %add3A_130 = arith.addi %mul3A_129, %scan3A_46#1 : i32
      %add3A_131 = arith.addi %add3A_130, %add3A_114 : i32
      %multiple_of3A_132 = tpu.assume_multiple %add3A_131, 16 : i32
      "tpu.region"() ({
        %run_scoped3A = tpu.sem_alloc : memref<!tpu.dma_semaphore, #tpu.memory_space<semaphore_mem>>
        %dma_start3A_138 = tpu.memref_slice %arg8[%add3A_114] : memref<2576xi32, #tpu.memory_space<vmem>> -> memref<16xi32, #tpu.memory_space<vmem>>
        %dma_start3A_139 = tpu.memref_slice %arg3[%multiple_of3A_132] : memref<2097664xi32, #tpu.memory_space<hbm>> -> memref<16xi32, #tpu.memory_space<hbm>>
        %dma_start3A_140 = tpu.memref_slice %arg3[%multiple_of3A_132] : memref<2097664xi32, #tpu.memory_space<hbm>> -> memref<16xi32, #tpu.memory_space<hbm>>
        %dma_start3A_141 = tpu.memref_slice %arg8[%add3A_114] : memref<2576xi32, #tpu.memory_space<vmem>> -> memref<16xi32, #tpu.memory_space<vmem>>
        tpu.enqueue_dma source(%dma_start3A_141 : memref<16xi32, #tpu.memory_space<vmem>>) target(%dma_start3A_140 : memref<16xi32, #tpu.memory_space<hbm>>) target_semaphore(%run_scoped3A : memref<!tpu.dma_semaphore, #tpu.memory_space<semaphore_mem>>)
        %dma_wait3A = tpu.memref_slice %arg8[%add3A_114] : memref<2576xi32, #tpu.memory_space<vmem>> -> memref<16xi32, #tpu.memory_space<vmem>>
        %dma_wait3A_142 = tpu.memref_slice %arg3[%multiple_of3A_132] : memref<2097664xi32, #tpu.memory_space<hbm>> -> memref<16xi32, #tpu.memory_space<hbm>>
        %dma_wait3A_143 = tpu.memref_slice %arg3[%multiple_of3A_132] : memref<2097664xi32, #tpu.memory_space<hbm>> -> memref<16xi32, #tpu.memory_space<hbm>>
        %dma_wait3A_144 = tpu.memref_slice %arg8[%add3A_114] : memref<2576xi32, #tpu.memory_space<vmem>> -> memref<16xi32, #tpu.memory_space<vmem>>
        tpu.wait_dma2 semaphore(%run_scoped3A : memref<!tpu.dma_semaphore, #tpu.memory_space<semaphore_mem>>) src(%dma_wait3A_144 : memref<16xi32, #tpu.memory_space<vmem>>) dst(%dma_wait3A_143 : memref<16xi32, #tpu.memory_space<hbm>>)
        tpu.yield
      }) : () -> ()
      %mul3A_133 = arith.constant 65552 : i32
      %mul3A_134 = arith.muli %add3A, %mul3A_133 : i32
      %add3A_135 = arith.addi %mul3A_134, %scan3A_46#1 : i32
      %add3A_136 = arith.addi %add3A_135, %add3A_114 : i32
      %multiple_of3A_137 = tpu.assume_multiple %add3A_136, 16 : i32
      "tpu.region"() ({
        %run_scoped3A = tpu.sem_alloc : memref<!tpu.dma_semaphore, #tpu.memory_space<semaphore_mem>>
        %dma_start3A_138 = tpu.memref_slice %arg9[%add3A_114] : memref<2576xf32, #tpu.memory_space<vmem>> -> memref<16xf32, #tpu.memory_space<vmem>>
        %dma_start3A_139 = tpu.memref_slice %arg4[%multiple_of3A_137] : memref<2097664xf32, #tpu.memory_space<hbm>> -> memref<16xf32, #tpu.memory_space<hbm>>
        %dma_start3A_140 = tpu.memref_slice %arg4[%multiple_of3A_137] : memref<2097664xf32, #tpu.memory_space<hbm>> -> memref<16xf32, #tpu.memory_space<hbm>>
        %dma_start3A_141 = tpu.memref_slice %arg9[%add3A_114] : memref<2576xf32, #tpu.memory_space<vmem>> -> memref<16xf32, #tpu.memory_space<vmem>>
        tpu.enqueue_dma source(%dma_start3A_141 : memref<16xf32, #tpu.memory_space<vmem>>) target(%dma_start3A_140 : memref<16xf32, #tpu.memory_space<hbm>>) target_semaphore(%run_scoped3A : memref<!tpu.dma_semaphore, #tpu.memory_space<semaphore_mem>>)
        %dma_wait3A = tpu.memref_slice %arg9[%add3A_114] : memref<2576xf32, #tpu.memory_space<vmem>> -> memref<16xf32, #tpu.memory_space<vmem>>
        %dma_wait3A_142 = tpu.memref_slice %arg4[%multiple_of3A_137] : memref<2097664xf32, #tpu.memory_space<hbm>> -> memref<16xf32, #tpu.memory_space<hbm>>
        %dma_wait3A_143 = tpu.memref_slice %arg4[%multiple_of3A_137] : memref<2097664xf32, #tpu.memory_space<hbm>> -> memref<16xf32, #tpu.memory_space<hbm>>
        %dma_wait3A_144 = tpu.memref_slice %arg9[%add3A_114] : memref<2576xf32, #tpu.memory_space<vmem>> -> memref<16xf32, #tpu.memory_space<vmem>>
        tpu.wait_dma2 semaphore(%run_scoped3A : memref<!tpu.dma_semaphore, #tpu.memory_space<semaphore_mem>>) src(%dma_wait3A_144 : memref<16xf32, #tpu.memory_space<vmem>>) dst(%dma_wait3A_143 : memref<16xf32, #tpu.memory_space<hbm>>)
        tpu.yield
      }) : () -> ()
    } else {
    }
    %add3A_120 = arith.addi %scan3A_46#1, %scan3A_46#0 : i32
    %add3A_121 = vector.broadcast %add3A_120 : i32 to vector<16xi32>
    %add3A_122 = arith.addi %broadcast_in_dim3A_1, %add3A_121 : vector<16xi32>
    %swap3A_123 = arith.constant 0 : index
    %swap3A_124 = tpu.vector_load %arg10[%swap3A_123] {strides = array<i32>} : memref<16xi32, #tpu.memory_space<vmem>>, vector<16xi32>,
    tpu.vector_store %arg10[%swap3A_123], %add3A_122 {strides = array<i32>} : memref<16xi32, #tpu.memory_space<vmem>>, vector<16xi32>,
    %mul3A_125 = arith.constant 16 : i32
    %mul3A_126 = arith.muli %add3A, %mul3A_125 : i32
    %multiple_of3A_127 = tpu.assume_multiple %mul3A_126, 16 : i32
    "tpu.region"() ({
      %run_scoped3A = tpu.sem_alloc : memref<!tpu.dma_semaphore, #tpu.memory_space<semaphore_mem>>
      %dma_start3A_128 = tpu.memref_slice %arg5[%multiple_of3A_127] : memref<512xi32, #tpu.memory_space<hbm>> -> memref<16xi32, #tpu.memory_space<hbm>>
      %dma_start3A_129 = tpu.memref_slice %arg5[%multiple_of3A_127] : memref<512xi32, #tpu.memory_space<hbm>> -> memref<16xi32, #tpu.memory_space<hbm>>
      tpu.enqueue_dma source(%arg10 : memref<16xi32, #tpu.memory_space<vmem>>) target(%dma_start3A_129 : memref<16xi32, #tpu.memory_space<hbm>>) target_semaphore(%run_scoped3A : memref<!tpu.dma_semaphore, #tpu.memory_space<semaphore_mem>>)
      %dma_wait3A = tpu.memref_slice %arg5[%multiple_of3A_127] : memref<512xi32, #tpu.memory_space<hbm>> -> memref<16xi32, #tpu.memory_space<hbm>>
      %dma_wait3A_130 = tpu.memref_slice %arg5[%multiple_of3A_127] : memref<512xi32, #tpu.memory_space<hbm>> -> memref<16xi32, #tpu.memory_space<hbm>>
      tpu.wait_dma2 semaphore(%run_scoped3A : memref<!tpu.dma_semaphore, #tpu.memory_space<semaphore_mem>>) src(%arg10 : memref<16xi32, #tpu.memory_space<vmem>>) dst(%dma_wait3A_130 : memref<16xi32, #tpu.memory_space<hbm>>)
      tpu.yield
    }) : () -> ()
    return
  }
}

</mosaic_0001>

<sc_bundles>
// kernel: _to_position.4.cloned.1.call-start
scs
__scs_entry_jumppad:
0x0: {  	(pc) =	sbr.rel $0x88, $3  }
0x1: {  	(tag) =	ssettag $0x0;
	lr =	simm.s32 $0x1  }
0x2: {  	[smem:$0x3FA0] =	sst lr;
	_ =	strace $0xD0000000  }
0x3: {  	_ = 	snop  }
0x4: {  	_ = 	snop  }
0x5: {  	_ = 	snop  }
0x6: {  	_ = 	snop  }
0x7: {  	_ = 	snop  }
__scs_overlays_trampoline_lowered:
0x8: {  	[smem:$0x3FAF] =	sst s0  }
0x9: {  	[smem:$0x3FB0] =	sst s1  }
0xa: {  	[smem:$0x3FB1] =	sst s2  }
0xb: {  	[smem:$0x3FB2] =	sst s3  }
0xc: {  	[smem:$0x3FB3] =	sst s4  }
0xd: {  	[smem:$0x3FB4] =	sst s5  }
0xe: {  	[smem:$0x3FB5] =	sst s6  }
0xf: {  	[smem:$0x3FB6] =	sst s7  }
0x10: {  	[smem:$0x3FB7] =	sst s8  }
0x11: {  	[smem:$0x3FB8] =	sst s9;
	s0 =	simm.s32 @!p0 $0x0  }
0x12: {  	s1 =	sld [smem:$0x3F9E];
	s0 =	simm.s32 @p0 $0x1  }
0x13: {  	[smem:$0x3FB9] =	sst s0;
	s0 =	simm.s32 @!p1 $0x0  }
0x14: {  	s2 =	sld [smem:$0x3F9D];
	s0 =	simm.s32 @p1 $0x1  }
0x15: {  	[smem:$0x3FBA] =	sst s0;
	s0 =	simm.s32 @!p2 $0x0  }
0x16: {  	s3 =	sld [smem:$0x3FDB];
	s0 =	simm.s32 @p2 $0x1  }
0x17: {  	s4 =	simm.s32 $0x1BF5;
	[smem:$0x3FBC] =	sst s0  }
0x18: {  	s0 =	sld [smem:$0x3F9F];
	_ =	swait.ge [sflag:s4], $0x0  }
0x19: {  	s7 =	sld [smem:$0x3FA0]  }
0x1a: {  	s8 =	sadd.s32 $0xFFFFE003, lr  }
0x1b: {  	s9 =	sadd.s32 $0xFFFFFEF7, lr;
	s5 =	simm.s32 $0xFFFFFFFF;
	p2 =	slt.u32 s8, $0xFFFFF086  }
0x1c: {  	p1 =	slt.u32 s9, $0xF7A;
	s5 =	simm.s32 @!p2 $0x0  }
0x1d: {  	s5 =	simm.s32 @p1 $0x1;
	p0 =	seq.s32 s7, s2  }
0x1e: {  	s7 =	smul.u32 @!p0 $0xF7A, s2;
	p2 =	seq.s32 @!p0 s5, $0x0  }
0x1f: {  	s9 =	smul.u32 $0xF7A, s1;
	s8 =	simm.s32 @!p0 $0x1BF5;
	p2 =	por !p2, p0  }
0x20: {  	[sflag:s8] =	ssyncset.s32 @!p0 $0xFFFFF086;
	s6 =	sadd.s32 @!p0 s3, s7;
	s7 =	simm.s32 @!p0 $0x108  }
0x21: {  	s3 =	sadd.s32 s3, s9;
	s6 =	sadd.s32 @!p0 $0x88, s6;
	s7 =	simm.s32 @p2 $0x1082  }
0x22: {  	[simem:s7], [sflag:s8] =	dma.local @!p0 [hbm:s6], $0xF7A  }
0x23: {  	s9 =	sor.u32 $0xD0000000, s2;
	s6 =	simm.s32 $0x108;
	_ =	swait.ge @!p0 [sflag:s8], $0x0  }
0x24: {  	s3 =	sadd.s32 $0x88, s3;
	s6 =	simm.s32 @!p1 $0x1082;
	[sflag:s4] =	ssyncset.s32 $0xFFFFF086  }
0x25: {  	[simem:s6], [sflag:s4] =	dma.local [hbm:s3], $0xF7A  }
0x26: {  	[smem:$0x3FA0] =	sst s1;
	(tag) =	ssettag s2;
	_ =	strace s9  }
0x27: {  	s1 =	sld [smem:$0x3FB0]  }
0x28: {  	s2 =	sld [smem:$0x3FB1]  }
0x29: {  	s4 =	sld [smem:$0x3FB3]  }
0x2a: {  	p0 =	seq.s32 s5, $0x0;
	s5 =	sld [smem:$0x3FB4]  }
0x2b: {  	s6 =	sld [smem:$0x3FB5]  }
0x2c: {  	s7 =	sld [smem:$0x3FB6]  }
0x2d: {  	s3 =	simm.s32 $0x108;
	s8 =	sld [smem:$0x3FB7]  }
0x2e: {  	s3 =	simm.s32 @!p0 $0x1082;
	s9 =	sld [smem:$0x3FB8]  }
0x2f: {  	lr =	sadd.s32 s0, s3;
	s0 =	sld [smem:$0x3FAF]  }
0x30: {  	s3 =	sld [smem:$0x3FB2]  }
0x31: {  	[smem:$0x3FBB] =	sst s10  }
0x32: {  	s10 =	sld [smem:$0x3FB9];
	_ =	sdelay $0x3  }
0x33: {  	p0 =	seq.s32 s10, $0x1;
	s10 =	sld [smem:$0x3FBB];
	_ =	sdelay $0x3  }
0x34: {  	[smem:$0x3FBB] =	sst s10  }
0x35: {  	s10 =	sld [smem:$0x3FBA];
	_ =	sdelay $0x3  }
0x36: {  	p1 =	seq.s32 s10, $0x1;
	s10 =	sld [smem:$0x3FBB];
	_ =	sdelay $0x3  }
0x37: {  	[smem:$0x3FBB] =	sst s10  }
0x38: {  	s10 =	sld [smem:$0x3FBC]  }
0x39: {  	_ = 	snop;
	(pc) =	sbr.ind lr, $3  }
0x3a: {  	_ = 	snop  }
0x3b: {  	_ = 	snop  }
0x3c: {  	p2 =	seq.s32 s10, $0x1;
	s10 =	sld [smem:$0x3FBB]  }
0x3d: {  	_ =	shalt  }
0x3e: {  	_ =	shalt  }
0x3f: {  	_ =	shalt  }
0x40: {  	_ =	shalt  }
0x41: {  	_ =	shalt  }
0x42: {  	_ =	shalt  }
0x43: {  	_ =	shalt  }
0x44: {  	_ =	shalt  }
0x45: {  	_ =	shalt  }
0x46: {  	_ =	shalt  }
0x47: {  	_ =	shalt  }
0x48: {  	_ =	shalt  }
0x49: {  	_ =	shalt  }
0x4a: {  	_ =	shalt  }
0x4b: {  	_ =	shalt  }
0x4c: {  	_ =	shalt  }
0x4d: {  	_ =	shalt  }
0x4e: {  	_ =	shalt  }
0x4f: {  	_ =	shalt  }
0x50: {  	_ =	shalt  }
0x51: {  	_ =	shalt  }
0x52: {  	_ =	shalt  }
0x53: {  	_ =	shalt  }
0x54: {  	_ =	shalt  }
0x55: {  	_ =	shalt  }
0x56: {  	_ =	shalt  }
0x57: {  	_ =	shalt  }
0x58: {  	_ =	shalt  }
0x59: {  	_ =	shalt  }
0x5a: {  	_ =	shalt  }
0x5b: {  	_ =	shalt  }
0x5c: {  	_ =	shalt  }
0x5d: {  	_ =	shalt  }
0x5e: {  	_ =	shalt  }
0x5f: {  	_ =	shalt  }
0x60: {  	_ =	shalt  }
0x61: {  	_ =	shalt  }
0x62: {  	_ =	shalt  }
0x63: {  	_ =	shalt  }
0x64: {  	_ =	shalt  }
0x65: {  	_ =	shalt  }
0x66: {  	_ =	shalt  }
0x67: {  	_ =	shalt  }
0x68: {  	_ =	shalt  }
0x69: {  	_ =	shalt  }
0x6a: {  	_ =	shalt  }
0x6b: {  	_ =	shalt  }
0x6c: {  	_ =	shalt  }
0x6d: {  	_ =	shalt  }
0x6e: {  	_ =	shalt  }
0x6f: {  	_ =	shalt  }
0x70: {  	_ =	shalt  }
0x71: {  	_ =	shalt  }
0x72: {  	_ =	shalt  }
0x73: {  	_ =	shalt  }
0x74: {  	_ =	shalt  }
0x75: {  	_ =	shalt  }
0x76: {  	_ =	shalt  }
0x77: {  	_ =	shalt  }
0x78: {  	_ =	shalt  }
0x79: {  	_ =	shalt  }
0x7a: {  	_ =	shalt  }
0x7b: {  	_ =	shalt  }
0x7c: {  	_ =	shalt  }
0x7d: {  	_ =	shalt  }
0x7e: {  	_ =	shalt  }
0x7f: {  	_ =	shalt  }
0x80: {  	_ =	shalt  }
0x81: {  	_ =	shalt  }
0x82: {  	_ =	shalt  }
0x83: {  	_ =	shalt  }
0x84: {  	_ =	shalt  }
0x85: {  	_ =	shalt  }
0x86: {  	_ =	shalt  }
0x87: {  	_ =	shalt  }
.Lfunc_end0:
.L_simem_size_0:
called_computation_lowered:
.L_overlay_start_0:
0x88: {  	s2 =	sld [smem:$0x3FD9]  }
0x89: {  	s3 =	sld [smem:$0x3FFE];
	_ =	sdelay $0x1  }
0x8a: {  	s1 =	srdreg.scid  }
0x8b: {  	s0 =	sand.u32 $0x1, s1  }
0x8c: {  	s17 =	sshll.u32 s0, $0xA;
	s2 =	sadd.s32 s3, s2  }
0x8d: {  	s2 =	sadd.s32 s2, s17  }
0x8e: {  	[smem:$0x3FC7] =	sst s2  }
0x8f: {  	_ = 	snop  }
0x90: {  	s2 =	sld [smem:$0x3FC9];
	(tm) =	ssettm $0x1  }
0x91: {  	s18 =	sld [smem:$0x3FFB];
	_ =	sdelay $0x3  }
0x92: {  	_ =	strace s18  }
0x93: {  	s3 =	sld [smem:$0x3FFC];
	_ =	sdelay $0x3  }
0x94: {  	_ =	strace s3  }
0x95: {  	s3 =	sld [smem:$0x3FFD];
	_ =	sdelay $0x3  }
0x96: {  	_ =	strace s3  }
0x97: {  	_ =	strace $0x8FFFFFFF  }
0x98: {  	s19 =	sld [smem:$0x3FDB];
	_ =	sdelay $0x1  }
0x99: {  	s4 =	simm.s32 $_scs_section_size  }
0x9a: {  	s5 =	simm.s32 $_size__tile_overlayer_lowered;
	s6 =	simm.s32 $_tile_overlayer_lowered  }
0x9b: {  	s22 =	simm.s32 $0x1BFF;
	s21 =	sshll.u32 s6, $0x1;
	s3 =	sadd.s32 s4, s19  }
0x9c: {  	s7 =	simm.s32 $0x0;
	s20 =	sshll.u32 s5, $0x1;
	s5 =	sadd.s32 s21, s3  }
0x9d: {  	[timem:s7], [sflag:s22] =	dma.local [hbm:s5], s20  }
0x9e: {  	_ =	swait.ge [sflag:s22], s20  }
0x9f: {  	s4 =	ssub.s32 $0x0, s20;
	[sflag:s22] =	ssyncset.done $0x0  }
0xa0: {  	[sflag:s22] =	ssyncadd.s32 s4;
	_ =	sdelay $0x1  }
0xa1: {  	s23 =	simm.s32 $0x1B8B  }
0xa2: {  	_ =	swait.ge [sflag:s23], $0x1  }
0xa3: {  	[sflag:s23] =	ssyncset.done $0x0  }
0xa4: {  	s25 =	simm.s32 $0x1B8E;
	s24 =	sld [smem:$0x3FFE];
	[sflag:s23] =	ssyncadd.s32 $0xFFFFFFFF  }
0xa5: {  	s26 =	simm.s32 $execute0_lowered;
	[smem:$0x3FD2] =	sst s25  }
0xa6: {  	s5 =	sshll.u32 s26, $0x1;
	_ =	strace $0x80000046;
	[dreg:$0x1] =	wrdreg $0xFFFFFFFF  }
0xa7: {  	s28 =	simm.s32 $_size_execute0_lowered;
	s3 =	sadd.s32 s3, s5;
	[dreg:$0x0] =	wrdreg $0x0  }
0xa8: {  	s5 =	sshll.u32 s28, $0x1;
	[dreg:$0x2] =	wrdreg s3  }
0xa9: {  	[dreg:$0x3] =	wrdreg s5  }
0xaa: {  	[dreg:$0x4] =	wrdreg $0xC0  }
0xab: {  	_ =	task [dreg:s7], $0x5FFFF  }
0xac: {  	[dreg:$0x1] =	wrdreg $0xFFFFFFFF  }
0xad: {  	[dreg:$0x0] =	wrdreg $0x60  }
0xae: {  	[dreg:$0x2] =	wrdreg s2  }
0xaf: {  	[dreg:$0x3] =	wrdreg s24  }
0xb0: {  	[dreg:$0x4] =	wrdreg $0x9  }
0xb1: {  	_ =	task.clear_ibuf [dreg:s7], $0x5FFFF;
	_ =	strace $0x90000046  }
0xb2: {  	s29 =	simm.s32 $0x9;
	_ =	strace $0x80000048  }
0xb3: {  	_ =	swait.ge [sflag:s29], $0x1  }
0xb4: {  	[sflag:s29] =	ssyncadd.s32 $0xFFFFFFFF  }
0xb5: {  	_ =	strace $0x90000048  }
0xb6: {  	_ =	sfence  }
0xb7: {  	s30 =	sld [smem:$0x0];
	_ =	sdelay $0x2  }
0xb8: {  	s31 =	sshll.u32 s1, $0xD;
	s1 =	sshrl.u32 s1, $0x2  }
0xb9: {  	s3 =	sand.u32 $0x4000, s31;
	s1 =	sadd.s32 s1, s30  }
0xba: {  	s0 =	sor.u32 s3, s0;
	s1 =	sshll.u32 s1, $0x11  }
0xbb: {  	s0 =	sor.u32 s1, s0  }
0xbc: {  	s0 =	sadd.s32 $0x8F2B, s0  }
0xbd: {  	[sflag:s0] =	ssyncadd.remote.s32 $0x1  }
0xbe: {  	_ =	sfence.sel $0xFFFF  }
0xbf: {  	[dreg:$0x0] =	wrdreg $0xFFFFFFFF;
	(pc) =	sbr.abs _section_cstart, $3  }
0xc0: {  	[dreg:$0x1] =	wrdreg $0xFFFFFFFF  }
0xc1: {  	_ =	task.clear_ibuf [dreg:s7], $0x2FFFF;
	_ =	strace $0x9FFFFFFF  }
0xc2: {  	(tm) =	ssettm $0x7FFFFFFF  }
0xc3: {  	_ =	shalt  }
tec
execute0_lowered:
.L_overlay_start_1:
0x0: {  	(tag) =	ssettag $0x1  }
0x1: {  	s1 =	rddreg [dreg:$0x0]  }
0x2: {  	s0 =	rddreg [dreg:$0x1]  }
0x3: {  	s3 =	simm.s32 $0x0;
	s2 =	srdreg.scid;
	s15 =	stileid.u32  }
0x4: {  	s19 =	simm.s32 $0x1;
	s22 =	simm.s32 $0x4A80;
	s23 =	simm.s32 $0x5500  }
0x5: {  	[smem:$0x7FF] =	sst s3;
	s2 =	sand.u32 $0x1, s2;
	s5 =	sshll.u32 s15, $0x1  }
0x6: {  	s4 =	sadd.s32 $0xE00, s0;
	s26 =	sadd.s32 $0x400, s1;
	s29 =	sshll.u32 s15, $0x11  }
0x7: {  	_ =	strace $0x80000047;
	s7 =	sor.u32 s2, s5;
	s5 =	sadd.s32 $0x41000, s0  }
0x8: {  	s8 =	ssub.s32 $0x2, s2;
	s13 =	smov.u32 s26;
	s2 =	sshll.u32 s2, $0x10  }
0x9: {  	s6 =	sshll.u32 s7, $0x1;
	s24 =	sshrl.u32 s8, $0x1;
	s9 =	sshll.u32 s7, $0x10  }
0xa: {  	s10 =	sshll.u32 s7, $0xD;
	s25 =	sshll.u32 s7, $0x7;
	s14 =	sand.u32 $0x3, s7  }
0xb: {  	s12 =	smul.u32 $0x10010, s7;
	s31 =	sor.u32 s2, s29;
	s2 =	simm.s32 $0x0  }
0xc: {  	s0 =	sadd.s32 s6, s0;
	s11 =	sadd.s32 s1, s10;
	[dreg:$0xa] =	wrdreg s31  }
0xd: {  	s8 =	ssub.s32 s8, s24;
	s28 =	sor.u32 $0x10, s25;
	[dreg:$0x3] =	wrdreg s11  }
0xe: {  	s9 =	sadd.s32 $0xFFFFFE00, s9;
	s6 =	sor.u32 $0x20, s25;
	[dreg:$0x6] =	wrdreg s28  }
.Ltmp0:
0xf: {  	[dreg:$0x7] =	wrdreg s6;
	s0 =	sadd.s32 $0x81200, s0;
	(pc) =	sbr.rel .LBB2_1-.Ltmp0, $4  }
0x10: {  	s9 =	sshrl.u32 s9, $0x3;
	s30 =	smax.u32 s8, $0x1;
	[dreg:$0x8] =	wrdreg s0  }
0x11: {  	p0 =	seq.s32 s14, $0x0;
	s9 =	sadd.s32 s1, s9;
	[dreg:$0x9] =	wrdreg s30  }
0x12: {  	s24 =	simm.s32 $0x3;
	[dreg:$0x4] =	wrdreg s9;
	s9 =	sadd.s32 s10, s26  }
0x13: {  	v0 =	vimm.f32 $-Inf;
	v1 =	vimm.s32 $0x0;
	v2 =	vlaneseq.u32;
	s11 =	smov.u32 s25;
	s25 =	simm.s32 $0x2;
	[dreg:$0x5] =	wrdreg s9  }
.LBB2_23:
0x14: {  	p1 =	slt.s32 s30, $0x400  }
0x15: {  	s0 =	sadd.s32 @!p1 s12, s29  }
0x16: {  	s0 =	sshrl.u32 @!p1 s0, $0x3  }
0x17: {  	s6 =	simm.s32 @!p1 $0x0;
	s7 =	simm.s32 @!p1 $0x4A80;
	s2 =	sadd.s32 @!p1 s4, s0  }
0x18: {  	[hbm4b:s2+s6] =	stream.linear.scatter @!p1 [tilespmem:s7], [sflag:$0x3], $0x400, $0x38;
	[tilespmem:$0x6000] =	vst v63  }
0x19: {  	s2 =	simm.s32 @!p1 $0x3  }
0x1a: {  	_ =	swait.ge @!p1 [sflag:s2], $0x400  }
0x1b: {  	[sflag:s2] =	ssyncset.done @!p1 $0x0  }
0x1c: {  	s0 =	sadd.s32 @!p1 s5, s0;
	s7 =	simm.s32 @!p1 $0x5500;
	[sflag:s2] =	ssyncadd.s32 @!p1 $0xFFFFFC00  }
0x1d: {  	[hbm4b:s0+s6] =	stream.linear.scatter @!p1 [tilespmem:s7], [sflag:$0x3], $0x400, $0x38;
	[tilespmem:$0x6000] =	vst v63  }
0x1e: {  	s0 =	simm.s32 @!p1 $0x400  }
0x1f: {  	s0 =	simm.s32 @p1 $0x0  }
0x20: {  	s21 =	ssub.s32 s30, s0  }
0x21: {  	p2 =	slt.s32 s21, $0x200  }
0x22: {  	_ =	swait.ge @!p1 [sflag:s2], $0x400;
	s7 =	sadd.s32 @!p2 s12, s29  }
0x23: {  	[sflag:s2] =	ssyncset.done @!p1 $0x0;
	s7 =	sadd.s32 @!p2 s0, s7  }
0x24: {  	[sflag:s2] =	ssyncadd.s32 @!p1 $0xFFFFFC00;
	s2 =	sshrl.u32 @!p2 s7, $0x3  }
0x25: {  	s8 =	sadd.s32 @!p2 $0x4A80, s0;
	s9 =	simm.s32 @!p2 $0x0;
	s7 =	sadd.s32 @!p2 s4, s2  }
0x26: {  	[hbm4b:s7+s9] =	stream.linear.scatter @!p2 [tilespmem:s8], [sflag:$0x3], $0x200, $0x38;
	[tilespmem:$0x6000] =	vst v63  }
0x27: {  	s7 =	simm.s32 @!p2 $0x3  }
0x28: {  	_ =	swait.ge @!p2 [sflag:s7], $0x200  }
0x29: {  	[sflag:s7] =	ssyncset.done @!p2 $0x0  }
0x2a: {  	s2 =	sadd.s32 @!p2 s5, s2;
	s8 =	sadd.s32 @!p2 $0x5500, s0;
	[sflag:s7] =	ssyncadd.s32 @!p2 $0xFFFFFE00  }
0x2b: {  	[hbm4b:s2+s9] =	stream.linear.scatter @!p2 [tilespmem:s8], [sflag:$0x3], $0x200, $0x38;
	[tilespmem:$0x6000] =	vst v63  }
0x2c: {  	s2 =	simm.s32 @!p2 $0x200  }
0x2d: {  	s2 =	simm.s32 @p2 $0x0  }
0x2e: {  	s6 =	ssub.s32 s21, s2  }
0x2f: {  	p1 =	slt.s32 s6, $0x100  }
0x30: {  	_ =	swait.ge @!p2 [sflag:s7], $0x200;
	s0 =	sor.u32 s0, s2;
	s2 =	sadd.s32 @!p1 s12, s29  }
0x31: {  	[sflag:s7] =	ssyncset.done @!p2 $0x0;
	s2 =	sadd.s32 @!p1 s0, s2  }
0x32: {  	[sflag:s7] =	ssyncadd.s32 @!p2 $0xFFFFFE00;
	s2 =	sshrl.u32 @!p1 s2, $0x3  }
0x33: {  	s8 =	sadd.s32 @!p1 $0x4A80, s0;
	s9 =	simm.s32 @!p1 $0x0;
	s7 =	sadd.s32 @!p1 s4, s2  }
0x34: {  	[hbm4b:s7+s9] =	stream.linear.scatter @!p1 [tilespmem:s8], [sflag:$0x3], $0x100, $0x38;
	[tilespmem:$0x6000] =	vst v63  }
0x35: {  	s7 =	simm.s32 @!p1 $0x3  }
0x36: {  	_ =	swait.ge @!p1 [sflag:s7], $0x100  }
0x37: {  	[sflag:s7] =	ssyncset.done @!p1 $0x0  }
0x38: {  	s2 =	sadd.s32 @!p1 s5, s2;
	s8 =	sadd.s32 @!p1 $0x5500, s0;
	[sflag:s7] =	ssyncadd.s32 @!p1 $0xFFFFFF00  }
0x39: {  	[hbm4b:s2+s9] =	stream.linear.scatter @!p1 [tilespmem:s8], [sflag:$0x3], $0x100, $0x38;
	[tilespmem:$0x6000] =	vst v63  }
0x3a: {  	s2 =	simm.s32 @!p1 $0x100  }
0x3b: {  	s2 =	simm.s32 @p1 $0x0  }
0x3c: {  	s6 =	ssub.s32 s6, s2  }
0x3d: {  	p2 =	slt.s32 s6, $0x80  }
0x3e: {  	_ =	swait.ge @!p1 [sflag:s7], $0x100;
	s0 =	sor.u32 s0, s2;
	s2 =	sadd.s32 @!p2 s12, s29  }
0x3f: {  	[sflag:s7] =	ssyncset.done @!p1 $0x0;
	s2 =	sadd.s32 @!p2 s0, s2  }
0x40: {  	[sflag:s7] =	ssyncadd.s32 @!p1 $0xFFFFFF00;
	s2 =	sshrl.u32 @!p2 s2, $0x3  }
0x41: {  	s8 =	sadd.s32 @!p2 $0x4A80, s0;
	s9 =	simm.s32 @!p2 $0x0;
	s7 =	sadd.s32 @!p2 s4, s2  }
0x42: {  	[hbm4b:s7+s9] =	stream.linear.scatter @!p2 [tilespmem:s8], [sflag:$0x3], $0x80, $0x38;
	[tilespmem:$0x6000] =	vst v63  }
0x43: {  	s7 =	simm.s32 @!p2 $0x3  }
0x44: {  	_ =	swait.ge @!p2 [sflag:s7], $0x80  }
0x45: {  	[sflag:s7] =	ssyncset.done @!p2 $0x0  }
0x46: {  	s2 =	sadd.s32 @!p2 s5, s2;
	s8 =	sadd.s32 @!p2 $0x5500, s0;
	[sflag:s7] =	ssyncadd.s32 @!p2 $0xFFFFFF80  }
0x47: {  	[hbm4b:s2+s9] =	stream.linear.scatter @!p2 [tilespmem:s8], [sflag:$0x3], $0x80, $0x38;
	[tilespmem:$0x6000] =	vst v63  }
0x48: {  	s2 =	simm.s32 @!p2 $0x80  }
0x49: {  	s2 =	simm.s32 @p2 $0x0  }
0x4a: {  	s6 =	ssub.s32 s6, s2  }
0x4b: {  	p1 =	slt.s32 s6, $0x40  }
0x4c: {  	_ =	swait.ge @!p2 [sflag:s7], $0x80;
	s0 =	sor.u32 s0, s2;
	s2 =	sadd.s32 @!p1 s12, s29  }
0x4d: {  	[sflag:s7] =	ssyncset.done @!p2 $0x0;
	s2 =	sadd.s32 @!p1 s0, s2  }
0x4e: {  	[sflag:s7] =	ssyncadd.s32 @!p2 $0xFFFFFF80;
	s2 =	sshrl.u32 @!p1 s2, $0x3  }
0x4f: {  	s8 =	sadd.s32 @!p1 $0x4A80, s0;
	s9 =	simm.s32 @!p1 $0x0;
	s7 =	sadd.s32 @!p1 s4, s2  }
0x50: {  	[hbm4b:s7+s9] =	stream.linear.scatter @!p1 [tilespmem:s8], [sflag:$0x3], $0x40, $0x38;
	[tilespmem:$0x6000] =	vst v63  }
0x51: {  	s7 =	simm.s32 @!p1 $0x3  }
0x52: {  	_ =	swait.ge @!p1 [sflag:s7], $0x40  }
0x53: {  	[sflag:s7] =	ssyncset.done @!p1 $0x0  }
0x54: {  	s2 =	sadd.s32 @!p1 s5, s2;
	s8 =	sadd.s32 @!p1 $0x5500, s0;
	[sflag:s7] =	ssyncadd.s32 @!p1 $0xFFFFFFC0  }
0x55: {  	[hbm4b:s2+s9] =	stream.linear.scatter @!p1 [tilespmem:s8], [sflag:$0x3], $0x40, $0x38;
	[tilespmem:$0x6000] =	vst v63  }
0x56: {  	s2 =	simm.s32 @!p1 $0x40  }
0x57: {  	s2 =	simm.s32 @p1 $0x0  }
0x58: {  	s6 =	ssub.s32 s6, s2  }
0x59: {  	p2 =	slt.s32 s6, $0x20  }
0x5a: {  	_ =	swait.ge @!p1 [sflag:s7], $0x40;
	s0 =	sor.u32 s0, s2;
	s2 =	sadd.s32 @!p2 s12, s29  }
0x5b: {  	[sflag:s7] =	ssyncset.done @!p1 $0x0;
	s2 =	sadd.s32 @!p2 s0, s2  }
0x5c: {  	[sflag:s7] =	ssyncadd.s32 @!p1 $0xFFFFFFC0;
	s2 =	sshrl.u32 @!p2 s2, $0x3  }
0x5d: {  	s8 =	sadd.s32 @!p2 $0x4A80, s0;
	s9 =	simm.s32 @!p2 $0x0;
	s7 =	sadd.s32 @!p2 s4, s2  }
0x5e: {  	[hbm4b:s7+s9] =	stream.linear.scatter @!p2 [tilespmem:s8], [sflag:$0x3], $0x20, $0x38;
	[tilespmem:$0x6000] =	vst v63  }
0x5f: {  	s7 =	simm.s32 @!p2 $0x3  }
0x60: {  	_ =	swait.ge @!p2 [sflag:s7], $0x20  }
0x61: {  	[sflag:s7] =	ssyncset.done @!p2 $0x0  }
0x62: {  	s2 =	sadd.s32 @!p2 s5, s2;
	s8 =	sadd.s32 @!p2 $0x5500, s0;
	[sflag:s7] =	ssyncadd.s32 @!p2 $0xFFFFFFE0  }
0x63: {  	[hbm4b:s2+s9] =	stream.linear.scatter @!p2 [tilespmem:s8], [sflag:$0x3], $0x20, $0x38;
	[tilespmem:$0x6000] =	vst v63  }
0x64: {  	s2 =	simm.s32 @!p2 $0x20  }
0x65: {  	s2 =	simm.s32 @p2 $0x0  }
0x66: {  	s6 =	ssub.s32 s6, s2  }
0x67: {  	p1 =	slt.s32 s6, $0x10  }
0x68: {  	_ =	swait.ge @!p2 [sflag:s7], $0x20;
	s0 =	sor.u32 s0, s2;
	s2 =	sadd.s32 @!p1 s12, s29  }
0x69: {  	[sflag:s7] =	ssyncset.done @!p2 $0x0;
	s2 =	sadd.s32 @!p1 s0, s2  }
0x6a: {  	[sflag:s7] =	ssyncadd.s32 @!p2 $0xFFFFFFE0;
	s2 =	sshrl.u32 @!p1 s2, $0x3  }
0x6b: {  	s8 =	sadd.s32 @!p1 $0x4A80, s0;
	s9 =	simm.s32 @!p1 $0x0;
	s7 =	sadd.s32 @!p1 s4, s2  }
0x6c: {  	[hbm4b:s7+s9] =	stream.linear.scatter @!p1 [tilespmem:s8], [sflag:$0x3], $0x10, $0x38;
	[tilespmem:$0x6000] =	vst v63  }
0x6d: {  	s7 =	simm.s32 @!p1 $0x3  }
0x6e: {  	_ =	swait.ge @!p1 [sflag:s7], $0x10  }
0x6f: {  	[sflag:s7] =	ssyncset.done @!p1 $0x0  }
0x70: {  	s2 =	sadd.s32 @!p1 s5, s2;
	s8 =	sadd.s32 @!p1 $0x5500, s0;
	[sflag:s7] =	ssyncadd.s32 @!p1 $0xFFFFFFF0  }
0x71: {  	[hbm4b:s2+s9] =	stream.linear.scatter @!p1 [tilespmem:s8], [sflag:$0x3], $0x10, $0x38;
	[tilespmem:$0x6000] =	vst v63  }
0x72: {  	s2 =	simm.s32 @!p1 $0x10  }
0x73: {  	s2 =	simm.s32 @p1 $0x0  }
0x74: {  	s6 =	ssub.s32 s6, s2  }
0x75: {  	p2 =	slt.s32 s6, $0x1  }
0x76: {  	_ =	swait.ge @!p1 [sflag:s7], $0x10;
	s0 =	sadd.s32 @!p2 s0, s2;
	s2 =	sadd.s32 @!p2 s12, s29  }
0x77: {  	[sflag:s7] =	ssyncset.done @!p1 $0x0;
	s2 =	sadd.s32 @!p2 s0, s2  }
0x78: {  	[sflag:s7] =	ssyncadd.s32 @!p1 $0xFFFFFFF0;
	s2 =	sshrl.u32 @!p2 s2, $0x3  }
0x79: {  	s8 =	simm.s32 @!p2 $0x0;
	s7 =	sadd.s32 @!p2 $0x4A80, s0;
	s6 =	sadd.s32 @!p2 s4, s2  }
0x7a: {  	[hbm4b:s6+s8] =	stream.linear.scatter @!p2 [tilespmem:s7], [sflag:$0x3], $0x10, $0x38;
	[tilespmem:$0x6000] =	vst v63  }
0x7b: {  	s6 =	simm.s32 @!p2 $0x3  }
0x7c: {  	_ =	swait.ge @!p2 [sflag:s6], $0x10  }
0x7d: {  	[sflag:s6] =	ssyncset.done @!p2 $0x0  }
0x7e: {  	s0 =	sadd.s32 @!p2 $0x5500, s0;
	s2 =	sadd.s32 @!p2 s5, s2;
	[sflag:s6] =	ssyncadd.s32 @!p2 $0xFFFFFFF0  }
0x7f: {  	[hbm4b:s2+s8] =	stream.linear.scatter @!p2 [tilespmem:s0], [sflag:$0x3], $0x10, $0x38;
	[tilespmem:$0x6000] =	vst v63  }
0x80: {  	_ =	swait.ge @!p2 [sflag:s6], $0x10  }
0x81: {  	s26 =	sadd.s32 s30, s29;
	[sflag:s6] =	ssyncset.done @!p2 $0x0  }
0x82: {  	v3 =	vmov s26;
	[sflag:s6] =	ssyncadd.s32 @!p2 $0xFFFFFFF0  }
0x83: {  	s29 =	simm.s32 $0x5F80;
	s28 =	rddreg [dreg:$0x8];
	[tilespmem:$0x5F80] =	vst v3  }
0x84: {  	[hbm4b:s28+s3] =	stream.linear.scatter [tilespmem:s29], [sflag:$0x3], $0x10, $0x38;
	[tilespmem:$0x6000] =	vst v63  }
0x85: {  	_ =	swait.ge [sflag:s24], $0x10  }
0x86: {  	s30 =	rddreg [dreg:$0xb]  }
0x87: {  	s31 =	rddreg [dreg:$0x9];
	s2 =	sadd.s32 $0x1, s30  }
0x88: {  	p1 =	sne.s32 s2, s31  }
.Ltmp1:
0x89: {  	_ = 	snop;
	(pc) =	sbr.rel @!p1 .LBB2_24-.Ltmp1, $3  }
0x8a: {  	_ =	sdelay $0x1  }
0x8b: {  	[sflag:s24] =	ssyncset.done $0x0  }
0x8c: {  	[sflag:s24] =	ssyncadd.s32 $0xFFFFFFF0  }
.LBB2_1:
0x8d: {  	[dreg:$0xb] =	wrdreg s2  }
0x8e: {  	[tilespmem:$0x4800] =	vst v0;
	s0 =	rddreg [dreg:$0x3]  }
0x8f: {  	[tilespmem:$0x4A00] =	vst v0;
	s26 =	simm.s32 $0x200;
	s2 =	rddreg [dreg:$0x4]  }
0x90: {  	[tilespmem:s26], [sflag:$0x1] =	stream.linear.gather [hbm4b:s0+s3], $0x2000, $0x38;
	[tilespmem:$0x6000] =	vst v63  }
.Ltmp2:
0x91: {  	s28 =	rddreg [dreg:$0x5];
	(pc) =	sbr.rel .LBB2_2-.Ltmp2, $4  }
0x92: {  	s31 =	simm.s32 $0x2200;
	s16 =	rddreg [dreg:$0xa];
	s0 =	simm.s32 @!p0 $0x0  }
0x93: {  	[tilespmem:s0], [sflag:$0x1] =	stream.linear.gather @!p0 [hbm4b:s2+s0], $0x200, $0x38;
	[tilespmem:$0x6000] =	vst v63  }
0x94: {  	s29 =	simm.s32 $0x0;
	s30 =	simm.s32 $0x0;
	s0 =	simm.s32 $0x0  }
0x95: {  	[tilespmem:s31], [sflag:$0x1] =	stream.linear.gather [hbm4b:s28+s3], $0x200, $0x38;
	[tilespmem:$0x6000] =	vst v63  }
.LBB2_22:
0x96: {  	s0 =	sadd.s32 $0x1, s0  }
0x97: {  	p1 =	sne.s32 s0, $0x4  }
.Ltmp3:
0x98: {  	_ = 	snop;
	(pc) =	sbr.rel @!p1 .LBB2_23-.Ltmp3, $2  }
0x99: {  	_ =	sdelay $0x2  }
0x9a: {  	s16 =	sadd.s32 $0x4000, s16  }
.LBB2_2:
0x9b: {  	s2 =	sshll.u32 s0, $0x5  }
0x9c: {  	s7 =	sor.u32 s11, s2  }
0x9d: {  	_ =	swait.ge [sflag:s19], $0x2000;
	s7 =	sand.u32 $0x1E0, s7  }
0x9e: {  	[sflag:s19] =	ssyncset.done $0x0;
	p1 =	sne.s32 s7, $0x0  }
0x9f: {  	[sflag:s19] =	ssyncadd.s32 $0xFFFFE000;
	s7 =	simm.s32 @p1 $0x1  }
0xa0: {  	_ =	swait.ge @p1 [sflag:s7], $0x200  }
0xa1: {  	[sflag:s7] =	ssyncset.done @p1 $0x0  }
0xa2: {  	v3 =	vimm.f32 @!p1 $-Inf;
	[sflag:s7] =	ssyncadd.s32 @p1 $0xFFFFFE00  }
0xa3: {  	[tilespmem:$0x0] =	vst @!p1 v3  }
0xa4: {  	[tilespmem:$0x10] =	vst @!p1 v3  }
0xa5: {  	[tilespmem:$0x20] =	vst @!p1 v3  }
0xa6: {  	[tilespmem:$0x30] =	vst @!p1 v3  }
0xa7: {  	[tilespmem:$0x40] =	vst @!p1 v3  }
0xa8: {  	[tilespmem:$0x50] =	vst @!p1 v3  }
0xa9: {  	[tilespmem:$0x60] =	vst @!p1 v3  }
0xaa: {  	[tilespmem:$0x70] =	vst @!p1 v3  }
0xab: {  	[tilespmem:$0x80] =	vst @!p1 v3  }
0xac: {  	[tilespmem:$0x90] =	vst @!p1 v3  }
0xad: {  	[tilespmem:$0xA0] =	vst @!p1 v3  }
0xae: {  	[tilespmem:$0xB0] =	vst @!p1 v3  }
0xaf: {  	[tilespmem:$0xC0] =	vst @!p1 v3  }
0xb0: {  	[tilespmem:$0xD0] =	vst @!p1 v3  }
0xb1: {  	[tilespmem:$0xE0] =	vst @!p1 v3  }
0xb2: {  	[tilespmem:$0xF0] =	vst @!p1 v3  }
0xb3: {  	[tilespmem:$0x100] =	vst @!p1 v3  }
0xb4: {  	[tilespmem:$0x110] =	vst @!p1 v3  }
0xb5: {  	[tilespmem:$0x120] =	vst @!p1 v3  }
0xb6: {  	[tilespmem:$0x130] =	vst @!p1 v3  }
0xb7: {  	[tilespmem:$0x140] =	vst @!p1 v3  }
0xb8: {  	[tilespmem:$0x150] =	vst @!p1 v3  }
0xb9: {  	[tilespmem:$0x160] =	vst @!p1 v3  }
0xba: {  	[tilespmem:$0x170] =	vst @!p1 v3  }
0xbb: {  	[tilespmem:$0x180] =	vst @!p1 v3  }
0xbc: {  	[tilespmem:$0x190] =	vst @!p1 v3  }
0xbd: {  	[tilespmem:$0x1A0] =	vst @!p1 v3  }
0xbe: {  	[tilespmem:$0x1B0] =	vst @!p1 v3  }
0xbf: {  	[tilespmem:$0x1C0] =	vst @!p1 v3  }
0xc0: {  	[tilespmem:$0x1D0] =	vst @!p1 v3  }
0xc1: {  	s6 =	rddreg [dreg:$0x6];
	[tilespmem:$0x1E0] =	vst @!p1 v3  }
0xc2: {  	s20 =	simm.s32 $0x2600;
	s26 =	simm.s32 $0x2400;
	s18 =	sadd.s32 s6, s2;
	[tilespmem:$0x1F0] =	vst @!p1 v3  }
0xc3: {  	s8 =	sshll.u32 s18, $0x6;
	s21 =	sshll.u32 s18, $0x9;
	_ =	swait.ge [sflag:s19], $0x200  }
0xc4: {  	s7 =	sadd.s32 $0x10, s18;
	s8 =	sand.u32 $0x1FFFFC00, s8;
	[sflag:s19] =	ssyncset.done $0x0  }
0xc5: {  	s28 =	sand.u32 $0x1E0, s7;
	s8 =	sadd.s32 s1, s8;
	[sflag:s19] =	ssyncadd.s32 $0xFFFFFE00  }
0xc6: {  	[tilespmem:s20], [sflag:$0x2] =	stream.linear.gather [hbm4b:s8+s3], $0x2000, $0x38;
	[tilespmem:$0x6000] =	vst v63  }
0xc7: {  	s17 =	simm.s32 $0x1;
	p1 =	seq.s32 s28, $0x0;
	s8 =	sadd.s32 $0xFFFFFE00, s21  }
.Ltmp4:
0xc8: {  	s7 =	sshll.u32 @!p1 s7, $0x6;
	s8 =	sshrl.u32 s8, $0x3;
	(pc) =	sbr.rel .LBB2_3-.Ltmp4, $4  }
0xc9: {  	s31 =	smov.u32 s16;
	s7 =	sand.u32 @!p1 $0x1FFFF800, s7;
	s8 =	sadd.s32 s1, s8  }
0xca: {  	[tilespmem:s26], [sflag:$0x2] =	stream.linear.gather [hbm4b:s8+s3], $0x200, $0x38;
	[tilespmem:$0x6000] =	vst v63  }
0xcb: {  	s10 =	simm.s32 @!p1 $0x4600;
	s7 =	sadd.s32 @!p1 s1, s7;
	s8 =	simm.s32 @!p1 $0x0  }
0xcc: {  	[tilespmem:s10], [sflag:$0x2] =	stream.linear.gather @!p1 [hbm4b:s7+s8], $0x200, $0x38;
	[tilespmem:$0x6000] =	vst v63  }
.LBB2_8:
0xcd: {  	[tilespmem:s7+$0x5500] =	vst v3  }
0xce: {  	[tilespmem:s7+$0x4A80] =	vst v4  }
.LBB2_9:
0xcf: {  	s17 =	sadd.s32 $0x1, s17  }
0xd0: {  	p3 =	sne.s32 s17, $0x11  }
.Ltmp5:
0xd1: {  	_ = 	snop;
	(pc) =	sbr.rel @!p3 .LBB2_10-.Ltmp5, $3  }
0xd2: {  	_ =	sdelay $0x1  }
0xd3: {  	p2 =	sgt.s32 s30, $0x7FF;
	s6 =	sadd.s32 $0xFFFFF800, s30;
	s7 =	sadd.s32 $0x800, s29  }
0xd4: {  	s31 =	sadd.s32 $0x200, s31;
	s30 =	smov.u32 @p2 s6;
	s29 =	smov.u32 @p2 s7  }
.LBB2_3:
0xd5: {  	s7 =	sshll.u32 s17, $0xB  }
0xd6: {  	s26 =	sshra.s32 s7, $0x2  }
0xd7: {  	v3 =	vld [tilespmem:s26+$0xFFFFFE00]  }
0xd8: {  	v4 =	vld [tilespmem:s26+$0x0]  }
0xd9: {  	v5 =	vld [tilespmem:s26+$0x200];
	_ =	sdelay $0x3  }
0xda: {  	v3 =	vmax.f32 v3, v4  }
0xdb: {  	v3 =	vmax.f32 v3, v5  }
0xdc: {  	[tilespmem:$0x4808] =	vst v3  }
0xdd: {  	v3 =	vld [tilespmem:s26+$0xFFFFFE10]  }
0xde: {  	v4 =	vld [tilespmem:s26+$0x10]  }
0xdf: {  	v5 =	vld [tilespmem:s26+$0x210];
	_ =	sdelay $0x3  }
0xe0: {  	v3 =	vmax.f32 v3, v4  }
0xe1: {  	v3 =	vmax.f32 v3, v5  }
0xe2: {  	[tilespmem:$0x4818] =	vst v3  }
0xe3: {  	v3 =	vld [tilespmem:s26+$0xFFFFFE20]  }
0xe4: {  	v4 =	vld [tilespmem:s26+$0x20]  }
0xe5: {  	v5 =	vld [tilespmem:s26+$0x220];
	_ =	sdelay $0x3  }
0xe6: {  	v3 =	vmax.f32 v3, v4  }
0xe7: {  	v3 =	vmax.f32 v3, v5  }
0xe8: {  	[tilespmem:$0x4828] =	vst v3  }
0xe9: {  	v3 =	vld [tilespmem:s26+$0xFFFFFE30]  }
0xea: {  	v4 =	vld [tilespmem:s26+$0x30]  }
0xeb: {  	v5 =	vld [tilespmem:s26+$0x230];
	_ =	sdelay $0x3  }
0xec: {  	v3 =	vmax.f32 v3, v4  }
0xed: {  	v3 =	vmax.f32 v3, v5  }
0xee: {  	[tilespmem:$0x4838] =	vst v3  }
0xef: {  	v3 =	vld [tilespmem:s26+$0xFFFFFE40]  }
0xf0: {  	v4 =	vld [tilespmem:s26+$0x40]  }
0xf1: {  	v5 =	vld [tilespmem:s26+$0x240];
	_ =	sdelay $0x3  }
0xf2: {  	v3 =	vmax.f32 v3, v4  }
0xf3: {  	v3 =	vmax.f32 v3, v5  }
0xf4: {  	[tilespmem:$0x4848] =	vst v3  }
0xf5: {  	v3 =	vld [tilespmem:s26+$0xFFFFFE50]  }
0xf6: {  	v4 =	vld [tilespmem:s26+$0x50]  }
0xf7: {  	v5 =	vld [tilespmem:s26+$0x250];
	_ =	sdelay $0x3  }
0xf8: {  	v3 =	vmax.f32 v3, v4  }
0xf9: {  	v3 =	vmax.f32 v3, v5  }
0xfa: {  	[tilespmem:$0x4858] =	vst v3  }
0xfb: {  	v3 =	vld [tilespmem:s26+$0xFFFFFE60]  }
0xfc: {  	v4 =	vld [tilespmem:s26+$0x60]  }
0xfd: {  	v5 =	vld [tilespmem:s26+$0x260];
	_ =	sdelay $0x3  }
0xfe: {  	v3 =	vmax.f32 v3, v4  }
0xff: {  	v3 =	vmax.f32 v3, v5  }
0x100: {  	[tilespmem:$0x4868] =	vst v3  }
0x101: {  	v3 =	vld [tilespmem:s26+$0xFFFFFE70]  }
0x102: {  	v4 =	vld [tilespmem:s26+$0x70]  }
0x103: {  	v5 =	vld [tilespmem:s26+$0x270];
	_ =	sdelay $0x3  }
0x104: {  	v3 =	vmax.f32 v3, v4  }
0x105: {  	v3 =	vmax.f32 v3, v5  }
0x106: {  	[tilespmem:$0x4878] =	vst v3  }
0x107: {  	v3 =	vld [tilespmem:s26+$0xFFFFFE80]  }
0x108: {  	v4 =	vld [tilespmem:s26+$0x80]  }
0x109: {  	v5 =	vld [tilespmem:s26+$0x280];
	_ =	sdelay $0x3  }
0x10a: {  	v3 =	vmax.f32 v3, v4  }
0x10b: {  	v3 =	vmax.f32 v3, v5  }
0x10c: {  	[tilespmem:$0x4888] =	vst v3  }
0x10d: {  	v3 =	vld [tilespmem:s26+$0xFFFFFE90]  }
0x10e: {  	v4 =	vld [tilespmem:s26+$0x90]  }
0x10f: {  	v5 =	vld [tilespmem:s26+$0x290];
	_ =	sdelay $0x3  }
0x110: {  	v3 =	vmax.f32 v3, v4  }
0x111: {  	v3 =	vmax.f32 v3, v5  }
0x112: {  	[tilespmem:$0x4898] =	vst v3  }
0x113: {  	v3 =	vld [tilespmem:s26+$0xFFFFFEA0]  }
0x114: {  	v4 =	vld [tilespmem:s26+$0xA0]  }
0x115: {  	v5 =	vld [tilespmem:s26+$0x2A0];
	_ =	sdelay $0x3  }
0x116: {  	v3 =	vmax.f32 v3, v4  }
0x117: {  	v3 =	vmax.f32 v3, v5  }
0x118: {  	[tilespmem:$0x48A8] =	vst v3  }
0x119: {  	v3 =	vld [tilespmem:s26+$0xFFFFFEB0]  }
0x11a: {  	v4 =	vld [tilespmem:s26+$0xB0]  }
0x11b: {  	v5 =	vld [tilespmem:s26+$0x2B0];
	_ =	sdelay $0x3  }
0x11c: {  	v3 =	vmax.f32 v3, v4  }
0x11d: {  	v3 =	vmax.f32 v3, v5  }
0x11e: {  	[tilespmem:$0x48B8] =	vst v3  }
0x11f: {  	v3 =	vld [tilespmem:s26+$0xFFFFFEC0]  }
0x120: {  	v4 =	vld [tilespmem:s26+$0xC0]  }
0x121: {  	v5 =	vld [tilespmem:s26+$0x2C0];
	_ =	sdelay $0x3  }
0x122: {  	v3 =	vmax.f32 v3, v4  }
0x123: {  	v3 =	vmax.f32 v3, v5  }
0x124: {  	[tilespmem:$0x48C8] =	vst v3  }
0x125: {  	v3 =	vld [tilespmem:s26+$0xFFFFFED0]  }
0x126: {  	v4 =	vld [tilespmem:s26+$0xD0]  }
0x127: {  	v5 =	vld [tilespmem:s26+$0x2D0];
	_ =	sdelay $0x3  }
0x128: {  	v3 =	vmax.f32 v3, v4  }
0x129: {  	v3 =	vmax.f32 v3, v5  }
0x12a: {  	[tilespmem:$0x48D8] =	vst v3  }
0x12b: {  	v3 =	vld [tilespmem:s26+$0xFFFFFEE0]  }
0x12c: {  	v4 =	vld [tilespmem:s26+$0xE0]  }
0x12d: {  	v5 =	vld [tilespmem:s26+$0x2E0];
	_ =	sdelay $0x3  }
0x12e: {  	v3 =	vmax.f32 v3, v4  }
0x12f: {  	v3 =	vmax.f32 v3, v5  }
0x130: {  	[tilespmem:$0x48E8] =	vst v3  }
0x131: {  	v3 =	vld [tilespmem:s26+$0xFFFFFEF0]  }
0x132: {  	v4 =	vld [tilespmem:s26+$0xF0]  }
0x133: {  	v5 =	vld [tilespmem:s26+$0x2F0];
	_ =	sdelay $0x3  }
0x134: {  	v3 =	vmax.f32 v3, v4  }
0x135: {  	v3 =	vmax.f32 v3, v5  }
0x136: {  	[tilespmem:$0x48F8] =	vst v3  }
0x137: {  	v3 =	vld [tilespmem:s26+$0xFFFFFF00]  }
0x138: {  	v4 =	vld [tilespmem:s26+$0x100]  }
0x139: {  	v5 =	vld [tilespmem:s26+$0x300];
	_ =	sdelay $0x3  }
0x13a: {  	v3 =	vmax.f32 v3, v4  }
0x13b: {  	v3 =	vmax.f32 v3, v5  }
0x13c: {  	[tilespmem:$0x4908] =	vst v3  }
0x13d: {  	v3 =	vld [tilespmem:s26+$0xFFFFFF10]  }
0x13e: {  	v4 =	vld [tilespmem:s26+$0x110]  }
0x13f: {  	v5 =	vld [tilespmem:s26+$0x310];
	_ =	sdelay $0x3  }
0x140: {  	v3 =	vmax.f32 v3, v4  }
0x141: {  	v3 =	vmax.f32 v3, v5  }
0x142: {  	[tilespmem:$0x4918] =	vst v3  }
0x143: {  	v3 =	vld [tilespmem:s26+$0xFFFFFF20]  }
0x144: {  	v4 =	vld [tilespmem:s26+$0x120]  }
0x145: {  	v5 =	vld [tilespmem:s26+$0x320];
	_ =	sdelay $0x3  }
0x146: {  	v3 =	vmax.f32 v3, v4  }
0x147: {  	v3 =	vmax.f32 v3, v5  }
0x148: {  	[tilespmem:$0x4928] =	vst v3  }
0x149: {  	v3 =	vld [tilespmem:s26+$0xFFFFFF30]  }
0x14a: {  	v4 =	vld [tilespmem:s26+$0x130]  }
0x14b: {  	v5 =	vld [tilespmem:s26+$0x330];
	_ =	sdelay $0x3  }
0x14c: {  	v3 =	vmax.f32 v3, v4  }
0x14d: {  	v3 =	vmax.f32 v3, v5  }
0x14e: {  	[tilespmem:$0x4938] =	vst v3  }
0x14f: {  	v3 =	vld [tilespmem:s26+$0xFFFFFF40]  }
0x150: {  	v4 =	vld [tilespmem:s26+$0x140]  }
0x151: {  	v5 =	vld [tilespmem:s26+$0x340];
	_ =	sdelay $0x3  }
0x152: {  	v3 =	vmax.f32 v3, v4  }
0x153: {  	v3 =	vmax.f32 v3, v5  }
0x154: {  	[tilespmem:$0x4948] =	vst v3  }
0x155: {  	v3 =	vld [tilespmem:s26+$0xFFFFFF50]  }
0x156: {  	v4 =	vld [tilespmem:s26+$0x150]  }
0x157: {  	v5 =	vld [tilespmem:s26+$0x350];
	_ =	sdelay $0x3  }
0x158: {  	v3 =	vmax.f32 v3, v4  }
0x159: {  	v3 =	vmax.f32 v3, v5  }
0x15a: {  	[tilespmem:$0x4958] =	vst v3  }
0x15b: {  	v3 =	vld [tilespmem:s26+$0xFFFFFF60]  }
0x15c: {  	v4 =	vld [tilespmem:s26+$0x160]  }
0x15d: {  	v5 =	vld [tilespmem:s26+$0x360];
	_ =	sdelay $0x3  }
0x15e: {  	v3 =	vmax.f32 v3, v4  }
0x15f: {  	v3 =	vmax.f32 v3, v5  }
0x160: {  	[tilespmem:$0x4968] =	vst v3  }
0x161: {  	v3 =	vld [tilespmem:s26+$0xFFFFFF70]  }
0x162: {  	v4 =	vld [tilespmem:s26+$0x170]  }
0x163: {  	v5 =	vld [tilespmem:s26+$0x370];
	_ =	sdelay $0x3  }
0x164: {  	v3 =	vmax.f32 v3, v4  }
0x165: {  	v3 =	vmax.f32 v3, v5  }
0x166: {  	[tilespmem:$0x4978] =	vst v3  }
0x167: {  	v3 =	vld [tilespmem:s26+$0xFFFFFF80]  }
0x168: {  	v4 =	vld [tilespmem:s26+$0x180]  }
0x169: {  	v5 =	vld [tilespmem:s26+$0x380];
	_ =	sdelay $0x3  }
0x16a: {  	v3 =	vmax.f32 v3, v4  }
0x16b: {  	v3 =	vmax.f32 v3, v5  }
0x16c: {  	[tilespmem:$0x4988] =	vst v3  }
0x16d: {  	v3 =	vld [tilespmem:s26+$0xFFFFFF90]  }
0x16e: {  	v4 =	vld [tilespmem:s26+$0x190]  }
0x16f: {  	v5 =	vld [tilespmem:s26+$0x390];
	_ =	sdelay $0x3  }
0x170: {  	v3 =	vmax.f32 v3, v4  }
0x171: {  	v3 =	vmax.f32 v3, v5  }
0x172: {  	[tilespmem:$0x4998] =	vst v3  }
0x173: {  	v3 =	vld [tilespmem:s26+$0xFFFFFFA0]  }
0x174: {  	v4 =	vld [tilespmem:s26+$0x1A0]  }
0x175: {  	v5 =	vld [tilespmem:s26+$0x3A0];
	_ =	sdelay $0x3  }
0x176: {  	v3 =	vmax.f32 v3, v4  }
0x177: {  	v3 =	vmax.f32 v3, v5  }
0x178: {  	[tilespmem:$0x49A8] =	vst v3  }
0x179: {  	v3 =	vld [tilespmem:s26+$0xFFFFFFB0]  }
0x17a: {  	v4 =	vld [tilespmem:s26+$0x1B0]  }
0x17b: {  	v5 =	vld [tilespmem:s26+$0x3B0];
	_ =	sdelay $0x3  }
0x17c: {  	v3 =	vmax.f32 v3, v4  }
0x17d: {  	v3 =	vmax.f32 v3, v5  }
0x17e: {  	[tilespmem:$0x49B8] =	vst v3  }
0x17f: {  	v3 =	vld [tilespmem:s26+$0xFFFFFFC0]  }
0x180: {  	v4 =	vld [tilespmem:s26+$0x1C0]  }
0x181: {  	v5 =	vld [tilespmem:s26+$0x3C0];
	_ =	sdelay $0x3  }
0x182: {  	v3 =	vmax.f32 v3, v4  }
0x183: {  	v3 =	vmax.f32 v3, v5  }
0x184: {  	[tilespmem:$0x49C8] =	vst v3  }
0x185: {  	v3 =	vld [tilespmem:s26+$0xFFFFFFD0]  }
0x186: {  	v4 =	vld [tilespmem:s26+$0x1D0]  }
0x187: {  	v5 =	vld [tilespmem:s26+$0x3D0];
	_ =	sdelay $0x3  }
0x188: {  	v3 =	vmax.f32 v3, v4  }
0x189: {  	v3 =	vmax.f32 v3, v5  }
0x18a: {  	[tilespmem:$0x49D8] =	vst v3  }
0x18b: {  	v3 =	vld [tilespmem:s26+$0xFFFFFFE0]  }
0x18c: {  	v4 =	vld [tilespmem:s26+$0x1E0]  }
0x18d: {  	v5 =	vld [tilespmem:s26+$0x3E0];
	_ =	sdelay $0x3  }
0x18e: {  	v3 =	vmax.f32 v3, v4  }
0x18f: {  	v3 =	vmax.f32 v3, v5  }
0x190: {  	[tilespmem:$0x49E8] =	vst v3  }
0x191: {  	v3 =	vld [tilespmem:s26+$0xFFFFFFF0]  }
0x192: {  	v4 =	vld [tilespmem:s26+$0x1F0]  }
0x193: {  	v5 =	vld [tilespmem:s26+$0x3F0];
	_ =	sdelay $0x3  }
0x194: {  	v3 =	vmax.f32 v3, v4  }
0x195: {  	v3 =	vmax.f32 v3, v5  }
0x196: {  	s8 =	simm.s32 $0x0;
	s7 =	simm.s32 $0x4827;
	[tilespmem:$0x49F8] =	vst v3  }
0x197: {  	s14 =	simm.s32 $0x10;
	s10 =	sand.u32 $0x180, s8;
	v6 =	vld [tilespmem:s7+$0xFFFFFFF0]  }
0x198: {  	s14 =	sand.u32 $0x50, s14;
	s10 =	sadd.s32 s10, s26;
	v7 =	vld [tilespmem:s7+$0xFFFFFFE2]  }
0x199: {  	s14 =	sadd.s32 s14, s10;
	v8 =	vld [tilespmem:s7+$0xFFFFFFE1]  }
0x19a: {  	v4 =	vld [tilespmem:s14+$0x0]  }
0x19b: {  	v9 =	vld [tilespmem:s7+$0xFFFFFFE0]  }
0x19c: {  	v10 =	vld [tilespmem:s7+$0x0]  }
0x19d: {  	s21 =	sand.u32 $0x40, s8;
	v11 =	vld [tilespmem:s7+$0xFFFFFFF1]  }
0x19e: {  	s15 =	simm.s32 $0x20;
	s14 =	sadd.s32 s21, s10;
	v12 =	vld [tilespmem:s7+$0xFFFFFFF2]  }
0x19f: {  	s15 =	sand.u32 $0x60, s15;
	v5 =	vld [tilespmem:s14+$0x0]  }
0x1a0: {  	s15 =	sadd.s32 s15, s10;
	v13 =	vld [tilespmem:s7+$0x1]  }
0x1a1: {  	v3 =	vld [tilespmem:s15+$0x0]  }
0x1a2: {  	v8 =	vmax.f32 v9, v8;
	v9 =	vld [tilespmem:s7+$0x2]  }
0x1a3: {  	v6 =	vmax.f32 v6, v11;
	v7 =	vmax.f32 v8, v7;
	v8 =	vld [tilespmem:s7+$0x10]  }
0x1a4: {  	s28 =	simm.s32 $0x30;
	vm0 =	vgt.f32 v5, $5.000000000e-01;
	v6 =	vmax.f32 v6, v12;
	vm1 =	veq.f32 v7, v5;
	v7 =	vld [tilespmem:s7+$0x11]  }
0x1a5: {  	s14 =	sand.u32 $0x70, s28;
	v10 =	vmax.f32 v10, v13;
	vm2 =	veq.f32 v6, v4;
	vm0 =	vmand vm1, vm0  }
0x1a6: {  	s10 =	sadd.s32 s14, s10;
	v11 =	vld [tilespmem:s7+$0x12];
	vm1 =	vgt.f32 v4, $5.000000000e-01;
	v61 =	vsel vm0, $0x1, v1;
	v63 =	vmpcnt.ones.xlane vm0  }
0x1a7: {  	v6 =	vld [tilespmem:s10+$0x0];
	vm1 =	vmand vm2, vm1;
	vm2 =	vgt.f32 v3, $5.000000000e-01;
	v9 =	vmax.f32 v10, v9  }
0x1a8: {  	(xrf0) =	vadd.scan.msk.s32 $0xffff, v61;
	v10 =	vsel vm1, $0x1, v1;
	vm3 =	veq.f32 v9, v3;
	(v2sf) =	vpush v63, $0x0  }
0x1a9: {  	v7 =	vmax.f32 v8, v7;
	v8 =	vmpcnt.ones.xlane vm1;
	vm2 =	vmand vm3, vm2  }
0x1aa: {  	v14 =	vmov s30;
	(xrf0) =	vadd.scan.msk.s32 $0xffff, v10;
	v10 =	vmpcnt.ones.xlane vm2  }
0x1ab: {  	v62 =	vadd.s32 $0xFFFFFFFF, v14;
	v7 =	vmax.f32 v7, v11;
	(v2sf) =	vpush v8, $0x0  }
0x1ac: {  	vm4 =	vgt.f32 v6, $5.000000000e-01;
	vm3 =	veq.f32 v7, v6;
	(v2sf) =	vpush v10, $0x0  }
0x1ad: {  	v7 =	vbroadcast v62, $0x0;
	vm3 =	vmand vm3, vm4  }
0x1ae: {  	v9, _, _ =	vpop (xrf0);
	v11 =	vmpcnt.ones.xlane vm3  }
0x1af: {  	v7 =	vadd.s32 v9, v7  }
0x1b0: {  	vm4 =	vgt.s32 v7, $0x0;
	(v2sf) =	vpush v11, $0x0  }
0x1b1: {  	s10 =	simm.s32 $0x40;
	v10 =	vsel vm3, $0x1, v1;
	v9 =	vsel vm2, $0x1, v1;
	v8, _, _ =	vpop (xrf0);
	v7 =	vnsel vm4, $0x0, v7  }
.LBB2_4:
0x1b2: {  	_ =	sdelay $0x2  }
0x1b3: {  	p2 =	sne.s32 s10, $0x1C0  }
0x1b4: {  	s7 =	sadd.s32 $0x40, s7;
	s15 =	smov.u32 s10;
	s10 =	sadd.s32 $0x40, s10  }
0x1b5: {  	s14 =	spop (v2sf)  }
0x1b6: {  	s14 =	sadd.s32 s30, s14;
	(xrf0) =	vadd.scan.msk.s32 $0xffff, v9  }
0x1b7: {  	v9 =	vmov s14  }
0x1b8: {  	v9 =	vadd.s32 $0xFFFFFFFF, v9;
	(xrf0) =	vadd.scan.msk.s32 $0xffff, v10;
	s30 =	spop (v2sf)  }
0x1b9: {  	s8 =	sadd.s32 s8, s31;
	v9 =	vbroadcast v9, $0x0;
	s14 =	sadd.s32 s14, s30;
	s30 =	spop (v2sf)  }
0x1ba: {  	s18 =	sand.u32 $0x40, s15;
	s28 =	sadd.s32 $0x20, s15;
	v10 =	vmov s14;
	s30 =	sadd.s32 s14, s30  }
0x1bb: {  	s20 =	sadd.s32 $0x10, s15;
	s21 =	sadd.s32 $0x30, s15;
	s14 =	sand.u32 $0x180, s15;
	v8 =	vadd.s32 v8, v9;
	v9 =	vadd.s32 $0xFFFFFFFF, v10;
	v10 =	vmov s30  }
0x1bc: {  	s6 =	sadd.s32 s14, s26;
	s14 =	sand.u32 $0x50, s20;
	s20 =	sand.u32 $0x70, s21;
	vm4 =	vgt.s32 v8, $0x0;
	v9 =	vbroadcast v9, $0x0;
	v10 =	vadd.s32 $0xFFFFFFFF, v10;
	v11, _, _ =	vpop (xrf0)  }
0x1bd: {  	s18 =	sadd.s32 s18, s6;
	s21 =	sadd.s32 s14, s6;
	v8 =	vnsel vm4, $0x0, v8;
	v10 =	vbroadcast v10, $0x0;
	s9 =	spop (v2sf)  }
0x1be: {  	v12 =	vor.u32 s8, v2;
	s28 =	sand.u32 $0x60, s28;
	s14 =	sadd.s32 s20, s6;
	v9 =	vadd.s32 v11, v9;
	s30 =	sadd.s32 s30, s9;
	v11, _, _ =	vpop (xrf0)  }
0x1bf: {  	s6 =	sadd.s32 s28, s6;
	s20 =	sadd.s32 $0x20, s8;
	s9 =	sadd.s32 $0x10, s8;
	v13 =	vmov s30;
	vm4 =	vgt.s32 v9, $0x0;
	v10 =	vadd.s32 v11, v10  }
0x1c0: {  	s28 =	sadd.s32 $0x30, s8;
	s8 =	smov.u32 s15;
	v11 =	vadd.s32 $0xFFFFFFFF, v13;
	[tilespmem:v7+s22+$0x0] =	vst.idx.msk vm0, v12;
	v9 =	vnsel vm4, $0x0, v9;
	vm4 =	vgt.s32 v10, $0x0  }
0x1c1: {  	[tilespmem:v7+s23+$0x0] =	vst.idx.msk vm0, v5;
	v5 =	vor.u32 s9, v2;
	v7 =	vnsel vm4, $0x0, v10  }
0x1c2: {  	[tilespmem:v8+s22+$0x0] =	vst.idx.msk vm1, v5  }
0x1c3: {  	[tilespmem:v8+s23+$0x0] =	vst.idx.msk vm1, v4;
	v4 =	vor.u32 s20, v2;
	_ =	sdelay $0x1  }
0x1c4: {  	[tilespmem:v9+s22+$0x0] =	vst.idx.msk vm2, v4;
	v4 =	vor.u32 s28, v2  }
0x1c5: {  	[tilespmem:v9+s23+$0x0] =	vst.idx.msk vm2, v3  }
0x1c6: {  	[tilespmem:v7+s22+$0x0] =	vst.idx.msk vm3, v4  }
0x1c7: {  	[tilespmem:v7+s23+$0x0] =	vst.idx.msk vm3, v6  }
0x1c8: {  	v6 =	vld [tilespmem:s7+$0xFFFFFFF0]  }
0x1c9: {  	v7 =	vld [tilespmem:s7+$0xFFFFFFE2]  }
0x1ca: {  	v8 =	vld [tilespmem:s7+$0xFFFFFFE1]  }
0x1cb: {  	v4 =	vld [tilespmem:s21+$0x0]  }
0x1cc: {  	v3 =	vld [tilespmem:s6+$0x0]  }
0x1cd: {  	v9 =	vld [tilespmem:s7+$0x0]  }
0x1ce: {  	v10 =	vld [tilespmem:s7+$0xFFFFFFE0]  }
0x1cf: {  	v5 =	vld [tilespmem:s18+$0x0]  }
0x1d0: {  	v12 =	vld [tilespmem:s7+$0x1]  }
0x1d1: {  	v13 =	vld [tilespmem:s7+$0xFFFFFFF1]  }
0x1d2: {  	v14 =	vld [tilespmem:s7+$0xFFFFFFF2]  }
0x1d3: {  	v8 =	vmax.f32 v10, v8;
	v10 =	vld [tilespmem:s7+$0x2]  }
0x1d4: {  	v7 =	vmax.f32 v8, v7;
	vm0 =	vgt.f32 v5, $5.000000000e-01  }
0x1d5: {  	vm2 =	vgt.f32 v4, $5.000000000e-01;
	vm1 =	veq.f32 v7, v5;
	v7 =	vld [tilespmem:s7+$0x11]  }
0x1d6: {  	v8 =	vmax.f32 v9, v12;
	vm0 =	vmand vm1, vm0;
	v6 =	vmax.f32 v6, v13;
	v12 =	vld [tilespmem:s7+$0x10]  }
0x1d7: {  	vm3 =	vgt.f32 v3, $5.000000000e-01;
	v9 =	vmpcnt.ones.xlane vm0;
	v6 =	vmax.f32 v6, v14;
	v13 =	vld [tilespmem:s7+$0x12]  }
0x1d8: {  	v14 =	vsel vm0, $0x1, v1;
	vm1 =	veq.f32 v6, v4;
	v8 =	vmax.f32 v8, v10;
	v6 =	vld [tilespmem:s14+$0x0]  }
0x1d9: {  	vm1 =	vmand vm1, vm2;
	vm2 =	veq.f32 v8, v3;
	(xrf0) =	vadd.scan.msk.s32 $0xffff, v14;
	(v2sf) =	vpush v9, $0x0  }
0x1da: {  	v8 =	vsel vm1, $0x1, v1;
	v10 =	vmpcnt.ones.xlane vm1;
	vm2 =	vmand vm2, vm3  }
0x1db: {  	v9 =	vsel vm2, $0x1, v1;
	v14 =	vmpcnt.ones.xlane vm2;
	v7 =	vmax.f32 v12, v7;
	(xrf0) =	vadd.scan.msk.s32 $0xffff, v8  }
0x1dc: {  	v7 =	vmax.f32 v7, v13;
	(v2sf) =	vpush v10, $0x0  }
0x1dd: {  	vm3 =	veq.f32 v7, v6;
	vm4 =	vgt.f32 v6, $5.000000000e-01;
	(v2sf) =	vpush v14, $0x0  }
.Ltmp6:
0x1de: {  	v7 =	vbroadcast v11, $0x0;
	vm3 =	vmand vm3, vm4;
	(pc) =	sbr.rel @p2 .LBB2_4-.Ltmp6, $4  }
0x1df: {  	v10 =	vsel vm3, $0x1, v1;
	v11 =	vmpcnt.ones.xlane vm3;
	v8, _, _ =	vpop (xrf0)  }
0x1e0: {  	v7 =	vadd.s32 v8, v7  }
0x1e1: {  	vm4 =	vgt.s32 v7, $0x0;
	v8, _, _ =	vpop (xrf0);
	(v2sf) =	vpush v11, $0x0  }
0x1e2: {  	v7 =	vnsel vm4, $0x0, v7  }
0x1e3: {  	_ =	sdelay $0x5  }
0x1e4: {  	s6 =	spop (v2sf)  }
0x1e5: {  	(xrf0) =	vadd.scan.msk.s32 $0xffff, v9;
	s6 =	sadd.s32 s30, s6  }
0x1e6: {  	v56 =	vmov s6;
	s7 =	spop (v2sf)  }
0x1e7: {  	(xrf0) =	vadd.scan.msk.s32 $0xffff, v10;
	v9 =	vadd.s32 $0xFFFFFFFF, v56;
	s6 =	sadd.s32 s6, s7  }
0x1e8: {  	v9 =	vbroadcast v9, $0x0;
	s20 =	spop (v2sf);
	v57 =	vmov s6  }
0x1e9: {  	s6 =	sadd.s32 s6, s20;
	v10 =	vadd.s32 $0xFFFFFFFF, v57  }
0x1ea: {  	v8 =	vadd.s32 v8, v9;
	v58 =	vmov s6;
	v10 =	vbroadcast v10, $0x0  }
0x1eb: {  	v11, _, _ =	vpop (xrf0);
	vm4 =	vgt.s32 v8, $0x0;
	v9 =	vadd.s32 $0xFFFFFFFF, v58  }
0x1ec: {  	v8 =	vnsel vm4, $0x0, v8;
	v9 =	vbroadcast v9, $0x0;
	v10 =	vadd.s32 v11, v10  }
0x1ed: {  	s21 =	sadd.s32 s8, s31;
	v59, _, _ =	vpop (xrf0);
	vm14 =	vgt.s32 v10, $0x0  }
0x1ee: {  	v12 =	vor.u32 s21, v2;
	v9 =	vadd.s32 v59, v9;
	v10 =	vnsel vm14, $0x0, v10  }
0x1ef: {  	s8 =	sadd.s32 $0x10, s21;
	[tilespmem:v7+s22+$0x0] =	vst.idx.msk vm0, v12;
	s28 =	spop (v2sf);
	vm15 =	vgt.s32 v9, $0x0  }
0x1f0: {  	v60 =	vor.u32 s8, v2;
	[tilespmem:v7+s23+$0x0] =	vst.idx.msk vm0, v5;
	s30 =	sadd.s32 s6, s28;
	v61 =	vnsel vm15, $0x0, v9  }
0x1f1: {  	s26 =	sadd.s32 $0x20, s21;
	p2 =	slt.s32 s30, $0x800;
	[tilespmem:v8+s22+$0x0] =	vst.idx.msk vm1, v60  }
.Ltmp7:
0x1f2: {  	v62 =	vor.u32 s26, v2;
	[tilespmem:v8+s23+$0x0] =	vst.idx.msk vm1, v4;
	(pc) =	sbr.rel @p2 .LBB2_9-.Ltmp7, $4  }
0x1f3: {  	s7 =	sadd.s32 $0x30, s21;
	[tilespmem:v10+s22+$0x0] =	vst.idx.msk vm2, v62  }
0x1f4: {  	v63 =	vor.u32 s7, v2;
	[tilespmem:v10+s23+$0x0] =	vst.idx.msk vm2, v3  }
0x1f5: {  	[tilespmem:v61+s22+$0x0] =	vst.idx.msk vm3, v63  }
0x1f6: {  	[tilespmem:v61+s23+$0x0] =	vst.idx.msk vm3, v6  }
0x1f7: {  	s6 =	sadd.s32 s12, s29  }
0x1f8: {  	s6 =	sshrl.u32 s6, $0x3  }
0x1f9: {  	s8 =	simm.s32 $0x0;
	s7 =	sadd.s32 s4, s6  }
0x1fa: {  	[hbm4b:s7+s8] =	stream.linear.scatter [tilespmem:s22], [sflag:$0x3], $0x800, $0x38;
	[tilespmem:$0x6000] =	vst v63  }
0x1fb: {  	_ =	swait.ge [sflag:s24], $0x800  }
0x1fc: {  	[sflag:s24] =	ssyncset.done $0x0  }
0x1fd: {  	s6 =	sadd.s32 s5, s6;
	[sflag:s24] =	ssyncadd.s32 $0xFFFFF800  }
0x1fe: {  	[hbm4b:s6+s8] =	stream.linear.scatter [tilespmem:s23], [sflag:$0x3], $0x800, $0x38;
	[tilespmem:$0x6000] =	vst v63  }
0x1ff: {  	_ =	swait.ge [sflag:s24], $0x800  }
0x200: {  	[sflag:s24] =	ssyncset.done $0x0  }
0x201: {  	s7 =	simm.s32 $0x0;
	[sflag:s24] =	ssyncadd.s32 $0xFFFFF800  }
0x202: {  	v3 =	vld [tilespmem:s7+$0x5D00]  }
0x203: {  	s8 =	simm.s32 $0x40;
	v4 =	vld [tilespmem:s7+$0x5280]  }
.LBB2_7:
0x204: {  	p2 =	sne.s32 s8, $0x800  }
.Ltmp8:
0x205: {  	_ = 	snop;
	(pc) =	sbr.rel @p2 .LBB2_7-.Ltmp8, $4  }
0x206: {  	_ = 	snop  }
0x207: {  	s6 =	sshra.s32 s8, $0x2;
	s8 =	sadd.s32 $0x40, s8;
	[tilespmem:s7+$0x5500] =	vst v3  }
0x208: {  	v3 =	vld [tilespmem:s6+$0x5D00];
	[tilespmem:s7+$0x4A80] =	vst v4;
	s7 =	smov.u32 s6  }
0x209: {  	v4 =	vld [tilespmem:s7+$0x5280]  }
.Ltmp9:
0x20a: {  	_ = 	snop;
	(pc) =	sbr.rel .LBB2_8-.Ltmp9, $1  }
0x20b: {  	_ =	sdelay $0x3  }
.LBB2_10:
0x20c: {  	_ =	swait.ge [sflag:s25], $0x2000  }
.Ltmp10:
0x20d: {  	[sflag:s25] =	ssyncset.done $0x0;
	(pc) =	sbr.rel @p1 .LBB2_11-.Ltmp10, $4  }
0x20e: {  	[sflag:s25] =	ssyncadd.s32 $0xFFFFE000  }
0x20f: {  	_ =	swait.ge [sflag:s25], $0x200  }
0x210: {  	[sflag:s25] =	ssyncset.done $0x0  }
0x211: {  	[sflag:s25] =	ssyncadd.s32 $0xFFFFFE00  }
.Ltmp11:
0x212: {  	(pc) =	sbr.rel .LBB2_14-.Ltmp11, $4  }
0x213: {  	_ = 	snop  }
0x214: {  	_ =	swait.ge [sflag:s25], $0x200  }
0x215: {  	[sflag:s25] =	ssyncset.done $0x0  }
0x216: {  	[sflag:s25] =	ssyncadd.s32 $0xFFFFFE00  }
.LBB2_11:
0x217: {  	s8 =	simm.s32 $0x0  }
0x218: {  	s7 =	simm.s32 $0x10;
	s8 =	sand.u32 $0x1F0, s8  }
.LBB2_12:
0x219: {  	p1 =	sne.s32 s7, $0x1F0;
	[tilespmem:s8+$0x4600] =	vst v0;
	s6 =	smov.u32 s7;
	s7 =	sadd.s32 $0x10, s7  }
.Ltmp12:
0x21a: {  	(pc) =	sbr.rel @p1 .LBB2_12-.Ltmp12, $2  }
0x21b: {  	_ =	sdelay $0x2  }
0x21c: {  	s8 =	sand.u32 $0x1F0, s6  }
0x21d: {  	[tilespmem:s8+$0x4600] =	vst v0  }
.LBB2_14:
0x21e: {  	p1 =	seq.s32 s0, $0x3;
	s6 =	rddreg [dreg:$0x7]  }
0x21f: {  	s2 =	sadd.s32 @!p1 s2, s6  }
0x220: {  	s6 =	sshll.u32 @!p1 s2, $0x6  }
0x221: {  	s6 =	sand.u32 @!p1 $0x1FFFF800, s6  }
0x222: {  	s8 =	simm.s32 @!p1 $0x0;
	s9 =	simm.s32 @!p1 $0x200;
	s7 =	sadd.s32 @!p1 s1, s6  }
0x223: {  	[tilespmem:s9], [sflag:$0x1] =	stream.linear.gather @!p1 [hbm4b:s7+s8], $0x2000, $0x38;
	[tilespmem:$0x6000] =	vst v63  }
0x224: {  	s7 =	sand.u32 @!p1 $0x1E0, s2  }
0x225: {  	p2 =	seq.s32 @!p1 s7, $0x0  }
0x226: {  	p2 =	por p2, p1  }
0x227: {  	s2 =	sshll.u32 @!p2 s2, $0x9  }
0x228: {  	s2 =	sadd.s32 @!p2 $0xFFFFFE00, s2  }
0x229: {  	s2 =	sshrl.u32 @!p2 s2, $0x3  }
.Ltmp13:
0x22a: {  	s7 =	simm.s32 @!p2 $0x0;
	s2 =	sadd.s32 @!p2 s1, s2;
	(pc) =	sbr.rel .LBB2_15-.Ltmp13, $4  }
0x22b: {  	[tilespmem:s7], [sflag:$0x1] =	stream.linear.gather @!p2 [hbm4b:s2+s7], $0x200, $0x38;
	[tilespmem:$0x6000] =	vst v63  }
0x22c: {  	s2 =	sadd.s32 @!p1 s6, s13;
	s6 =	simm.s32 @!p1 $0x2200  }
0x22d: {  	[tilespmem:s6], [sflag:$0x1] =	stream.linear.gather @!p1 [hbm4b:s2+s8], $0x200, $0x38;
	[tilespmem:$0x6000] =	vst v63  }
0x22e: {  	s17 =	smov.u32 s16;
	s2 =	simm.s32 $0x1  }
.LBB2_20:
0x22f: {  	[tilespmem:s7+$0x5500] =	vst v3  }
0x230: {  	[tilespmem:s7+$0x4A80] =	vst v4  }
.LBB2_21:
0x231: {  	s2 =	sadd.s32 $0x1, s2  }
0x232: {  	p2 =	sne.s32 s2, $0x11  }
.Ltmp14:
0x233: {  	_ = 	snop;
	(pc) =	sbr.rel @!p2 .LBB2_22-.Ltmp14, $3  }
0x234: {  	_ =	sdelay $0x1  }
0x235: {  	p1 =	sgt.s32 s30, $0x7FF;
	s6 =	sadd.s32 $0xFFFFF800, s30;
	s7 =	sadd.s32 $0x800, s29  }
0x236: {  	s17 =	sadd.s32 $0x200, s17;
	s30 =	smov.u32 @p1 s6;
	s29 =	smov.u32 @p1 s7  }
.LBB2_15:
0x237: {  	s6 =	sshll.u32 s2, $0xB  }
0x238: {  	s7 =	sshra.s32 s6, $0x2  }
0x239: {  	v3 =	vld [tilespmem:s7+$0x2200]  }
0x23a: {  	v4 =	vld [tilespmem:s7+$0x2400]  }
0x23b: {  	v5 =	vld [tilespmem:s7+$0x2600];
	_ =	sdelay $0x3  }
0x23c: {  	v3 =	vmax.f32 v3, v4  }
0x23d: {  	v3 =	vmax.f32 v3, v5  }
0x23e: {  	[tilespmem:$0x4808] =	vst v3  }
0x23f: {  	v3 =	vld [tilespmem:s7+$0x2210]  }
0x240: {  	v58 =	vld [tilespmem:s7+$0x2410]  }
0x241: {  	v59 =	vld [tilespmem:s7+$0x2610];
	_ =	sdelay $0x3  }
0x242: {  	v3 =	vmax.f32 v3, v58  }
0x243: {  	v3 =	vmax.f32 v3, v59  }
0x244: {  	[tilespmem:$0x4818] =	vst v3  }
0x245: {  	v3 =	vld [tilespmem:s7+$0x2220]  }
0x246: {  	v60 =	vld [tilespmem:s7+$0x2420]  }
0x247: {  	v61 =	vld [tilespmem:s7+$0x2620];
	_ =	sdelay $0x3  }
0x248: {  	v3 =	vmax.f32 v3, v60  }
0x249: {  	v3 =	vmax.f32 v3, v61  }
0x24a: {  	[tilespmem:$0x4828] =	vst v3  }
0x24b: {  	v3 =	vld [tilespmem:s7+$0x2230]  }
0x24c: {  	v62 =	vld [tilespmem:s7+$0x2430]  }
0x24d: {  	v63 =	vld [tilespmem:s7+$0x2630];
	_ =	sdelay $0x3  }
0x24e: {  	v3 =	vmax.f32 v3, v62  }
0x24f: {  	v3 =	vmax.f32 v3, v63  }
0x250: {  	[tilespmem:$0x4838] =	vst v3  }
0x251: {  	v3 =	vld [tilespmem:s7+$0x2240]  }
0x252: {  	v8 =	vld [tilespmem:s7+$0x2440]  }
0x253: {  	v9 =	vld [tilespmem:s7+$0x2640];
	_ =	sdelay $0x3  }
0x254: {  	v3 =	vmax.f32 v3, v8  }
0x255: {  	v3 =	vmax.f32 v3, v9  }
0x256: {  	[tilespmem:$0x4848] =	vst v3  }
0x257: {  	v3 =	vld [tilespmem:s7+$0x2250]  }
0x258: {  	v10 =	vld [tilespmem:s7+$0x2450]  }
0x259: {  	v11 =	vld [tilespmem:s7+$0x2650];
	_ =	sdelay $0x3  }
0x25a: {  	v3 =	vmax.f32 v3, v10  }
0x25b: {  	v3 =	vmax.f32 v3, v11  }
0x25c: {  	[tilespmem:$0x4858] =	vst v3  }
0x25d: {  	v3 =	vld [tilespmem:s7+$0x2260]  }
0x25e: {  	v12 =	vld [tilespmem:s7+$0x2460]  }
0x25f: {  	v13 =	vld [tilespmem:s7+$0x2660];
	_ =	sdelay $0x3  }
0x260: {  	v3 =	vmax.f32 v3, v12  }
0x261: {  	v3 =	vmax.f32 v3, v13  }
0x262: {  	[tilespmem:$0x4868] =	vst v3  }
0x263: {  	v3 =	vld [tilespmem:s7+$0x2270]  }
0x264: {  	v14 =	vld [tilespmem:s7+$0x2470]  }
0x265: {  	v15 =	vld [tilespmem:s7+$0x2670];
	_ =	sdelay $0x3  }
0x266: {  	v3 =	vmax.f32 v3, v14  }
0x267: {  	v3 =	vmax.f32 v3, v15  }
0x268: {  	[tilespmem:$0x4878] =	vst v3  }
0x269: {  	v3 =	vld [tilespmem:s7+$0x2280]  }
0x26a: {  	v16 =	vld [tilespmem:s7+$0x2480]  }
0x26b: {  	v17 =	vld [tilespmem:s7+$0x2680];
	_ =	sdelay $0x3  }
0x26c: {  	v3 =	vmax.f32 v3, v16  }
0x26d: {  	v3 =	vmax.f32 v3, v17  }
0x26e: {  	[tilespmem:$0x4888] =	vst v3  }
0x26f: {  	v3 =	vld [tilespmem:s7+$0x2290]  }
0x270: {  	v18 =	vld [tilespmem:s7+$0x2490]  }
0x271: {  	v19 =	vld [tilespmem:s7+$0x2690];
	_ =	sdelay $0x3  }
0x272: {  	v3 =	vmax.f32 v3, v18  }
0x273: {  	v3 =	vmax.f32 v3, v19  }
0x274: {  	[tilespmem:$0x4898] =	vst v3  }
0x275: {  	v3 =	vld [tilespmem:s7+$0x22A0]  }
0x276: {  	v20 =	vld [tilespmem:s7+$0x24A0]  }
0x277: {  	v21 =	vld [tilespmem:s7+$0x26A0];
	_ =	sdelay $0x3  }
0x278: {  	v3 =	vmax.f32 v3, v20  }
0x279: {  	v3 =	vmax.f32 v3, v21  }
0x27a: {  	[tilespmem:$0x48A8] =	vst v3  }
0x27b: {  	v3 =	vld [tilespmem:s7+$0x22B0]  }
0x27c: {  	v22 =	vld [tilespmem:s7+$0x24B0]  }
0x27d: {  	v23 =	vld [tilespmem:s7+$0x26B0];
	_ =	sdelay $0x3  }
0x27e: {  	v3 =	vmax.f32 v3, v22  }
0x27f: {  	v3 =	vmax.f32 v3, v23  }
0x280: {  	[tilespmem:$0x48B8] =	vst v3  }
0x281: {  	v3 =	vld [tilespmem:s7+$0x22C0]  }
0x282: {  	v24 =	vld [tilespmem:s7+$0x24C0]  }
0x283: {  	v25 =	vld [tilespmem:s7+$0x26C0];
	_ =	sdelay $0x3  }
0x284: {  	v3 =	vmax.f32 v3, v24  }
0x285: {  	v3 =	vmax.f32 v3, v25  }
0x286: {  	[tilespmem:$0x48C8] =	vst v3  }
0x287: {  	v3 =	vld [tilespmem:s7+$0x22D0]  }
0x288: {  	v26 =	vld [tilespmem:s7+$0x24D0]  }
0x289: {  	v27 =	vld [tilespmem:s7+$0x26D0];
	_ =	sdelay $0x3  }
0x28a: {  	v3 =	vmax.f32 v3, v26  }
0x28b: {  	v3 =	vmax.f32 v3, v27  }
0x28c: {  	[tilespmem:$0x48D8] =	vst v3  }
0x28d: {  	v3 =	vld [tilespmem:s7+$0x22E0]  }
0x28e: {  	v28 =	vld [tilespmem:s7+$0x24E0]  }
0x28f: {  	v29 =	vld [tilespmem:s7+$0x26E0];
	_ =	sdelay $0x3  }
0x290: {  	v3 =	vmax.f32 v3, v28  }
0x291: {  	v3 =	vmax.f32 v3, v29  }
0x292: {  	[tilespmem:$0x48E8] =	vst v3  }
0x293: {  	v3 =	vld [tilespmem:s7+$0x22F0]  }
0x294: {  	v30 =	vld [tilespmem:s7+$0x24F0]  }
0x295: {  	v31 =	vld [tilespmem:s7+$0x26F0];
	_ =	sdelay $0x3  }
0x296: {  	v3 =	vmax.f32 v3, v30  }
0x297: {  	v3 =	vmax.f32 v3, v31  }
0x298: {  	[tilespmem:$0x48F8] =	vst v3  }
0x299: {  	v3 =	vld [tilespmem:s7+$0x2300]  }
0x29a: {  	v32 =	vld [tilespmem:s7+$0x2500]  }
0x29b: {  	v33 =	vld [tilespmem:s7+$0x2700];
	_ =	sdelay $0x3  }
0x29c: {  	v3 =	vmax.f32 v3, v32  }
0x29d: {  	v3 =	vmax.f32 v3, v33  }
0x29e: {  	[tilespmem:$0x4908] =	vst v3  }
0x29f: {  	v3 =	vld [tilespmem:s7+$0x2310]  }
0x2a0: {  	v34 =	vld [tilespmem:s7+$0x2510]  }
0x2a1: {  	v35 =	vld [tilespmem:s7+$0x2710];
	_ =	sdelay $0x3  }
0x2a2: {  	v3 =	vmax.f32 v3, v34  }
0x2a3: {  	v3 =	vmax.f32 v3, v35  }
0x2a4: {  	[tilespmem:$0x4918] =	vst v3  }
0x2a5: {  	v3 =	vld [tilespmem:s7+$0x2320]  }
0x2a6: {  	v36 =	vld [tilespmem:s7+$0x2520]  }
0x2a7: {  	v37 =	vld [tilespmem:s7+$0x2720];
	_ =	sdelay $0x3  }
0x2a8: {  	v3 =	vmax.f32 v3, v36  }
0x2a9: {  	v3 =	vmax.f32 v3, v37  }
0x2aa: {  	[tilespmem:$0x4928] =	vst v3  }
0x2ab: {  	v3 =	vld [tilespmem:s7+$0x2330]  }
0x2ac: {  	v38 =	vld [tilespmem:s7+$0x2530]  }
0x2ad: {  	v39 =	vld [tilespmem:s7+$0x2730];
	_ =	sdelay $0x3  }
0x2ae: {  	v3 =	vmax.f32 v3, v38  }
0x2af: {  	v3 =	vmax.f32 v3, v39  }
0x2b0: {  	[tilespmem:$0x4938] =	vst v3  }
0x2b1: {  	v3 =	vld [tilespmem:s7+$0x2340]  }
0x2b2: {  	v40 =	vld [tilespmem:s7+$0x2540]  }
0x2b3: {  	v41 =	vld [tilespmem:s7+$0x2740];
	_ =	sdelay $0x3  }
0x2b4: {  	v3 =	vmax.f32 v3, v40  }
0x2b5: {  	v3 =	vmax.f32 v3, v41  }
0x2b6: {  	[tilespmem:$0x4948] =	vst v3  }
0x2b7: {  	v3 =	vld [tilespmem:s7+$0x2350]  }
0x2b8: {  	v42 =	vld [tilespmem:s7+$0x2550]  }
0x2b9: {  	v43 =	vld [tilespmem:s7+$0x2750];
	_ =	sdelay $0x3  }
0x2ba: {  	v3 =	vmax.f32 v3, v42  }
0x2bb: {  	v3 =	vmax.f32 v3, v43  }
0x2bc: {  	[tilespmem:$0x4958] =	vst v3  }
0x2bd: {  	v3 =	vld [tilespmem:s7+$0x2360]  }
0x2be: {  	v44 =	vld [tilespmem:s7+$0x2560]  }
0x2bf: {  	v45 =	vld [tilespmem:s7+$0x2760];
	_ =	sdelay $0x3  }
0x2c0: {  	v3 =	vmax.f32 v3, v44  }
0x2c1: {  	v3 =	vmax.f32 v3, v45  }
0x2c2: {  	[tilespmem:$0x4968] =	vst v3  }
0x2c3: {  	v3 =	vld [tilespmem:s7+$0x2370]  }
0x2c4: {  	v46 =	vld [tilespmem:s7+$0x2570]  }
0x2c5: {  	v47 =	vld [tilespmem:s7+$0x2770];
	_ =	sdelay $0x3  }
0x2c6: {  	v3 =	vmax.f32 v3, v46  }
0x2c7: {  	v3 =	vmax.f32 v3, v47  }
0x2c8: {  	[tilespmem:$0x4978] =	vst v3  }
0x2c9: {  	v3 =	vld [tilespmem:s7+$0x2380]  }
0x2ca: {  	v48 =	vld [tilespmem:s7+$0x2580]  }
0x2cb: {  	v49 =	vld [tilespmem:s7+$0x2780];
	_ =	sdelay $0x3  }
0x2cc: {  	v3 =	vmax.f32 v3, v48  }
0x2cd: {  	v3 =	vmax.f32 v3, v49  }
0x2ce: {  	[tilespmem:$0x4988] =	vst v3  }
0x2cf: {  	v3 =	vld [tilespmem:s7+$0x2390]  }
0x2d0: {  	v50 =	vld [tilespmem:s7+$0x2590]  }
0x2d1: {  	v51 =	vld [tilespmem:s7+$0x2790];
	_ =	sdelay $0x3  }
0x2d2: {  	v3 =	vmax.f32 v3, v50  }
0x2d3: {  	v3 =	vmax.f32 v3, v51  }
0x2d4: {  	[tilespmem:$0x4998] =	vst v3  }
0x2d5: {  	v3 =	vld [tilespmem:s7+$0x23A0]  }
0x2d6: {  	v52 =	vld [tilespmem:s7+$0x25A0]  }
0x2d7: {  	v53 =	vld [tilespmem:s7+$0x27A0];
	_ =	sdelay $0x3  }
0x2d8: {  	v3 =	vmax.f32 v3, v52  }
0x2d9: {  	v3 =	vmax.f32 v3, v53  }
0x2da: {  	[tilespmem:$0x49A8] =	vst v3  }
0x2db: {  	v3 =	vld [tilespmem:s7+$0x23B0]  }
0x2dc: {  	v54 =	vld [tilespmem:s7+$0x25B0]  }
0x2dd: {  	v55 =	vld [tilespmem:s7+$0x27B0];
	_ =	sdelay $0x3  }
0x2de: {  	v3 =	vmax.f32 v3, v54  }
0x2df: {  	v3 =	vmax.f32 v3, v55  }
0x2e0: {  	[tilespmem:$0x49B8] =	vst v3  }
0x2e1: {  	v3 =	vld [tilespmem:s7+$0x23C0]  }
0x2e2: {  	v56 =	vld [tilespmem:s7+$0x25C0]  }
0x2e3: {  	v57 =	vld [tilespmem:s7+$0x27C0];
	_ =	sdelay $0x3  }
0x2e4: {  	v3 =	vmax.f32 v3, v56  }
0x2e5: {  	v3 =	vmax.f32 v3, v57  }
0x2e6: {  	[tilespmem:$0x49C8] =	vst v3  }
0x2e7: {  	v3 =	vld [tilespmem:s7+$0x23D0]  }
0x2e8: {  	v58 =	vld [tilespmem:s7+$0x25D0]  }
0x2e9: {  	v59 =	vld [tilespmem:s7+$0x27D0];
	_ =	sdelay $0x3  }
0x2ea: {  	v3 =	vmax.f32 v3, v58  }
0x2eb: {  	v3 =	vmax.f32 v3, v59  }
0x2ec: {  	[tilespmem:$0x49D8] =	vst v3  }
0x2ed: {  	v3 =	vld [tilespmem:s7+$0x23E0]  }
0x2ee: {  	v60 =	vld [tilespmem:s7+$0x25E0]  }
0x2ef: {  	v61 =	vld [tilespmem:s7+$0x27E0];
	_ =	sdelay $0x3  }
0x2f0: {  	v3 =	vmax.f32 v3, v60  }
0x2f1: {  	v3 =	vmax.f32 v3, v61  }
0x2f2: {  	[tilespmem:$0x49E8] =	vst v3  }
0x2f3: {  	v3 =	vld [tilespmem:s7+$0x23F0]  }
0x2f4: {  	v62 =	vld [tilespmem:s7+$0x25F0]  }
0x2f5: {  	v63 =	vld [tilespmem:s7+$0x27F0];
	_ =	sdelay $0x3  }
0x2f6: {  	v3 =	vmax.f32 v3, v62  }
0x2f7: {  	v3 =	vmax.f32 v3, v63  }
0x2f8: {  	s8 =	simm.s32 $0x0;
	s10 =	simm.s32 $0x4827;
	s7 =	sadd.s32 $0x2400, s7;
	[tilespmem:$0x49F8] =	vst v3  }
.LBB2_16:
0x2f9: {  	v3 =	vld [tilespmem:s10+$0xFFFFFFE0]  }
0x2fa: {  	v4 =	vld [tilespmem:s10+$0xFFFFFFE1]  }
0x2fb: {  	v5 =	vld [tilespmem:s10+$0xFFFFFFE2]  }
0x2fc: {  	s6 =	sand.u32 $0x180, s8;
	v7 =	vld [tilespmem:s10+$0xFFFFFFF0]  }
0x2fd: {  	s9 =	sand.u32 $0x40, s8;
	v8 =	vld [tilespmem:s10+$0xFFFFFFF1];
	s6 =	sadd.s32 s6, s7  }
0x2fe: {  	s28 =	sadd.s32 $0x10, s8;
	v9 =	vld [tilespmem:s10+$0xFFFFFFF2];
	s9 =	sadd.s32 s9, s6  }
0x2ff: {  	v6 =	vld [tilespmem:s9+$0x0];
	s9 =	sand.u32 $0x50, s28  }
0x300: {  	v11 =	vld [tilespmem:s10+$0x0];
	s9 =	sadd.s32 s9, s6  }
0x301: {  	s31 =	sadd.s32 $0x20, s8;
	v10 =	vld [tilespmem:s9+$0x0]  }
0x302: {  	v12 =	vld [tilespmem:s10+$0x1];
	s9 =	sand.u32 $0x60, s31  }
0x303: {  	v41 =	vld [tilespmem:s10+$0x2];
	v3 =	vmax.f32 v3, v4;
	s9 =	sadd.s32 s9, s6  }
0x304: {  	v42 =	vmax.f32 v7, v8;
	v3 =	vmax.f32 v3, v5;
	v43 =	vld [tilespmem:s9+$0x0]  }
0x305: {  	vm0 =	veq.f32 v3, v6;
	vm1 =	vgt.f32 v6, $5.000000000e-01;
	v3 =	vmax.f32 v42, v9  }
0x306: {  	vm1 =	vmand vm0, vm1;
	vm9 =	veq.f32 v3, v10;
	vm2 =	vgt.f32 v10, $5.000000000e-01  }
0x307: {  	v44 =	vmax.f32 v11, v12;
	v3 =	vmpcnt.ones.xlane vm1;
	vm0 =	vmand vm9, vm2  }
0x308: {  	v4 =	vmax.f32 v44, v41;
	v45 =	vmpcnt.ones.xlane vm0  }
0x309: {  	vm10 =	veq.f32 v4, v43;
	vm3 =	vgt.f32 v43, $5.000000000e-01;
	(v2sf) =	vpush v3, $0x0  }
0x30a: {  	vm2 =	vmand vm10, vm3  }
0x30b: {  	v3 =	vmpcnt.ones.xlane vm2;
	(v2sf) =	vpush v45, $0x0;
	_ =	sdelay $0x1  }
0x30c: {  	(v2sf) =	vpush v3, $0x0  }
0x30d: {  	s14 =	sadd.s32 $0x30, s8;
	v46 =	vld [tilespmem:s10+$0x11]  }
0x30e: {  	s9 =	sand.u32 $0x70, s14;
	v3 =	vld [tilespmem:s10+$0x10]  }
0x30f: {  	v47 =	vld [tilespmem:s10+$0x12];
	s6 =	sadd.s32 s9, s6  }
0x310: {  	v48 =	vld [tilespmem:s6+$0x0];
	_ =	sdelay $0x1  }
0x311: {  	v49 =	vsel vm1, $0x1, v1  }
0x312: {  	(xrf0) =	vadd.scan.msk.s32 $0xffff, v49;
	v3 =	vmax.f32 v3, v46  }
0x313: {  	v3 =	vmax.f32 v3, v47  }
0x314: {  	v50 =	vsel vm0, $0x1, v1;
	vm4 =	vgt.f32 v48, $5.000000000e-01;
	vm11 =	veq.f32 v3, v48  }
0x315: {  	(xrf0) =	vadd.scan.msk.s32 $0xffff, v50;
	v3 =	vmov s30;
	vm3 =	vmand vm11, vm4  }
0x316: {  	v51 =	vsel vm2, $0x1, v1;
	v3 =	vadd.s32 $0xFFFFFFFF, v3;
	v52 =	vmpcnt.ones.xlane vm3;
	s15 =	spop (v2sf)  }
0x317: {  	(xrf0) =	vadd.scan.msk.s32 $0xffff, v51;
	v3 =	vbroadcast v3, $0x0;
	s6 =	sadd.s32 s30, s15  }
0x318: {  	v53, _, _ =	vpop (xrf0);
	v54 =	vsel vm3, $0x1, v1;
	(v2sf) =	vpush v52, $0x0;
	v55 =	vmov s6;
	s18 =	spop (v2sf)  }
0x319: {  	(xrf0) =	vadd.scan.msk.s32 $0xffff, v54;
	v3 =	vadd.s32 v53, v3;
	v56 =	vadd.s32 $0xFFFFFFFF, v55;
	s6 =	sadd.s32 s6, s18  }
0x31a: {  	vm12 =	vgt.s32 v3, $0x0;
	s20 =	spop (v2sf);
	v4 =	vbroadcast v56, $0x0;
	v57 =	vmov s6  }
0x31b: {  	v58, _, _ =	vpop (xrf0);
	v3 =	vnsel vm12, $0x0, v3;
	v5 =	vadd.s32 $0xFFFFFFFF, v57;
	s6 =	sadd.s32 s6, s20  }
0x31c: {  	v4 =	vadd.s32 v58, v4;
	v5 =	vbroadcast v5, $0x0;
	v59 =	vmov s6  }
0x31d: {  	v60, _, _ =	vpop (xrf0);
	vm13 =	vgt.s32 v4, $0x0;
	v9 =	vadd.s32 $0xFFFFFFFF, v59  }
0x31e: {  	s21 =	sadd.s32 s8, s17;
	v4 =	vnsel vm13, $0x0, v4;
	v5 =	vadd.s32 v60, v5;
	v9 =	vbroadcast v9, $0x0  }
0x31f: {  	s14 =	sadd.s32 $0x2000, s21;
	v61, _, _ =	vpop (xrf0);
	vm14 =	vgt.s32 v5, $0x0  }
0x320: {  	v62 =	vor.u32 s14, v2;
	v5 =	vnsel vm14, $0x0, v5;
	v9 =	vadd.s32 v61, v9  }
0x321: {  	s26 =	sadd.s32 $0x2010, s21;
	[tilespmem:v3+s22+$0x0] =	vst.idx.msk vm1, v62;
	vm15 =	vgt.s32 v9, $0x0  }
0x322: {  	[tilespmem:v3+s23+$0x0] =	vst.idx.msk vm1, v6;
	v3 =	vor.u32 s26, v2;
	v63 =	vnsel vm15, $0x0, v9  }
0x323: {  	p1 =	sne.s32 s8, $0x1C0;
	s28 =	sadd.s32 $0x2020, s21;
	[tilespmem:v4+s22+$0x0] =	vst.idx.msk vm0, v3  }
.Ltmp15:
0x324: {  	v3 =	vor.u32 s28, v2;
	[tilespmem:v4+s23+$0x0] =	vst.idx.msk vm0, v10;
	(pc) =	sbr.rel @p1 .LBB2_16-.Ltmp15, $4  }
0x325: {  	s9 =	sadd.s32 $0x2030, s21;
	[tilespmem:v5+s22+$0x0] =	vst.idx.msk vm2, v3  }
0x326: {  	v3 =	vor.u32 s9, v2;
	[tilespmem:v5+s23+$0x0] =	vst.idx.msk vm2, v43  }
0x327: {  	s31 =	spop (v2sf);
	[tilespmem:v63+s22+$0x0] =	vst.idx.msk vm3, v3  }
0x328: {  	s8 =	sadd.s32 $0x40, s8;
	s10 =	sadd.s32 $0x40, s10;
	s30 =	sadd.s32 s6, s31;
	[tilespmem:v63+s23+$0x0] =	vst.idx.msk vm3, v48  }
0x329: {  	p1 =	slt.s32 s30, $0x800  }
.Ltmp16:
0x32a: {  	_ = 	snop;
	(pc) =	sbr.rel @p1 .LBB2_21-.Ltmp16, $1  }
0x32b: {  	_ =	sdelay $0x3  }
0x32c: {  	s6 =	sadd.s32 s12, s29  }
0x32d: {  	s6 =	sshrl.u32 s6, $0x3  }
0x32e: {  	s8 =	simm.s32 $0x0;
	s7 =	sadd.s32 s4, s6  }
0x32f: {  	[hbm4b:s7+s8] =	stream.linear.scatter [tilespmem:s22], [sflag:$0x3], $0x800, $0x38;
	[tilespmem:$0x6000] =	vst v63  }
0x330: {  	_ =	swait.ge [sflag:s24], $0x800  }
0x331: {  	[sflag:s24] =	ssyncset.done $0x0  }
0x332: {  	s6 =	sadd.s32 s5, s6;
	[sflag:s24] =	ssyncadd.s32 $0xFFFFF800  }
0x333: {  	[hbm4b:s6+s8] =	stream.linear.scatter [tilespmem:s23], [sflag:$0x3], $0x800, $0x38;
	[tilespmem:$0x6000] =	vst v63  }
0x334: {  	_ =	swait.ge [sflag:s24], $0x800  }
0x335: {  	[sflag:s24] =	ssyncset.done $0x0  }
0x336: {  	s7 =	simm.s32 $0x0;
	[sflag:s24] =	ssyncadd.s32 $0xFFFFF800  }
0x337: {  	v3 =	vld [tilespmem:s7+$0x5D00]  }
0x338: {  	s8 =	simm.s32 $0x40;
	v4 =	vld [tilespmem:s7+$0x5280]  }
.LBB2_19:
0x339: {  	p1 =	sne.s32 s8, $0x800  }
.Ltmp17:
0x33a: {  	_ = 	snop;
	(pc) =	sbr.rel @p1 .LBB2_19-.Ltmp17, $4  }
0x33b: {  	_ = 	snop  }
0x33c: {  	s6 =	sshra.s32 s8, $0x2;
	s8 =	sadd.s32 $0x40, s8;
	[tilespmem:s7+$0x5500] =	vst v3  }
0x33d: {  	v3 =	vld [tilespmem:s6+$0x5D00];
	[tilespmem:s7+$0x4A80] =	vst v4;
	s7 =	smov.u32 s6  }
0x33e: {  	v4 =	vld [tilespmem:s7+$0x5280]  }
.Ltmp18:
0x33f: {  	_ = 	snop;
	(pc) =	sbr.rel .LBB2_20-.Ltmp18, $1  }
0x340: {  	_ =	sdelay $0x3  }
.LBB2_24:
0x341: {  	_ =	sfence.sel $0x180000  }
0x342: {  	[bflag:$0x0] =	sbarrier.arrive $0xFFFF  }
0x343: {  	_ =	strace $0x90000047  }
0x344: {  	s0 =	stileid.u32;
	[bflag:$0x2] =	sbarrier.arrive $0xFFFF  }
0x345: {  	p0 =	sne.s32 s0, $0x0;
	s0 =	rddreg [dreg:$0x2]  }
0x346: {  	s0 =	sadd.s32 @!p0 $0x100000, s0  }
0x347: {  	[sflag:s0] =	ssyncadd.tile.s32 @!p0 $0x1;
	_ =	shalt  }
.Lfunc_end2:
_tile_overlayer_lowered:
.L_overlay_start_2:
0x348: {  	(tag) =	ssettag $0x2  }
0x349: {  	s0 =	rddreg [dreg:$0x0];
	s2 =	stileid.u32  }
0x34a: {  	s1 =	rddreg [dreg:$0x1];
	p0 =	sne.s32 s2, $0x0  }
0x34b: {  	s3 =	rddreg [dreg:$0x2];
	[bflag:$0x3] =	sbarrier.arrive $0xFFFF;
	s2 =	simm.s32 @!p0 $0x1C03  }
0x34c: {  	[timem:s3], [sflag:s2] =	dma.local @!p0 [hbm:s0], s1  }
0x34d: {  	s0 =	simm.s32 @!p0 $0x3  }
0x34e: {  	_ =	swait.ge @!p0 [sflag:s0], s1  }
0x34f: {  	s1 =	ssub.s32 @!p0 $0x0, s1;
	[sflag:s0] =	ssyncset.done @!p0 $0x0  }
0x350: {  	[sflag:s0] =	ssyncadd.s32 @!p0 s1  }
0x351: {  	[bflag:$0x3] =	sbarrier.arrive $0xFFFF  }
0x352: {  	_ =	shalt  }

// kernel: _to_position.7.cloned.1.call-start
scs
__scs_entry_jumppad:
0x0: {  	(pc) =	sbr.rel $0x88, $3  }
0x1: {  	(tag) =	ssettag $0x0;
	lr =	simm.s32 $0x1  }
0x2: {  	[smem:$0x3FA0] =	sst lr;
	_ =	strace $0xD0000000  }
0x3: {  	_ = 	snop  }
0x4: {  	_ = 	snop  }
0x5: {  	_ = 	snop  }
0x6: {  	_ = 	snop  }
0x7: {  	_ = 	snop  }
__scs_overlays_trampoline_lowered:
0x8: {  	[smem:$0x3FAF] =	sst s0  }
0x9: {  	[smem:$0x3FB0] =	sst s1  }
0xa: {  	[smem:$0x3FB1] =	sst s2  }
0xb: {  	[smem:$0x3FB2] =	sst s3  }
0xc: {  	[smem:$0x3FB3] =	sst s4  }
0xd: {  	[smem:$0x3FB4] =	sst s5  }
0xe: {  	[smem:$0x3FB5] =	sst s6  }
0xf: {  	[smem:$0x3FB6] =	sst s7  }
0x10: {  	[smem:$0x3FB7] =	sst s8  }
0x11: {  	[smem:$0x3FB8] =	sst s9;
	s0 =	simm.s32 @!p0 $0x0  }
0x12: {  	s1 =	sld [smem:$0x3F9E];
	s0 =	simm.s32 @p0 $0x1  }
0x13: {  	[smem:$0x3FB9] =	sst s0;
	s0 =	simm.s32 @!p1 $0x0  }
0x14: {  	s2 =	sld [smem:$0x3F9D];
	s0 =	simm.s32 @p1 $0x1  }
0x15: {  	[smem:$0x3FBA] =	sst s0;
	s0 =	simm.s32 @!p2 $0x0  }
0x16: {  	s3 =	sld [smem:$0x3FDB];
	s0 =	simm.s32 @p2 $0x1  }
0x17: {  	s4 =	simm.s32 $0x1BF5;
	[smem:$0x3FBC] =	sst s0  }
0x18: {  	s0 =	sld [smem:$0x3F9F];
	_ =	swait.ge [sflag:s4], $0x0  }
0x19: {  	s7 =	sld [smem:$0x3FA0]  }
0x1a: {  	s8 =	sadd.s32 $0xFFFFE003, lr  }
0x1b: {  	s9 =	sadd.s32 $0xFFFFFEF7, lr;
	s5 =	simm.s32 $0xFFFFFFFF;
	p2 =	slt.u32 s8, $0xFFFFF086  }
0x1c: {  	p1 =	slt.u32 s9, $0xF7A;
	s5 =	simm.s32 @!p2 $0x0  }
0x1d: {  	s5 =	simm.s32 @p1 $0x1;
	p0 =	seq.s32 s7, s2  }
0x1e: {  	s7 =	smul.u32 @!p0 $0xF7A, s2;
	p2 =	seq.s32 @!p0 s5, $0x0  }
0x1f: {  	s9 =	smul.u32 $0xF7A, s1;
	s8 =	simm.s32 @!p0 $0x1BF5;
	p2 =	por !p2, p0  }
0x20: {  	[sflag:s8] =	ssyncset.s32 @!p0 $0xFFFFF086;
	s6 =	sadd.s32 @!p0 s3, s7;
	s7 =	simm.s32 @!p0 $0x108  }
0x21: {  	s3 =	sadd.s32 s3, s9;
	s6 =	sadd.s32 @!p0 $0x88, s6;
	s7 =	simm.s32 @p2 $0x1082  }
0x22: {  	[simem:s7], [sflag:s8] =	dma.local @!p0 [hbm:s6], $0xF7A  }
0x23: {  	s9 =	sor.u32 $0xD0000000, s2;
	s6 =	simm.s32 $0x108;
	_ =	swait.ge @!p0 [sflag:s8], $0x0  }
0x24: {  	s3 =	sadd.s32 $0x88, s3;
	s6 =	simm.s32 @!p1 $0x1082;
	[sflag:s4] =	ssyncset.s32 $0xFFFFF086  }
0x25: {  	[simem:s6], [sflag:s4] =	dma.local [hbm:s3], $0xF7A  }
0x26: {  	[smem:$0x3FA0] =	sst s1;
	(tag) =	ssettag s2;
	_ =	strace s9  }
0x27: {  	s1 =	sld [smem:$0x3FB0]  }
0x28: {  	s2 =	sld [smem:$0x3FB1]  }
0x29: {  	s4 =	sld [smem:$0x3FB3]  }
0x2a: {  	p0 =	seq.s32 s5, $0x0;
	s5 =	sld [smem:$0x3FB4]  }
0x2b: {  	s6 =	sld [smem:$0x3FB5]  }
0x2c: {  	s7 =	sld [smem:$0x3FB6]  }
0x2d: {  	s3 =	simm.s32 $0x108;
	s8 =	sld [smem:$0x3FB7]  }
0x2e: {  	s3 =	simm.s32 @!p0 $0x1082;
	s9 =	sld [smem:$0x3FB8]  }
0x2f: {  	lr =	sadd.s32 s0, s3;
	s0 =	sld [smem:$0x3FAF]  }
0x30: {  	s3 =	sld [smem:$0x3FB2]  }
0x31: {  	[smem:$0x3FBB] =	sst s10  }
0x32: {  	s10 =	sld [smem:$0x3FB9];
	_ =	sdelay $0x3  }
0x33: {  	p0 =	seq.s32 s10, $0x1;
	s10 =	sld [smem:$0x3FBB];
	_ =	sdelay $0x3  }
0x34: {  	[smem:$0x3FBB] =	sst s10  }
0x35: {  	s10 =	sld [smem:$0x3FBA];
	_ =	sdelay $0x3  }
0x36: {  	p1 =	seq.s32 s10, $0x1;
	s10 =	sld [smem:$0x3FBB];
	_ =	sdelay $0x3  }
0x37: {  	[smem:$0x3FBB] =	sst s10  }
0x38: {  	s10 =	sld [smem:$0x3FBC]  }
0x39: {  	_ = 	snop;
	(pc) =	sbr.ind lr, $3  }
0x3a: {  	_ = 	snop  }
0x3b: {  	_ = 	snop  }
0x3c: {  	p2 =	seq.s32 s10, $0x1;
	s10 =	sld [smem:$0x3FBB]  }
0x3d: {  	_ =	shalt  }
0x3e: {  	_ =	shalt  }
0x3f: {  	_ =	shalt  }
0x40: {  	_ =	shalt  }
0x41: {  	_ =	shalt  }
0x42: {  	_ =	shalt  }
0x43: {  	_ =	shalt  }
0x44: {  	_ =	shalt  }
0x45: {  	_ =	shalt  }
0x46: {  	_ =	shalt  }
0x47: {  	_ =	shalt  }
0x48: {  	_ =	shalt  }
0x49: {  	_ =	shalt  }
0x4a: {  	_ =	shalt  }
0x4b: {  	_ =	shalt  }
0x4c: {  	_ =	shalt  }
0x4d: {  	_ =	shalt  }
0x4e: {  	_ =	shalt  }
0x4f: {  	_ =	shalt  }
0x50: {  	_ =	shalt  }
0x51: {  	_ =	shalt  }
0x52: {  	_ =	shalt  }
0x53: {  	_ =	shalt  }
0x54: {  	_ =	shalt  }
0x55: {  	_ =	shalt  }
0x56: {  	_ =	shalt  }
0x57: {  	_ =	shalt  }
0x58: {  	_ =	shalt  }
0x59: {  	_ =	shalt  }
0x5a: {  	_ =	shalt  }
0x5b: {  	_ =	shalt  }
0x5c: {  	_ =	shalt  }
0x5d: {  	_ =	shalt  }
0x5e: {  	_ =	shalt  }
0x5f: {  	_ =	shalt  }
0x60: {  	_ =	shalt  }
0x61: {  	_ =	shalt  }
0x62: {  	_ =	shalt  }
0x63: {  	_ =	shalt  }
0x64: {  	_ =	shalt  }
0x65: {  	_ =	shalt  }
0x66: {  	_ =	shalt  }
0x67: {  	_ =	shalt  }
0x68: {  	_ =	shalt  }
0x69: {  	_ =	shalt  }
0x6a: {  	_ =	shalt  }
0x6b: {  	_ =	shalt  }
0x6c: {  	_ =	shalt  }
0x6d: {  	_ =	shalt  }
0x6e: {  	_ =	shalt  }
0x6f: {  	_ =	shalt  }
0x70: {  	_ =	shalt  }
0x71: {  	_ =	shalt  }
0x72: {  	_ =	shalt  }
0x73: {  	_ =	shalt  }
0x74: {  	_ =	shalt  }
0x75: {  	_ =	shalt  }
0x76: {  	_ =	shalt  }
0x77: {  	_ =	shalt  }
0x78: {  	_ =	shalt  }
0x79: {  	_ =	shalt  }
0x7a: {  	_ =	shalt  }
0x7b: {  	_ =	shalt  }
0x7c: {  	_ =	shalt  }
0x7d: {  	_ =	shalt  }
0x7e: {  	_ =	shalt  }
0x7f: {  	_ =	shalt  }
0x80: {  	_ =	shalt  }
0x81: {  	_ =	shalt  }
0x82: {  	_ =	shalt  }
0x83: {  	_ =	shalt  }
0x84: {  	_ =	shalt  }
0x85: {  	_ =	shalt  }
0x86: {  	_ =	shalt  }
0x87: {  	_ =	shalt  }
.Lfunc_end0:
.L_simem_size_0:
called_computation.1_lowered:
.L_overlay_start_0:
0x88: {  	s2 =	sld [smem:$0x3FD9]  }
0x89: {  	s3 =	sld [smem:$0x3FFE];
	_ =	sdelay $0x1  }
0x8a: {  	s1 =	srdreg.scid  }
0x8b: {  	s0 =	sand.u32 $0x1, s1  }
0x8c: {  	s14 =	sshll.u32 s0, $0xA;
	s2 =	sadd.s32 s3, s2  }
0x8d: {  	s2 =	sadd.s32 s2, s14  }
0x8e: {  	[smem:$0x3FC7] =	sst s2  }
0x8f: {  	_ = 	snop  }
0x90: {  	s2 =	sld [smem:$0x3FD0];
	_ =	sdelay $0x2  }
0x91: {  	s4 =	simm.s32 $0xA;
	s5 =	simm.s32 $0x10;
	s15 =	sld [smem:$0x3FC9]  }
0x92: {  	[smem:s5], [sflag:s4] =	dma.local [hbm:s2], $0x1  }
0x93: {  	_ =	swait.eq [sflag:s4], $0x1  }
0x94: {  	s16 =	sld [smem:$0x10];
	[sflag:s4] =	ssyncset.done $0x0  }
0x95: {  	s17 =	sld [smem:$0x11];
	[sflag:s4] =	ssyncadd.s32 $0xFFFFFFFF  }
0x96: {  	s18 =	sld [smem:$0x12];
	(tm) =	ssettm $0x1  }
0x97: {  	s6 =	sld [smem:$0x3FFB];
	_ =	sdelay $0x3  }
0x98: {  	_ =	strace s6  }
0x99: {  	s6 =	sld [smem:$0x3FFC];
	_ =	sdelay $0x3  }
0x9a: {  	_ =	strace s6  }
0x9b: {  	s6 =	sld [smem:$0x3FFD];
	_ =	sdelay $0x3  }
0x9c: {  	_ =	strace s6  }
0x9d: {  	_ =	strace $0x8FFFFFFF  }
0x9e: {  	s19 =	sld [smem:$0x3FDB];
	_ =	sdelay $0x1  }
0x9f: {  	s7 =	simm.s32 $_scs_section_size  }
0xa0: {  	s8 =	simm.s32 $_size__tile_overlayer_lowered;
	s9 =	simm.s32 $_tile_overlayer_lowered  }
0xa1: {  	s22 =	simm.s32 $0x1BFF;
	s21 =	sshll.u32 s9, $0x1;
	s6 =	sadd.s32 s7, s19  }
0xa2: {  	s10 =	simm.s32 $0x0;
	s20 =	sshll.u32 s8, $0x1;
	s8 =	sadd.s32 s21, s6  }
0xa3: {  	[timem:s10], [sflag:s22] =	dma.local [hbm:s8], s20  }
0xa4: {  	_ =	swait.ge [sflag:s22], s20  }
0xa5: {  	s7 =	ssub.s32 $0x0, s20;
	[sflag:s22] =	ssyncset.done $0x0  }
0xa6: {  	[sflag:s22] =	ssyncadd.s32 s7;
	_ =	sdelay $0x1  }
0xa7: {  	s23 =	simm.s32 $0x1B8B  }
0xa8: {  	_ =	swait.ge [sflag:s23], $0x1  }
0xa9: {  	[sflag:s23] =	ssyncset.done $0x0  }
0xaa: {  	s25 =	simm.s32 $0x1B8E;
	s24 =	sld [smem:$0x3FFE];
	[sflag:s23] =	ssyncadd.s32 $0xFFFFFFFF  }
0xab: {  	s26 =	simm.s32 $execute0_lowered;
	[smem:$0x3FD2] =	sst s25  }
0xac: {  	s8 =	sshll.u32 s26, $0x1;
	_ =	strace $0x80000049;
	[dreg:$0x1] =	wrdreg $0xFFFFFFFF  }
0xad: {  	s28 =	simm.s32 $_size_execute0_lowered;
	s6 =	sadd.s32 s6, s8;
	[dreg:$0x0] =	wrdreg $0x0  }
0xae: {  	s8 =	sshll.u32 s28, $0x1;
	[dreg:$0x2] =	wrdreg s6  }
0xaf: {  	[dreg:$0x3] =	wrdreg s8  }
0xb0: {  	[dreg:$0x4] =	wrdreg $0xC0  }
0xb1: {  	_ =	task [dreg:s10], $0x5FFFF  }
0xb2: {  	[dreg:$0x1] =	wrdreg $0xFFFFFFFF  }
0xb3: {  	[dreg:$0x0] =	wrdreg $0x60  }
0xb4: {  	[dreg:$0x2] =	wrdreg s15  }
0xb5: {  	[dreg:$0x3] =	wrdreg s24  }
0xb6: {  	[dreg:$0x4] =	wrdreg s16  }
0xb7: {  	[dreg:$0x5] =	wrdreg s17  }
0xb8: {  	[dreg:$0x6] =	wrdreg s18  }
0xb9: {  	[dreg:$0x7] =	wrdreg $0x9  }
0xba: {  	_ =	task.clear_ibuf [dreg:s10], $0x8FFFF;
	_ =	strace $0x90000049  }
0xbb: {  	s29 =	simm.s32 $0x9;
	_ =	strace $0x8000004B  }
0xbc: {  	_ =	swait.ge [sflag:s29], $0x1  }
0xbd: {  	[sflag:s29] =	ssyncadd.s32 $0xFFFFFFFF  }
0xbe: {  	_ =	strace $0x9000004B  }
0xbf: {  	_ =	sfence  }
0xc0: {  	s30 =	sld [smem:$0x0];
	_ =	sdelay $0x2  }
0xc1: {  	s31 =	sshll.u32 s1, $0xD;
	s1 =	sshrl.u32 s1, $0x2  }
0xc2: {  	s3 =	sand.u32 $0x4000, s31;
	s1 =	sadd.s32 s1, s30  }
0xc3: {  	s0 =	sor.u32 s3, s0;
	s1 =	sshll.u32 s1, $0x11  }
0xc4: {  	s0 =	sor.u32 s1, s0  }
0xc5: {  	s0 =	sadd.s32 $0x8F2B, s0  }
0xc6: {  	[sflag:s0] =	ssyncadd.remote.s32 $0x1  }
0xc7: {  	_ =	sfence.sel $0xFFFF  }
0xc8: {  	[dreg:$0x0] =	wrdreg $0xFFFFFFFF;
	(pc) =	sbr.abs _section_cstart, $3  }
0xc9: {  	[dreg:$0x1] =	wrdreg $0xFFFFFFFF  }
0xca: {  	_ =	task.clear_ibuf [dreg:s10], $0x2FFFF;
	_ =	strace $0x9FFFFFFF  }
0xcb: {  	(tm) =	ssettm $0x7FFFFFFF  }
tec
execute0_lowered:
.L_overlay_start_1:
0x0: {  	(tag) =	ssettag $0x1  }
0x1: {  	s0 =	rddreg [dreg:$0x1]  }
0x2: {  	s2 =	rddreg [dreg:$0x2]  }
0x3: {  	s3 =	rddreg [dreg:$0x3];
	s6 =	simm.s32 $0x0;
	s1 =	srdreg.scid  }
0x4: {  	s7 =	stileid.u32;
	s30 =	simm.s32 $0x600;
	s29 =	simm.s32 $0xE80  }
0x5: {  	s28 =	simm.s32 $0x1700;
	[smem:$0x7FF] =	sst s6;
	s1 =	sand.u32 $0x1, s1  }
0x6: {  	s26 =	sadd.s32 $0xE00, s0;
	s5 =	sshll.u32 s7, $0x1;
	s8 =	sadd.s32 $0x41000, s0  }
0x7: {  	s0 =	sadd.s32 $0x81200, s0;
	s17 =	sshll.u32 s7, $0x7;
	s19 =	smul.u32 $0x4004, s7  }
0x8: {  	_ =	strace $0x8000004A;
	s4 =	ssub.s32 $0x2, s1;
	s9 =	sor.u32 s1, s5  }
0x9: {  	[dreg:$0x6] =	wrdreg s0;
	s18 =	sshll.u32 s1, $0x6;
	s1 =	smul.u32 $0x2002, s1  }
0xa: {  	s10 =	sshrl.u32 s4, $0x1;
	s15 =	sshll.u32 s9, $0x6;
	s11 =	smul.u32 $0x10010, s9  }
0xb: {  	s12 =	sadd.s32 $0x1, s9;
	s5 =	sor.u32 s18, s17;
	s21 =	sxor.u32 $0x1F, s9  }
0xc: {  	s23 =	sadd.s32 s19, s26;
	s24 =	sadd.s32 s19, s8;
	p0 =	seq.s32 s9, $0x1F  }
0xd: {  	p1 =	sne.s32 s9, $0x0;
	s14 =	ssub.s32 s4, s10;
	[dreg:$0x7] =	wrdreg s12  }
0xe: {  	s20 =	sadd.s32 $0x40, s5;
	[dreg:$0x9] =	wrdreg s21;
	s31 =	sshrl.u32 s15, $0x2  }
0xf: {  	s25 =	sadd.s32 s1, s24;
	s0 =	smax.u32 s14, $0x1;
	[dreg:$0xf] =	wrdreg s31  }
0x10: {  	s5 =	simm.s32 $0x0;
	s22 =	sshrl.u32 s20, $0x2;
	[dreg:$0x8] =	wrdreg s0  }
.Ltmp0:
0x11: {  	s16 =	sadd.s32 $0x200, s22;
	[dreg:$0xa] =	wrdreg s22;
	(pc) =	sbr.rel .LBB2_1-.Ltmp0, $4  }
0x12: {  	v0 =	vlaneseq.u32;
	s0 =	sadd.s32 s1, s23;
	s17 =	sor.u32 $0x400, s22;
	[dreg:$0xb] =	wrdreg s16  }
0x13: {  	v1 =	vmul.u32 $0x3, v0;
	s20 =	simm.s32 $0x2;
	s0 =	sadd.s32 $0x2002, s0;
	[dreg:$0xc] =	wrdreg s17  }
0x14: {  	s22 =	simm.s32 $0x2F00;
	[dreg:$0xd] =	wrdreg s0;
	s0 =	sadd.s32 $0x2002, s25  }
0x15: {  	v2 =	vimm.s32 $0x0;
	v3 =	vadd.s32 $0x1, v1;
	v4 =	vadd.s32 $0x2, v1;
	s23 =	simm.s32 $0x1;
	s25 =	simm.s32 $0x3;
	[dreg:$0xe] =	wrdreg s0  }
.LBB2_44:
0x16: {  	[sflag:s23] =	ssyncadd.s32 $0xFFFFF800;
	s5 =	rddreg [dreg:$0x10]  }
.LBB2_45:
0x17: {  	v5 =	vimm.s32 @!p1 $0x0  }
0x18: {  	s0 =	simm.s32 @!p1 $0x0;
	s1 =	simm.s32 @!p1 $0x3700;
	s4 =	rddreg [dreg:$0x4];
	[tilespmem:$0x3700] =	vst @!p1 v5  }
0x19: {  	[hbm4b:s4+s0] =	stream.linear.scatter @!p1 [tilespmem:s1], [sflag:$0x2], $0x80, $0x38;
	[tilespmem:$0x3780] =	vst v63  }
0x1a: {  	s0 =	simm.s32 @!p1 $0x2  }
0x1b: {  	_ =	swait.ge @!p1 [sflag:s0], $0x80  }
0x1c: {  	s5 =	sadd.s32 $0x1, s5;
	s31 =	rddreg [dreg:$0x8]  }
0x1d: {  	p2 =	sne.s32 s5, s31  }
.Ltmp1:
0x1e: {  	_ = 	snop;
	(pc) =	sbr.rel @!p2 .LBB2_46-.Ltmp1, $3  }
0x1f: {  	_ =	sdelay $0x1  }
0x20: {  	[sflag:s0] =	ssyncset.done @!p1 $0x0  }
0x21: {  	[sflag:s0] =	ssyncadd.s32 @!p1 $0xFFFFFF80  }
.LBB2_1:
0x22: {  	[dreg:$0x10] =	wrdreg s5  }
0x23: {  	s0 =	rddreg [dreg:$0x6]  }
0x24: {  	[tilespmem:s6], [sflag:$0x2] =	stream.linear.gather [hbm4b:s0+s6], $0x200, $0x38;
	[tilespmem:$0x3780] =	vst v63  }
0x25: {  	_ =	swait.ge [sflag:s20], $0x200  }
0x26: {  	[sflag:s20] =	ssyncset.done $0x0  }
0x27: {  	[sflag:s20] =	ssyncadd.s32 $0xFFFFFE00  }
0x28: {  	v5 =	vld [tilespmem:s6+$0x0]  }
0x29: {  	s24 =	simm.s32 $0x10  }
0x2a: {  	s31 =	simm.s32 $0x20;
	v6 =	vld [tilespmem:s24+$0x0]  }
0x2b: {  	v7 =	vld [tilespmem:s31+$0x0];
	_ =	sdelay $0x1  }
0x2c: {  	(v2sf) =	vpush v5, $0x0;
	_ =	sdelay $0x1  }
0x2d: {  	(v2sf) =	vpush v6, $0x0  }
0x2e: {  	(v2sf) =	vpush v7, $0x0;
	_ =	sdelay $0x6  }
0x2f: {  	s4 =	simm.s32 $0x1  }
0x30: {  	s1 =	simm.s32 $0x2;
	s13 =	simm.s32 $0x30;
	s12 =	simm.s32 $0x0  }
0x31: {  	s10 =	simm.s32 $0x0;
	s5 =	simm.s32 $0x0;
	s0 =	simm.s32 $0x3  }
.LBB2_2:
0x32: {  	v5 =	vld [tilespmem:s13+$0x0];
	p2 =	sne.s32 s0, $0x1F;
	s14 =	smov.u32 s0;
	s0 =	sadd.s32 $0x1, s0  }
.Ltmp2:
0x33: {  	(pc) =	sbr.rel @p2 .LBB2_2-.Ltmp2, $4  }
0x34: {  	p3 =	slt.u32 s12, s9;
	s12 =	smov.u32 s4;
	s15 =	spop (v2sf)  }
0x35: {  	s4 =	smov.u32 s1;
	s10 =	sadd.s32 s10, s15;
	s15 =	simm.s32 @!p3 $0x0  }
0x36: {  	s1 =	smov.u32 s14;
	s5 =	sadd.s32 s5, s15  }
0x37: {  	s13 =	sadd.s32 $0x10, s13;
	(v2sf) =	vpush v5, $0x0  }
0x38: {  	s0 =	rddreg [dreg:$0xf]  }
0x39: {  	v8 =	vld [tilespmem:s0+$0x0];
	_ =	sdelay $0x4  }
0x3a: {  	(v2sf) =	vpush v8, $0x0;
	_ =	sdelay $0xa  }
0x3b: {  	s13 =	spop (v2sf)  }
0x3c: {  	s7 =	rddreg [dreg:$0x0];
	s14 =	spop (v2sf)  }
0x3d: {  	[tilespmem:s22], [sflag:$0x2] =	stream.linear.gather [hbm4b:s7+s6], $0x10, $0x38;
	[tilespmem:$0x3780] =	vst v63  }
0x3e: {  	s15 =	spop (v2sf)  }
0x3f: {  	s0 =	spop (v2sf)  }
0x40: {  	_ =	swait.ge [sflag:s20], $0x10  }
0x41: {  	[sflag:s20] =	ssyncset.done $0x0  }
0x42: {  	[sflag:s20] =	ssyncadd.s32 $0xFFFFFFF0  }
0x43: {  	v5 =	vld [tilespmem:$0x2F00];
	_ =	sdelay $0x4  }
.Ltmp3:
0x44: {  	p2 =	slt.u32 s12, s9;
	p3 =	slt.u32 s1, s9;
	v5 =	vadd.f32 $0.0e+00, v5;
	(pc) =	sbr.rel @p0 .LBB2_19-.Ltmp3, $4  }
0x45: {  	s10 =	sadd.s32 s10, s13;
	s13 =	simm.s32 @!p2 $0x0;
	p2 =	slt.u32 s4, s9  }
0x46: {  	s5 =	sadd.s32 s5, s13;
	s21 =	sadd.s32 s10, s14;
	s14 =	simm.s32 @!p2 $0x0;
	v5 =	vbroadcast v5, $0x0  }
0x47: {  	s31 =	sadd.s32 s5, s14;
	s24 =	sadd.s32 s21, s15;
	s15 =	simm.s32 @!p3 $0x0  }
0x48: {  	v6 =	vimm.s32 $0x0;
	s1 =	sadd.s32 s31, s15;
	[dreg:$0x11] =	wrdreg s24;
	v7 =	vmov v5  }
0x49: {  	s4 =	rddreg [dreg:$0x9]  }
0x4a: {  	p4 =	sne.s32 s4, $0x1  }
.Ltmp4:
0x4b: {  	_ = 	snop;
	(pc) =	sbr.rel @!p4 .LBB2_8-.Ltmp4, $4  }
0x4c: {  	_ = 	snop  }
0x4d: {  	p2 =	por $0x0, $0x0  }
0x4e: {  	s13 =	smov.u32 s16;
	s12 =	rddreg [dreg:$0xd];
	s10 =	smov.u32 s17  }
0x4f: {  	s5 =	rddreg [dreg:$0xe];
	p3 =	por $0x0, $0x0;
	s14 =	sadd.s32 $0xFFFFFFFF, s4  }
0x50: {  	s4 =	simm.s32 $0x0;
	s7 =	rddreg [dreg:$0xd]  }
0x51: {  	[tilespmem:s16], [sflag:$0x2] =	stream.linear.gather [hbm4b:s7+s4], $0x10, $0x38;
	[tilespmem:$0x3780] =	vst v63  }
0x52: {  	p4 =	sne.s32 s14, $0x1;
	_ =	swait.ge [sflag:s20], $0x10  }
.Ltmp5:
0x53: {  	s14 =	sadd.s32 $0xFFFFFFFF, s14;
	[sflag:s20] =	ssyncset.done $0x0;
	(pc) =	sbr.rel @!p4 .LBB2_6-.Ltmp5, $4  }
0x54: {  	s10 =	sadd.s32 $0x10, s17;
	s5 =	rddreg [dreg:$0xe];
	[sflag:s20] =	ssyncadd.s32 $0xFFFFFFF0  }
0x55: {  	[tilespmem:s17], [sflag:$0x2] =	stream.linear.gather [hbm4b:s5+s4], $0x10, $0x38;
	[tilespmem:$0x3780] =	vst v63  }
0x56: {  	p3 =	por $0x1, $0x1;
	s13 =	smov.u32 s16;
	_ =	swait.ge [sflag:s20], $0x10  }
0x57: {  	s12 =	sadd.s32 $0x2002, s7;
	s5 =	sadd.s32 $0x2002, s5;
	[sflag:s20] =	ssyncset.done $0x0  }
.LBB2_7:
0x58: {  	[sflag:s20] =	ssyncadd.s32 $0xFFFFFFF0;
	s13 =	sadd.s32 $0x10, s13  }
0x59: {  	[tilespmem:s13], [sflag:$0x2] =	stream.linear.gather [hbm4b:s12+s4], $0x10, $0x38;
	[tilespmem:$0x3780] =	vst v63  }
0x5a: {  	p4 =	sne.s32 s14, $0x1;
	s14 =	sadd.s32 $0xFFFFFFFF, s14;
	_ =	swait.ge [sflag:s20], $0x10  }
.Ltmp6:
0x5b: {  	[sflag:s20] =	ssyncset.done $0x0;
	(pc) =	sbr.rel @p4 .LBB2_7-.Ltmp6, $4  }
0x5c: {  	[sflag:s20] =	ssyncadd.s32 $0xFFFFFFF0  }
0x5d: {  	[tilespmem:s10], [sflag:$0x2] =	stream.linear.gather [hbm4b:s5+s4], $0x10, $0x38;
	[tilespmem:$0x3780] =	vst v63  }
0x5e: {  	s5 =	sadd.s32 $0x2002, s5;
	_ =	swait.ge [sflag:s20], $0x10  }
0x5f: {  	s12 =	sadd.s32 $0x2002, s12;
	s10 =	sadd.s32 $0x10, s10;
	[sflag:s20] =	ssyncset.done $0x0  }
.LBB2_8:
0x60: {  	s13 =	sadd.s32 @p3 $0x10, s13;
	s14 =	smov.u32 s16  }
0x61: {  	s4 =	simm.s32 $0x0;
	[sflag:s20] =	ssyncadd.s32 @p3 $0xFFFFFFF0;
	s14 =	smov.u32 @p3 s13  }
0x62: {  	[tilespmem:s14], [sflag:$0x2] =	stream.linear.gather [hbm4b:s12+s4], $0x10, $0x38;
	[tilespmem:$0x3780] =	vst v63  }
0x63: {  	_ =	swait.ge [sflag:s20], $0x10  }
0x64: {  	[sflag:s20] =	ssyncset.done $0x0  }
0x65: {  	[sflag:s20] =	ssyncadd.s32 $0xFFFFFFF0  }
0x66: {  	[tilespmem:s10], [sflag:$0x2] =	stream.linear.gather [hbm4b:s5+s4], $0x10, $0x38;
	[tilespmem:$0x3780] =	vst v63  }
0x67: {  	_ =	swait.ge [sflag:s20], $0x10  }
0x68: {  	[sflag:s20] =	ssyncset.done $0x0;
	s7 =	rddreg [dreg:$0xa]  }
0x69: {  	s31 =	rddreg [dreg:$0x9];
	[sflag:s20] =	ssyncadd.s32 $0xFFFFFFF0  }
0x6a: {  	p3 =	sne.s32 s31, $0x1;
	v7 =	vld [tilespmem:s7+$0x0]  }
.Ltmp7:
0x6b: {  	_ = 	snop;
	(pc) =	sbr.rel @!p3 .LBB2_9-.Ltmp7, $2  }
0x6c: {  	_ =	sdelay $0x2  }
0x6d: {  	v6 =	vimm.s32 $0x0;
	s5 =	sadd.s32 $0xFFFFFFFF, s31;
	s12 =	sadd.s32 $0x10, s7;
	v9 =	vbroadcast v7, $0x0;
	(v2sf) =	vpush v7, $0x0  }
0x6e: {  	v7 =	vld [tilespmem:s12+$0x0];
	_ =	sdelay $0x4  }
0x6f: {  	(v2sf) =	vpush v7, $0x0;
	_ =	sdelay $0x6  }
0x70: {  	p4 =	sne.s32 s5, $0x1  }
.Ltmp8:
0x71: {  	_ = 	snop;
	(pc) =	sbr.rel @!p4 .LBB2_11-.Ltmp8, $3  }
0x72: {  	_ =	sdelay $0x1  }
0x73: {  	v19 =	vbroadcast v7, $0x0  }
0x74: {  	s10 =	sadd.s32 $0xFFFFFFFF, s5;
	s5 =	sadd.s32 $0x10, s12;
	p3 =	por $0x1, $0x1  }
0x75: {  	v12 =	vld [tilespmem:s5+$0x0];
	_ =	sdelay $0x4  }
0x76: {  	(v2sf) =	vpush v12, $0x0;
	_ =	sdelay $0x3  }
0x77: {  	p5 =	sne.s32 s10, $0x1  }
.Ltmp9:
0x78: {  	_ = 	snop;
	(pc) =	sbr.rel @!p5 .LBB2_13-.Ltmp9, $3  }
0x79: {  	_ =	sdelay $0x1  }
0x7a: {  	v10 =	vld [tilespmem:s16+$0x0];
	v13 =	vmov s4;
	v7 =	vbroadcast v12, $0x0  }
0x7b: {  	s13 =	sadd.s32 $0xFFFFFFFF, s10;
	v11 =	vld [tilespmem:s17+$0x0];
	s14 =	sadd.s32 $0x10, s5;
	p4 =	por $0x1, $0x1;
	v12 =	vsub.s32 v0, v13  }
0x7c: {  	v16 =	vld [tilespmem:s14+$0x0];
	_ =	sdelay $0x4  }
0x7d: {  	(v2sf) =	vpush v16, $0x0;
	_ =	sdelay $0x3  }
0x7e: {  	p5 =	sne.s32 s13, $0x1  }
.Ltmp10:
0x7f: {  	vm0 =	vgt.s32 v12, $0x0;
	s10 =	spop (v2sf);
	(pc) =	sbr.rel @!p5 .LBB2_15-.Ltmp10, $4  }
0x80: {  	vm1 =	vgt.s32 v12, $0xFFFFFFFF;
	vm2 =	vlt.s32 v12, v9;
	s5 =	sadd.s32 $0x10, s16;
	v13 =	vnsel vm0, $0x0, v12;
	s10 =	sadd.s32 $0x0, s10  }
0x81: {  	s12 =	sadd.s32 $0x10, s17;
	vm0 =	vmand vm1, vm2;
	v14 =	vld [tilespmem:s5+$0x0];
	v15 =	vmin.u32 v13, $0xF;
	v17 =	vmov s10  }
0x82: {  	v18 =	vld [tilespmem:s12+$0x0];
	vm0 =	vmmov vm0;
	v13 =	vperm.xlane v10, v15;
	v17 =	vsub.s32 v0, v17  }
0x83: {  	s13 =	sadd.s32 $0xFFFFFFFF, s13;
	s14 =	sadd.s32 $0x10, s14;
	p2 =	por $0x1, $0x1;
	v20 =	vmovc v5;
	v15 =	vperm.xlane v11, v15;
	v23 =	vbroadcast v16, $0x0;
	v16 =	vimm.s32 $0x0  }
.LBB2_16:
0x84: {  	v21 =	vld [tilespmem:s14+$0x0];
	p5 =	sne.s32 s13, $0x1;
	s13 =	sadd.s32 $0xFFFFFFFF, s13;
	vm1 =	vgt.s32 v17, $0xFFFFFFFF;
	vm2 =	vlt.s32 v17, v19;
	vm3 =	vgt.s32 v17, $0x0;
	v19 =	vmovc v7  }
.Ltmp11:
0x85: {  	v16 =	vsel vm0, v13, v16;
	vm1 =	vmand vm1, vm2;
	v17 =	vnsel vm3, $0x0, v17;
	v7 =	vmovc v23;
	(pc) =	sbr.rel @p5 .LBB2_16-.Ltmp11, $4  }
0x86: {  	s5 =	sadd.s32 $0x10, s5;
	v20 =	vsel vm0, v15, v20;
	v17 =	vmin.u32 v17, $0xF;
	s15 =	spop (v2sf);
	vm0 =	vmmov vm1  }
0x87: {  	s12 =	sadd.s32 $0x10, s12;
	v13 =	vperm.xlane v14, v17;
	v14 =	vld [tilespmem:s5+$0x0];
	v15 =	vperm.xlane v18, v17;
	s10 =	sadd.s32 s10, s15  }
0x88: {  	v17 =	vmov s10;
	v18 =	vld [tilespmem:s12+$0x0]  }
0x89: {  	s14 =	sadd.s32 $0x10, s14;
	v23 =	vbroadcast v21, $0x0;
	(v2sf) =	vpush v21, $0x0;
	v17 =	vsub.s32 v0, v17  }
0x8a: {  	_ = 	snop  }
0x8b: {  	v21 =	vmov v7;
	v22 =	vmov v19;
	v7 =	vmov v23  }
.LBB2_18:
0x8c: {  	s5 =	sadd.s32 @p4 $0x10, s5;
	s13 =	smov.u32 s16;
	vm1 =	vgt.s32 @p4 v17, $0xFFFFFFFF;
	vm2 =	vgt.s32 @p4 v17, $0x0  }
0x8d: {  	s14 =	spop @p4 (v2sf);
	vm3 =	vlt.s32 @p4 v17, v22;
	v13 =	vsel @p2 vm0, v13, v16;
	v15 =	vsel @p2 vm0, v15, v20;
	s13 =	smov.u32 @p4 s5  }
0x8e: {  	v9 =	vpsel p3, v21, v9;
	s5 =	sadd.s32 @p4 s10, s14;
	s10 =	sadd.s32 @p4 $0x10, s12;
	s12 =	simm.s32 $0x0;
	v17 =	vnsel @p4 vm2, $0x0, v17;
	vm0 =	vmand @p4 vm1, vm3  }
0x8f: {  	s14 =	smov.u32 s17;
	v13 =	vpsel p2, v13, v6;
	v16 =	vld @p3 [tilespmem:s13+$0x0];
	s12 =	smov.u32 @p4 s5;
	v17 =	vmin.u32 @p4 v17, $0xF;
	vm0 =	vmmov @p4 vm0  }
0x90: {  	s14 =	smov.u32 @p4 s10;
	s5 =	spop @p3 (v2sf);
	v19 =	vmov @p3 s12;
	v14 =	vperm.xlane @p4 v14, v17;
	v17 =	vperm.xlane @p4 v18, v17  }
0x91: {  	v15 =	vpsel p2, v15, v5;
	v20 =	vld @p3 [tilespmem:s14+$0x0];
	vm0 =	vmmov @p4 vm0;
	s5 =	sadd.s32 @p3 s12, s5;
	v19 =	vsub.s32 @p3 v0, v19  }
0x92: {  	s4 =	smov.u32 @p3 s5;
	v12 =	vpsel p3, v19, v12;
	v14 =	vpsel p4, v14, v0;
	v17 =	vpsel p4, v17, v0  }
0x93: {  	v62 =	vmov s4;
	vm1 =	vgt.s32 @p3 v12, $0x0;
	vm2 =	vgt.s32 @p3 v12, $0xFFFFFFFF  }
0x94: {  	s10 =	sadd.s32 @p3 $0x10, s13;
	s13 =	smov.u32 s16;
	vm3 =	vlt.s32 @p3 v12, v9;
	v10 =	vpsel p3, v16, v10;
	v9 =	vnsel @p3 vm1, $0x0, v12  }
0x95: {  	s13 =	smov.u32 @p3 s10;
	s10 =	sadd.s32 @p3 $0x10, s14;
	s5 =	smov.u32 s17;
	vm1 =	vmand @p3 vm2, vm3;
	v12 =	vsel @p4 vm0, v14, v13;
	v13 =	vsel @p4 vm0, v17, v15  }
0x96: {  	v61 =	vld [tilespmem:s13+$0x0];
	s5 =	smov.u32 @p3 s10;
	v15 =	vsub.s32 v0, v62;
	v11 =	vpsel p3, v20, v11;
	v9 =	vmin.u32 @p3 v9, $0xF  }
0x97: {  	vm0 =	vmmov @p3 vm1;
	v10 =	vperm.xlane @p3 v10, v9;
	v9 =	vperm.xlane @p3 v11, v9;
	v11 =	vld [tilespmem:s5+$0x0]  }
0x98: {  	v12 =	vpsel p4, v12, v6;
	v13 =	vpsel p4, v13, v5;
	vm11 =	vgt.s32 v15, $0x0  }
0x99: {  	vm12 =	vgt.s32 v15, $0xFFFFFFFF;
	vm13 =	vlt.s32 v15, v7;
	v7 =	vnsel vm11, $0x0, v15  }
0x9a: {  	vm0 =	vmmov @p3 vm0;
	vm14 =	vmand vm12, vm13;
	v7 =	vmin.u32 v7, $0xF  }
0x9b: {  	v10 =	vpsel p3, v10, v0;
	v9 =	vpsel p3, v9, v0;
	v63 =	vperm.xlane v61, v7  }
0x9c: {  	v10 =	vsel @p3 vm0, v10, v12;
	v9 =	vsel @p3 vm0, v9, v13;
	v7 =	vperm.xlane v11, v7  }
0x9d: {  	vm15 =	vmmov vm14;
	v6 =	vpsel p3, v10, v6;
	v9 =	vpsel p3, v9, v5  }
0x9e: {  	s31 =	spop (v2sf);
	v6 =	vsel vm15, v63, v6;
	v7 =	vsel vm15, v7, v9  }
.LBB2_19:
0x9f: {  	s4 =	sadd.s32 $0xF, s1  }
0xa0: {  	s5 =	sshra.s32 s4, $0x1F;
	s10 =	sand.u32 $0xF, s4  }
0xa1: {  	p2 =	slt.s32 s4, $0x1;
	s0 =	sadd.s32 s0, s4;
	s5 =	sshrl.u32 s5, $0x1C  }
0xa2: {  	p3 =	sne.s32 s10, $0x0;
	s18 =	sand.u32 $0xF, s0;
	s10 =	simm.s32 $0x1  }
0xa3: {  	s19 =	sshra.s32 s0, $0x1F;
	p4 =	slt.s32 s0, $0x1;
	p2 =	por !p2, !p3  }
0xa4: {  	s5 =	sadd.s32 s5, s4;
	p6 =	sne.s32 s18, $0x0;
	p2 =	por !p2, !p2  }
0xa5: {  	s17 =	sshra.s32 s5, $0x4;
	s5 =	sshrl.u32 s19, $0x1C;
	s10 =	simm.s32 @!p2 $0x0  }
0xa6: {  	s0 =	sadd.s32 s5, s0;
	p2 =	por !p4, !p6;
	s5 =	simm.s32 $0x1  }
0xa7: {  	s4 =	ssub.s32 s17, s10;
	s0 =	sshrl.u32 s0, $0x4;
	p2 =	por !p2, !p2  }
0xa8: {  	s0 =	ssub.s32 s0, s4;
	s5 =	simm.s32 @!p2 $0x0  }
0xa9: {  	s0 =	ssub.s32 s0, s5  }
0xaa: {  	s0 =	sshll.u32 s0, $0x4  }
0xab: {  	s31 =	sshra.s32 s0, $0x4  }
0xac: {  	s0 =	sadd.s32 $0x7F, s31  }
0xad: {  	s21 =	sand.u32 $0x7F, s0  }
0xae: {  	p6 =	slt.s32 s31, $0xFFFFFF82;
	s24 =	sshra.s32 s0, $0x1F;
	p5 =	sne.s32 s21, $0x0  }
0xaf: {  	s5 =	sshrl.u32 s24, $0x19;
	p2 =	por !p6, !p5  }
0xb0: {  	s0 =	sadd.s32 s5, s0;
	s5 =	simm.s32 $0x1;
	p2 =	por !p2, !p2  }
0xb1: {  	s0 =	sshra.s32 s0, $0x7;
	s5 =	simm.s32 @!p2 $0x0  }
0xb2: {  	s0 =	ssub.s32 s0, s5  }
0xb3: {  	p2 =	slt.s32 s0, $0x1  }
.Ltmp12:
0xb4: {  	_ = 	snop;
	(pc) =	sbr.rel @p2 .LBB2_33-.Ltmp12, $1  }
0xb5: {  	_ =	sdelay $0x3  }
.Ltmp13:
0xb6: {  	(pc) =	sbr.rel .LBB2_21-.Ltmp13, $4  }
0xb7: {  	_ = 	snop  }
0xb8: {  	s5 =	sshll.u32 s4, $0x4;
	s4 =	simm.s32 $0x80  }
0xb9: {  	s10 =	simm.s32 $0x0;
	s12 =	simm.s32 $0x0;
	s1 =	ssub.s32 s5, s1  }
0xba: {  	v8 =	vbroadcast v8, $0x0;
	s13 =	simm.s32 $0x0;
	s21 =	simm.s32 $0x0;
	[dreg:$0x12] =	wrdreg s1  }
.LBB2_31:
0xbb: {  	p3 =	slt.s32 s14, $0x40  }
0xbc: {  	s7 =	smul.u32 @!p3 $0x3, s15;
	_ =	sdelay $0x1  }
0xbd: {  	s7 =	sshrl.u32 @!p3 s7, $0x3  }
0xbe: {  	s16 =	simm.s32 @!p3 $0x0;
	s17 =	simm.s32 @!p3 $0x1700;
	s7 =	sadd.s32 @!p3 s2, s7  }
0xbf: {  	[hbm4b:s7+s16] =	stream.linear.scatter @!p3 [tilespmem:s17], [sflag:$0x3], $0xC00, $0x38;
	[tilespmem:$0x3780] =	vst v63  }
0xc0: {  	s7 =	simm.s32 @!p3 $0x3  }
0xc1: {  	_ =	swait.ge @!p3 [sflag:s7], $0xC00  }
0xc2: {  	s17 =	sshrl.u32 @!p3 s15, $0x3;
	[sflag:s7] =	ssyncset.done @!p3 $0x0  }
0xc3: {  	s18 =	simm.s32 @!p3 $0x2F00;
	s17 =	sadd.s32 @!p3 s3, s17;
	[sflag:s7] =	ssyncadd.s32 @!p3 $0xFFFFF400  }
0xc4: {  	[hbm4b:s17+s16] =	stream.linear.scatter @!p3 [tilespmem:s18], [sflag:$0x3], $0x400, $0x38;
	[tilespmem:$0x3780] =	vst v63  }
0xc5: {  	s16 =	simm.s32 @!p3 $0x40  }
0xc6: {  	s16 =	simm.s32 @p3 $0x0  }
0xc7: {  	s1 =	ssub.s32 s14, s16  }
0xc8: {  	p2 =	slt.s32 s1, $0x20  }
0xc9: {  	s17 =	sshll.u32 @!p2 s16, $0x4  }
0xca: {  	s24 =	smul.u32 @!p2 $0xC0, s16;
	s18 =	sadd.s32 @!p2 s15, s17  }
0xcb: {  	_ =	swait.ge @!p3 [sflag:s7], $0x400;
	s19 =	smul.u32 @!p2 $0x3, s18  }
0xcc: {  	[sflag:s7] =	ssyncset.done @!p3 $0x0  }
0xcd: {  	[sflag:s7] =	ssyncadd.s32 @!p3 $0xFFFFFC00;
	s7 =	sshrl.u32 @!p2 s19, $0x3;
	s19 =	sshrl.u32 @!p2 s24, $0x2  }
0xce: {  	s24 =	simm.s32 @!p2 $0x0;
	s7 =	sadd.s32 @!p2 s2, s7;
	s19 =	sadd.s32 @!p2 $0x1700, s19  }
0xcf: {  	[hbm4b:s7+s24] =	stream.linear.scatter @!p2 [tilespmem:s19], [sflag:$0x3], $0x600, $0x38;
	[tilespmem:$0x3780] =	vst v63  }
0xd0: {  	s7 =	simm.s32 @!p2 $0x3  }
0xd1: {  	_ =	swait.ge @!p2 [sflag:s7], $0x600  }
0xd2: {  	s18 =	sshrl.u32 @!p2 s18, $0x3;
	[sflag:s7] =	ssyncset.done @!p2 $0x0  }
0xd3: {  	s17 =	sadd.s32 @!p2 $0x2F00, s17;
	s18 =	sadd.s32 @!p2 s3, s18;
	[sflag:s7] =	ssyncadd.s32 @!p2 $0xFFFFFA00  }
0xd4: {  	[hbm4b:s18+s24] =	stream.linear.scatter @!p2 [tilespmem:s17], [sflag:$0x3], $0x200, $0x38;
	[tilespmem:$0x3780] =	vst v63  }
0xd5: {  	s17 =	simm.s32 @!p2 $0x20  }
0xd6: {  	s17 =	simm.s32 @p2 $0x0  }
0xd7: {  	s14 =	ssub.s32 s1, s17  }
0xd8: {  	s16 =	sor.u32 s16, s17;
	p3 =	slt.s32 s14, $0x10  }
0xd9: {  	s17 =	sshll.u32 @!p3 s16, $0x4  }
0xda: {  	s24 =	smul.u32 @!p3 $0xC0, s16;
	s18 =	sadd.s32 @!p3 s15, s17  }
0xdb: {  	_ =	swait.ge @!p2 [sflag:s7], $0x200;
	s19 =	smul.u32 @!p3 $0x3, s18  }
0xdc: {  	[sflag:s7] =	ssyncset.done @!p2 $0x0  }
0xdd: {  	[sflag:s7] =	ssyncadd.s32 @!p2 $0xFFFFFE00;
	s7 =	sshrl.u32 @!p3 s19, $0x3;
	s19 =	sshrl.u32 @!p3 s24, $0x2  }
0xde: {  	s24 =	simm.s32 @!p3 $0x0;
	s7 =	sadd.s32 @!p3 s2, s7;
	s19 =	sadd.s32 @!p3 $0x1700, s19  }
0xdf: {  	[hbm4b:s7+s24] =	stream.linear.scatter @!p3 [tilespmem:s19], [sflag:$0x3], $0x300, $0x38;
	[tilespmem:$0x3780] =	vst v63  }
0xe0: {  	s7 =	simm.s32 @!p3 $0x3  }
0xe1: {  	_ =	swait.ge @!p3 [sflag:s7], $0x300  }
0xe2: {  	s18 =	sshrl.u32 @!p3 s18, $0x3;
	[sflag:s7] =	ssyncset.done @!p3 $0x0  }
0xe3: {  	s17 =	sadd.s32 @!p3 $0x2F00, s17;
	s18 =	sadd.s32 @!p3 s3, s18;
	[sflag:s7] =	ssyncadd.s32 @!p3 $0xFFFFFD00  }
0xe4: {  	[hbm4b:s18+s24] =	stream.linear.scatter @!p3 [tilespmem:s17], [sflag:$0x3], $0x100, $0x38;
	[tilespmem:$0x3780] =	vst v63  }
0xe5: {  	s17 =	simm.s32 @!p3 $0x10  }
0xe6: {  	s17 =	simm.s32 @p3 $0x0  }
0xe7: {  	s14 =	ssub.s32 s14, s17  }
0xe8: {  	s16 =	sor.u32 s16, s17;
	p2 =	slt.s32 s14, $0x8  }
0xe9: {  	s17 =	sshll.u32 @!p2 s16, $0x4  }
0xea: {  	s24 =	smul.u32 @!p2 $0xC0, s16;
	s18 =	sadd.s32 @!p2 s15, s17  }
0xeb: {  	_ =	swait.ge @!p3 [sflag:s7], $0x100;
	s19 =	smul.u32 @!p2 $0x3, s18  }
0xec: {  	[sflag:s7] =	ssyncset.done @!p3 $0x0  }
0xed: {  	[sflag:s7] =	ssyncadd.s32 @!p3 $0xFFFFFF00;
	s7 =	sshrl.u32 @!p2 s19, $0x3;
	s19 =	sshrl.u32 @!p2 s24, $0x2  }
0xee: {  	s24 =	simm.s32 @!p2 $0x0;
	s7 =	sadd.s32 @!p2 s2, s7;
	s19 =	sadd.s32 @!p2 $0x1700, s19  }
0xef: {  	[hbm4b:s7+s24] =	stream.linear.scatter @!p2 [tilespmem:s19], [sflag:$0x3], $0x180, $0x38;
	[tilespmem:$0x3780] =	vst v63  }
0xf0: {  	s7 =	simm.s32 @!p2 $0x3  }
0xf1: {  	_ =	swait.ge @!p2 [sflag:s7], $0x180  }
0xf2: {  	s18 =	sshrl.u32 @!p2 s18, $0x3;
	[sflag:s7] =	ssyncset.done @!p2 $0x0  }
0xf3: {  	s17 =	sadd.s32 @!p2 $0x2F00, s17;
	s18 =	sadd.s32 @!p2 s3, s18;
	[sflag:s7] =	ssyncadd.s32 @!p2 $0xFFFFFE80  }
0xf4: {  	[hbm4b:s18+s24] =	stream.linear.scatter @!p2 [tilespmem:s17], [sflag:$0x3], $0x80, $0x38;
	[tilespmem:$0x3780] =	vst v63  }
0xf5: {  	s17 =	simm.s32 @!p2 $0x8  }
0xf6: {  	s17 =	simm.s32 @p2 $0x0  }
0xf7: {  	s14 =	ssub.s32 s14, s17  }
0xf8: {  	s16 =	sor.u32 s16, s17;
	p3 =	slt.s32 s14, $0x4  }
0xf9: {  	s17 =	sshll.u32 @!p3 s16, $0x4  }
0xfa: {  	s24 =	smul.u32 @!p3 $0xC0, s16;
	s18 =	sadd.s32 @!p3 s15, s17  }
0xfb: {  	_ =	swait.ge @!p2 [sflag:s7], $0x80;
	s19 =	smul.u32 @!p3 $0x3, s18  }
0xfc: {  	[sflag:s7] =	ssyncset.done @!p2 $0x0  }
0xfd: {  	[sflag:s7] =	ssyncadd.s32 @!p2 $0xFFFFFF80;
	s7 =	sshrl.u32 @!p3 s19, $0x3;
	s19 =	sshrl.u32 @!p3 s24, $0x2  }
0xfe: {  	s24 =	simm.s32 @!p3 $0x0;
	s7 =	sadd.s32 @!p3 s2, s7;
	s19 =	sadd.s32 @!p3 $0x1700, s19  }
0xff: {  	[hbm4b:s7+s24] =	stream.linear.scatter @!p3 [tilespmem:s19], [sflag:$0x3], $0xC0, $0x38;
	[tilespmem:$0x3780] =	vst v63  }
0x100: {  	s7 =	simm.s32 @!p3 $0x3  }
0x101: {  	_ =	swait.ge @!p3 [sflag:s7], $0xC0  }
0x102: {  	s18 =	sshrl.u32 @!p3 s18, $0x3;
	[sflag:s7] =	ssyncset.done @!p3 $0x0  }
0x103: {  	s17 =	sadd.s32 @!p3 $0x2F00, s17;
	s18 =	sadd.s32 @!p3 s3, s18;
	[sflag:s7] =	ssyncadd.s32 @!p3 $0xFFFFFF40  }
0x104: {  	[hbm4b:s18+s24] =	stream.linear.scatter @!p3 [tilespmem:s17], [sflag:$0x3], $0x40, $0x38;
	[tilespmem:$0x3780] =	vst v63  }
0x105: {  	s17 =	simm.s32 @!p3 $0x4  }
0x106: {  	s17 =	simm.s32 @p3 $0x0  }
0x107: {  	s14 =	ssub.s32 s14, s17  }
0x108: {  	s16 =	sor.u32 s16, s17;
	p2 =	slt.s32 s14, $0x2  }
0x109: {  	s17 =	sshll.u32 @!p2 s16, $0x4  }
0x10a: {  	s24 =	smul.u32 @!p2 $0xC0, s16;
	s18 =	sadd.s32 @!p2 s15, s17  }
0x10b: {  	_ =	swait.ge @!p3 [sflag:s7], $0x40;
	s19 =	smul.u32 @!p2 $0x3, s18  }
0x10c: {  	[sflag:s7] =	ssyncset.done @!p3 $0x0  }
0x10d: {  	[sflag:s7] =	ssyncadd.s32 @!p3 $0xFFFFFFC0;
	s7 =	sshrl.u32 @!p2 s19, $0x3;
	s19 =	sshrl.u32 @!p2 s24, $0x2  }
0x10e: {  	s24 =	simm.s32 @!p2 $0x0;
	s7 =	sadd.s32 @!p2 s2, s7;
	s19 =	sadd.s32 @!p2 $0x1700, s19  }
0x10f: {  	[hbm4b:s7+s24] =	stream.linear.scatter @!p2 [tilespmem:s19], [sflag:$0x3], $0x60, $0x38;
	[tilespmem:$0x3780] =	vst v63  }
0x110: {  	s7 =	simm.s32 @!p2 $0x3  }
0x111: {  	_ =	swait.ge @!p2 [sflag:s7], $0x60  }
0x112: {  	s18 =	sshrl.u32 @!p2 s18, $0x3;
	[sflag:s7] =	ssyncset.done @!p2 $0x0  }
0x113: {  	s17 =	sadd.s32 @!p2 $0x2F00, s17;
	s18 =	sadd.s32 @!p2 s3, s18;
	[sflag:s7] =	ssyncadd.s32 @!p2 $0xFFFFFFA0  }
0x114: {  	[hbm4b:s18+s24] =	stream.linear.scatter @!p2 [tilespmem:s17], [sflag:$0x3], $0x20, $0x38;
	[tilespmem:$0x3780] =	vst v63  }
0x115: {  	s17 =	simm.s32 @!p2 $0x2  }
0x116: {  	s17 =	simm.s32 @p2 $0x0  }
0x117: {  	s14 =	ssub.s32 s14, s17  }
0x118: {  	p3 =	slt.s32 s14, $0x1  }
0x119: {  	s14 =	sor.u32 @!p3 s16, s17  }
0x11a: {  	s16 =	sshll.u32 @!p3 s14, $0x4  }
0x11b: {  	s14 =	smul.u32 @!p3 $0xC0, s14;
	s15 =	sadd.s32 @!p3 s15, s16  }
0x11c: {  	_ =	swait.ge @!p2 [sflag:s7], $0x20;
	s17 =	smul.u32 @!p3 $0x3, s15  }
0x11d: {  	[sflag:s7] =	ssyncset.done @!p2 $0x0  }
0x11e: {  	[sflag:s7] =	ssyncadd.s32 @!p2 $0xFFFFFFE0;
	s14 =	sshrl.u32 @!p3 s14, $0x2;
	s7 =	sshrl.u32 @!p3 s17, $0x3  }
0x11f: {  	s14 =	sadd.s32 @!p3 $0x1700, s14;
	s17 =	simm.s32 @!p3 $0x0;
	s7 =	sadd.s32 @!p3 s2, s7  }
0x120: {  	[hbm4b:s7+s17] =	stream.linear.scatter @!p3 [tilespmem:s14], [sflag:$0x3], $0x30, $0x38;
	[tilespmem:$0x3780] =	vst v63  }
0x121: {  	s7 =	simm.s32 @!p3 $0x3  }
0x122: {  	_ =	swait.ge @!p3 [sflag:s7], $0x30  }
0x123: {  	s14 =	sshrl.u32 @!p3 s15, $0x3;
	[sflag:s7] =	ssyncset.done @!p3 $0x0  }
0x124: {  	[sflag:s7] =	ssyncadd.s32 @!p3 $0xFFFFFFD0;
	s7 =	sadd.s32 @!p3 s3, s14;
	s14 =	sadd.s32 @!p3 $0x2F00, s16  }
0x125: {  	[hbm4b:s7+s17] =	stream.linear.scatter @!p3 [tilespmem:s14], [sflag:$0x2], $0x10, $0x38;
	[tilespmem:$0x3780] =	vst v63  }
0x126: {  	s7 =	simm.s32 @!p3 $0x2  }
0x127: {  	_ =	swait.ge @!p3 [sflag:s7], $0x10  }
0x128: {  	[sflag:s7] =	ssyncset.done @!p3 $0x0  }
0x129: {  	[sflag:s7] =	ssyncadd.s32 @!p3 $0xFFFFFFF0  }
.LBB2_32:
0x12a: {  	p2 =	sne.s32 s21, s0  }
.Ltmp14:
0x12b: {  	_ = 	snop;
	(pc) =	sbr.rel @!p2 .LBB2_33-.Ltmp14, $2  }
0x12c: {  	_ =	sdelay $0x2  }
0x12d: {  	s4 =	sadd.s32 $0x80, s4;
	s13 =	sadd.s32 $0x80, s13;
	s12 =	sadd.s32 $0x800, s12  }
.LBB2_21:
0x12e: {  	s15 =	sshll.u32 s21, $0xB  }
0x12f: {  	s14 =	smov.u32 s21;
	s21 =	sadd.s32 $0x1, s21;
	s16 =	sadd.s32 s11, s15  }
0x130: {  	s18 =	sshll.u32 s21, $0x7;
	s16 =	sshrl.u32 s16, $0x3  }
0x131: {  	p2 =	slt.s32 s31, s18;
	s17 =	sadd.s32 s26, s16  }
0x132: {  	[tilespmem:s30], [sflag:$0x3] =	stream.linear.gather [hbm4b:s17+s10], $0x810, $0x38;
	[tilespmem:$0x3780] =	vst v63  }
0x133: {  	s19 =	sshll.u32 s14, $0x7;
	s18 =	smov.u32 @p2 s31;
	_ =	swait.ge [sflag:s25], $0x810  }
0x134: {  	p2 =	sle.s32 s18, s19;
	[sflag:s25] =	ssyncset.done $0x0  }
.Ltmp15:
0x135: {  	s16 =	sadd.s32 s8, s16;
	[sflag:s25] =	ssyncadd.s32 $0xFFFFF7F0;
	(pc) =	sbr.rel @p2 .LBB2_29-.Ltmp15, $4  }
0x136: {  	[tilespmem:s29], [sflag:$0x3] =	stream.linear.gather [hbm4b:s16+s10], $0x810, $0x38;
	[tilespmem:$0x3780] =	vst v63  }
0x137: {  	_ =	swait.ge [sflag:s25], $0x810  }
0x138: {  	[sflag:s25] =	ssyncset.done $0x0  }
0x139: {  	[sflag:s25] =	ssyncadd.s32 $0xFFFFF7F0  }
0x13a: {  	s1 =	rddreg [dreg:$0x12]  }
0x13b: {  	s14 =	sadd.s32 s1, s12  }
0x13c: {  	s16 =	sand.u32 $0xFFFFFF80, s1;
	s17 =	sand.u32 $0x7F, s14;
	v9 =	vadd.s32 s14, v0  }
0x13d: {  	s24 =	sor.u32 s17, s16;
	v10 =	vsub.s32 v9, v8  }
0x13e: {  	v11 =	vld [tilespmem:s24+$0x600];
	vm0 =	vgt.s32 v10, $0x0  }
0x13f: {  	v10 =	vnsel vm0, $0x0, v10  }
0x140: {  	v13 =	vmin.u32 v10, $0xF  }
0x141: {  	v10 =	vperm.xlane v6, v13  }
0x142: {  	vm0 =	vlt.s32 v9, v8  }
0x143: {  	v9 =	vsel vm0, v11, v10  }
0x144: {  	p2 =	slt.s32 s4, s31;
	s16 =	smov.u32 s31;
	v10 =	vshra.s32 v9, $0x1F  }
0x145: {  	s16 =	smov.u32 @p2 s4;
	v10 =	vshrl.u32 v10, $0xE  }
0x146: {  	s16 =	ssub.s32 s13, s16;
	v10 =	vadd.s32 v10, v9  }
0x147: {  	s16 =	sadd.s32 $0x1, s16;
	v11 =	vshra.s32 v10, $0x12  }
0x148: {  	v15 =	vadd.s32 s10, v1;
	p3 =	seq.s32 s16, $0x0;
	v10 =	vshll.u32 v11, $0x12  }
.Ltmp16:
0x149: {  	vm1 =	vlt.s32 v9, $0x1;
	vm2 =	vne.s32 v9, v10;
	(pc) =	sbr.rel @p3 .LBB2_23-.Ltmp16, $4  }
0x14a: {  	vm1 =	vmand vm1, vm2  }
0x14b: {  	v14 =	vsel vm1, $0xFFFFFFFF, v2  }
0x14c: {  	v12 =	vadd.s32 s10, v3;
	v16 =	vadd.s32 v14, v11;
	v14 =	vshrl.u32 v9, $0x9  }
0x14d: {  	s29 =	sadd.s32 $0x10, s1;
	s14 =	simm.s32 $0x2F00;
	p2 =	por $0x0, $0x0;
	v13 =	vperm.xlane v7, v13;
	v10 =	vld [tilespmem:s24+$0xE80];
	v11 =	vadd.s32 s10, v4;
	v14 =	vand.u32 $0x1FF, v14;
	[tilespmem:v15+s28+$0x0] =	vst.idx.msk $0xffff, v16  }
0x14e: {  	_ =	sdelay $0x3  }
0x14f: {  	s17 =	sadd.s32 s29, s12;
	v9 =	vand.u32 $0x1FF, v9;
	[tilespmem:v12+s28+$0x0] =	vst.idx.msk $0xffff, v14  }
0x150: {  	s30 =	sand.u32 $0xFFFFFF80, s29;
	s24 =	sand.u32 $0x7F, s17;
	v12 =	vadd.s32 s17, v0;
	[tilespmem:v11+s28+$0x0] =	vst.idx.msk $0xffff, v9;
	v10 =	vsel vm0, v10, v13  }
0x151: {  	s24 =	sor.u32 s24, s30;
	v9 =	vsub.s32 v12, v8;
	[tilespmem:s14+$0x0] =	vst v10  }
0x152: {  	vm0 =	vgt.s32 v9, $0x0;
	v10 =	vld [tilespmem:s24+$0x600]  }
0x153: {  	v9 =	vnsel vm0, $0x0, v9  }
0x154: {  	v13 =	vmin.u32 v9, $0xF  }
0x155: {  	v9 =	vperm.xlane v6, v13  }
0x156: {  	vm0 =	vlt.s32 v12, v8  }
0x157: {  	v9 =	vsel vm0, v10, v9  }
0x158: {  	v10 =	vshra.s32 v9, $0x1F  }
0x159: {  	v10 =	vshrl.u32 v10, $0xE  }
0x15a: {  	v10 =	vadd.s32 v10, v9  }
0x15b: {  	v11 =	vshra.s32 v10, $0x12  }
0x15c: {  	v10 =	vshll.u32 v11, $0x12  }
0x15d: {  	s17 =	sadd.s32 $0x1, s16;
	s30 =	simm.s32 $0x30;
	vm1 =	vlt.s32 v9, $0x1;
	vm2 =	vne.s32 v9, v10  }
0x15e: {  	p3 =	seq.s32 s17, $0x0;
	v15 =	vadd.s32 s30, v1;
	vm1 =	vmand vm1, vm2  }
.Ltmp17:
0x15f: {  	v12 =	vadd.s32 s30, v3;
	v14 =	vsel vm1, $0xFFFFFFFF, v2;
	(pc) =	sbr.rel @p3 .LBB2_25-.Ltmp17, $4  }
0x160: {  	v10 =	vld [tilespmem:s24+$0xE80];
	v16 =	vadd.s32 v14, v11;
	v11 =	vadd.s32 s30, v4  }
0x161: {  	s1 =	smov.u32 s0;
	s0 =	smov.u32 s5  }
0x162: {  	s5 =	smov.u32 s11;
	s11 =	smov.u32 s8;
	s8 =	smov.u32 s26;
	v14 =	vshrl.u32 v9, $0x9  }
0x163: {  	s29 =	sadd.s32 $0x10, s29;
	p2 =	por $0x1, $0x1;
	s16 =	simm.s32 $0x2F00;
	v13 =	vperm.xlane v7, v13;
	v14 =	vand.u32 $0x1FF, v14;
	[tilespmem:v15+s28+$0x0] =	vst.idx.msk $0xffff, v16  }
.LBB2_26:
0x164: {  	s24 =	sadd.s32 s29, s12;
	v9 =	vand.u32 $0x1FF, v9;
	[tilespmem:v12+s28+$0x0] =	vst.idx.msk $0xffff, v14  }
0x165: {  	s26 =	sand.u32 $0xFFFFFF80, s29;
	s16 =	sadd.s32 $0x10, s16;
	s7 =	sand.u32 $0x7F, s24;
	v12 =	vadd.s32 s24, v0;
	v10 =	vsel vm0, v10, v13;
	[tilespmem:v11+s28+$0x0] =	vst.idx.msk $0xffff, v9  }
0x166: {  	s7 =	sor.u32 s7, s26;
	v9 =	vsub.s32 v12, v8;
	[tilespmem:s16+$0x0] =	vst v10  }
0x167: {  	s17 =	sadd.s32 $0x1, s17;
	v11 =	vld [tilespmem:s7+$0x600];
	vm0 =	vgt.s32 v9, $0x0  }
0x168: {  	p3 =	seq.s32 s17, $0x0;
	v10 =	vld [tilespmem:s7+$0xE80];
	v9 =	vnsel vm0, $0x0, v9  }
0x169: {  	v13 =	vmin.u32 v9, $0xF  }
0x16a: {  	v9 =	vperm.xlane v6, v13  }
0x16b: {  	vm0 =	vlt.s32 v12, v8  }
0x16c: {  	v9 =	vsel vm0, v11, v9  }
0x16d: {  	v11 =	vshra.s32 v9, $0x1F  }
0x16e: {  	v11 =	vshrl.u32 v11, $0xE  }
0x16f: {  	v11 =	vadd.s32 v11, v9  }
0x170: {  	s30 =	sadd.s32 $0x30, s30;
	v14 =	vshra.s32 v11, $0x12  }
0x171: {  	v15 =	vadd.s32 s30, v1;
	v11 =	vshll.u32 v14, $0x12  }
.Ltmp18:
0x172: {  	v12 =	vadd.s32 s30, v3;
	vm1 =	vlt.s32 v9, $0x1;
	vm2 =	vne.s32 v9, v11;
	(pc) =	sbr.rel @!p3 .LBB2_26-.Ltmp18, $4  }
0x173: {  	v11 =	vadd.s32 s30, v4;
	vm1 =	vmand vm1, vm2  }
0x174: {  	v16 =	vsel vm1, $0xFFFFFFFF, v2  }
0x175: {  	v16 =	vadd.s32 v16, v14;
	v14 =	vshrl.u32 v9, $0x9  }
0x176: {  	s29 =	sadd.s32 $0x10, s29;
	v13 =	vperm.xlane v7, v13;
	v14 =	vand.u32 $0x1FF, v14;
	[tilespmem:v15+s28+$0x0] =	vst.idx.msk $0xffff, v16  }
0x177: {  	s26 =	smov.u32 s8;
	s8 =	smov.u32 s11;
	s11 =	smov.u32 s5  }
0x178: {  	s30 =	simm.s32 $0x600;
	s5 =	smov.u32 s0;
	s0 =	smov.u32 s1  }
.LBB2_28:
0x179: {  	_ =	sdelay $0x3  }
0x17a: {  	v9 =	vand.u32 $0x1FF, v9;
	[tilespmem:v12+s28+$0x0] =	vst.idx.msk $0xffff, v14;
	s7 =	sadd.s32 @p2 $0x10, s16  }
0x17b: {  	v10 =	vsel vm0, v10, v13;
	[tilespmem:v11+s28+$0x0] =	vst.idx.msk $0xffff, v9;
	s14 =	smov.u32 @p2 s7  }
0x17c: {  	s29 =	simm.s32 $0xE80;
	[tilespmem:s14+$0x0] =	vst v10  }
.LBB2_29:
0x17d: {  	s14 =	ssub.s32 s18, s19  }
0x17e: {  	p2 =	sne.s32 s14, $0x80  }
.Ltmp19:
0x17f: {  	_ = 	snop;
	(pc) =	sbr.rel @p2 .LBB2_31-.Ltmp19, $2  }
0x180: {  	_ =	sdelay $0x2  }
0x181: {  	s15 =	sadd.s32 s5, s15  }
0x182: {  	s7 =	smul.u32 $0x3, s15;
	_ =	sdelay $0x1  }
0x183: {  	s7 =	sshrl.u32 s7, $0x3  }
0x184: {  	s7 =	sadd.s32 s2, s7  }
0x185: {  	[hbm4b:s7+s6] =	stream.linear.scatter [tilespmem:s28], [sflag:$0x3], $0x1800, $0x38;
	[tilespmem:$0x3780] =	vst v63  }
0x186: {  	_ =	swait.ge [sflag:s25], $0x1800  }
0x187: {  	s24 =	sshrl.u32 s15, $0x3;
	[sflag:s25] =	ssyncset.done $0x0  }
.Ltmp20:
0x188: {  	s7 =	sadd.s32 s3, s24;
	[sflag:s25] =	ssyncadd.s32 $0xFFFFE800;
	(pc) =	sbr.rel .LBB2_32-.Ltmp20, $4  }
0x189: {  	[hbm4b:s7+s6] =	stream.linear.scatter [tilespmem:s22], [sflag:$0x3], $0x800, $0x38;
	[tilespmem:$0x3780] =	vst v63  }
0x18a: {  	_ =	swait.ge [sflag:s25], $0x800  }
0x18b: {  	[sflag:s25] =	ssyncset.done $0x0  }
0x18c: {  	[sflag:s25] =	ssyncadd.s32 $0xFFFFF800  }
.LBB2_23:
.Ltmp21:
0x18d: {  	(pc) =	sbr.rel .LBB2_28-.Ltmp21, $2  }
0x18e: {  	_ =	sdelay $0x2  }
0x18f: {  	s16 =	simm.s32 $0x2F00  }
.LBB2_25:
.Ltmp22:
0x190: {  	(pc) =	sbr.rel .LBB2_28-.Ltmp22, $4  }
0x191: {  	_ = 	snop  }
0x192: {  	s16 =	simm.s32 $0x2F00  }
0x193: {  	s26 =	smov.u32 s8;
	s8 =	smov.u32 s11;
	s11 =	smov.u32 s5  }
0x194: {  	s30 =	simm.s32 $0x600;
	s5 =	smov.u32 s0;
	s0 =	smov.u32 s1  }
.LBB2_33:
0x195: {  	s0 =	simm.s32 $0x40;
	s1 =	simm.s32 $0x0  }
.LBB2_34:
0x196: {  	p2 =	sne.s32 s0, $0x5FC0;
	[tilespmem:s1+$0x1700] =	vst v2;
	s1 =	smov.u32 s0;
	s0 =	sadd.s32 $0x40, s0  }
.Ltmp23:
0x197: {  	(pc) =	sbr.rel @p2 .LBB2_34-.Ltmp23, $2  }
0x198: {  	_ =	sdelay $0x2  }
0x199: {  	s1 =	sshra.s32 s1, $0x2  }
0x19a: {  	[tilespmem:s1+$0x1700] =	vst v2;
	s0 =	simm.s32 $0x40;
	s1 =	simm.s32 $0x0  }
.LBB2_36:
0x19b: {  	p2 =	sne.s32 s0, $0x1FC0;
	[tilespmem:s1+$0x2F00] =	vst v5;
	s1 =	smov.u32 s0;
	s0 =	sadd.s32 $0x40, s0  }
.Ltmp24:
0x19c: {  	(pc) =	sbr.rel @p2 .LBB2_36-.Ltmp24, $2  }
0x19d: {  	_ =	sdelay $0x2  }
0x19e: {  	s1 =	sshra.s32 s1, $0x2  }
0x19f: {  	s0 =	rddreg [dreg:$0x11]  }
0x1a0: {  	s0 =	sadd.s32 $0xF, s0  }
0x1a1: {  	s4 =	sand.u32 $0xF, s0  }
0x1a2: {  	s5 =	sshra.s32 s0, $0x1F;
	p2 =	slt.s32 s0, $0x1;
	p3 =	sne.s32 s4, $0x0  }
0x1a3: {  	s14 =	sshrl.u32 s5, $0x1C;
	p2 =	por !p2, !p3  }
0x1a4: {  	s4 =	simm.s32 $0x1;
	s0 =	sadd.s32 s14, s0;
	p2 =	por !p2, !p2  }
0x1a5: {  	s0 =	sshra.s32 s0, $0x4;
	s4 =	simm.s32 @!p2 $0x0  }
0x1a6: {  	s15 =	ssub.s32 s0, s4  }
0x1a7: {  	s0 =	sshll.u32 s15, $0x4  }
0x1a8: {  	s0 =	ssub.s32 $0x200000, s0  }
0x1a9: {  	s0 =	sshra.s32 s0, $0x4  }
0x1aa: {  	s10 =	rddreg [dreg:$0x7];
	s16 =	smul.u32 s9, s0  }
0x1ab: {  	s0 =	smul.u32 s10, s0;
	s10 =	simm.s32 $0x1  }
0x1ac: {  	s7 =	sshra.s32 s16, $0x1F;
	s17 =	sand.u32 $0x1F, s16;
	p4 =	slt.s32 s16, $0x1  }
0x1ad: {  	s18 =	sand.u32 $0x1F, s0;
	p6 =	slt.s32 s0, $0x1;
	p5 =	sne.s32 s17, $0x0  }
0x1ae: {  	s7 =	sshrl.u32 s7, $0x1B;
	p2 =	por !p4, !p5;
	p4 =	sne.s32 s18, $0x0  }
0x1af: {  	s21 =	sshra.s32 s0, $0x1F;
	s7 =	sadd.s32 s7, s16;
	p3 =	por !p6, !p4  }
0x1b0: {  	s19 =	sshra.s32 s7, $0x5;
	p2 =	por !p2, !p2;
	s7 =	sshrl.u32 s21, $0x1B  }
0x1b1: {  	s0 =	sadd.s32 s7, s0;
	p3 =	por !p3, !p3;
	s7 =	simm.s32 $0x1  }
0x1b2: {  	s10 =	simm.s32 @!p2 $0x0;
	s0 =	sshra.s32 s0, $0x5;
	s7 =	simm.s32 @!p3 $0x0  }
0x1b3: {  	s10 =	ssub.s32 s19, s10;
	s0 =	ssub.s32 s0, s7  }
0x1b4: {  	s4 =	ssub.s32 s0, s10;
	p2 =	sne.s32 s0, s10;
	s0 =	simm.s32 $0x1  }
0x1b5: {  	s24 =	sshra.s32 s4, $0x1F;
	s0 =	simm.s32 @!p2 $0x0  }
0x1b6: {  	s12 =	sand.u32 $0x7F, s4;
	s0 =	sor.u32 s0, s24  }
0x1b7: {  	p6 =	sne.s32 s12, $0x0;
	p5 =	sne.s32 s0, $0x1  }
0x1b8: {  	s31 =	sshrl.u32 s24, $0x19;
	p2 =	por !p6, !p5  }
0x1b9: {  	s7 =	simm.s32 $0x1;
	s0 =	sadd.s32 s31, s4;
	p2 =	por !p2, !p2  }
0x1ba: {  	s0 =	sshra.s32 s0, $0x7;
	s7 =	simm.s32 @!p2 $0x0  }
0x1bb: {  	s0 =	ssub.s32 s0, s7  }
0x1bc: {  	p2 =	slt.s32 s0, $0x1  }
.Ltmp25:
0x1bd: {  	_ = 	snop;
	(pc) =	sbr.rel @p2 .LBB2_41-.Ltmp25, $3  }
0x1be: {  	_ =	sdelay $0x1  }
0x1bf: {  	s17 =	rddreg [dreg:$0xc];
	s5 =	sadd.s32 s15, s10  }
0x1c0: {  	[tilespmem:s1+$0x2F00] =	vst v5;
	s16 =	rddreg [dreg:$0xb];
	s1 =	sshll.u32 s5, $0x4  }
0x1c1: {  	s7 =	smul.u32 $0x30, s5;
	p3 =	sne.s32 s0, $0x1  }
.Ltmp26:
0x1c2: {  	_ = 	snop;
	(pc) =	sbr.rel @!p3 .LBB2_40-.Ltmp26, $4  }
0x1c3: {  	s10 =	sshrl.u32 s1, $0x3;
	s5 =	sshrl.u32 s7, $0x3  }
0x1c4: {  	s13 =	sadd.s32 s3, s10;
	s5 =	sadd.s32 s2, s5  }
0x1c5: {  	[hbm4b:s5+s6] =	stream.linear.scatter [tilespmem:s28], [sflag:$0x1], $0x1800, $0x38;
	[tilespmem:$0x3780] =	vst v63  }
0x1c6: {  	s10 =	sadd.s32 $0x800, s1;
	s12 =	sadd.s32 $0x1800, s7;
	s5 =	sadd.s32 $0xFFFFFFFF, s0  }
.LBB2_39:
0x1c7: {  	[hbm4b:s13+s6] =	stream.linear.scatter [tilespmem:s22], [sflag:$0x1], $0x800, $0x38;
	[tilespmem:$0x3780] =	vst v63  }
0x1c8: {  	p3 =	sne.s32 s5, $0x1  }
.Ltmp27:
0x1c9: {  	s5 =	sadd.s32 $0xFFFFFFFF, s5;
	(pc) =	sbr.rel @p3 .LBB2_39-.Ltmp27, $4  }
0x1ca: {  	s7 =	sshrl.u32 s12, $0x3  }
0x1cb: {  	s13 =	sshrl.u32 s10, $0x3;
	s7 =	sadd.s32 s2, s7  }
0x1cc: {  	[hbm4b:s7+s6] =	stream.linear.scatter [tilespmem:s28], [sflag:$0x1], $0x1800, $0x38;
	[tilespmem:$0x3780] =	vst v63  }
0x1cd: {  	s10 =	sadd.s32 $0x800, s10;
	s12 =	sadd.s32 $0x1800, s12;
	s13 =	sadd.s32 s3, s13  }
.LBB2_40:
0x1ce: {  	[hbm4b:s13+s6] =	stream.linear.scatter [tilespmem:s22], [sflag:$0x1], $0x800, $0x38;
	[tilespmem:$0x3780] =	vst v63  }
.LBB2_41:
0x1cf: {  	s5 =	sshll.u32 s0, $0x7  }
0x1d0: {  	s4 =	ssub.s32 s4, s5  }
0x1d1: {  	p3 =	slt.s32 s4, $0x40  }
0x1d2: {  	s5 =	sshll.u32 @!p3 s0, $0xB  }
0x1d3: {  	s5 =	sadd.s32 @!p3 s1, s5  }
0x1d4: {  	s7 =	smul.u32 @!p3 $0x3, s5;
	_ =	sdelay $0x1  }
0x1d5: {  	s7 =	sshrl.u32 @!p3 s7, $0x3  }
0x1d6: {  	s10 =	simm.s32 @!p3 $0x0;
	s12 =	simm.s32 @!p3 $0x1700;
	s7 =	sadd.s32 @!p3 s2, s7  }
0x1d7: {  	[hbm4b:s7+s10] =	stream.linear.scatter @!p3 [tilespmem:s12], [sflag:$0x2], $0xC00, $0x38;
	[tilespmem:$0x3780] =	vst v63  }
0x1d8: {  	s7 =	simm.s32 @!p3 $0x2  }
0x1d9: {  	_ =	swait.ge @!p3 [sflag:s7], $0xC00  }
0x1da: {  	s5 =	sshrl.u32 @!p3 s5, $0x3;
	[sflag:s7] =	ssyncset.done @!p3 $0x0  }
0x1db: {  	s5 =	sadd.s32 @!p3 s3, s5;
	s12 =	simm.s32 @!p3 $0x2F00;
	[sflag:s7] =	ssyncadd.s32 @!p3 $0xFFFFF400  }
0x1dc: {  	[hbm4b:s5+s10] =	stream.linear.scatter @!p3 [tilespmem:s12], [sflag:$0x2], $0x400, $0x38;
	[tilespmem:$0x3780] =	vst v63  }
0x1dd: {  	s5 =	simm.s32 @!p3 $0x40  }
0x1de: {  	s5 =	simm.s32 @p3 $0x0  }
0x1df: {  	s4 =	ssub.s32 s4, s5  }
0x1e0: {  	p4 =	slt.s32 s4, $0x20  }
0x1e1: {  	s10 =	sshll.u32 @!p4 s0, $0xB  }
0x1e2: {  	s12 =	sshll.u32 @!p4 s5, $0x4;
	s10 =	sadd.s32 @!p4 s1, s10  }
0x1e3: {  	s10 =	sadd.s32 @!p4 s12, s10  }
0x1e4: {  	_ =	swait.ge @!p3 [sflag:s7], $0x400;
	s12 =	smul.u32 @!p4 $0x3, s10  }
0x1e5: {  	[sflag:s7] =	ssyncset.done @!p3 $0x0  }
0x1e6: {  	[sflag:s7] =	ssyncadd.s32 @!p3 $0xFFFFFC00;
	s7 =	sshrl.u32 @!p4 s12, $0x3  }
0x1e7: {  	s13 =	simm.s32 @!p4 $0x1700;
	s12 =	simm.s32 @!p4 $0x0;
	s7 =	sadd.s32 @!p4 s2, s7  }
0x1e8: {  	[hbm4b:s7+s12] =	stream.linear.scatter @!p4 [tilespmem:s13], [sflag:$0x2], $0x600, $0x38;
	[tilespmem:$0x3780] =	vst v63  }
0x1e9: {  	s7 =	simm.s32 @!p4 $0x2  }
0x1ea: {  	_ =	swait.ge @!p4 [sflag:s7], $0x600  }
0x1eb: {  	s10 =	sshrl.u32 @!p4 s10, $0x3;
	[sflag:s7] =	ssyncset.done @!p4 $0x0  }
0x1ec: {  	s10 =	sadd.s32 @!p4 s3, s10;
	s13 =	simm.s32 @!p4 $0x2F00;
	[sflag:s7] =	ssyncadd.s32 @!p4 $0xFFFFFA00  }
0x1ed: {  	[hbm4b:s10+s12] =	stream.linear.scatter @!p4 [tilespmem:s13], [sflag:$0x2], $0x200, $0x38;
	[tilespmem:$0x3780] =	vst v63  }
0x1ee: {  	s10 =	simm.s32 @!p4 $0x20  }
0x1ef: {  	s10 =	simm.s32 @p4 $0x0  }
0x1f0: {  	s4 =	ssub.s32 s4, s10  }
0x1f1: {  	p3 =	slt.s32 s4, $0x10  }
0x1f2: {  	s5 =	sor.u32 s5, s10;
	s10 =	sshll.u32 @!p3 s0, $0xB  }
0x1f3: {  	s12 =	sshll.u32 @!p3 s5, $0x4;
	s10 =	sadd.s32 @!p3 s1, s10  }
0x1f4: {  	s10 =	sadd.s32 @!p3 s12, s10  }
0x1f5: {  	_ =	swait.ge @!p4 [sflag:s7], $0x200;
	s12 =	smul.u32 @!p3 $0x3, s10  }
0x1f6: {  	[sflag:s7] =	ssyncset.done @!p4 $0x0  }
0x1f7: {  	[sflag:s7] =	ssyncadd.s32 @!p4 $0xFFFFFE00;
	s7 =	sshrl.u32 @!p3 s12, $0x3  }
0x1f8: {  	s13 =	simm.s32 @!p3 $0x1700;
	s12 =	simm.s32 @!p3 $0x0;
	s7 =	sadd.s32 @!p3 s2, s7  }
0x1f9: {  	[hbm4b:s7+s12] =	stream.linear.scatter @!p3 [tilespmem:s13], [sflag:$0x2], $0x300, $0x38;
	[tilespmem:$0x3780] =	vst v63  }
0x1fa: {  	s7 =	simm.s32 @!p3 $0x2  }
0x1fb: {  	_ =	swait.ge @!p3 [sflag:s7], $0x300  }
0x1fc: {  	s10 =	sshrl.u32 @!p3 s10, $0x3;
	[sflag:s7] =	ssyncset.done @!p3 $0x0  }
0x1fd: {  	s10 =	sadd.s32 @!p3 s3, s10;
	s13 =	simm.s32 @!p3 $0x2F00;
	[sflag:s7] =	ssyncadd.s32 @!p3 $0xFFFFFD00  }
0x1fe: {  	[hbm4b:s10+s12] =	stream.linear.scatter @!p3 [tilespmem:s13], [sflag:$0x2], $0x100, $0x38;
	[tilespmem:$0x3780] =	vst v63  }
0x1ff: {  	s10 =	simm.s32 @!p3 $0x10  }
0x200: {  	s10 =	simm.s32 @p3 $0x0  }
0x201: {  	s4 =	ssub.s32 s4, s10  }
0x202: {  	p4 =	slt.s32 s4, $0x8  }
0x203: {  	s5 =	sor.u32 s5, s10;
	s10 =	sshll.u32 @!p4 s0, $0xB  }
0x204: {  	s12 =	sshll.u32 @!p4 s5, $0x4;
	s10 =	sadd.s32 @!p4 s1, s10  }
0x205: {  	s10 =	sadd.s32 @!p4 s12, s10  }
0x206: {  	_ =	swait.ge @!p3 [sflag:s7], $0x100;
	s12 =	smul.u32 @!p4 $0x3, s10  }
0x207: {  	[sflag:s7] =	ssyncset.done @!p3 $0x0  }
0x208: {  	[sflag:s7] =	ssyncadd.s32 @!p3 $0xFFFFFF00;
	s7 =	sshrl.u32 @!p4 s12, $0x3  }
0x209: {  	s13 =	simm.s32 @!p4 $0x1700;
	s12 =	simm.s32 @!p4 $0x0;
	s7 =	sadd.s32 @!p4 s2, s7  }
0x20a: {  	[hbm4b:s7+s12] =	stream.linear.scatter @!p4 [tilespmem:s13], [sflag:$0x2], $0x180, $0x38;
	[tilespmem:$0x3780] =	vst v63  }
0x20b: {  	s7 =	simm.s32 @!p4 $0x2  }
0x20c: {  	_ =	swait.ge @!p4 [sflag:s7], $0x180  }
0x20d: {  	s10 =	sshrl.u32 @!p4 s10, $0x3;
	[sflag:s7] =	ssyncset.done @!p4 $0x0  }
0x20e: {  	s10 =	sadd.s32 @!p4 s3, s10;
	s13 =	simm.s32 @!p4 $0x2F00;
	[sflag:s7] =	ssyncadd.s32 @!p4 $0xFFFFFE80  }
0x20f: {  	[hbm4b:s10+s12] =	stream.linear.scatter @!p4 [tilespmem:s13], [sflag:$0x2], $0x80, $0x38;
	[tilespmem:$0x3780] =	vst v63  }
0x210: {  	s10 =	simm.s32 @!p4 $0x8  }
0x211: {  	s10 =	simm.s32 @p4 $0x0  }
0x212: {  	s4 =	ssub.s32 s4, s10  }
0x213: {  	p3 =	slt.s32 s4, $0x4  }
0x214: {  	s5 =	sor.u32 s5, s10;
	s10 =	sshll.u32 @!p3 s0, $0xB  }
0x215: {  	s12 =	sshll.u32 @!p3 s5, $0x4;
	s10 =	sadd.s32 @!p3 s1, s10  }
0x216: {  	s10 =	sadd.s32 @!p3 s12, s10  }
0x217: {  	_ =	swait.ge @!p4 [sflag:s7], $0x80;
	s12 =	smul.u32 @!p3 $0x3, s10  }
0x218: {  	[sflag:s7] =	ssyncset.done @!p4 $0x0  }
0x219: {  	[sflag:s7] =	ssyncadd.s32 @!p4 $0xFFFFFF80;
	s7 =	sshrl.u32 @!p3 s12, $0x3  }
0x21a: {  	s13 =	simm.s32 @!p3 $0x1700;
	s12 =	simm.s32 @!p3 $0x0;
	s7 =	sadd.s32 @!p3 s2, s7  }
0x21b: {  	[hbm4b:s7+s12] =	stream.linear.scatter @!p3 [tilespmem:s13], [sflag:$0x2], $0xC0, $0x38;
	[tilespmem:$0x3780] =	vst v63  }
0x21c: {  	s7 =	simm.s32 @!p3 $0x2  }
0x21d: {  	_ =	swait.ge @!p3 [sflag:s7], $0xC0  }
0x21e: {  	s10 =	sshrl.u32 @!p3 s10, $0x3;
	[sflag:s7] =	ssyncset.done @!p3 $0x0  }
0x21f: {  	s10 =	sadd.s32 @!p3 s3, s10;
	s13 =	simm.s32 @!p3 $0x2F00;
	[sflag:s7] =	ssyncadd.s32 @!p3 $0xFFFFFF40  }
0x220: {  	[hbm4b:s10+s12] =	stream.linear.scatter @!p3 [tilespmem:s13], [sflag:$0x2], $0x40, $0x38;
	[tilespmem:$0x3780] =	vst v63  }
0x221: {  	s10 =	simm.s32 @!p3 $0x4  }
0x222: {  	s10 =	simm.s32 @p3 $0x0  }
0x223: {  	s4 =	ssub.s32 s4, s10  }
0x224: {  	p4 =	slt.s32 s4, $0x2  }
0x225: {  	s5 =	sor.u32 s5, s10;
	s10 =	sshll.u32 @!p4 s0, $0xB  }
0x226: {  	s12 =	sshll.u32 @!p4 s5, $0x4;
	s10 =	sadd.s32 @!p4 s1, s10  }
0x227: {  	s10 =	sadd.s32 @!p4 s12, s10  }
0x228: {  	_ =	swait.ge @!p3 [sflag:s7], $0x40;
	s12 =	smul.u32 @!p4 $0x3, s10  }
0x229: {  	[sflag:s7] =	ssyncset.done @!p3 $0x0  }
0x22a: {  	[sflag:s7] =	ssyncadd.s32 @!p3 $0xFFFFFFC0;
	s7 =	sshrl.u32 @!p4 s12, $0x3  }
0x22b: {  	s13 =	simm.s32 @!p4 $0x1700;
	s12 =	simm.s32 @!p4 $0x0;
	s7 =	sadd.s32 @!p4 s2, s7  }
0x22c: {  	[hbm4b:s7+s12] =	stream.linear.scatter @!p4 [tilespmem:s13], [sflag:$0x2], $0x60, $0x38;
	[tilespmem:$0x3780] =	vst v63  }
0x22d: {  	s7 =	simm.s32 @!p4 $0x2  }
0x22e: {  	_ =	swait.ge @!p4 [sflag:s7], $0x60  }
0x22f: {  	s10 =	sshrl.u32 @!p4 s10, $0x3;
	[sflag:s7] =	ssyncset.done @!p4 $0x0  }
0x230: {  	s10 =	sadd.s32 @!p4 s3, s10;
	s13 =	simm.s32 @!p4 $0x2F00;
	[sflag:s7] =	ssyncadd.s32 @!p4 $0xFFFFFFA0  }
0x231: {  	[hbm4b:s10+s12] =	stream.linear.scatter @!p4 [tilespmem:s13], [sflag:$0x2], $0x20, $0x38;
	[tilespmem:$0x3780] =	vst v63  }
0x232: {  	_ =	swait.ge @!p4 [sflag:s7], $0x20  }
0x233: {  	[sflag:s7] =	ssyncset.done @!p4 $0x0  }
0x234: {  	[sflag:s7] =	ssyncadd.s32 @!p4 $0xFFFFFFE0;
	s7 =	simm.s32 @p4 $0x0  }
0x235: {  	p3 =	sle.s32 s4, s7  }
0x236: {  	s4 =	sor.u32 @!p3 s5, s7;
	s5 =	sshll.u32 @!p3 s0, $0xB  }
0x237: {  	s1 =	sadd.s32 @!p3 s1, s5;
	s4 =	sshll.u32 @!p3 s4, $0x4  }
0x238: {  	s1 =	sadd.s32 @!p3 s4, s1  }
0x239: {  	s4 =	smul.u32 @!p3 $0x3, s1;
	_ =	sdelay $0x1  }
0x23a: {  	s4 =	sshrl.u32 @!p3 s4, $0x3  }
0x23b: {  	s7 =	simm.s32 @!p3 $0x1700;
	s5 =	simm.s32 @!p3 $0x0;
	s4 =	sadd.s32 @!p3 s2, s4  }
0x23c: {  	[hbm4b:s4+s5] =	stream.linear.scatter @!p3 [tilespmem:s7], [sflag:$0x2], $0x30, $0x38;
	[tilespmem:$0x3780] =	vst v63  }
0x23d: {  	s4 =	simm.s32 @!p3 $0x2  }
0x23e: {  	s1 =	sshrl.u32 @!p3 s1, $0x3;
	_ =	swait.ge @!p3 [sflag:s4], $0x30  }
0x23f: {  	s1 =	sadd.s32 @!p3 s3, s1;
	[sflag:s4] =	ssyncset.done @!p3 $0x0  }
.Ltmp28:
0x240: {  	s7 =	simm.s32 @!p3 $0x2F00;
	[sflag:s4] =	ssyncadd.s32 @!p3 $0xFFFFFFD0;
	(pc) =	sbr.rel @p2 .LBB2_45-.Ltmp28, $4  }
0x241: {  	[hbm4b:s1+s5] =	stream.linear.scatter @!p3 [tilespmem:s7], [sflag:$0x2], $0x10, $0x38;
	[tilespmem:$0x3780] =	vst v63  }
0x242: {  	_ =	swait.ge @!p3 [sflag:s4], $0x10  }
0x243: {  	[sflag:s4] =	ssyncset.done @!p3 $0x0  }
0x244: {  	s5 =	rddreg [dreg:$0x10];
	[sflag:s4] =	ssyncadd.s32 @!p3 $0xFFFFFFF0  }
0x245: {  	p2 =	sne.s32 s0, $0x1  }
.Ltmp29:
0x246: {  	_ =	swait.ge [sflag:s23], $0x1800;
	(pc) =	sbr.rel @!p2 .LBB2_44-.Ltmp29, $4  }
0x247: {  	[sflag:s23] =	ssyncset.done $0x0  }
0x248: {  	[sflag:s23] =	ssyncadd.s32 $0xFFFFE800  }
0x249: {  	_ =	swait.ge [sflag:s23], $0x800  }
0x24a: {  	s0 =	sadd.s32 $0xFFFFFFFF, s0;
	[sflag:s23] =	ssyncset.done $0x0  }
.LBB2_43:
0x24b: {  	p2 =	sne.s32 s0, $0x1;
	s0 =	sadd.s32 $0xFFFFFFFF, s0;
	[sflag:s23] =	ssyncadd.s32 $0xFFFFF800  }
.Ltmp30:
0x24c: {  	_ =	swait.ge [sflag:s23], $0x1800;
	(pc) =	sbr.rel @p2 .LBB2_43-.Ltmp30, $4  }
0x24d: {  	[sflag:s23] =	ssyncset.done $0x0  }
0x24e: {  	[sflag:s23] =	ssyncadd.s32 $0xFFFFE800  }
0x24f: {  	_ =	swait.ge [sflag:s23], $0x800  }
0x250: {  	[sflag:s23] =	ssyncset.done $0x0  }
.Ltmp31:
0x251: {  	_ = 	snop;
	(pc) =	sbr.rel .LBB2_44-.Ltmp31, $1  }
0x252: {  	_ =	sdelay $0x3  }
.LBB2_9:
.Ltmp32:
0x253: {  	(pc) =	sbr.rel .LBB2_18-.Ltmp32, $3  }
0x254: {  	_ =	sdelay $0x1  }
0x255: {  	s5 =	smov.u32 s16;
	s10 =	simm.s32 $0x0  }
0x256: {  	v16 =	vimm.s32 $0x0;
	v20 =	vmov v5;
	s12 =	smov.u32 s17;
	p3 =	por $0x0, $0x0;
	p4 =	por $0x0, $0x0;
	v7 =	vmov v9  }
.LBB2_6:
.Ltmp33:
0x257: {  	(pc) =	sbr.rel .LBB2_8-.Ltmp33, $2  }
0x258: {  	_ =	sdelay $0x2  }
0x259: {  	s13 =	smov.u32 s16  }
.LBB2_11:
.Ltmp34:
0x25a: {  	(pc) =	sbr.rel .LBB2_18-.Ltmp34, $3  }
0x25b: {  	_ =	sdelay $0x1  }
0x25c: {  	s5 =	smov.u32 s16  }
0x25d: {  	v21 =	vmovc v9;
	v16 =	vimm.s32 $0x0;
	v7 =	vmov v19;
	v20 =	vmov v5;
	s10 =	simm.s32 $0x0;
	s12 =	smov.u32 s17;
	p4 =	por $0x0, $0x0  }
.LBB2_13:
.Ltmp35:
0x25e: {  	_ = 	snop;
	(pc) =	sbr.rel .LBB2_18-.Ltmp35, $3  }
0x25f: {  	_ =	sdelay $0x1  }
0x260: {  	v17 =	vmov v12;
	v22 =	vmov v9;
	_ =	sdelay $0x1  }
0x261: {  	v21 =	vmovc v19;
	v16 =	vimm.s32 $0x0;
	s5 =	smov.u32 s16;
	v20 =	vmovc v5;
	s10 =	simm.s32 $0x0;
	s12 =	smov.u32 s17;
	v14 =	vmov v10;
	v18 =	vmov v11  }
.LBB2_15:
.Ltmp36:
0x262: {  	(pc) =	sbr.rel .LBB2_18-.Ltmp36, $2  }
0x263: {  	_ =	sdelay $0x2  }
0x264: {  	v21 =	vmovc v7;
	v22 =	vmovc v19;
	v16 =	vimm.s32 $0x0;
	v20 =	vmov v5;
	v7 =	vmov v23  }
.LBB2_46:
0x265: {  	_ =	sfence.sel $0x180000  }
0x266: {  	[bflag:$0x0] =	sbarrier.arrive $0xFFFF  }
0x267: {  	_ =	strace $0x9000004A  }
0x268: {  	s0 =	stileid.u32;
	[bflag:$0x2] =	sbarrier.arrive $0xFFFF  }
0x269: {  	p0 =	sne.s32 s0, $0x0;
	s0 =	rddreg [dreg:$0x5]  }
0x26a: {  	s0 =	sadd.s32 @!p0 $0x100000, s0  }
0x26b: {  	[sflag:s0] =	ssyncadd.tile.s32 @!p0 $0x1;
	_ =	shalt  }
.Lfunc_end2:
_tile_overlayer_lowered:
.L_overlay_start_2:
0x26c: {  	(tag) =	ssettag $0x2  }
0x26d: {  	s0 =	rddreg [dreg:$0x0];
	s2 =	stileid.u32  }
0x26e: {  	s1 =	rddreg [dreg:$0x1];
	p0 =	sne.s32 s2, $0x0  }
0x26f: {  	s3 =	rddreg [dreg:$0x2];
	[bflag:$0x3] =	sbarrier.arrive $0xFFFF;
	s2 =	simm.s32 @!p0 $0x1C02  }
0x270: {  	[timem:s3], [sflag:s2] =	dma.local @!p0 [hbm:s0], s1  }
0x271: {  	s0 =	simm.s32 @!p0 $0x2  }
0x272: {  	_ =	swait.ge @!p0 [sflag:s0], s1  }
0x273: {  	s1 =	ssub.s32 @!p0 $0x0, s1;
	[sflag:s0] =	ssyncset.done @!p0 $0x0  }
0x274: {  	[sflag:s0] =	ssyncadd.s32 @!p0 s1  }
0x275: {  	[bflag:$0x3] =	sbarrier.arrive $0xFFFF  }
0x276: {  	_ =	shalt  }

</sc_bundles>
